<compile_context>
chip_gen: v7x
topology: tpu7x:2x2x1
jax: 0.10.2.dev20260603
libtpu: 0.0.44.dev20260713+nightly
codegen_flags: <defaults>
</compile_context>

<pallas_src>
import jax
import jax.numpy as jnp
from jax import lax
from jax.experimental import pallas as pl
from jax.experimental.pallas import tpu as pltpu
from jax.experimental.pallas import tpu_sc as plsc

_D = 1024
_B = 4
_S = 8192

_NC = 2
_NS = 16
_NW = _NC * _NS
_N = _B * _S
_PP = _S // _NW
_G = 8
_NSTEP = _PP // _G
_ROWS = _B * _G
_LANES = 16


def _body(ids_hbm, mask_hbm, wte_hbm, wpe_hbm, out_hbm, am_hbm,
          idx_v, a0, a1, a2, w0, w1, mbuf, sem_g, sem_o, sem_w):
    wid = lax.axis_index("s") * _NC + lax.axis_index("c")
    pos0 = wid * _PP
    abuf = (a0, a1, a2)
    wbuf = (w0, w1)

    cp_ids = [
        pltpu.async_copy(ids_hbm.at[pl.ds(b * _S + pos0, _PP)],
                         idx_v.at[pl.ds(b * _PP, _PP)], sem_g)
        for b in range(_B)
    ]

    def _g_refs(t, slot):
        off = pl.multiple_of(t * _G, _G)
        return [
            (wte_hbm.at[idx_v.at[pl.ds(b * _PP + off, _G)]],
             abuf[slot].at[pl.ds(b * _G, _G)])
            for b in range(_B)
        ]

    def _s_refs(t, slot):
        off = pl.multiple_of(t * _G, _G)
        return [
            (abuf[slot].at[pl.ds(b * _G, _G)],
             out_hbm.at[pl.ds(b * _S + pos0 + off, _G)])
            for b in range(_B)
        ]

    def gather(t, slot):
        return [pltpu.async_copy(s, d, sem_g) for s, d in _g_refs(t, slot)]

    def wait_gather(t, slot):
        for s, d in _g_refs(t, slot):
            pltpu.make_async_copy(s, d, sem_g).wait()

    def store(t, slot):
        for s, d in _s_refs(t, slot):
            pltpu.async_copy(s, d, sem_o)

    def wait_store(t, slot):
        for s, d in _s_refs(t, slot):
            pltpu.make_async_copy(s, d, sem_o).wait()

    def load_wpe(t, slot):
        off = pl.multiple_of(t * _G, _G)
        pltpu.async_copy(wpe_hbm.at[pl.ds(pos0 + off, _G)], wbuf[slot], sem_w)

    def wait_wpe(t, slot):
        off = pl.multiple_of(t * _G, _G)
        pltpu.make_async_copy(
            wpe_hbm.at[pl.ds(pos0 + off, _G)], wbuf[slot], sem_w).wait()

    def add_group(buf, wb):
        @plsc.parallel_loop(0, _G * _D, step=_LANES, unroll=8)
        def add_body(i):
            p = i >> 10
            sl = pl.ds(pl.multiple_of(i & (_D - 1), _LANES), _LANES)
            wv = wb[p, sl]
            for b in range(_B):
                buf[b * _G + p, sl] = buf[b * _G + p, sl] + wv

    load_wpe(0, 0)
    load_wpe(1, 1)
    mbase = wid * (_N // _NW)
    pltpu.sync_copy(mask_hbm.at[pl.ds(mbase, _N // _NW)], mbuf)
    for cp in cp_ids:
        cp.wait()
    gather(0, 0)


    @plsc.parallel_loop(0, _N // _NW, step=_LANES, unroll=4)
    def mask_step(i):
        sl = pl.ds(pl.multiple_of(i, _LANES), _LANES)
        mbuf[sl] = (1.0 - mbuf[sl]) * -10000.0

    pltpu.sync_copy(mbuf, am_hbm.at[pl.ds(mbase, _N // _NW)])

    for t in (0, 1):
        wait_wpe(t, t % 2)
        wait_gather(t, t % 3)
        gather(t + 1, (t + 1) % 3)
        add_group(abuf[t % 3], wbuf[t % 2])
        load_wpe(t + 2, t % 2)
        store(t, t % 3)

    def steady(it, carry):
        t0 = 2 + it * 6
        for k in range(6):
            t = t0 + k
            sg = (2 + k) % 3
            sw = k % 2
            wait_wpe(t, sw)
            wait_gather(t, sg)
            wait_store(t - 2, (sg + 1) % 3)
            gather(jnp.minimum(t + 1, _NSTEP - 1), (sg + 1) % 3)
            add_group(abuf[sg], wbuf[sw])
            load_wpe(jnp.minimum(t + 2, _NSTEP - 1), sw)
            store(t, sg)
        return carry

    lax.fori_loop(0, (_NSTEP - 2) // 6, steady, 0)

    wait_store(_NSTEP - 2, (_NSTEP - 2) % 3)
    wait_store(_NSTEP - 1, (_NSTEP - 1) % 3)
    wait_gather(_NSTEP - 1, _NSTEP % 3)
    wait_wpe(_NSTEP - 1, 0)
    wait_wpe(_NSTEP - 1, 1)


def _make_kernel():
    mesh = plsc.VectorSubcoreMesh(core_axis_name="c", subcore_axis_name="s")
    return pl.kernel(
        _body,
        out_type=(
            jax.ShapeDtypeStruct((_N, _D), jnp.float32),
            jax.ShapeDtypeStruct((_N,), jnp.float32),
        ),
        mesh=mesh,
        scratch_types=[
            pltpu.VMEM((_B * _PP,), jnp.int32),
            pltpu.VMEM((_ROWS, _D), jnp.float32),
            pltpu.VMEM((_ROWS, _D), jnp.float32),
            pltpu.VMEM((_ROWS, _D), jnp.float32),
            pltpu.VMEM((_G, _D), jnp.float32),
            pltpu.VMEM((_G, _D), jnp.float32),
            pltpu.VMEM((_N // _NW,), jnp.float32),
            pltpu.SemaphoreType.DMA,
            pltpu.SemaphoreType.DMA,
            pltpu.SemaphoreType.DMA,
        ],
    )


def kernel(input_ids, attention_mask, wte, wpe):
    b, s = input_ids.shape
    ids = input_ids.reshape(-1).astype(jnp.int32)
    maskf = attention_mask.astype(jnp.float32).reshape(-1)
    out, am = _make_kernel()(ids, maskf, wte, wpe)
    return out.reshape(b, s, _D), am.reshape(b, 1, 1, s)

# --- scband reference (transcript-rebuilt; emitter-appended) ---
"""Pipeline reference for scband-embedding-pipe-70446053589361 (READ-ONLY COPY).

The authoritative reference and input builder live on the scoring server;
editing this copy changes nothing except your own understanding.
"""

import jax, jax.numpy as jnp
import numpy as np

VOCAB = 100000
MAX_POS = 8192
D = 1024
B = 4
S = 8192

def setup_inputs(seed: int = 0) -> dict:
    key = jax.random.key(seed)
    k1, k2, k3 = jax.random.split(key, 3)
    input_ids = jax.random.randint(k1, (B, S), 0, VOCAB, dtype=jnp.int32).astype(jnp.int64)
    attention_mask = jnp.ones((B, S), dtype=jnp.float32)
    wte = jax.random.normal(k2, (VOCAB, D), dtype=jnp.float32) * 0.02
    wpe = jax.random.normal(k3, (MAX_POS, D), dtype=jnp.float32) * 0.02
    return {"input_ids": input_ids, "attention_mask": attention_mask, "wte": wte, "wpe": wpe}

def reference(input_ids, attention_mask, wte, wpe):
    # input_ids: [B, S]; flatten leading dims as in torch view(-1, S)
    input_shape = input_ids.shape
    input_ids = input_ids.reshape(-1, input_shape[-1])
    batch_size = input_ids.shape[0]
    past_length = 0
    # position_ids default: arange broadcast
    position_ids = jnp.arange(past_length, input_shape[-1] + past_length, dtype=jnp.int32)
    position_ids = position_ids[None, :].reshape(-1, input_shape[-1])
    # attention mask processing: [B, 1, 1, S], additive -10000 mask
    am = attention_mask.reshape(batch_size, -1)
    am = am[:, None, None, :].astype(jnp.float32)
    am = (1.0 - am) * -10000.0
    # embedding lookups (gathers)
    inputs_embeds = jnp.take(wte, input_ids, axis=0)
    position_embeds = jnp.take(wpe, position_ids, axis=0)
    hidden_states = inputs_embeds + position_embeds
    # dropout is identity in eval mode
    return (hidden_states, am)

if __name__ == "__main__":
    import jax
    _d = setup_inputs()
    print(jax.jit(kernel)(*tuple(_d.values())))

</pallas_src>

<mosaic_0001>
#map = affine_map<(d0, d1) -> (0)>
#map1 = affine_map<(d0, d1) -> (0, 0)>
module attributes {stable_mosaic.version = 14 : i64} {
  func.func @_body(%arg0: i32, %arg1: i32, %arg2: memref<32768xi32, #tpu.memory_space<hbm>>, %arg3: memref<32768xf32, #tpu.memory_space<hbm>>, %arg4: memref<100000x1024xf32, #tpu.memory_space<hbm>>, %arg5: memref<8192x1024xf32, #tpu.memory_space<hbm>>, %arg6: memref<32768x1024xf32, #tpu.memory_space<hbm>>, %arg7: memref<32768xf32, #tpu.memory_space<hbm>>, %arg8: memref<1024xi32, #tpu.memory_space<vmem>>, %arg9: memref<32x1024xf32, #tpu.memory_space<vmem>>, %arg10: memref<32x1024xf32, #tpu.memory_space<vmem>>, %arg11: memref<32x1024xf32, #tpu.memory_space<vmem>>, %arg12: memref<8x1024xf32, #tpu.memory_space<vmem>>, %arg13: memref<8x1024xf32, #tpu.memory_space<vmem>>, %arg14: memref<1024xf32, #tpu.memory_space<vmem>>, %arg15: memref<!tpu.dma_semaphore, #tpu.memory_space<semaphore_mem>>, %arg16: memref<!tpu.dma_semaphore, #tpu.memory_space<semaphore_mem>>, %arg17: memref<!tpu.dma_semaphore, #tpu.memory_space<semaphore_mem>>) attributes {dimension_semantics = [#tpu.dimension_semantics<core_parallel>, #tpu.dimension_semantics<subcore_parallel>], iteration_bounds = array<i64: 2, 16>, scalar_prefetch = 0 : i64, scratch_operands = 10 : i64, tpu.core_type = #tpu.core_type<sc_vector_subcore>, window_params = [{transform_indices = #map}, {transform_indices = #map}, {transform_indices = #map1}, {transform_indices = #map1}, {transform_indices = #map1}, {transform_indices = #map}]} {
    %mul3A = arith.constant 2 : i32
    %mul3A_0 = arith.muli %arg1, %mul3A : i32
    %add3A = arith.addi %mul3A_0, %arg0 : i32
    %mul3A_1 = arith.constant 256 : i32
    %mul3A_2 = arith.muli %add3A, %mul3A_1 : i32
    %add3A_3 = arith.constant 0 : i32
    %add3A_4 = arith.addi %add3A_3, %mul3A_2 : i32
    %dma_start3A = arith.constant 0 : i32
    %dma_start3A_5 = tpu.memref_slice %arg8[%dma_start3A] : memref<1024xi32, #tpu.memory_space<vmem>> -> memref<256xi32, #tpu.memory_space<vmem>>
    %dma_start3A_6 = tpu.memref_slice %arg2[%add3A_4] : memref<32768xi32, #tpu.memory_space<hbm>> -> memref<256xi32, #tpu.memory_space<hbm>>
    %dma_start3A_7 = arith.constant 0 : i32
    %dma_start3A_8 = tpu.memref_slice %arg8[%dma_start3A_7] : memref<1024xi32, #tpu.memory_space<vmem>> -> memref<256xi32, #tpu.memory_space<vmem>>
    %dma_start3A_9 = tpu.memref_slice %arg2[%add3A_4] : memref<32768xi32, #tpu.memory_space<hbm>> -> memref<256xi32, #tpu.memory_space<hbm>>
    tpu.enqueue_dma source(%dma_start3A_9 : memref<256xi32, #tpu.memory_space<hbm>>) target(%dma_start3A_8 : memref<256xi32, #tpu.memory_space<vmem>>) target_semaphore(%arg15 : memref<!tpu.dma_semaphore, #tpu.memory_space<semaphore_mem>>)
    %add3A_10 = arith.constant 8192 : i32
    %add3A_11 = arith.addi %add3A_10, %mul3A_2 : i32
    %dma_start3A_12 = arith.constant 256 : i32
    %dma_start3A_13 = tpu.memref_slice %arg8[%dma_start3A_12] : memref<1024xi32, #tpu.memory_space<vmem>> -> memref<256xi32, #tpu.memory_space<vmem>>
    %dma_start3A_14 = tpu.memref_slice %arg2[%add3A_11] : memref<32768xi32, #tpu.memory_space<hbm>> -> memref<256xi32, #tpu.memory_space<hbm>>
    %dma_start3A_15 = arith.constant 256 : i32
    %dma_start3A_16 = tpu.memref_slice %arg8[%dma_start3A_15] : memref<1024xi32, #tpu.memory_space<vmem>> -> memref<256xi32, #tpu.memory_space<vmem>>
    %dma_start3A_17 = tpu.memref_slice %arg2[%add3A_11] : memref<32768xi32, #tpu.memory_space<hbm>> -> memref<256xi32, #tpu.memory_space<hbm>>
    tpu.enqueue_dma source(%dma_start3A_17 : memref<256xi32, #tpu.memory_space<hbm>>) target(%dma_start3A_16 : memref<256xi32, #tpu.memory_space<vmem>>) target_semaphore(%arg15 : memref<!tpu.dma_semaphore, #tpu.memory_space<semaphore_mem>>)
    %add3A_18 = arith.constant 16384 : i32
    %add3A_19 = arith.addi %add3A_18, %mul3A_2 : i32
    %dma_start3A_20 = arith.constant 512 : i32
    %dma_start3A_21 = tpu.memref_slice %arg8[%dma_start3A_20] : memref<1024xi32, #tpu.memory_space<vmem>> -> memref<256xi32, #tpu.memory_space<vmem>>
    %dma_start3A_22 = tpu.memref_slice %arg2[%add3A_19] : memref<32768xi32, #tpu.memory_space<hbm>> -> memref<256xi32, #tpu.memory_space<hbm>>
    %dma_start3A_23 = arith.constant 512 : i32
    %dma_start3A_24 = tpu.memref_slice %arg8[%dma_start3A_23] : memref<1024xi32, #tpu.memory_space<vmem>> -> memref<256xi32, #tpu.memory_space<vmem>>
    %dma_start3A_25 = tpu.memref_slice %arg2[%add3A_19] : memref<32768xi32, #tpu.memory_space<hbm>> -> memref<256xi32, #tpu.memory_space<hbm>>
    tpu.enqueue_dma source(%dma_start3A_25 : memref<256xi32, #tpu.memory_space<hbm>>) target(%dma_start3A_24 : memref<256xi32, #tpu.memory_space<vmem>>) target_semaphore(%arg15 : memref<!tpu.dma_semaphore, #tpu.memory_space<semaphore_mem>>)
    %add3A_26 = arith.constant 24576 : i32
    %add3A_27 = arith.addi %add3A_26, %mul3A_2 : i32
    %dma_start3A_28 = arith.constant 768 : i32
    %dma_start3A_29 = tpu.memref_slice %arg8[%dma_start3A_28] : memref<1024xi32, #tpu.memory_space<vmem>> -> memref<256xi32, #tpu.memory_space<vmem>>
    %dma_start3A_30 = tpu.memref_slice %arg2[%add3A_27] : memref<32768xi32, #tpu.memory_space<hbm>> -> memref<256xi32, #tpu.memory_space<hbm>>
    %dma_start3A_31 = arith.constant 768 : i32
    %dma_start3A_32 = tpu.memref_slice %arg8[%dma_start3A_31] : memref<1024xi32, #tpu.memory_space<vmem>> -> memref<256xi32, #tpu.memory_space<vmem>>
    %dma_start3A_33 = tpu.memref_slice %arg2[%add3A_27] : memref<32768xi32, #tpu.memory_space<hbm>> -> memref<256xi32, #tpu.memory_space<hbm>>
    tpu.enqueue_dma source(%dma_start3A_33 : memref<256xi32, #tpu.memory_space<hbm>>) target(%dma_start3A_32 : memref<256xi32, #tpu.memory_space<vmem>>) target_semaphore(%arg15 : memref<!tpu.dma_semaphore, #tpu.memory_space<semaphore_mem>>)
    %multiple_of3A = arith.constant 0 : i32
    %multiple_of3A_34 = tpu.assume_multiple %multiple_of3A, 8 : i32
    %add3A_35 = arith.addi %mul3A_2, %multiple_of3A_34 : i32
    %dma_start3A_36 = arith.constant 0 : i32
    %dma_start3A_37 = tpu.memref_slice %arg5[%add3A_35, %dma_start3A_36] : memref<8192x1024xf32, #tpu.memory_space<hbm>> -> memref<8x1024xf32, #tpu.memory_space<hbm>>
    %dma_start3A_38 = arith.constant 0 : i32
    %dma_start3A_39 = tpu.memref_slice %arg5[%add3A_35, %dma_start3A_38] : memref<8192x1024xf32, #tpu.memory_space<hbm>> -> memref<8x1024xf32, #tpu.memory_space<hbm>>
    tpu.enqueue_dma source(%dma_start3A_39 : memref<8x1024xf32, #tpu.memory_space<hbm>>) target(%arg12 : memref<8x1024xf32, #tpu.memory_space<vmem>>) target_semaphore(%arg17 : memref<!tpu.dma_semaphore, #tpu.memory_space<semaphore_mem>>)
    %multiple_of3A_40 = arith.constant 8 : i32
    %multiple_of3A_41 = tpu.assume_multiple %multiple_of3A_40, 8 : i32
    %add3A_42 = arith.addi %mul3A_2, %multiple_of3A_41 : i32
    %dma_start3A_43 = arith.constant 0 : i32
    %dma_start3A_44 = tpu.memref_slice %arg5[%add3A_42, %dma_start3A_43] : memref<8192x1024xf32, #tpu.memory_space<hbm>> -> memref<8x1024xf32, #tpu.memory_space<hbm>>
    %dma_start3A_45 = arith.constant 0 : i32
    %dma_start3A_46 = tpu.memref_slice %arg5[%add3A_42, %dma_start3A_45] : memref<8192x1024xf32, #tpu.memory_space<hbm>> -> memref<8x1024xf32, #tpu.memory_space<hbm>>
    tpu.enqueue_dma source(%dma_start3A_46 : memref<8x1024xf32, #tpu.memory_space<hbm>>) target(%arg13 : memref<8x1024xf32, #tpu.memory_space<vmem>>) target_semaphore(%arg17 : memref<!tpu.dma_semaphore, #tpu.memory_space<semaphore_mem>>)
    %mul3A_47 = arith.constant 1024 : i32
    %mul3A_48 = arith.muli %add3A, %mul3A_47 : i32
    "tpu.region"() ({
      %run_scoped3A = tpu.sem_alloc : memref<!tpu.dma_semaphore, #tpu.memory_space<semaphore_mem>>
      %dma_start3A_571 = tpu.memref_slice %arg3[%mul3A_48] : memref<32768xf32, #tpu.memory_space<hbm>> -> memref<1024xf32, #tpu.memory_space<hbm>>
      %dma_start3A_572 = tpu.memref_slice %arg3[%mul3A_48] : memref<32768xf32, #tpu.memory_space<hbm>> -> memref<1024xf32, #tpu.memory_space<hbm>>
      tpu.enqueue_dma source(%dma_start3A_572 : memref<1024xf32, #tpu.memory_space<hbm>>) target(%arg14 : memref<1024xf32, #tpu.memory_space<vmem>>) target_semaphore(%run_scoped3A : memref<!tpu.dma_semaphore, #tpu.memory_space<semaphore_mem>>)
      %dma_wait3A_573 = tpu.memref_slice %arg3[%mul3A_48] : memref<32768xf32, #tpu.memory_space<hbm>> -> memref<1024xf32, #tpu.memory_space<hbm>>
      %dma_wait3A_574 = tpu.memref_slice %arg3[%mul3A_48] : memref<32768xf32, #tpu.memory_space<hbm>> -> memref<1024xf32, #tpu.memory_space<hbm>>
      tpu.wait_dma2 semaphore(%run_scoped3A : memref<!tpu.dma_semaphore, #tpu.memory_space<semaphore_mem>>) src(%dma_wait3A_574 : memref<1024xf32, #tpu.memory_space<hbm>>) dst(%arg14 : memref<1024xf32, #tpu.memory_space<vmem>>)
      tpu.yield
    }) : () -> ()
    %dma_wait3A = arith.constant 0 : i32
    %dma_wait3A_49 = tpu.memref_slice %arg8[%dma_wait3A] : memref<1024xi32, #tpu.memory_space<vmem>> -> memref<256xi32, #tpu.memory_space<vmem>>
    %dma_wait3A_50 = tpu.memref_slice %arg2[%add3A_4] : memref<32768xi32, #tpu.memory_space<hbm>> -> memref<256xi32, #tpu.memory_space<hbm>>
    %dma_wait3A_51 = arith.constant 0 : i32
    %dma_wait3A_52 = tpu.memref_slice %arg8[%dma_wait3A_51] : memref<1024xi32, #tpu.memory_space<vmem>> -> memref<256xi32, #tpu.memory_space<vmem>>
    %dma_wait3A_53 = tpu.memref_slice %arg2[%add3A_4] : memref<32768xi32, #tpu.memory_space<hbm>> -> memref<256xi32, #tpu.memory_space<hbm>>
    tpu.wait_dma2 semaphore(%arg15 : memref<!tpu.dma_semaphore, #tpu.memory_space<semaphore_mem>>) src(%dma_wait3A_53 : memref<256xi32, #tpu.memory_space<hbm>>) dst(%dma_wait3A_52 : memref<256xi32, #tpu.memory_space<vmem>>)
    %dma_wait3A_54 = arith.constant 256 : i32
    %dma_wait3A_55 = tpu.memref_slice %arg8[%dma_wait3A_54] : memref<1024xi32, #tpu.memory_space<vmem>> -> memref<256xi32, #tpu.memory_space<vmem>>
    %dma_wait3A_56 = tpu.memref_slice %arg2[%add3A_11] : memref<32768xi32, #tpu.memory_space<hbm>> -> memref<256xi32, #tpu.memory_space<hbm>>
    %dma_wait3A_57 = arith.constant 256 : i32
    %dma_wait3A_58 = tpu.memref_slice %arg8[%dma_wait3A_57] : memref<1024xi32, #tpu.memory_space<vmem>> -> memref<256xi32, #tpu.memory_space<vmem>>
    %dma_wait3A_59 = tpu.memref_slice %arg2[%add3A_11] : memref<32768xi32, #tpu.memory_space<hbm>> -> memref<256xi32, #tpu.memory_space<hbm>>
    tpu.wait_dma2 semaphore(%arg15 : memref<!tpu.dma_semaphore, #tpu.memory_space<semaphore_mem>>) src(%dma_wait3A_59 : memref<256xi32, #tpu.memory_space<hbm>>) dst(%dma_wait3A_58 : memref<256xi32, #tpu.memory_space<vmem>>)
    %dma_wait3A_60 = arith.constant 512 : i32
    %dma_wait3A_61 = tpu.memref_slice %arg8[%dma_wait3A_60] : memref<1024xi32, #tpu.memory_space<vmem>> -> memref<256xi32, #tpu.memory_space<vmem>>
    %dma_wait3A_62 = tpu.memref_slice %arg2[%add3A_19] : memref<32768xi32, #tpu.memory_space<hbm>> -> memref<256xi32, #tpu.memory_space<hbm>>
    %dma_wait3A_63 = arith.constant 512 : i32
    %dma_wait3A_64 = tpu.memref_slice %arg8[%dma_wait3A_63] : memref<1024xi32, #tpu.memory_space<vmem>> -> memref<256xi32, #tpu.memory_space<vmem>>
    %dma_wait3A_65 = tpu.memref_slice %arg2[%add3A_19] : memref<32768xi32, #tpu.memory_space<hbm>> -> memref<256xi32, #tpu.memory_space<hbm>>
    tpu.wait_dma2 semaphore(%arg15 : memref<!tpu.dma_semaphore, #tpu.memory_space<semaphore_mem>>) src(%dma_wait3A_65 : memref<256xi32, #tpu.memory_space<hbm>>) dst(%dma_wait3A_64 : memref<256xi32, #tpu.memory_space<vmem>>)
    %dma_wait3A_66 = arith.constant 768 : i32
    %dma_wait3A_67 = tpu.memref_slice %arg8[%dma_wait3A_66] : memref<1024xi32, #tpu.memory_space<vmem>> -> memref<256xi32, #tpu.memory_space<vmem>>
    %dma_wait3A_68 = tpu.memref_slice %arg2[%add3A_27] : memref<32768xi32, #tpu.memory_space<hbm>> -> memref<256xi32, #tpu.memory_space<hbm>>
    %dma_wait3A_69 = arith.constant 768 : i32
    %dma_wait3A_70 = tpu.memref_slice %arg8[%dma_wait3A_69] : memref<1024xi32, #tpu.memory_space<vmem>> -> memref<256xi32, #tpu.memory_space<vmem>>
    %dma_wait3A_71 = tpu.memref_slice %arg2[%add3A_27] : memref<32768xi32, #tpu.memory_space<hbm>> -> memref<256xi32, #tpu.memory_space<hbm>>
    tpu.wait_dma2 semaphore(%arg15 : memref<!tpu.dma_semaphore, #tpu.memory_space<semaphore_mem>>) src(%dma_wait3A_71 : memref<256xi32, #tpu.memory_space<hbm>>) dst(%dma_wait3A_70 : memref<256xi32, #tpu.memory_space<vmem>>)
    %multiple_of3A_72 = arith.constant 0 : i32
    %multiple_of3A_73 = tpu.assume_multiple %multiple_of3A_72, 8 : i32
    %add3A_74 = arith.constant 0 : i32
    %add3A_75 = arith.addi %add3A_74, %multiple_of3A_73 : i32
    %add3A_76 = arith.constant 256 : i32
    %add3A_77 = arith.addi %add3A_76, %multiple_of3A_73 : i32
    %add3A_78 = arith.constant 512 : i32
    %add3A_79 = arith.addi %add3A_78, %multiple_of3A_73 : i32
    %add3A_80 = arith.constant 768 : i32
    %add3A_81 = arith.addi %add3A_80, %multiple_of3A_73 : i32
    %dma_start3A_82 = arith.constant 0 : i32
    %dma_start3A_83 = arith.constant 0 : i32
    %dma_start3A_84 = tpu.memref_slice %arg9[%dma_start3A_82, %dma_start3A_83] : memref<32x1024xf32, #tpu.memory_space<vmem>> -> memref<8x1024xf32, #tpu.memory_space<vmem>>
    %dma_start3A_85 = tpu.memref_slice %arg8[%add3A_75] : memref<1024xi32, #tpu.memory_space<vmem>> -> memref<8xi32, #tpu.memory_space<vmem>>
    %dma_start3A_86 = arith.constant 0 : i32
    %dma_start3A_87 = arith.constant 0 : i32
    %dma_start3A_88 = tpu.memref_slice %arg4[%dma_start3A_86, %dma_start3A_87] : memref<100000x1024xf32, #tpu.memory_space<hbm>> -> memref<100000x1024xf32, #tpu.memory_space<hbm>>
    tpu.enqueue_indirect_dma source(%dma_start3A_88 : memref<100000x1024xf32, #tpu.memory_space<hbm>>) target(%dma_start3A_84 : memref<8x1024xf32, #tpu.memory_space<vmem>>) offsets(%dma_start3A_85 : memref<8xi32, #tpu.memory_space<vmem>>) semaphore(%arg15 : memref<!tpu.dma_semaphore, #tpu.memory_space<semaphore_mem>>)
    %dma_start3A_89 = arith.constant 8 : i32
    %dma_start3A_90 = arith.constant 0 : i32
    %dma_start3A_91 = tpu.memref_slice %arg9[%dma_start3A_89, %dma_start3A_90] : memref<32x1024xf32, #tpu.memory_space<vmem>> -> memref<8x1024xf32, #tpu.memory_space<vmem>>
    %dma_start3A_92 = tpu.memref_slice %arg8[%add3A_77] : memref<1024xi32, #tpu.memory_space<vmem>> -> memref<8xi32, #tpu.memory_space<vmem>>
    %dma_start3A_93 = arith.constant 0 : i32
    %dma_start3A_94 = arith.constant 0 : i32
    %dma_start3A_95 = tpu.memref_slice %arg4[%dma_start3A_93, %dma_start3A_94] : memref<100000x1024xf32, #tpu.memory_space<hbm>> -> memref<100000x1024xf32, #tpu.memory_space<hbm>>
    tpu.enqueue_indirect_dma source(%dma_start3A_95 : memref<100000x1024xf32, #tpu.memory_space<hbm>>) target(%dma_start3A_91 : memref<8x1024xf32, #tpu.memory_space<vmem>>) offsets(%dma_start3A_92 : memref<8xi32, #tpu.memory_space<vmem>>) semaphore(%arg15 : memref<!tpu.dma_semaphore, #tpu.memory_space<semaphore_mem>>)
    %dma_start3A_96 = arith.constant 16 : i32
    %dma_start3A_97 = arith.constant 0 : i32
    %dma_start3A_98 = tpu.memref_slice %arg9[%dma_start3A_96, %dma_start3A_97] : memref<32x1024xf32, #tpu.memory_space<vmem>> -> memref<8x1024xf32, #tpu.memory_space<vmem>>
    %dma_start3A_99 = tpu.memref_slice %arg8[%add3A_79] : memref<1024xi32, #tpu.memory_space<vmem>> -> memref<8xi32, #tpu.memory_space<vmem>>
    %dma_start3A_100 = arith.constant 0 : i32
    %dma_start3A_101 = arith.constant 0 : i32
    %dma_start3A_102 = tpu.memref_slice %arg4[%dma_start3A_100, %dma_start3A_101] : memref<100000x1024xf32, #tpu.memory_space<hbm>> -> memref<100000x1024xf32, #tpu.memory_space<hbm>>
    tpu.enqueue_indirect_dma source(%dma_start3A_102 : memref<100000x1024xf32, #tpu.memory_space<hbm>>) target(%dma_start3A_98 : memref<8x1024xf32, #tpu.memory_space<vmem>>) offsets(%dma_start3A_99 : memref<8xi32, #tpu.memory_space<vmem>>) semaphore(%arg15 : memref<!tpu.dma_semaphore, #tpu.memory_space<semaphore_mem>>)
    %dma_start3A_103 = arith.constant 24 : i32
    %dma_start3A_104 = arith.constant 0 : i32
    %dma_start3A_105 = tpu.memref_slice %arg9[%dma_start3A_103, %dma_start3A_104] : memref<32x1024xf32, #tpu.memory_space<vmem>> -> memref<8x1024xf32, #tpu.memory_space<vmem>>
    %dma_start3A_106 = tpu.memref_slice %arg8[%add3A_81] : memref<1024xi32, #tpu.memory_space<vmem>> -> memref<8xi32, #tpu.memory_space<vmem>>
    %dma_start3A_107 = arith.constant 0 : i32
    %dma_start3A_108 = arith.constant 0 : i32
    %dma_start3A_109 = tpu.memref_slice %arg4[%dma_start3A_107, %dma_start3A_108] : memref<100000x1024xf32, #tpu.memory_space<hbm>> -> memref<100000x1024xf32, #tpu.memory_space<hbm>>
    tpu.enqueue_indirect_dma source(%dma_start3A_109 : memref<100000x1024xf32, #tpu.memory_space<hbm>>) target(%dma_start3A_105 : memref<8x1024xf32, #tpu.memory_space<vmem>>) offsets(%dma_start3A_106 : memref<8xi32, #tpu.memory_space<vmem>>) semaphore(%arg15 : memref<!tpu.dma_semaphore, #tpu.memory_space<semaphore_mem>>)
    %parallel_loop3A = arith.constant 0 : i32
    %parallel_loop3A_110 = arith.constant 1024 : i32
    %parallel_loop3A_111 = arith.constant 16 : i32
    scf.for %parallel_loop3A_571 = %parallel_loop3A to %parallel_loop3A_110 step %parallel_loop3A_111  : i32 {
      %parallel_loop3A_572 = tpu.assume_multiple %parallel_loop3A_571, 16 : i32
      %parallel_loop3A_573 = arith.index_cast %parallel_loop3A_572 : i32 to index
      %parallel_loop3A_574 = tpu.vector_load %arg14[%parallel_loop3A_573] {strides = array<i32>} : memref<1024xf32, #tpu.memory_space<vmem>>, vector<16xf32>,
      %parallel_loop3A_575 = vector.shape_cast %parallel_loop3A_574 : vector<16xf32> to vector<16xf32>
      %parallel_loop3A_576 = arith.constant 1.000000e+00 : f32
      %parallel_loop3A_577 = vector.broadcast %parallel_loop3A_576 : f32 to vector<16xf32>
      %parallel_loop3A_578 = arith.subf %parallel_loop3A_577, %parallel_loop3A_575 : vector<16xf32>
      %parallel_loop3A_579 = arith.constant -1.000000e+04 : f32
      %parallel_loop3A_580 = vector.broadcast %parallel_loop3A_579 : f32 to vector<16xf32>
      %parallel_loop3A_581 = arith.mulf %parallel_loop3A_578, %parallel_loop3A_580 : vector<16xf32>
      %parallel_loop3A_582 = arith.index_cast %parallel_loop3A_572 : i32 to index
      %parallel_loop3A_583 = tpu.vector_load %arg14[%parallel_loop3A_582] {strides = array<i32>} : memref<1024xf32, #tpu.memory_space<vmem>>, vector<16xf32>,
      %parallel_loop3A_584 = vector.shape_cast %parallel_loop3A_583 : vector<16xf32> to vector<16xf32>
      %parallel_loop3A_585 = vector.shape_cast %parallel_loop3A_581 : vector<16xf32> to vector<16xf32>
      tpu.vector_store %arg14[%parallel_loop3A_582], %parallel_loop3A_585 {strides = array<i32>} : memref<1024xf32, #tpu.memory_space<vmem>>, vector<16xf32>,
    } {sc.loop_unroll_factor = 4 : i64, sc.parallel_access}
    "tpu.region"() ({
      %run_scoped3A = tpu.sem_alloc : memref<!tpu.dma_semaphore, #tpu.memory_space<semaphore_mem>>
      %dma_start3A_571 = tpu.memref_slice %arg7[%mul3A_48] : memref<32768xf32, #tpu.memory_space<hbm>> -> memref<1024xf32, #tpu.memory_space<hbm>>
      %dma_start3A_572 = tpu.memref_slice %arg7[%mul3A_48] : memref<32768xf32, #tpu.memory_space<hbm>> -> memref<1024xf32, #tpu.memory_space<hbm>>
      tpu.enqueue_dma source(%arg14 : memref<1024xf32, #tpu.memory_space<vmem>>) target(%dma_start3A_572 : memref<1024xf32, #tpu.memory_space<hbm>>) target_semaphore(%run_scoped3A : memref<!tpu.dma_semaphore, #tpu.memory_space<semaphore_mem>>)
      %dma_wait3A_573 = tpu.memref_slice %arg7[%mul3A_48] : memref<32768xf32, #tpu.memory_space<hbm>> -> memref<1024xf32, #tpu.memory_space<hbm>>
      %dma_wait3A_574 = tpu.memref_slice %arg7[%mul3A_48] : memref<32768xf32, #tpu.memory_space<hbm>> -> memref<1024xf32, #tpu.memory_space<hbm>>
      tpu.wait_dma2 semaphore(%run_scoped3A : memref<!tpu.dma_semaphore, #tpu.memory_space<semaphore_mem>>) src(%arg14 : memref<1024xf32, #tpu.memory_space<vmem>>) dst(%dma_wait3A_574 : memref<1024xf32, #tpu.memory_space<hbm>>)
      tpu.yield
    }) : () -> ()
    %multiple_of3A_112 = arith.constant 0 : i32
    %multiple_of3A_113 = tpu.assume_multiple %multiple_of3A_112, 8 : i32
    %add3A_114 = arith.addi %mul3A_2, %multiple_of3A_113 : i32
    %dma_wait3A_115 = arith.constant 0 : i32
    %dma_wait3A_116 = tpu.memref_slice %arg5[%add3A_114, %dma_wait3A_115] : memref<8192x1024xf32, #tpu.memory_space<hbm>> -> memref<8x1024xf32, #tpu.memory_space<hbm>>
    %dma_wait3A_117 = arith.constant 0 : i32
    %dma_wait3A_118 = tpu.memref_slice %arg5[%add3A_114, %dma_wait3A_117] : memref<8192x1024xf32, #tpu.memory_space<hbm>> -> memref<8x1024xf32, #tpu.memory_space<hbm>>
    tpu.wait_dma2 semaphore(%arg17 : memref<!tpu.dma_semaphore, #tpu.memory_space<semaphore_mem>>) src(%dma_wait3A_118 : memref<8x1024xf32, #tpu.memory_space<hbm>>) dst(%arg12 : memref<8x1024xf32, #tpu.memory_space<vmem>>)
    %multiple_of3A_119 = arith.constant 0 : i32
    %multiple_of3A_120 = tpu.assume_multiple %multiple_of3A_119, 8 : i32
    %add3A_121 = arith.constant 0 : i32
    %add3A_122 = arith.addi %add3A_121, %multiple_of3A_120 : i32
    %add3A_123 = arith.constant 256 : i32
    %add3A_124 = arith.addi %add3A_123, %multiple_of3A_120 : i32
    %add3A_125 = arith.constant 512 : i32
    %add3A_126 = arith.addi %add3A_125, %multiple_of3A_120 : i32
    %add3A_127 = arith.constant 768 : i32
    %add3A_128 = arith.addi %add3A_127, %multiple_of3A_120 : i32
    %dma_wait3A_129 = arith.constant 0 : i32
    %dma_wait3A_130 = arith.constant 0 : i32
    %dma_wait3A_131 = tpu.memref_slice %arg9[%dma_wait3A_129, %dma_wait3A_130] : memref<32x1024xf32, #tpu.memory_space<vmem>> -> memref<8x1024xf32, #tpu.memory_space<vmem>>
    %dma_wait3A_132 = tpu.memref_slice %arg8[%add3A_122] : memref<1024xi32, #tpu.memory_space<vmem>> -> memref<8xi32, #tpu.memory_space<vmem>>
    %dma_wait3A_133 = arith.constant 0 : i32
    %dma_wait3A_134 = arith.constant 0 : i32
    %dma_wait3A_135 = tpu.memref_slice %arg4[%dma_wait3A_133, %dma_wait3A_134] : memref<100000x1024xf32, #tpu.memory_space<hbm>> -> memref<100000x1024xf32, #tpu.memory_space<hbm>>
    tpu.wait_indirect_dma semaphore(%arg15 : memref<!tpu.dma_semaphore, #tpu.memory_space<semaphore_mem>>) src(%dma_wait3A_135 : memref<100000x1024xf32, #tpu.memory_space<hbm>>) dst(%dma_wait3A_131 : memref<8x1024xf32, #tpu.memory_space<vmem>>)
    %dma_wait3A_136 = arith.constant 8 : i32
    %dma_wait3A_137 = arith.constant 0 : i32
    %dma_wait3A_138 = tpu.memref_slice %arg9[%dma_wait3A_136, %dma_wait3A_137] : memref<32x1024xf32, #tpu.memory_space<vmem>> -> memref<8x1024xf32, #tpu.memory_space<vmem>>
    %dma_wait3A_139 = tpu.memref_slice %arg8[%add3A_124] : memref<1024xi32, #tpu.memory_space<vmem>> -> memref<8xi32, #tpu.memory_space<vmem>>
    %dma_wait3A_140 = arith.constant 0 : i32
    %dma_wait3A_141 = arith.constant 0 : i32
    %dma_wait3A_142 = tpu.memref_slice %arg4[%dma_wait3A_140, %dma_wait3A_141] : memref<100000x1024xf32, #tpu.memory_space<hbm>> -> memref<100000x1024xf32, #tpu.memory_space<hbm>>
    tpu.wait_indirect_dma semaphore(%arg15 : memref<!tpu.dma_semaphore, #tpu.memory_space<semaphore_mem>>) src(%dma_wait3A_142 : memref<100000x1024xf32, #tpu.memory_space<hbm>>) dst(%dma_wait3A_138 : memref<8x1024xf32, #tpu.memory_space<vmem>>)
    %dma_wait3A_143 = arith.constant 16 : i32
    %dma_wait3A_144 = arith.constant 0 : i32
    %dma_wait3A_145 = tpu.memref_slice %arg9[%dma_wait3A_143, %dma_wait3A_144] : memref<32x1024xf32, #tpu.memory_space<vmem>> -> memref<8x1024xf32, #tpu.memory_space<vmem>>
    %dma_wait3A_146 = tpu.memref_slice %arg8[%add3A_126] : memref<1024xi32, #tpu.memory_space<vmem>> -> memref<8xi32, #tpu.memory_space<vmem>>
    %dma_wait3A_147 = arith.constant 0 : i32
    %dma_wait3A_148 = arith.constant 0 : i32
    %dma_wait3A_149 = tpu.memref_slice %arg4[%dma_wait3A_147, %dma_wait3A_148] : memref<100000x1024xf32, #tpu.memory_space<hbm>> -> memref<100000x1024xf32, #tpu.memory_space<hbm>>
    tpu.wait_indirect_dma semaphore(%arg15 : memref<!tpu.dma_semaphore, #tpu.memory_space<semaphore_mem>>) src(%dma_wait3A_149 : memref<100000x1024xf32, #tpu.memory_space<hbm>>) dst(%dma_wait3A_145 : memref<8x1024xf32, #tpu.memory_space<vmem>>)
    %dma_wait3A_150 = arith.constant 24 : i32
    %dma_wait3A_151 = arith.constant 0 : i32
    %dma_wait3A_152 = tpu.memref_slice %arg9[%dma_wait3A_150, %dma_wait3A_151] : memref<32x1024xf32, #tpu.memory_space<vmem>> -> memref<8x1024xf32, #tpu.memory_space<vmem>>
    %dma_wait3A_153 = tpu.memref_slice %arg8[%add3A_128] : memref<1024xi32, #tpu.memory_space<vmem>> -> memref<8xi32, #tpu.memory_space<vmem>>
    %dma_wait3A_154 = arith.constant 0 : i32
    %dma_wait3A_155 = arith.constant 0 : i32
    %dma_wait3A_156 = tpu.memref_slice %arg4[%dma_wait3A_154, %dma_wait3A_155] : memref<100000x1024xf32, #tpu.memory_space<hbm>> -> memref<100000x1024xf32, #tpu.memory_space<hbm>>
    tpu.wait_indirect_dma semaphore(%arg15 : memref<!tpu.dma_semaphore, #tpu.memory_space<semaphore_mem>>) src(%dma_wait3A_156 : memref<100000x1024xf32, #tpu.memory_space<hbm>>) dst(%dma_wait3A_152 : memref<8x1024xf32, #tpu.memory_space<vmem>>)
    %multiple_of3A_157 = arith.constant 8 : i32
    %multiple_of3A_158 = tpu.assume_multiple %multiple_of3A_157, 8 : i32
    %add3A_159 = arith.constant 0 : i32
    %add3A_160 = arith.addi %add3A_159, %multiple_of3A_158 : i32
    %add3A_161 = arith.constant 256 : i32
    %add3A_162 = arith.addi %add3A_161, %multiple_of3A_158 : i32
    %add3A_163 = arith.constant 512 : i32
    %add3A_164 = arith.addi %add3A_163, %multiple_of3A_158 : i32
    %add3A_165 = arith.constant 768 : i32
    %add3A_166 = arith.addi %add3A_165, %multiple_of3A_158 : i32
    %dma_start3A_167 = arith.constant 0 : i32
    %dma_start3A_168 = arith.constant 0 : i32
    %dma_start3A_169 = tpu.memref_slice %arg10[%dma_start3A_167, %dma_start3A_168] : memref<32x1024xf32, #tpu.memory_space<vmem>> -> memref<8x1024xf32, #tpu.memory_space<vmem>>
    %dma_start3A_170 = tpu.memref_slice %arg8[%add3A_160] : memref<1024xi32, #tpu.memory_space<vmem>> -> memref<8xi32, #tpu.memory_space<vmem>>
    %dma_start3A_171 = arith.constant 0 : i32
    %dma_start3A_172 = arith.constant 0 : i32
    %dma_start3A_173 = tpu.memref_slice %arg4[%dma_start3A_171, %dma_start3A_172] : memref<100000x1024xf32, #tpu.memory_space<hbm>> -> memref<100000x1024xf32, #tpu.memory_space<hbm>>
    tpu.enqueue_indirect_dma source(%dma_start3A_173 : memref<100000x1024xf32, #tpu.memory_space<hbm>>) target(%dma_start3A_169 : memref<8x1024xf32, #tpu.memory_space<vmem>>) offsets(%dma_start3A_170 : memref<8xi32, #tpu.memory_space<vmem>>) semaphore(%arg15 : memref<!tpu.dma_semaphore, #tpu.memory_space<semaphore_mem>>)
    %dma_start3A_174 = arith.constant 8 : i32
    %dma_start3A_175 = arith.constant 0 : i32
    %dma_start3A_176 = tpu.memref_slice %arg10[%dma_start3A_174, %dma_start3A_175] : memref<32x1024xf32, #tpu.memory_space<vmem>> -> memref<8x1024xf32, #tpu.memory_space<vmem>>
    %dma_start3A_177 = tpu.memref_slice %arg8[%add3A_162] : memref<1024xi32, #tpu.memory_space<vmem>> -> memref<8xi32, #tpu.memory_space<vmem>>
    %dma_start3A_178 = arith.constant 0 : i32
    %dma_start3A_179 = arith.constant 0 : i32
    %dma_start3A_180 = tpu.memref_slice %arg4[%dma_start3A_178, %dma_start3A_179] : memref<100000x1024xf32, #tpu.memory_space<hbm>> -> memref<100000x1024xf32, #tpu.memory_space<hbm>>
    tpu.enqueue_indirect_dma source(%dma_start3A_180 : memref<100000x1024xf32, #tpu.memory_space<hbm>>) target(%dma_start3A_176 : memref<8x1024xf32, #tpu.memory_space<vmem>>) offsets(%dma_start3A_177 : memref<8xi32, #tpu.memory_space<vmem>>) semaphore(%arg15 : memref<!tpu.dma_semaphore, #tpu.memory_space<semaphore_mem>>)
    %dma_start3A_181 = arith.constant 16 : i32
    %dma_start3A_182 = arith.constant 0 : i32
    %dma_start3A_183 = tpu.memref_slice %arg10[%dma_start3A_181, %dma_start3A_182] : memref<32x1024xf32, #tpu.memory_space<vmem>> -> memref<8x1024xf32, #tpu.memory_space<vmem>>
    %dma_start3A_184 = tpu.memref_slice %arg8[%add3A_164] : memref<1024xi32, #tpu.memory_space<vmem>> -> memref<8xi32, #tpu.memory_space<vmem>>
    %dma_start3A_185 = arith.constant 0 : i32
    %dma_start3A_186 = arith.constant 0 : i32
    %dma_start3A_187 = tpu.memref_slice %arg4[%dma_start3A_185, %dma_start3A_186] : memref<100000x1024xf32, #tpu.memory_space<hbm>> -> memref<100000x1024xf32, #tpu.memory_space<hbm>>
    tpu.enqueue_indirect_dma source(%dma_start3A_187 : memref<100000x1024xf32, #tpu.memory_space<hbm>>) target(%dma_start3A_183 : memref<8x1024xf32, #tpu.memory_space<vmem>>) offsets(%dma_start3A_184 : memref<8xi32, #tpu.memory_space<vmem>>) semaphore(%arg15 : memref<!tpu.dma_semaphore, #tpu.memory_space<semaphore_mem>>)
    %dma_start3A_188 = arith.constant 24 : i32
    %dma_start3A_189 = arith.constant 0 : i32
    %dma_start3A_190 = tpu.memref_slice %arg10[%dma_start3A_188, %dma_start3A_189] : memref<32x1024xf32, #tpu.memory_space<vmem>> -> memref<8x1024xf32, #tpu.memory_space<vmem>>
    %dma_start3A_191 = tpu.memref_slice %arg8[%add3A_166] : memref<1024xi32, #tpu.memory_space<vmem>> -> memref<8xi32, #tpu.memory_space<vmem>>
    %dma_start3A_192 = arith.constant 0 : i32
    %dma_start3A_193 = arith.constant 0 : i32
    %dma_start3A_194 = tpu.memref_slice %arg4[%dma_start3A_192, %dma_start3A_193] : memref<100000x1024xf32, #tpu.memory_space<hbm>> -> memref<100000x1024xf32, #tpu.memory_space<hbm>>
    tpu.enqueue_indirect_dma source(%dma_start3A_194 : memref<100000x1024xf32, #tpu.memory_space<hbm>>) target(%dma_start3A_190 : memref<8x1024xf32, #tpu.memory_space<vmem>>) offsets(%dma_start3A_191 : memref<8xi32, #tpu.memory_space<vmem>>) semaphore(%arg15 : memref<!tpu.dma_semaphore, #tpu.memory_space<semaphore_mem>>)
    %parallel_loop3A_195 = arith.constant 0 : i32
    %parallel_loop3A_196 = arith.constant 8192 : i32
    %parallel_loop3A_197 = arith.constant 16 : i32
    scf.for %parallel_loop3A_571 = %parallel_loop3A_195 to %parallel_loop3A_196 step %parallel_loop3A_197  : i32 {
      %parallel_loop3A_572 = arith.constant 10 : i32
      %parallel_loop3A_573 = arith.shrsi %parallel_loop3A_571, %parallel_loop3A_572 : i32
      %parallel_loop3A_574 = arith.constant 1023 : i32
      %parallel_loop3A_575 = arith.andi %parallel_loop3A_571, %parallel_loop3A_574 : i32
      %parallel_loop3A_576 = tpu.assume_multiple %parallel_loop3A_575, 16 : i32
      %parallel_loop3A_577 = arith.index_cast %parallel_loop3A_573 : i32 to index
      %parallel_loop3A_578 = arith.index_cast %parallel_loop3A_576 : i32 to index
      %parallel_loop3A_579 = tpu.vector_load %arg12[%parallel_loop3A_577, %parallel_loop3A_578] {strides = array<i32>} : memref<8x1024xf32, #tpu.memory_space<vmem>>, vector<1x16xf32>,
      %parallel_loop3A_580 = vector.shape_cast %parallel_loop3A_579 : vector<1x16xf32> to vector<16xf32>
      %parallel_loop3A_581 = arith.constant 0 : i32
      %parallel_loop3A_582 = arith.addi %parallel_loop3A_581, %parallel_loop3A_573 : i32
      %parallel_loop3A_583 = arith.index_cast %parallel_loop3A_582 : i32 to index
      %parallel_loop3A_584 = arith.index_cast %parallel_loop3A_576 : i32 to index
      %parallel_loop3A_585 = tpu.vector_load %arg9[%parallel_loop3A_583, %parallel_loop3A_584] {strides = array<i32>} : memref<32x1024xf32, #tpu.memory_space<vmem>>, vector<1x16xf32>,
      %parallel_loop3A_586 = vector.shape_cast %parallel_loop3A_585 : vector<1x16xf32> to vector<16xf32>
      %parallel_loop3A_587 = arith.addf %parallel_loop3A_586, %parallel_loop3A_580 : vector<16xf32>
      %parallel_loop3A_588 = arith.constant 0 : i32
      %parallel_loop3A_589 = arith.addi %parallel_loop3A_588, %parallel_loop3A_573 : i32
      %parallel_loop3A_590 = arith.index_cast %parallel_loop3A_589 : i32 to index
      %parallel_loop3A_591 = arith.index_cast %parallel_loop3A_576 : i32 to index
      %parallel_loop3A_592 = tpu.vector_load %arg9[%parallel_loop3A_590, %parallel_loop3A_591] {strides = array<i32>} : memref<32x1024xf32, #tpu.memory_space<vmem>>, vector<1x16xf32>,
      %parallel_loop3A_593 = vector.shape_cast %parallel_loop3A_592 : vector<1x16xf32> to vector<16xf32>
      %parallel_loop3A_594 = vector.shape_cast %parallel_loop3A_587 : vector<16xf32> to vector<1x16xf32>
      tpu.vector_store %arg9[%parallel_loop3A_590, %parallel_loop3A_591], %parallel_loop3A_594 {strides = array<i32>} : memref<32x1024xf32, #tpu.memory_space<vmem>>, vector<1x16xf32>,
      %parallel_loop3A_595 = arith.constant 8 : i32
      %parallel_loop3A_596 = arith.addi %parallel_loop3A_595, %parallel_loop3A_573 : i32
      %parallel_loop3A_597 = arith.index_cast %parallel_loop3A_596 : i32 to index
      %parallel_loop3A_598 = arith.index_cast %parallel_loop3A_576 : i32 to index
      %parallel_loop3A_599 = tpu.vector_load %arg9[%parallel_loop3A_597, %parallel_loop3A_598] {strides = array<i32>} : memref<32x1024xf32, #tpu.memory_space<vmem>>, vector<1x16xf32>,
      %parallel_loop3A_600 = vector.shape_cast %parallel_loop3A_599 : vector<1x16xf32> to vector<16xf32>
      %parallel_loop3A_601 = arith.addf %parallel_loop3A_600, %parallel_loop3A_580 : vector<16xf32>
      %parallel_loop3A_602 = arith.constant 8 : i32
      %parallel_loop3A_603 = arith.addi %parallel_loop3A_602, %parallel_loop3A_573 : i32
      %parallel_loop3A_604 = arith.index_cast %parallel_loop3A_603 : i32 to index
      %parallel_loop3A_605 = arith.index_cast %parallel_loop3A_576 : i32 to index
      %parallel_loop3A_606 = tpu.vector_load %arg9[%parallel_loop3A_604, %parallel_loop3A_605] {strides = array<i32>} : memref<32x1024xf32, #tpu.memory_space<vmem>>, vector<1x16xf32>,
      %parallel_loop3A_607 = vector.shape_cast %parallel_loop3A_606 : vector<1x16xf32> to vector<16xf32>
      %parallel_loop3A_608 = vector.shape_cast %parallel_loop3A_601 : vector<16xf32> to vector<1x16xf32>
      tpu.vector_store %arg9[%parallel_loop3A_604, %parallel_loop3A_605], %parallel_loop3A_608 {strides = array<i32>} : memref<32x1024xf32, #tpu.memory_space<vmem>>, vector<1x16xf32>,
      %parallel_loop3A_609 = arith.constant 16 : i32
      %parallel_loop3A_610 = arith.addi %parallel_loop3A_609, %parallel_loop3A_573 : i32
      %parallel_loop3A_611 = arith.index_cast %parallel_loop3A_610 : i32 to index
      %parallel_loop3A_612 = arith.index_cast %parallel_loop3A_576 : i32 to index
      %parallel_loop3A_613 = tpu.vector_load %arg9[%parallel_loop3A_611, %parallel_loop3A_612] {strides = array<i32>} : memref<32x1024xf32, #tpu.memory_space<vmem>>, vector<1x16xf32>,
      %parallel_loop3A_614 = vector.shape_cast %parallel_loop3A_613 : vector<1x16xf32> to vector<16xf32>
      %parallel_loop3A_615 = arith.addf %parallel_loop3A_614, %parallel_loop3A_580 : vector<16xf32>
      %parallel_loop3A_616 = arith.constant 16 : i32
      %parallel_loop3A_617 = arith.addi %parallel_loop3A_616, %parallel_loop3A_573 : i32
      %parallel_loop3A_618 = arith.index_cast %parallel_loop3A_617 : i32 to index
      %parallel_loop3A_619 = arith.index_cast %parallel_loop3A_576 : i32 to index
      %parallel_loop3A_620 = tpu.vector_load %arg9[%parallel_loop3A_618, %parallel_loop3A_619] {strides = array<i32>} : memref<32x1024xf32, #tpu.memory_space<vmem>>, vector<1x16xf32>,
      %parallel_loop3A_621 = vector.shape_cast %parallel_loop3A_620 : vector<1x16xf32> to vector<16xf32>
      %parallel_loop3A_622 = vector.shape_cast %parallel_loop3A_615 : vector<16xf32> to vector<1x16xf32>
      tpu.vector_store %arg9[%parallel_loop3A_618, %parallel_loop3A_619], %parallel_loop3A_622 {strides = array<i32>} : memref<32x1024xf32, #tpu.memory_space<vmem>>, vector<1x16xf32>,
      %parallel_loop3A_623 = arith.constant 24 : i32
      %parallel_loop3A_624 = arith.addi %parallel_loop3A_623, %parallel_loop3A_573 : i32
      %parallel_loop3A_625 = arith.index_cast %parallel_loop3A_624 : i32 to index
      %parallel_loop3A_626 = arith.index_cast %parallel_loop3A_576 : i32 to index
      %parallel_loop3A_627 = tpu.vector_load %arg9[%parallel_loop3A_625, %parallel_loop3A_626] {strides = array<i32>} : memref<32x1024xf32, #tpu.memory_space<vmem>>, vector<1x16xf32>,
      %parallel_loop3A_628 = vector.shape_cast %parallel_loop3A_627 : vector<1x16xf32> to vector<16xf32>
      %parallel_loop3A_629 = arith.addf %parallel_loop3A_628, %parallel_loop3A_580 : vector<16xf32>
      %parallel_loop3A_630 = arith.constant 24 : i32
      %parallel_loop3A_631 = arith.addi %parallel_loop3A_630, %parallel_loop3A_573 : i32
      %parallel_loop3A_632 = arith.index_cast %parallel_loop3A_631 : i32 to index
      %parallel_loop3A_633 = arith.index_cast %parallel_loop3A_576 : i32 to index
      %parallel_loop3A_634 = tpu.vector_load %arg9[%parallel_loop3A_632, %parallel_loop3A_633] {strides = array<i32>} : memref<32x1024xf32, #tpu.memory_space<vmem>>, vector<1x16xf32>,
      %parallel_loop3A_635 = vector.shape_cast %parallel_loop3A_634 : vector<1x16xf32> to vector<16xf32>
      %parallel_loop3A_636 = vector.shape_cast %parallel_loop3A_629 : vector<16xf32> to vector<1x16xf32>
      tpu.vector_store %arg9[%parallel_loop3A_632, %parallel_loop3A_633], %parallel_loop3A_636 {strides = array<i32>} : memref<32x1024xf32, #tpu.memory_space<vmem>>, vector<1x16xf32>,
    } {sc.loop_unroll_factor = 8 : i64, sc.parallel_access}
    %multiple_of3A_198 = arith.constant 16 : i32
    %multiple_of3A_199 = tpu.assume_multiple %multiple_of3A_198, 8 : i32
    %add3A_200 = arith.addi %mul3A_2, %multiple_of3A_199 : i32
    %dma_start3A_201 = arith.constant 0 : i32
    %dma_start3A_202 = tpu.memref_slice %arg5[%add3A_200, %dma_start3A_201] : memref<8192x1024xf32, #tpu.memory_space<hbm>> -> memref<8x1024xf32, #tpu.memory_space<hbm>>
    %dma_start3A_203 = arith.constant 0 : i32
    %dma_start3A_204 = tpu.memref_slice %arg5[%add3A_200, %dma_start3A_203] : memref<8192x1024xf32, #tpu.memory_space<hbm>> -> memref<8x1024xf32, #tpu.memory_space<hbm>>
    tpu.enqueue_dma source(%dma_start3A_204 : memref<8x1024xf32, #tpu.memory_space<hbm>>) target(%arg12 : memref<8x1024xf32, #tpu.memory_space<vmem>>) target_semaphore(%arg17 : memref<!tpu.dma_semaphore, #tpu.memory_space<semaphore_mem>>)
    %multiple_of3A_205 = arith.constant 0 : i32
    %multiple_of3A_206 = tpu.assume_multiple %multiple_of3A_205, 8 : i32
    %add3A_207 = arith.constant 0 : i32
    %add3A_208 = arith.addi %add3A_207, %mul3A_2 : i32
    %add3A_209 = arith.addi %add3A_208, %multiple_of3A_206 : i32
    %add3A_210 = arith.constant 8192 : i32
    %add3A_211 = arith.addi %add3A_210, %mul3A_2 : i32
    %add3A_212 = arith.addi %add3A_211, %multiple_of3A_206 : i32
    %add3A_213 = arith.constant 16384 : i32
    %add3A_214 = arith.addi %add3A_213, %mul3A_2 : i32
    %add3A_215 = arith.addi %add3A_214, %multiple_of3A_206 : i32
    %add3A_216 = arith.constant 24576 : i32
    %add3A_217 = arith.addi %add3A_216, %mul3A_2 : i32
    %add3A_218 = arith.addi %add3A_217, %multiple_of3A_206 : i32
    %dma_start3A_219 = arith.constant 0 : i32
    %dma_start3A_220 = arith.constant 0 : i32
    %dma_start3A_221 = tpu.memref_slice %arg9[%dma_start3A_219, %dma_start3A_220] : memref<32x1024xf32, #tpu.memory_space<vmem>> -> memref<8x1024xf32, #tpu.memory_space<vmem>>
    %dma_start3A_222 = arith.constant 0 : i32
    %dma_start3A_223 = tpu.memref_slice %arg6[%add3A_209, %dma_start3A_222] : memref<32768x1024xf32, #tpu.memory_space<hbm>> -> memref<8x1024xf32, #tpu.memory_space<hbm>>
    %dma_start3A_224 = arith.constant 0 : i32
    %dma_start3A_225 = tpu.memref_slice %arg6[%add3A_209, %dma_start3A_224] : memref<32768x1024xf32, #tpu.memory_space<hbm>> -> memref<8x1024xf32, #tpu.memory_space<hbm>>
    %dma_start3A_226 = arith.constant 0 : i32
    %dma_start3A_227 = arith.constant 0 : i32
    %dma_start3A_228 = tpu.memref_slice %arg9[%dma_start3A_226, %dma_start3A_227] : memref<32x1024xf32, #tpu.memory_space<vmem>> -> memref<8x1024xf32, #tpu.memory_space<vmem>>
    tpu.enqueue_dma source(%dma_start3A_228 : memref<8x1024xf32, #tpu.memory_space<vmem>>) target(%dma_start3A_225 : memref<8x1024xf32, #tpu.memory_space<hbm>>) target_semaphore(%arg16 : memref<!tpu.dma_semaphore, #tpu.memory_space<semaphore_mem>>)
    %dma_start3A_229 = arith.constant 8 : i32
    %dma_start3A_230 = arith.constant 0 : i32
    %dma_start3A_231 = tpu.memref_slice %arg9[%dma_start3A_229, %dma_start3A_230] : memref<32x1024xf32, #tpu.memory_space<vmem>> -> memref<8x1024xf32, #tpu.memory_space<vmem>>
    %dma_start3A_232 = arith.constant 0 : i32
    %dma_start3A_233 = tpu.memref_slice %arg6[%add3A_212, %dma_start3A_232] : memref<32768x1024xf32, #tpu.memory_space<hbm>> -> memref<8x1024xf32, #tpu.memory_space<hbm>>
    %dma_start3A_234 = arith.constant 0 : i32
    %dma_start3A_235 = tpu.memref_slice %arg6[%add3A_212, %dma_start3A_234] : memref<32768x1024xf32, #tpu.memory_space<hbm>> -> memref<8x1024xf32, #tpu.memory_space<hbm>>
    %dma_start3A_236 = arith.constant 8 : i32
    %dma_start3A_237 = arith.constant 0 : i32
    %dma_start3A_238 = tpu.memref_slice %arg9[%dma_start3A_236, %dma_start3A_237] : memref<32x1024xf32, #tpu.memory_space<vmem>> -> memref<8x1024xf32, #tpu.memory_space<vmem>>
    tpu.enqueue_dma source(%dma_start3A_238 : memref<8x1024xf32, #tpu.memory_space<vmem>>) target(%dma_start3A_235 : memref<8x1024xf32, #tpu.memory_space<hbm>>) target_semaphore(%arg16 : memref<!tpu.dma_semaphore, #tpu.memory_space<semaphore_mem>>)
    %dma_start3A_239 = arith.constant 16 : i32
    %dma_start3A_240 = arith.constant 0 : i32
    %dma_start3A_241 = tpu.memref_slice %arg9[%dma_start3A_239, %dma_start3A_240] : memref<32x1024xf32, #tpu.memory_space<vmem>> -> memref<8x1024xf32, #tpu.memory_space<vmem>>
    %dma_start3A_242 = arith.constant 0 : i32
    %dma_start3A_243 = tpu.memref_slice %arg6[%add3A_215, %dma_start3A_242] : memref<32768x1024xf32, #tpu.memory_space<hbm>> -> memref<8x1024xf32, #tpu.memory_space<hbm>>
    %dma_start3A_244 = arith.constant 0 : i32
    %dma_start3A_245 = tpu.memref_slice %arg6[%add3A_215, %dma_start3A_244] : memref<32768x1024xf32, #tpu.memory_space<hbm>> -> memref<8x1024xf32, #tpu.memory_space<hbm>>
    %dma_start3A_246 = arith.constant 16 : i32
    %dma_start3A_247 = arith.constant 0 : i32
    %dma_start3A_248 = tpu.memref_slice %arg9[%dma_start3A_246, %dma_start3A_247] : memref<32x1024xf32, #tpu.memory_space<vmem>> -> memref<8x1024xf32, #tpu.memory_space<vmem>>
    tpu.enqueue_dma source(%dma_start3A_248 : memref<8x1024xf32, #tpu.memory_space<vmem>>) target(%dma_start3A_245 : memref<8x1024xf32, #tpu.memory_space<hbm>>) target_semaphore(%arg16 : memref<!tpu.dma_semaphore, #tpu.memory_space<semaphore_mem>>)
    %dma_start3A_249 = arith.constant 24 : i32
    %dma_start3A_250 = arith.constant 0 : i32
    %dma_start3A_251 = tpu.memref_slice %arg9[%dma_start3A_249, %dma_start3A_250] : memref<32x1024xf32, #tpu.memory_space<vmem>> -> memref<8x1024xf32, #tpu.memory_space<vmem>>
    %dma_start3A_252 = arith.constant 0 : i32
    %dma_start3A_253 = tpu.memref_slice %arg6[%add3A_218, %dma_start3A_252] : memref<32768x1024xf32, #tpu.memory_space<hbm>> -> memref<8x1024xf32, #tpu.memory_space<hbm>>
    %dma_start3A_254 = arith.constant 0 : i32
    %dma_start3A_255 = tpu.memref_slice %arg6[%add3A_218, %dma_start3A_254] : memref<32768x1024xf32, #tpu.memory_space<hbm>> -> memref<8x1024xf32, #tpu.memory_space<hbm>>
    %dma_start3A_256 = arith.constant 24 : i32
    %dma_start3A_257 = arith.constant 0 : i32
    %dma_start3A_258 = tpu.memref_slice %arg9[%dma_start3A_256, %dma_start3A_257] : memref<32x1024xf32, #tpu.memory_space<vmem>> -> memref<8x1024xf32, #tpu.memory_space<vmem>>
    tpu.enqueue_dma source(%dma_start3A_258 : memref<8x1024xf32, #tpu.memory_space<vmem>>) target(%dma_start3A_255 : memref<8x1024xf32, #tpu.memory_space<hbm>>) target_semaphore(%arg16 : memref<!tpu.dma_semaphore, #tpu.memory_space<semaphore_mem>>)
    %multiple_of3A_259 = arith.constant 8 : i32
    %multiple_of3A_260 = tpu.assume_multiple %multiple_of3A_259, 8 : i32
    %add3A_261 = arith.addi %mul3A_2, %multiple_of3A_260 : i32
    %dma_wait3A_262 = arith.constant 0 : i32
    %dma_wait3A_263 = tpu.memref_slice %arg5[%add3A_261, %dma_wait3A_262] : memref<8192x1024xf32, #tpu.memory_space<hbm>> -> memref<8x1024xf32, #tpu.memory_space<hbm>>
    %dma_wait3A_264 = arith.constant 0 : i32
    %dma_wait3A_265 = tpu.memref_slice %arg5[%add3A_261, %dma_wait3A_264] : memref<8192x1024xf32, #tpu.memory_space<hbm>> -> memref<8x1024xf32, #tpu.memory_space<hbm>>
    tpu.wait_dma2 semaphore(%arg17 : memref<!tpu.dma_semaphore, #tpu.memory_space<semaphore_mem>>) src(%dma_wait3A_265 : memref<8x1024xf32, #tpu.memory_space<hbm>>) dst(%arg13 : memref<8x1024xf32, #tpu.memory_space<vmem>>)
    %multiple_of3A_266 = arith.constant 8 : i32
    %multiple_of3A_267 = tpu.assume_multiple %multiple_of3A_266, 8 : i32
    %add3A_268 = arith.constant 0 : i32
    %add3A_269 = arith.addi %add3A_268, %multiple_of3A_267 : i32
    %add3A_270 = arith.constant 256 : i32
    %add3A_271 = arith.addi %add3A_270, %multiple_of3A_267 : i32
    %add3A_272 = arith.constant 512 : i32
    %add3A_273 = arith.addi %add3A_272, %multiple_of3A_267 : i32
    %add3A_274 = arith.constant 768 : i32
    %add3A_275 = arith.addi %add3A_274, %multiple_of3A_267 : i32
    %dma_wait3A_276 = arith.constant 0 : i32
    %dma_wait3A_277 = arith.constant 0 : i32
    %dma_wait3A_278 = tpu.memref_slice %arg10[%dma_wait3A_276, %dma_wait3A_277] : memref<32x1024xf32, #tpu.memory_space<vmem>> -> memref<8x1024xf32, #tpu.memory_space<vmem>>
    %dma_wait3A_279 = tpu.memref_slice %arg8[%add3A_269] : memref<1024xi32, #tpu.memory_space<vmem>> -> memref<8xi32, #tpu.memory_space<vmem>>
    %dma_wait3A_280 = arith.constant 0 : i32
    %dma_wait3A_281 = arith.constant 0 : i32
    %dma_wait3A_282 = tpu.memref_slice %arg4[%dma_wait3A_280, %dma_wait3A_281] : memref<100000x1024xf32, #tpu.memory_space<hbm>> -> memref<100000x1024xf32, #tpu.memory_space<hbm>>
    tpu.wait_indirect_dma semaphore(%arg15 : memref<!tpu.dma_semaphore, #tpu.memory_space<semaphore_mem>>) src(%dma_wait3A_282 : memref<100000x1024xf32, #tpu.memory_space<hbm>>) dst(%dma_wait3A_278 : memref<8x1024xf32, #tpu.memory_space<vmem>>)
    %dma_wait3A_283 = arith.constant 8 : i32
    %dma_wait3A_284 = arith.constant 0 : i32
    %dma_wait3A_285 = tpu.memref_slice %arg10[%dma_wait3A_283, %dma_wait3A_284] : memref<32x1024xf32, #tpu.memory_space<vmem>> -> memref<8x1024xf32, #tpu.memory_space<vmem>>
    %dma_wait3A_286 = tpu.memref_slice %arg8[%add3A_271] : memref<1024xi32, #tpu.memory_space<vmem>> -> memref<8xi32, #tpu.memory_space<vmem>>
    %dma_wait3A_287 = arith.constant 0 : i32
    %dma_wait3A_288 = arith.constant 0 : i32
    %dma_wait3A_289 = tpu.memref_slice %arg4[%dma_wait3A_287, %dma_wait3A_288] : memref<100000x1024xf32, #tpu.memory_space<hbm>> -> memref<100000x1024xf32, #tpu.memory_space<hbm>>
    tpu.wait_indirect_dma semaphore(%arg15 : memref<!tpu.dma_semaphore, #tpu.memory_space<semaphore_mem>>) src(%dma_wait3A_289 : memref<100000x1024xf32, #tpu.memory_space<hbm>>) dst(%dma_wait3A_285 : memref<8x1024xf32, #tpu.memory_space<vmem>>)
    %dma_wait3A_290 = arith.constant 16 : i32
    %dma_wait3A_291 = arith.constant 0 : i32
    %dma_wait3A_292 = tpu.memref_slice %arg10[%dma_wait3A_290, %dma_wait3A_291] : memref<32x1024xf32, #tpu.memory_space<vmem>> -> memref<8x1024xf32, #tpu.memory_space<vmem>>
    %dma_wait3A_293 = tpu.memref_slice %arg8[%add3A_273] : memref<1024xi32, #tpu.memory_space<vmem>> -> memref<8xi32, #tpu.memory_space<vmem>>
    %dma_wait3A_294 = arith.constant 0 : i32
    %dma_wait3A_295 = arith.constant 0 : i32
    %dma_wait3A_296 = tpu.memref_slice %arg4[%dma_wait3A_294, %dma_wait3A_295] : memref<100000x1024xf32, #tpu.memory_space<hbm>> -> memref<100000x1024xf32, #tpu.memory_space<hbm>>
    tpu.wait_indirect_dma semaphore(%arg15 : memref<!tpu.dma_semaphore, #tpu.memory_space<semaphore_mem>>) src(%dma_wait3A_296 : memref<100000x1024xf32, #tpu.memory_space<hbm>>) dst(%dma_wait3A_292 : memref<8x1024xf32, #tpu.memory_space<vmem>>)
    %dma_wait3A_297 = arith.constant 24 : i32
    %dma_wait3A_298 = arith.constant 0 : i32
    %dma_wait3A_299 = tpu.memref_slice %arg10[%dma_wait3A_297, %dma_wait3A_298] : memref<32x1024xf32, #tpu.memory_space<vmem>> -> memref<8x1024xf32, #tpu.memory_space<vmem>>
    %dma_wait3A_300 = tpu.memref_slice %arg8[%add3A_275] : memref<1024xi32, #tpu.memory_space<vmem>> -> memref<8xi32, #tpu.memory_space<vmem>>
    %dma_wait3A_301 = arith.constant 0 : i32
    %dma_wait3A_302 = arith.constant 0 : i32
    %dma_wait3A_303 = tpu.memref_slice %arg4[%dma_wait3A_301, %dma_wait3A_302] : memref<100000x1024xf32, #tpu.memory_space<hbm>> -> memref<100000x1024xf32, #tpu.memory_space<hbm>>
    tpu.wait_indirect_dma semaphore(%arg15 : memref<!tpu.dma_semaphore, #tpu.memory_space<semaphore_mem>>) src(%dma_wait3A_303 : memref<100000x1024xf32, #tpu.memory_space<hbm>>) dst(%dma_wait3A_299 : memref<8x1024xf32, #tpu.memory_space<vmem>>)
    %multiple_of3A_304 = arith.constant 16 : i32
    %multiple_of3A_305 = tpu.assume_multiple %multiple_of3A_304, 8 : i32
    %add3A_306 = arith.constant 0 : i32
    %add3A_307 = arith.addi %add3A_306, %multiple_of3A_305 : i32
    %add3A_308 = arith.constant 256 : i32
    %add3A_309 = arith.addi %add3A_308, %multiple_of3A_305 : i32
    %add3A_310 = arith.constant 512 : i32
    %add3A_311 = arith.addi %add3A_310, %multiple_of3A_305 : i32
    %add3A_312 = arith.constant 768 : i32
    %add3A_313 = arith.addi %add3A_312, %multiple_of3A_305 : i32
    %dma_start3A_314 = arith.constant 0 : i32
    %dma_start3A_315 = arith.constant 0 : i32
    %dma_start3A_316 = tpu.memref_slice %arg11[%dma_start3A_314, %dma_start3A_315] : memref<32x1024xf32, #tpu.memory_space<vmem>> -> memref<8x1024xf32, #tpu.memory_space<vmem>>
    %dma_start3A_317 = tpu.memref_slice %arg8[%add3A_307] : memref<1024xi32, #tpu.memory_space<vmem>> -> memref<8xi32, #tpu.memory_space<vmem>>
    %dma_start3A_318 = arith.constant 0 : i32
    %dma_start3A_319 = arith.constant 0 : i32
    %dma_start3A_320 = tpu.memref_slice %arg4[%dma_start3A_318, %dma_start3A_319] : memref<100000x1024xf32, #tpu.memory_space<hbm>> -> memref<100000x1024xf32, #tpu.memory_space<hbm>>
    tpu.enqueue_indirect_dma source(%dma_start3A_320 : memref<100000x1024xf32, #tpu.memory_space<hbm>>) target(%dma_start3A_316 : memref<8x1024xf32, #tpu.memory_space<vmem>>) offsets(%dma_start3A_317 : memref<8xi32, #tpu.memory_space<vmem>>) semaphore(%arg15 : memref<!tpu.dma_semaphore, #tpu.memory_space<semaphore_mem>>)
    %dma_start3A_321 = arith.constant 8 : i32
    %dma_start3A_322 = arith.constant 0 : i32
    %dma_start3A_323 = tpu.memref_slice %arg11[%dma_start3A_321, %dma_start3A_322] : memref<32x1024xf32, #tpu.memory_space<vmem>> -> memref<8x1024xf32, #tpu.memory_space<vmem>>
    %dma_start3A_324 = tpu.memref_slice %arg8[%add3A_309] : memref<1024xi32, #tpu.memory_space<vmem>> -> memref<8xi32, #tpu.memory_space<vmem>>
    %dma_start3A_325 = arith.constant 0 : i32
    %dma_start3A_326 = arith.constant 0 : i32
    %dma_start3A_327 = tpu.memref_slice %arg4[%dma_start3A_325, %dma_start3A_326] : memref<100000x1024xf32, #tpu.memory_space<hbm>> -> memref<100000x1024xf32, #tpu.memory_space<hbm>>
    tpu.enqueue_indirect_dma source(%dma_start3A_327 : memref<100000x1024xf32, #tpu.memory_space<hbm>>) target(%dma_start3A_323 : memref<8x1024xf32, #tpu.memory_space<vmem>>) offsets(%dma_start3A_324 : memref<8xi32, #tpu.memory_space<vmem>>) semaphore(%arg15 : memref<!tpu.dma_semaphore, #tpu.memory_space<semaphore_mem>>)
    %dma_start3A_328 = arith.constant 16 : i32
    %dma_start3A_329 = arith.constant 0 : i32
    %dma_start3A_330 = tpu.memref_slice %arg11[%dma_start3A_328, %dma_start3A_329] : memref<32x1024xf32, #tpu.memory_space<vmem>> -> memref<8x1024xf32, #tpu.memory_space<vmem>>
    %dma_start3A_331 = tpu.memref_slice %arg8[%add3A_311] : memref<1024xi32, #tpu.memory_space<vmem>> -> memref<8xi32, #tpu.memory_space<vmem>>
    %dma_start3A_332 = arith.constant 0 : i32
    %dma_start3A_333 = arith.constant 0 : i32
    %dma_start3A_334 = tpu.memref_slice %arg4[%dma_start3A_332, %dma_start3A_333] : memref<100000x1024xf32, #tpu.memory_space<hbm>> -> memref<100000x1024xf32, #tpu.memory_space<hbm>>
    tpu.enqueue_indirect_dma source(%dma_start3A_334 : memref<100000x1024xf32, #tpu.memory_space<hbm>>) target(%dma_start3A_330 : memref<8x1024xf32, #tpu.memory_space<vmem>>) offsets(%dma_start3A_331 : memref<8xi32, #tpu.memory_space<vmem>>) semaphore(%arg15 : memref<!tpu.dma_semaphore, #tpu.memory_space<semaphore_mem>>)
    %dma_start3A_335 = arith.constant 24 : i32
    %dma_start3A_336 = arith.constant 0 : i32
    %dma_start3A_337 = tpu.memref_slice %arg11[%dma_start3A_335, %dma_start3A_336] : memref<32x1024xf32, #tpu.memory_space<vmem>> -> memref<8x1024xf32, #tpu.memory_space<vmem>>
    %dma_start3A_338 = tpu.memref_slice %arg8[%add3A_313] : memref<1024xi32, #tpu.memory_space<vmem>> -> memref<8xi32, #tpu.memory_space<vmem>>
    %dma_start3A_339 = arith.constant 0 : i32
    %dma_start3A_340 = arith.constant 0 : i32
    %dma_start3A_341 = tpu.memref_slice %arg4[%dma_start3A_339, %dma_start3A_340] : memref<100000x1024xf32, #tpu.memory_space<hbm>> -> memref<100000x1024xf32, #tpu.memory_space<hbm>>
    tpu.enqueue_indirect_dma source(%dma_start3A_341 : memref<100000x1024xf32, #tpu.memory_space<hbm>>) target(%dma_start3A_337 : memref<8x1024xf32, #tpu.memory_space<vmem>>) offsets(%dma_start3A_338 : memref<8xi32, #tpu.memory_space<vmem>>) semaphore(%arg15 : memref<!tpu.dma_semaphore, #tpu.memory_space<semaphore_mem>>)
    %parallel_loop3A_342 = arith.constant 0 : i32
    %parallel_loop3A_343 = arith.constant 8192 : i32
    %parallel_loop3A_344 = arith.constant 16 : i32
    scf.for %parallel_loop3A_571 = %parallel_loop3A_342 to %parallel_loop3A_343 step %parallel_loop3A_344  : i32 {
      %parallel_loop3A_572 = arith.constant 10 : i32
      %parallel_loop3A_573 = arith.shrsi %parallel_loop3A_571, %parallel_loop3A_572 : i32
      %parallel_loop3A_574 = arith.constant 1023 : i32
      %parallel_loop3A_575 = arith.andi %parallel_loop3A_571, %parallel_loop3A_574 : i32
      %parallel_loop3A_576 = tpu.assume_multiple %parallel_loop3A_575, 16 : i32
      %parallel_loop3A_577 = arith.index_cast %parallel_loop3A_573 : i32 to index
      %parallel_loop3A_578 = arith.index_cast %parallel_loop3A_576 : i32 to index
      %parallel_loop3A_579 = tpu.vector_load %arg13[%parallel_loop3A_577, %parallel_loop3A_578] {strides = array<i32>} : memref<8x1024xf32, #tpu.memory_space<vmem>>, vector<1x16xf32>,
      %parallel_loop3A_580 = vector.shape_cast %parallel_loop3A_579 : vector<1x16xf32> to vector<16xf32>
      %parallel_loop3A_581 = arith.constant 0 : i32
      %parallel_loop3A_582 = arith.addi %parallel_loop3A_581, %parallel_loop3A_573 : i32
      %parallel_loop3A_583 = arith.index_cast %parallel_loop3A_582 : i32 to index
      %parallel_loop3A_584 = arith.index_cast %parallel_loop3A_576 : i32 to index
      %parallel_loop3A_585 = tpu.vector_load %arg10[%parallel_loop3A_583, %parallel_loop3A_584] {strides = array<i32>} : memref<32x1024xf32, #tpu.memory_space<vmem>>, vector<1x16xf32>,
      %parallel_loop3A_586 = vector.shape_cast %parallel_loop3A_585 : vector<1x16xf32> to vector<16xf32>
      %parallel_loop3A_587 = arith.addf %parallel_loop3A_586, %parallel_loop3A_580 : vector<16xf32>
      %parallel_loop3A_588 = arith.constant 0 : i32
      %parallel_loop3A_589 = arith.addi %parallel_loop3A_588, %parallel_loop3A_573 : i32
      %parallel_loop3A_590 = arith.index_cast %parallel_loop3A_589 : i32 to index
      %parallel_loop3A_591 = arith.index_cast %parallel_loop3A_576 : i32 to index
      %parallel_loop3A_592 = tpu.vector_load %arg10[%parallel_loop3A_590, %parallel_loop3A_591] {strides = array<i32>} : memref<32x1024xf32, #tpu.memory_space<vmem>>, vector<1x16xf32>,
      %parallel_loop3A_593 = vector.shape_cast %parallel_loop3A_592 : vector<1x16xf32> to vector<16xf32>
      %parallel_loop3A_594 = vector.shape_cast %parallel_loop3A_587 : vector<16xf32> to vector<1x16xf32>
      tpu.vector_store %arg10[%parallel_loop3A_590, %parallel_loop3A_591], %parallel_loop3A_594 {strides = array<i32>} : memref<32x1024xf32, #tpu.memory_space<vmem>>, vector<1x16xf32>,
      %parallel_loop3A_595 = arith.constant 8 : i32
      %parallel_loop3A_596 = arith.addi %parallel_loop3A_595, %parallel_loop3A_573 : i32
      %parallel_loop3A_597 = arith.index_cast %parallel_loop3A_596 : i32 to index
      %parallel_loop3A_598 = arith.index_cast %parallel_loop3A_576 : i32 to index
      %parallel_loop3A_599 = tpu.vector_load %arg10[%parallel_loop3A_597, %parallel_loop3A_598] {strides = array<i32>} : memref<32x1024xf32, #tpu.memory_space<vmem>>, vector<1x16xf32>,
      %parallel_loop3A_600 = vector.shape_cast %parallel_loop3A_599 : vector<1x16xf32> to vector<16xf32>
      %parallel_loop3A_601 = arith.addf %parallel_loop3A_600, %parallel_loop3A_580 : vector<16xf32>
      %parallel_loop3A_602 = arith.constant 8 : i32
      %parallel_loop3A_603 = arith.addi %parallel_loop3A_602, %parallel_loop3A_573 : i32
      %parallel_loop3A_604 = arith.index_cast %parallel_loop3A_603 : i32 to index
      %parallel_loop3A_605 = arith.index_cast %parallel_loop3A_576 : i32 to index
      %parallel_loop3A_606 = tpu.vector_load %arg10[%parallel_loop3A_604, %parallel_loop3A_605] {strides = array<i32>} : memref<32x1024xf32, #tpu.memory_space<vmem>>, vector<1x16xf32>,
      %parallel_loop3A_607 = vector.shape_cast %parallel_loop3A_606 : vector<1x16xf32> to vector<16xf32>
      %parallel_loop3A_608 = vector.shape_cast %parallel_loop3A_601 : vector<16xf32> to vector<1x16xf32>
      tpu.vector_store %arg10[%parallel_loop3A_604, %parallel_loop3A_605], %parallel_loop3A_608 {strides = array<i32>} : memref<32x1024xf32, #tpu.memory_space<vmem>>, vector<1x16xf32>,
      %parallel_loop3A_609 = arith.constant 16 : i32
      %parallel_loop3A_610 = arith.addi %parallel_loop3A_609, %parallel_loop3A_573 : i32
      %parallel_loop3A_611 = arith.index_cast %parallel_loop3A_610 : i32 to index
      %parallel_loop3A_612 = arith.index_cast %parallel_loop3A_576 : i32 to index
      %parallel_loop3A_613 = tpu.vector_load %arg10[%parallel_loop3A_611, %parallel_loop3A_612] {strides = array<i32>} : memref<32x1024xf32, #tpu.memory_space<vmem>>, vector<1x16xf32>,
      %parallel_loop3A_614 = vector.shape_cast %parallel_loop3A_613 : vector<1x16xf32> to vector<16xf32>
      %parallel_loop3A_615 = arith.addf %parallel_loop3A_614, %parallel_loop3A_580 : vector<16xf32>
      %parallel_loop3A_616 = arith.constant 16 : i32
      %parallel_loop3A_617 = arith.addi %parallel_loop3A_616, %parallel_loop3A_573 : i32
      %parallel_loop3A_618 = arith.index_cast %parallel_loop3A_617 : i32 to index
      %parallel_loop3A_619 = arith.index_cast %parallel_loop3A_576 : i32 to index
      %parallel_loop3A_620 = tpu.vector_load %arg10[%parallel_loop3A_618, %parallel_loop3A_619] {strides = array<i32>} : memref<32x1024xf32, #tpu.memory_space<vmem>>, vector<1x16xf32>,
      %parallel_loop3A_621 = vector.shape_cast %parallel_loop3A_620 : vector<1x16xf32> to vector<16xf32>
      %parallel_loop3A_622 = vector.shape_cast %parallel_loop3A_615 : vector<16xf32> to vector<1x16xf32>
      tpu.vector_store %arg10[%parallel_loop3A_618, %parallel_loop3A_619], %parallel_loop3A_622 {strides = array<i32>} : memref<32x1024xf32, #tpu.memory_space<vmem>>, vector<1x16xf32>,
      %parallel_loop3A_623 = arith.constant 24 : i32
      %parallel_loop3A_624 = arith.addi %parallel_loop3A_623, %parallel_loop3A_573 : i32
      %parallel_loop3A_625 = arith.index_cast %parallel_loop3A_624 : i32 to index
      %parallel_loop3A_626 = arith.index_cast %parallel_loop3A_576 : i32 to index
      %parallel_loop3A_627 = tpu.vector_load %arg10[%parallel_loop3A_625, %parallel_loop3A_626] {strides = array<i32>} : memref<32x1024xf32, #tpu.memory_space<vmem>>, vector<1x16xf32>,
      %parallel_loop3A_628 = vector.shape_cast %parallel_loop3A_627 : vector<1x16xf32> to vector<16xf32>
      %parallel_loop3A_629 = arith.addf %parallel_loop3A_628, %parallel_loop3A_580 : vector<16xf32>
      %parallel_loop3A_630 = arith.constant 24 : i32
      %parallel_loop3A_631 = arith.addi %parallel_loop3A_630, %parallel_loop3A_573 : i32
      %parallel_loop3A_632 = arith.index_cast %parallel_loop3A_631 : i32 to index
      %parallel_loop3A_633 = arith.index_cast %parallel_loop3A_576 : i32 to index
      %parallel_loop3A_634 = tpu.vector_load %arg10[%parallel_loop3A_632, %parallel_loop3A_633] {strides = array<i32>} : memref<32x1024xf32, #tpu.memory_space<vmem>>, vector<1x16xf32>,
      %parallel_loop3A_635 = vector.shape_cast %parallel_loop3A_634 : vector<1x16xf32> to vector<16xf32>
      %parallel_loop3A_636 = vector.shape_cast %parallel_loop3A_629 : vector<16xf32> to vector<1x16xf32>
      tpu.vector_store %arg10[%parallel_loop3A_632, %parallel_loop3A_633], %parallel_loop3A_636 {strides = array<i32>} : memref<32x1024xf32, #tpu.memory_space<vmem>>, vector<1x16xf32>,
    } {sc.loop_unroll_factor = 8 : i64, sc.parallel_access}
    %multiple_of3A_345 = arith.constant 24 : i32
    %multiple_of3A_346 = tpu.assume_multiple %multiple_of3A_345, 8 : i32
    %add3A_347 = arith.addi %mul3A_2, %multiple_of3A_346 : i32
    %dma_start3A_348 = arith.constant 0 : i32
    %dma_start3A_349 = tpu.memref_slice %arg5[%add3A_347, %dma_start3A_348] : memref<8192x1024xf32, #tpu.memory_space<hbm>> -> memref<8x1024xf32, #tpu.memory_space<hbm>>
    %dma_start3A_350 = arith.constant 0 : i32
    %dma_start3A_351 = tpu.memref_slice %arg5[%add3A_347, %dma_start3A_350] : memref<8192x1024xf32, #tpu.memory_space<hbm>> -> memref<8x1024xf32, #tpu.memory_space<hbm>>
    tpu.enqueue_dma source(%dma_start3A_351 : memref<8x1024xf32, #tpu.memory_space<hbm>>) target(%arg13 : memref<8x1024xf32, #tpu.memory_space<vmem>>) target_semaphore(%arg17 : memref<!tpu.dma_semaphore, #tpu.memory_space<semaphore_mem>>)
    %multiple_of3A_352 = arith.constant 8 : i32
    %multiple_of3A_353 = tpu.assume_multiple %multiple_of3A_352, 8 : i32
    %add3A_354 = arith.constant 0 : i32
    %add3A_355 = arith.addi %add3A_354, %mul3A_2 : i32
    %add3A_356 = arith.addi %add3A_355, %multiple_of3A_353 : i32
    %add3A_357 = arith.constant 8192 : i32
    %add3A_358 = arith.addi %add3A_357, %mul3A_2 : i32
    %add3A_359 = arith.addi %add3A_358, %multiple_of3A_353 : i32
    %add3A_360 = arith.constant 16384 : i32
    %add3A_361 = arith.addi %add3A_360, %mul3A_2 : i32
    %add3A_362 = arith.addi %add3A_361, %multiple_of3A_353 : i32
    %add3A_363 = arith.constant 24576 : i32
    %add3A_364 = arith.addi %add3A_363, %mul3A_2 : i32
    %add3A_365 = arith.addi %add3A_364, %multiple_of3A_353 : i32
    %dma_start3A_366 = arith.constant 0 : i32
    %dma_start3A_367 = arith.constant 0 : i32
    %dma_start3A_368 = tpu.memref_slice %arg10[%dma_start3A_366, %dma_start3A_367] : memref<32x1024xf32, #tpu.memory_space<vmem>> -> memref<8x1024xf32, #tpu.memory_space<vmem>>
    %dma_start3A_369 = arith.constant 0 : i32
    %dma_start3A_370 = tpu.memref_slice %arg6[%add3A_356, %dma_start3A_369] : memref<32768x1024xf32, #tpu.memory_space<hbm>> -> memref<8x1024xf32, #tpu.memory_space<hbm>>
    %dma_start3A_371 = arith.constant 0 : i32
    %dma_start3A_372 = tpu.memref_slice %arg6[%add3A_356, %dma_start3A_371] : memref<32768x1024xf32, #tpu.memory_space<hbm>> -> memref<8x1024xf32, #tpu.memory_space<hbm>>
    %dma_start3A_373 = arith.constant 0 : i32
    %dma_start3A_374 = arith.constant 0 : i32
    %dma_start3A_375 = tpu.memref_slice %arg10[%dma_start3A_373, %dma_start3A_374] : memref<32x1024xf32, #tpu.memory_space<vmem>> -> memref<8x1024xf32, #tpu.memory_space<vmem>>
    tpu.enqueue_dma source(%dma_start3A_375 : memref<8x1024xf32, #tpu.memory_space<vmem>>) target(%dma_start3A_372 : memref<8x1024xf32, #tpu.memory_space<hbm>>) target_semaphore(%arg16 : memref<!tpu.dma_semaphore, #tpu.memory_space<semaphore_mem>>)
    %dma_start3A_376 = arith.constant 8 : i32
    %dma_start3A_377 = arith.constant 0 : i32
    %dma_start3A_378 = tpu.memref_slice %arg10[%dma_start3A_376, %dma_start3A_377] : memref<32x1024xf32, #tpu.memory_space<vmem>> -> memref<8x1024xf32, #tpu.memory_space<vmem>>
    %dma_start3A_379 = arith.constant 0 : i32
    %dma_start3A_380 = tpu.memref_slice %arg6[%add3A_359, %dma_start3A_379] : memref<32768x1024xf32, #tpu.memory_space<hbm>> -> memref<8x1024xf32, #tpu.memory_space<hbm>>
    %dma_start3A_381 = arith.constant 0 : i32
    %dma_start3A_382 = tpu.memref_slice %arg6[%add3A_359, %dma_start3A_381] : memref<32768x1024xf32, #tpu.memory_space<hbm>> -> memref<8x1024xf32, #tpu.memory_space<hbm>>
    %dma_start3A_383 = arith.constant 8 : i32
    %dma_start3A_384 = arith.constant 0 : i32
    %dma_start3A_385 = tpu.memref_slice %arg10[%dma_start3A_383, %dma_start3A_384] : memref<32x1024xf32, #tpu.memory_space<vmem>> -> memref<8x1024xf32, #tpu.memory_space<vmem>>
    tpu.enqueue_dma source(%dma_start3A_385 : memref<8x1024xf32, #tpu.memory_space<vmem>>) target(%dma_start3A_382 : memref<8x1024xf32, #tpu.memory_space<hbm>>) target_semaphore(%arg16 : memref<!tpu.dma_semaphore, #tpu.memory_space<semaphore_mem>>)
    %dma_start3A_386 = arith.constant 16 : i32
    %dma_start3A_387 = arith.constant 0 : i32
    %dma_start3A_388 = tpu.memref_slice %arg10[%dma_start3A_386, %dma_start3A_387] : memref<32x1024xf32, #tpu.memory_space<vmem>> -> memref<8x1024xf32, #tpu.memory_space<vmem>>
    %dma_start3A_389 = arith.constant 0 : i32
    %dma_start3A_390 = tpu.memref_slice %arg6[%add3A_362, %dma_start3A_389] : memref<32768x1024xf32, #tpu.memory_space<hbm>> -> memref<8x1024xf32, #tpu.memory_space<hbm>>
    %dma_start3A_391 = arith.constant 0 : i32
    %dma_start3A_392 = tpu.memref_slice %arg6[%add3A_362, %dma_start3A_391] : memref<32768x1024xf32, #tpu.memory_space<hbm>> -> memref<8x1024xf32, #tpu.memory_space<hbm>>
    %dma_start3A_393 = arith.constant 16 : i32
    %dma_start3A_394 = arith.constant 0 : i32
    %dma_start3A_395 = tpu.memref_slice %arg10[%dma_start3A_393, %dma_start3A_394] : memref<32x1024xf32, #tpu.memory_space<vmem>> -> memref<8x1024xf32, #tpu.memory_space<vmem>>
    tpu.enqueue_dma source(%dma_start3A_395 : memref<8x1024xf32, #tpu.memory_space<vmem>>) target(%dma_start3A_392 : memref<8x1024xf32, #tpu.memory_space<hbm>>) target_semaphore(%arg16 : memref<!tpu.dma_semaphore, #tpu.memory_space<semaphore_mem>>)
    %dma_start3A_396 = arith.constant 24 : i32
    %dma_start3A_397 = arith.constant 0 : i32
    %dma_start3A_398 = tpu.memref_slice %arg10[%dma_start3A_396, %dma_start3A_397] : memref<32x1024xf32, #tpu.memory_space<vmem>> -> memref<8x1024xf32, #tpu.memory_space<vmem>>
    %dma_start3A_399 = arith.constant 0 : i32
    %dma_start3A_400 = tpu.memref_slice %arg6[%add3A_365, %dma_start3A_399] : memref<32768x1024xf32, #tpu.memory_space<hbm>> -> memref<8x1024xf32, #tpu.memory_space<hbm>>
    %dma_start3A_401 = arith.constant 0 : i32
    %dma_start3A_402 = tpu.memref_slice %arg6[%add3A_365, %dma_start3A_401] : memref<32768x1024xf32, #tpu.memory_space<hbm>> -> memref<8x1024xf32, #tpu.memory_space<hbm>>
    %dma_start3A_403 = arith.constant 24 : i32
    %dma_start3A_404 = arith.constant 0 : i32
    %dma_start3A_405 = tpu.memref_slice %arg10[%dma_start3A_403, %dma_start3A_404] : memref<32x1024xf32, #tpu.memory_space<vmem>> -> memref<8x1024xf32, #tpu.memory_space<vmem>>
    tpu.enqueue_dma source(%dma_start3A_405 : memref<8x1024xf32, #tpu.memory_space<vmem>>) target(%dma_start3A_402 : memref<8x1024xf32, #tpu.memory_space<hbm>>) target_semaphore(%arg16 : memref<!tpu.dma_semaphore, #tpu.memory_space<semaphore_mem>>)
    %scan3A = arith.constant 0 : i32
    %scan3A_406 = arith.constant 0 : i32
    %scan3A_407 = arith.constant 5 : i32
    %scan3A_408 = arith.addi %scan3A_406, %scan3A_407 : i32
    %scan3A_409 = arith.constant 1 : i32
    scf.for %scan3A_571 = %scan3A_406 to %scan3A_408 step %scan3A_409  : i32 {
      %mul3A_572 = arith.constant 6 : i32
      %mul3A_573 = arith.muli %scan3A_571, %mul3A_572 : i32
      %add3A_574 = arith.constant 2 : i32
      %add3A_575 = arith.addi %add3A_574, %mul3A_573 : i32
      %add3A_576 = arith.constant 0 : i32
      %add3A_577 = arith.addi %add3A_575, %add3A_576 : i32
      %mul3A_578 = arith.constant 8 : i32
      %mul3A_579 = arith.muli %add3A_577, %mul3A_578 : i32
      %multiple_of3A_580 = tpu.assume_multiple %mul3A_579, 8 : i32
      %add3A_581 = arith.addi %mul3A_2, %multiple_of3A_580 : i32
      %dma_wait3A_582 = arith.constant 0 : i32
      %dma_wait3A_583 = tpu.memref_slice %arg5[%add3A_581, %dma_wait3A_582] : memref<8192x1024xf32, #tpu.memory_space<hbm>> -> memref<8x1024xf32, #tpu.memory_space<hbm>>
      %dma_wait3A_584 = arith.constant 0 : i32
      %dma_wait3A_585 = tpu.memref_slice %arg5[%add3A_581, %dma_wait3A_584] : memref<8192x1024xf32, #tpu.memory_space<hbm>> -> memref<8x1024xf32, #tpu.memory_space<hbm>>
      tpu.wait_dma2 semaphore(%arg17 : memref<!tpu.dma_semaphore, #tpu.memory_space<semaphore_mem>>) src(%dma_wait3A_585 : memref<8x1024xf32, #tpu.memory_space<hbm>>) dst(%arg12 : memref<8x1024xf32, #tpu.memory_space<vmem>>)
      %mul3A_586 = arith.constant 8 : i32
      %mul3A_587 = arith.muli %add3A_577, %mul3A_586 : i32
      %multiple_of3A_588 = tpu.assume_multiple %mul3A_587, 8 : i32
      %add3A_589 = arith.constant 0 : i32
      %add3A_590 = arith.addi %add3A_589, %multiple_of3A_588 : i32
      %add3A_591 = arith.constant 256 : i32
      %add3A_592 = arith.addi %add3A_591, %multiple_of3A_588 : i32
      %add3A_593 = arith.constant 512 : i32
      %add3A_594 = arith.addi %add3A_593, %multiple_of3A_588 : i32
      %add3A_595 = arith.constant 768 : i32
      %add3A_596 = arith.addi %add3A_595, %multiple_of3A_588 : i32
      %dma_wait3A_597 = arith.constant 0 : i32
      %dma_wait3A_598 = arith.constant 0 : i32
      %dma_wait3A_599 = tpu.memref_slice %arg11[%dma_wait3A_597, %dma_wait3A_598] : memref<32x1024xf32, #tpu.memory_space<vmem>> -> memref<8x1024xf32, #tpu.memory_space<vmem>>
      %dma_wait3A_600 = tpu.memref_slice %arg8[%add3A_590] : memref<1024xi32, #tpu.memory_space<vmem>> -> memref<8xi32, #tpu.memory_space<vmem>>
      %dma_wait3A_601 = arith.constant 0 : i32
      %dma_wait3A_602 = arith.constant 0 : i32
      %dma_wait3A_603 = tpu.memref_slice %arg4[%dma_wait3A_601, %dma_wait3A_602] : memref<100000x1024xf32, #tpu.memory_space<hbm>> -> memref<100000x1024xf32, #tpu.memory_space<hbm>>
      tpu.wait_indirect_dma semaphore(%arg15 : memref<!tpu.dma_semaphore, #tpu.memory_space<semaphore_mem>>) src(%dma_wait3A_603 : memref<100000x1024xf32, #tpu.memory_space<hbm>>) dst(%dma_wait3A_599 : memref<8x1024xf32, #tpu.memory_space<vmem>>)
      %dma_wait3A_604 = arith.constant 8 : i32
      %dma_wait3A_605 = arith.constant 0 : i32
      %dma_wait3A_606 = tpu.memref_slice %arg11[%dma_wait3A_604, %dma_wait3A_605] : memref<32x1024xf32, #tpu.memory_space<vmem>> -> memref<8x1024xf32, #tpu.memory_space<vmem>>
      %dma_wait3A_607 = tpu.memref_slice %arg8[%add3A_592] : memref<1024xi32, #tpu.memory_space<vmem>> -> memref<8xi32, #tpu.memory_space<vmem>>
      %dma_wait3A_608 = arith.constant 0 : i32
      %dma_wait3A_609 = arith.constant 0 : i32
      %dma_wait3A_610 = tpu.memref_slice %arg4[%dma_wait3A_608, %dma_wait3A_609] : memref<100000x1024xf32, #tpu.memory_space<hbm>> -> memref<100000x1024xf32, #tpu.memory_space<hbm>>
      tpu.wait_indirect_dma semaphore(%arg15 : memref<!tpu.dma_semaphore, #tpu.memory_space<semaphore_mem>>) src(%dma_wait3A_610 : memref<100000x1024xf32, #tpu.memory_space<hbm>>) dst(%dma_wait3A_606 : memref<8x1024xf32, #tpu.memory_space<vmem>>)
      %dma_wait3A_611 = arith.constant 16 : i32
      %dma_wait3A_612 = arith.constant 0 : i32
      %dma_wait3A_613 = tpu.memref_slice %arg11[%dma_wait3A_611, %dma_wait3A_612] : memref<32x1024xf32, #tpu.memory_space<vmem>> -> memref<8x1024xf32, #tpu.memory_space<vmem>>
      %dma_wait3A_614 = tpu.memref_slice %arg8[%add3A_594] : memref<1024xi32, #tpu.memory_space<vmem>> -> memref<8xi32, #tpu.memory_space<vmem>>
      %dma_wait3A_615 = arith.constant 0 : i32
      %dma_wait3A_616 = arith.constant 0 : i32
      %dma_wait3A_617 = tpu.memref_slice %arg4[%dma_wait3A_615, %dma_wait3A_616] : memref<100000x1024xf32, #tpu.memory_space<hbm>> -> memref<100000x1024xf32, #tpu.memory_space<hbm>>
      tpu.wait_indirect_dma semaphore(%arg15 : memref<!tpu.dma_semaphore, #tpu.memory_space<semaphore_mem>>) src(%dma_wait3A_617 : memref<100000x1024xf32, #tpu.memory_space<hbm>>) dst(%dma_wait3A_613 : memref<8x1024xf32, #tpu.memory_space<vmem>>)
      %dma_wait3A_618 = arith.constant 24 : i32
      %dma_wait3A_619 = arith.constant 0 : i32
      %dma_wait3A_620 = tpu.memref_slice %arg11[%dma_wait3A_618, %dma_wait3A_619] : memref<32x1024xf32, #tpu.memory_space<vmem>> -> memref<8x1024xf32, #tpu.memory_space<vmem>>
      %dma_wait3A_621 = tpu.memref_slice %arg8[%add3A_596] : memref<1024xi32, #tpu.memory_space<vmem>> -> memref<8xi32, #tpu.memory_space<vmem>>
      %dma_wait3A_622 = arith.constant 0 : i32
      %dma_wait3A_623 = arith.constant 0 : i32
      %dma_wait3A_624 = tpu.memref_slice %arg4[%dma_wait3A_622, %dma_wait3A_623] : memref<100000x1024xf32, #tpu.memory_space<hbm>> -> memref<100000x1024xf32, #tpu.memory_space<hbm>>
      tpu.wait_indirect_dma semaphore(%arg15 : memref<!tpu.dma_semaphore, #tpu.memory_space<semaphore_mem>>) src(%dma_wait3A_624 : memref<100000x1024xf32, #tpu.memory_space<hbm>>) dst(%dma_wait3A_620 : memref<8x1024xf32, #tpu.memory_space<vmem>>)
      %sub3A = arith.constant 2 : i32
      %sub3A_625 = arith.subi %add3A_577, %sub3A : i32
      %mul3A_626 = arith.constant 8 : i32
      %mul3A_627 = arith.muli %sub3A_625, %mul3A_626 : i32
      %multiple_of3A_628 = tpu.assume_multiple %mul3A_627, 8 : i32
      %add3A_629 = arith.constant 0 : i32
      %add3A_630 = arith.addi %add3A_629, %mul3A_2 : i32
      %add3A_631 = arith.addi %add3A_630, %multiple_of3A_628 : i32
      %add3A_632 = arith.constant 8192 : i32
      %add3A_633 = arith.addi %add3A_632, %mul3A_2 : i32
      %add3A_634 = arith.addi %add3A_633, %multiple_of3A_628 : i32
      %add3A_635 = arith.constant 16384 : i32
      %add3A_636 = arith.addi %add3A_635, %mul3A_2 : i32
      %add3A_637 = arith.addi %add3A_636, %multiple_of3A_628 : i32
      %add3A_638 = arith.constant 24576 : i32
      %add3A_639 = arith.addi %add3A_638, %mul3A_2 : i32
      %add3A_640 = arith.addi %add3A_639, %multiple_of3A_628 : i32
      %dma_wait3A_641 = arith.constant 0 : i32
      %dma_wait3A_642 = arith.constant 0 : i32
      %dma_wait3A_643 = tpu.memref_slice %arg9[%dma_wait3A_641, %dma_wait3A_642] : memref<32x1024xf32, #tpu.memory_space<vmem>> -> memref<8x1024xf32, #tpu.memory_space<vmem>>
      %dma_wait3A_644 = arith.constant 0 : i32
      %dma_wait3A_645 = tpu.memref_slice %arg6[%add3A_631, %dma_wait3A_644] : memref<32768x1024xf32, #tpu.memory_space<hbm>> -> memref<8x1024xf32, #tpu.memory_space<hbm>>
      %dma_wait3A_646 = arith.constant 0 : i32
      %dma_wait3A_647 = tpu.memref_slice %arg6[%add3A_631, %dma_wait3A_646] : memref<32768x1024xf32, #tpu.memory_space<hbm>> -> memref<8x1024xf32, #tpu.memory_space<hbm>>
      %dma_wait3A_648 = arith.constant 0 : i32
      %dma_wait3A_649 = arith.constant 0 : i32
      %dma_wait3A_650 = tpu.memref_slice %arg9[%dma_wait3A_648, %dma_wait3A_649] : memref<32x1024xf32, #tpu.memory_space<vmem>> -> memref<8x1024xf32, #tpu.memory_space<vmem>>
      tpu.wait_dma2 semaphore(%arg16 : memref<!tpu.dma_semaphore, #tpu.memory_space<semaphore_mem>>) src(%dma_wait3A_650 : memref<8x1024xf32, #tpu.memory_space<vmem>>) dst(%dma_wait3A_647 : memref<8x1024xf32, #tpu.memory_space<hbm>>)
      %dma_wait3A_651 = arith.constant 8 : i32
      %dma_wait3A_652 = arith.constant 0 : i32
      %dma_wait3A_653 = tpu.memref_slice %arg9[%dma_wait3A_651, %dma_wait3A_652] : memref<32x1024xf32, #tpu.memory_space<vmem>> -> memref<8x1024xf32, #tpu.memory_space<vmem>>
      %dma_wait3A_654 = arith.constant 0 : i32
      %dma_wait3A_655 = tpu.memref_slice %arg6[%add3A_634, %dma_wait3A_654] : memref<32768x1024xf32, #tpu.memory_space<hbm>> -> memref<8x1024xf32, #tpu.memory_space<hbm>>
      %dma_wait3A_656 = arith.constant 0 : i32
      %dma_wait3A_657 = tpu.memref_slice %arg6[%add3A_634, %dma_wait3A_656] : memref<32768x1024xf32, #tpu.memory_space<hbm>> -> memref<8x1024xf32, #tpu.memory_space<hbm>>
      %dma_wait3A_658 = arith.constant 8 : i32
      %dma_wait3A_659 = arith.constant 0 : i32
      %dma_wait3A_660 = tpu.memref_slice %arg9[%dma_wait3A_658, %dma_wait3A_659] : memref<32x1024xf32, #tpu.memory_space<vmem>> -> memref<8x1024xf32, #tpu.memory_space<vmem>>
      tpu.wait_dma2 semaphore(%arg16 : memref<!tpu.dma_semaphore, #tpu.memory_space<semaphore_mem>>) src(%dma_wait3A_660 : memref<8x1024xf32, #tpu.memory_space<vmem>>) dst(%dma_wait3A_657 : memref<8x1024xf32, #tpu.memory_space<hbm>>)
      %dma_wait3A_661 = arith.constant 16 : i32
      %dma_wait3A_662 = arith.constant 0 : i32
      %dma_wait3A_663 = tpu.memref_slice %arg9[%dma_wait3A_661, %dma_wait3A_662] : memref<32x1024xf32, #tpu.memory_space<vmem>> -> memref<8x1024xf32, #tpu.memory_space<vmem>>
      %dma_wait3A_664 = arith.constant 0 : i32
      %dma_wait3A_665 = tpu.memref_slice %arg6[%add3A_637, %dma_wait3A_664] : memref<32768x1024xf32, #tpu.memory_space<hbm>> -> memref<8x1024xf32, #tpu.memory_space<hbm>>
      %dma_wait3A_666 = arith.constant 0 : i32
      %dma_wait3A_667 = tpu.memref_slice %arg6[%add3A_637, %dma_wait3A_666] : memref<32768x1024xf32, #tpu.memory_space<hbm>> -> memref<8x1024xf32, #tpu.memory_space<hbm>>
      %dma_wait3A_668 = arith.constant 16 : i32
      %dma_wait3A_669 = arith.constant 0 : i32
      %dma_wait3A_670 = tpu.memref_slice %arg9[%dma_wait3A_668, %dma_wait3A_669] : memref<32x1024xf32, #tpu.memory_space<vmem>> -> memref<8x1024xf32, #tpu.memory_space<vmem>>
      tpu.wait_dma2 semaphore(%arg16 : memref<!tpu.dma_semaphore, #tpu.memory_space<semaphore_mem>>) src(%dma_wait3A_670 : memref<8x1024xf32, #tpu.memory_space<vmem>>) dst(%dma_wait3A_667 : memref<8x1024xf32, #tpu.memory_space<hbm>>)
      %dma_wait3A_671 = arith.constant 24 : i32
      %dma_wait3A_672 = arith.constant 0 : i32
      %dma_wait3A_673 = tpu.memref_slice %arg9[%dma_wait3A_671, %dma_wait3A_672] : memref<32x1024xf32, #tpu.memory_space<vmem>> -> memref<8x1024xf32, #tpu.memory_space<vmem>>
      %dma_wait3A_674 = arith.constant 0 : i32
      %dma_wait3A_675 = tpu.memref_slice %arg6[%add3A_640, %dma_wait3A_674] : memref<32768x1024xf32, #tpu.memory_space<hbm>> -> memref<8x1024xf32, #tpu.memory_space<hbm>>
      %dma_wait3A_676 = arith.constant 0 : i32
      %dma_wait3A_677 = tpu.memref_slice %arg6[%add3A_640, %dma_wait3A_676] : memref<32768x1024xf32, #tpu.memory_space<hbm>> -> memref<8x1024xf32, #tpu.memory_space<hbm>>
      %dma_wait3A_678 = arith.constant 24 : i32
      %dma_wait3A_679 = arith.constant 0 : i32
      %dma_wait3A_680 = tpu.memref_slice %arg9[%dma_wait3A_678, %dma_wait3A_679] : memref<32x1024xf32, #tpu.memory_space<vmem>> -> memref<8x1024xf32, #tpu.memory_space<vmem>>
      tpu.wait_dma2 semaphore(%arg16 : memref<!tpu.dma_semaphore, #tpu.memory_space<semaphore_mem>>) src(%dma_wait3A_680 : memref<8x1024xf32, #tpu.memory_space<vmem>>) dst(%dma_wait3A_677 : memref<8x1024xf32, #tpu.memory_space<hbm>>)
      %add3A_681 = arith.constant 1 : i32
      %add3A_682 = arith.addi %add3A_577, %add3A_681 : i32
      %min3A = arith.constant 31 : i32
      %min3A_683 = arith.minsi %add3A_682, %min3A : i32
      %mul3A_684 = arith.constant 8 : i32
      %mul3A_685 = arith.muli %min3A_683, %mul3A_684 : i32
      %multiple_of3A_686 = tpu.assume_multiple %mul3A_685, 8 : i32
      %add3A_687 = arith.constant 0 : i32
      %add3A_688 = arith.addi %add3A_687, %multiple_of3A_686 : i32
      %add3A_689 = arith.constant 256 : i32
      %add3A_690 = arith.addi %add3A_689, %multiple_of3A_686 : i32
      %add3A_691 = arith.constant 512 : i32
      %add3A_692 = arith.addi %add3A_691, %multiple_of3A_686 : i32
      %add3A_693 = arith.constant 768 : i32
      %add3A_694 = arith.addi %add3A_693, %multiple_of3A_686 : i32
      %dma_start3A_695 = arith.constant 0 : i32
      %dma_start3A_696 = arith.constant 0 : i32
      %dma_start3A_697 = tpu.memref_slice %arg9[%dma_start3A_695, %dma_start3A_696] : memref<32x1024xf32, #tpu.memory_space<vmem>> -> memref<8x1024xf32, #tpu.memory_space<vmem>>
      %dma_start3A_698 = tpu.memref_slice %arg8[%add3A_688] : memref<1024xi32, #tpu.memory_space<vmem>> -> memref<8xi32, #tpu.memory_space<vmem>>
      %dma_start3A_699 = arith.constant 0 : i32
      %dma_start3A_700 = arith.constant 0 : i32
      %dma_start3A_701 = tpu.memref_slice %arg4[%dma_start3A_699, %dma_start3A_700] : memref<100000x1024xf32, #tpu.memory_space<hbm>> -> memref<100000x1024xf32, #tpu.memory_space<hbm>>
      tpu.enqueue_indirect_dma source(%dma_start3A_701 : memref<100000x1024xf32, #tpu.memory_space<hbm>>) target(%dma_start3A_697 : memref<8x1024xf32, #tpu.memory_space<vmem>>) offsets(%dma_start3A_698 : memref<8xi32, #tpu.memory_space<vmem>>) semaphore(%arg15 : memref<!tpu.dma_semaphore, #tpu.memory_space<semaphore_mem>>)
      %dma_start3A_702 = arith.constant 8 : i32
      %dma_start3A_703 = arith.constant 0 : i32
      %dma_start3A_704 = tpu.memref_slice %arg9[%dma_start3A_702, %dma_start3A_703] : memref<32x1024xf32, #tpu.memory_space<vmem>> -> memref<8x1024xf32, #tpu.memory_space<vmem>>
      %dma_start3A_705 = tpu.memref_slice %arg8[%add3A_690] : memref<1024xi32, #tpu.memory_space<vmem>> -> memref<8xi32, #tpu.memory_space<vmem>>
      %dma_start3A_706 = arith.constant 0 : i32
      %dma_start3A_707 = arith.constant 0 : i32
      %dma_start3A_708 = tpu.memref_slice %arg4[%dma_start3A_706, %dma_start3A_707] : memref<100000x1024xf32, #tpu.memory_space<hbm>> -> memref<100000x1024xf32, #tpu.memory_space<hbm>>
      tpu.enqueue_indirect_dma source(%dma_start3A_708 : memref<100000x1024xf32, #tpu.memory_space<hbm>>) target(%dma_start3A_704 : memref<8x1024xf32, #tpu.memory_space<vmem>>) offsets(%dma_start3A_705 : memref<8xi32, #tpu.memory_space<vmem>>) semaphore(%arg15 : memref<!tpu.dma_semaphore, #tpu.memory_space<semaphore_mem>>)
      %dma_start3A_709 = arith.constant 16 : i32
      %dma_start3A_710 = arith.constant 0 : i32
      %dma_start3A_711 = tpu.memref_slice %arg9[%dma_start3A_709, %dma_start3A_710] : memref<32x1024xf32, #tpu.memory_space<vmem>> -> memref<8x1024xf32, #tpu.memory_space<vmem>>
      %dma_start3A_712 = tpu.memref_slice %arg8[%add3A_692] : memref<1024xi32, #tpu.memory_space<vmem>> -> memref<8xi32, #tpu.memory_space<vmem>>
      %dma_start3A_713 = arith.constant 0 : i32
      %dma_start3A_714 = arith.constant 0 : i32
      %dma_start3A_715 = tpu.memref_slice %arg4[%dma_start3A_713, %dma_start3A_714] : memref<100000x1024xf32, #tpu.memory_space<hbm>> -> memref<100000x1024xf32, #tpu.memory_space<hbm>>
      tpu.enqueue_indirect_dma source(%dma_start3A_715 : memref<100000x1024xf32, #tpu.memory_space<hbm>>) target(%dma_start3A_711 : memref<8x1024xf32, #tpu.memory_space<vmem>>) offsets(%dma_start3A_712 : memref<8xi32, #tpu.memory_space<vmem>>) semaphore(%arg15 : memref<!tpu.dma_semaphore, #tpu.memory_space<semaphore_mem>>)
      %dma_start3A_716 = arith.constant 24 : i32
      %dma_start3A_717 = arith.constant 0 : i32
      %dma_start3A_718 = tpu.memref_slice %arg9[%dma_start3A_716, %dma_start3A_717] : memref<32x1024xf32, #tpu.memory_space<vmem>> -> memref<8x1024xf32, #tpu.memory_space<vmem>>
      %dma_start3A_719 = tpu.memref_slice %arg8[%add3A_694] : memref<1024xi32, #tpu.memory_space<vmem>> -> memref<8xi32, #tpu.memory_space<vmem>>
      %dma_start3A_720 = arith.constant 0 : i32
      %dma_start3A_721 = arith.constant 0 : i32
      %dma_start3A_722 = tpu.memref_slice %arg4[%dma_start3A_720, %dma_start3A_721] : memref<100000x1024xf32, #tpu.memory_space<hbm>> -> memref<100000x1024xf32, #tpu.memory_space<hbm>>
      tpu.enqueue_indirect_dma source(%dma_start3A_722 : memref<100000x1024xf32, #tpu.memory_space<hbm>>) target(%dma_start3A_718 : memref<8x1024xf32, #tpu.memory_space<vmem>>) offsets(%dma_start3A_719 : memref<8xi32, #tpu.memory_space<vmem>>) semaphore(%arg15 : memref<!tpu.dma_semaphore, #tpu.memory_space<semaphore_mem>>)
      %parallel_loop3A_723 = arith.constant 0 : i32
      %parallel_loop3A_724 = arith.constant 8192 : i32
      %parallel_loop3A_725 = arith.constant 16 : i32
      scf.for %parallel_loop3A_1888 = %parallel_loop3A_723 to %parallel_loop3A_724 step %parallel_loop3A_725  : i32 {
        %parallel_loop3A_1889 = arith.constant 10 : i32
        %parallel_loop3A_1890 = arith.shrsi %parallel_loop3A_1888, %parallel_loop3A_1889 : i32
        %parallel_loop3A_1891 = arith.constant 1023 : i32
        %parallel_loop3A_1892 = arith.andi %parallel_loop3A_1888, %parallel_loop3A_1891 : i32
        %parallel_loop3A_1893 = tpu.assume_multiple %parallel_loop3A_1892, 16 : i32
        %parallel_loop3A_1894 = arith.index_cast %parallel_loop3A_1890 : i32 to index
        %parallel_loop3A_1895 = arith.index_cast %parallel_loop3A_1893 : i32 to index
        %parallel_loop3A_1896 = tpu.vector_load %arg12[%parallel_loop3A_1894, %parallel_loop3A_1895] {strides = array<i32>} : memref<8x1024xf32, #tpu.memory_space<vmem>>, vector<1x16xf32>,
        %parallel_loop3A_1897 = vector.shape_cast %parallel_loop3A_1896 : vector<1x16xf32> to vector<16xf32>
        %parallel_loop3A_1898 = arith.constant 0 : i32
        %parallel_loop3A_1899 = arith.addi %parallel_loop3A_1898, %parallel_loop3A_1890 : i32
        %parallel_loop3A_1900 = arith.index_cast %parallel_loop3A_1899 : i32 to index
        %parallel_loop3A_1901 = arith.index_cast %parallel_loop3A_1893 : i32 to index
        %parallel_loop3A_1902 = tpu.vector_load %arg11[%parallel_loop3A_1900, %parallel_loop3A_1901] {strides = array<i32>} : memref<32x1024xf32, #tpu.memory_space<vmem>>, vector<1x16xf32>,
        %parallel_loop3A_1903 = vector.shape_cast %parallel_loop3A_1902 : vector<1x16xf32> to vector<16xf32>
        %parallel_loop3A_1904 = arith.addf %parallel_loop3A_1903, %parallel_loop3A_1897 : vector<16xf32>
        %parallel_loop3A_1905 = arith.constant 0 : i32
        %parallel_loop3A_1906 = arith.addi %parallel_loop3A_1905, %parallel_loop3A_1890 : i32
        %parallel_loop3A_1907 = arith.index_cast %parallel_loop3A_1906 : i32 to index
        %parallel_loop3A_1908 = arith.index_cast %parallel_loop3A_1893 : i32 to index
        %parallel_loop3A_1909 = tpu.vector_load %arg11[%parallel_loop3A_1907, %parallel_loop3A_1908] {strides = array<i32>} : memref<32x1024xf32, #tpu.memory_space<vmem>>, vector<1x16xf32>,
        %parallel_loop3A_1910 = vector.shape_cast %parallel_loop3A_1909 : vector<1x16xf32> to vector<16xf32>
        %parallel_loop3A_1911 = vector.shape_cast %parallel_loop3A_1904 : vector<16xf32> to vector<1x16xf32>
        tpu.vector_store %arg11[%parallel_loop3A_1907, %parallel_loop3A_1908], %parallel_loop3A_1911 {strides = array<i32>} : memref<32x1024xf32, #tpu.memory_space<vmem>>, vector<1x16xf32>,
        %parallel_loop3A_1912 = arith.constant 8 : i32
        %parallel_loop3A_1913 = arith.addi %parallel_loop3A_1912, %parallel_loop3A_1890 : i32
        %parallel_loop3A_1914 = arith.index_cast %parallel_loop3A_1913 : i32 to index
        %parallel_loop3A_1915 = arith.index_cast %parallel_loop3A_1893 : i32 to index
        %parallel_loop3A_1916 = tpu.vector_load %arg11[%parallel_loop3A_1914, %parallel_loop3A_1915] {strides = array<i32>} : memref<32x1024xf32, #tpu.memory_space<vmem>>, vector<1x16xf32>,
        %parallel_loop3A_1917 = vector.shape_cast %parallel_loop3A_1916 : vector<1x16xf32> to vector<16xf32>
        %parallel_loop3A_1918 = arith.addf %parallel_loop3A_1917, %parallel_loop3A_1897 : vector<16xf32>
        %parallel_loop3A_1919 = arith.constant 8 : i32
        %parallel_loop3A_1920 = arith.addi %parallel_loop3A_1919, %parallel_loop3A_1890 : i32
        %parallel_loop3A_1921 = arith.index_cast %parallel_loop3A_1920 : i32 to index
        %parallel_loop3A_1922 = arith.index_cast %parallel_loop3A_1893 : i32 to index
        %parallel_loop3A_1923 = tpu.vector_load %arg11[%parallel_loop3A_1921, %parallel_loop3A_1922] {strides = array<i32>} : memref<32x1024xf32, #tpu.memory_space<vmem>>, vector<1x16xf32>,
        %parallel_loop3A_1924 = vector.shape_cast %parallel_loop3A_1923 : vector<1x16xf32> to vector<16xf32>
        %parallel_loop3A_1925 = vector.shape_cast %parallel_loop3A_1918 : vector<16xf32> to vector<1x16xf32>
        tpu.vector_store %arg11[%parallel_loop3A_1921, %parallel_loop3A_1922], %parallel_loop3A_1925 {strides = array<i32>} : memref<32x1024xf32, #tpu.memory_space<vmem>>, vector<1x16xf32>,
        %parallel_loop3A_1926 = arith.constant 16 : i32
        %parallel_loop3A_1927 = arith.addi %parallel_loop3A_1926, %parallel_loop3A_1890 : i32
        %parallel_loop3A_1928 = arith.index_cast %parallel_loop3A_1927 : i32 to index
        %parallel_loop3A_1929 = arith.index_cast %parallel_loop3A_1893 : i32 to index
        %parallel_loop3A_1930 = tpu.vector_load %arg11[%parallel_loop3A_1928, %parallel_loop3A_1929] {strides = array<i32>} : memref<32x1024xf32, #tpu.memory_space<vmem>>, vector<1x16xf32>,
        %parallel_loop3A_1931 = vector.shape_cast %parallel_loop3A_1930 : vector<1x16xf32> to vector<16xf32>
        %parallel_loop3A_1932 = arith.addf %parallel_loop3A_1931, %parallel_loop3A_1897 : vector<16xf32>
        %parallel_loop3A_1933 = arith.constant 16 : i32
        %parallel_loop3A_1934 = arith.addi %parallel_loop3A_1933, %parallel_loop3A_1890 : i32
        %parallel_loop3A_1935 = arith.index_cast %parallel_loop3A_1934 : i32 to index
        %parallel_loop3A_1936 = arith.index_cast %parallel_loop3A_1893 : i32 to index
        %parallel_loop3A_1937 = tpu.vector_load %arg11[%parallel_loop3A_1935, %parallel_loop3A_1936] {strides = array<i32>} : memref<32x1024xf32, #tpu.memory_space<vmem>>, vector<1x16xf32>,
        %parallel_loop3A_1938 = vector.shape_cast %parallel_loop3A_1937 : vector<1x16xf32> to vector<16xf32>
        %parallel_loop3A_1939 = vector.shape_cast %parallel_loop3A_1932 : vector<16xf32> to vector<1x16xf32>
        tpu.vector_store %arg11[%parallel_loop3A_1935, %parallel_loop3A_1936], %parallel_loop3A_1939 {strides = array<i32>} : memref<32x1024xf32, #tpu.memory_space<vmem>>, vector<1x16xf32>,
        %parallel_loop3A_1940 = arith.constant 24 : i32
        %parallel_loop3A_1941 = arith.addi %parallel_loop3A_1940, %parallel_loop3A_1890 : i32
        %parallel_loop3A_1942 = arith.index_cast %parallel_loop3A_1941 : i32 to index
        %parallel_loop3A_1943 = arith.index_cast %parallel_loop3A_1893 : i32 to index
        %parallel_loop3A_1944 = tpu.vector_load %arg11[%parallel_loop3A_1942, %parallel_loop3A_1943] {strides = array<i32>} : memref<32x1024xf32, #tpu.memory_space<vmem>>, vector<1x16xf32>,
        %parallel_loop3A_1945 = vector.shape_cast %parallel_loop3A_1944 : vector<1x16xf32> to vector<16xf32>
        %parallel_loop3A_1946 = arith.addf %parallel_loop3A_1945, %parallel_loop3A_1897 : vector<16xf32>
        %parallel_loop3A_1947 = arith.constant 24 : i32
        %parallel_loop3A_1948 = arith.addi %parallel_loop3A_1947, %parallel_loop3A_1890 : i32
        %parallel_loop3A_1949 = arith.index_cast %parallel_loop3A_1948 : i32 to index
        %parallel_loop3A_1950 = arith.index_cast %parallel_loop3A_1893 : i32 to index
        %parallel_loop3A_1951 = tpu.vector_load %arg11[%parallel_loop3A_1949, %parallel_loop3A_1950] {strides = array<i32>} : memref<32x1024xf32, #tpu.memory_space<vmem>>, vector<1x16xf32>,
        %parallel_loop3A_1952 = vector.shape_cast %parallel_loop3A_1951 : vector<1x16xf32> to vector<16xf32>
        %parallel_loop3A_1953 = vector.shape_cast %parallel_loop3A_1946 : vector<16xf32> to vector<1x16xf32>
        tpu.vector_store %arg11[%parallel_loop3A_1949, %parallel_loop3A_1950], %parallel_loop3A_1953 {strides = array<i32>} : memref<32x1024xf32, #tpu.memory_space<vmem>>, vector<1x16xf32>,
      } {sc.loop_unroll_factor = 8 : i64, sc.parallel_access}
      %add3A_726 = arith.constant 2 : i32
      %add3A_727 = arith.addi %add3A_577, %add3A_726 : i32
      %min3A_728 = arith.constant 31 : i32
      %min3A_729 = arith.minsi %add3A_727, %min3A_728 : i32
      %mul3A_730 = arith.constant 8 : i32
      %mul3A_731 = arith.muli %min3A_729, %mul3A_730 : i32
      %multiple_of3A_732 = tpu.assume_multiple %mul3A_731, 8 : i32
      %add3A_733 = arith.addi %mul3A_2, %multiple_of3A_732 : i32
      %dma_start3A_734 = arith.constant 0 : i32
      %dma_start3A_735 = tpu.memref_slice %arg5[%add3A_733, %dma_start3A_734] : memref<8192x1024xf32, #tpu.memory_space<hbm>> -> memref<8x1024xf32, #tpu.memory_space<hbm>>
      %dma_start3A_736 = arith.constant 0 : i32
      %dma_start3A_737 = tpu.memref_slice %arg5[%add3A_733, %dma_start3A_736] : memref<8192x1024xf32, #tpu.memory_space<hbm>> -> memref<8x1024xf32, #tpu.memory_space<hbm>>
      tpu.enqueue_dma source(%dma_start3A_737 : memref<8x1024xf32, #tpu.memory_space<hbm>>) target(%arg12 : memref<8x1024xf32, #tpu.memory_space<vmem>>) target_semaphore(%arg17 : memref<!tpu.dma_semaphore, #tpu.memory_space<semaphore_mem>>)
      %mul3A_738 = arith.constant 8 : i32
      %mul3A_739 = arith.muli %add3A_577, %mul3A_738 : i32
      %multiple_of3A_740 = tpu.assume_multiple %mul3A_739, 8 : i32
      %add3A_741 = arith.constant 0 : i32
      %add3A_742 = arith.addi %add3A_741, %mul3A_2 : i32
      %add3A_743 = arith.addi %add3A_742, %multiple_of3A_740 : i32
      %add3A_744 = arith.constant 8192 : i32
      %add3A_745 = arith.addi %add3A_744, %mul3A_2 : i32
      %add3A_746 = arith.addi %add3A_745, %multiple_of3A_740 : i32
      %add3A_747 = arith.constant 16384 : i32
      %add3A_748 = arith.addi %add3A_747, %mul3A_2 : i32
      %add3A_749 = arith.addi %add3A_748, %multiple_of3A_740 : i32
      %add3A_750 = arith.constant 24576 : i32
      %add3A_751 = arith.addi %add3A_750, %mul3A_2 : i32
      %add3A_752 = arith.addi %add3A_751, %multiple_of3A_740 : i32
      %dma_start3A_753 = arith.constant 0 : i32
      %dma_start3A_754 = arith.constant 0 : i32
      %dma_start3A_755 = tpu.memref_slice %arg11[%dma_start3A_753, %dma_start3A_754] : memref<32x1024xf32, #tpu.memory_space<vmem>> -> memref<8x1024xf32, #tpu.memory_space<vmem>>
      %dma_start3A_756 = arith.constant 0 : i32
      %dma_start3A_757 = tpu.memref_slice %arg6[%add3A_743, %dma_start3A_756] : memref<32768x1024xf32, #tpu.memory_space<hbm>> -> memref<8x1024xf32, #tpu.memory_space<hbm>>
      %dma_start3A_758 = arith.constant 0 : i32
      %dma_start3A_759 = tpu.memref_slice %arg6[%add3A_743, %dma_start3A_758] : memref<32768x1024xf32, #tpu.memory_space<hbm>> -> memref<8x1024xf32, #tpu.memory_space<hbm>>
      %dma_start3A_760 = arith.constant 0 : i32
      %dma_start3A_761 = arith.constant 0 : i32
      %dma_start3A_762 = tpu.memref_slice %arg11[%dma_start3A_760, %dma_start3A_761] : memref<32x1024xf32, #tpu.memory_space<vmem>> -> memref<8x1024xf32, #tpu.memory_space<vmem>>
      tpu.enqueue_dma source(%dma_start3A_762 : memref<8x1024xf32, #tpu.memory_space<vmem>>) target(%dma_start3A_759 : memref<8x1024xf32, #tpu.memory_space<hbm>>) target_semaphore(%arg16 : memref<!tpu.dma_semaphore, #tpu.memory_space<semaphore_mem>>)
      %dma_start3A_763 = arith.constant 8 : i32
      %dma_start3A_764 = arith.constant 0 : i32
      %dma_start3A_765 = tpu.memref_slice %arg11[%dma_start3A_763, %dma_start3A_764] : memref<32x1024xf32, #tpu.memory_space<vmem>> -> memref<8x1024xf32, #tpu.memory_space<vmem>>
      %dma_start3A_766 = arith.constant 0 : i32
      %dma_start3A_767 = tpu.memref_slice %arg6[%add3A_746, %dma_start3A_766] : memref<32768x1024xf32, #tpu.memory_space<hbm>> -> memref<8x1024xf32, #tpu.memory_space<hbm>>
      %dma_start3A_768 = arith.constant 0 : i32
      %dma_start3A_769 = tpu.memref_slice %arg6[%add3A_746, %dma_start3A_768] : memref<32768x1024xf32, #tpu.memory_space<hbm>> -> memref<8x1024xf32, #tpu.memory_space<hbm>>
      %dma_start3A_770 = arith.constant 8 : i32
      %dma_start3A_771 = arith.constant 0 : i32
      %dma_start3A_772 = tpu.memref_slice %arg11[%dma_start3A_770, %dma_start3A_771] : memref<32x1024xf32, #tpu.memory_space<vmem>> -> memref<8x1024xf32, #tpu.memory_space<vmem>>
      tpu.enqueue_dma source(%dma_start3A_772 : memref<8x1024xf32, #tpu.memory_space<vmem>>) target(%dma_start3A_769 : memref<8x1024xf32, #tpu.memory_space<hbm>>) target_semaphore(%arg16 : memref<!tpu.dma_semaphore, #tpu.memory_space<semaphore_mem>>)
      %dma_start3A_773 = arith.constant 16 : i32
      %dma_start3A_774 = arith.constant 0 : i32
      %dma_start3A_775 = tpu.memref_slice %arg11[%dma_start3A_773, %dma_start3A_774] : memref<32x1024xf32, #tpu.memory_space<vmem>> -> memref<8x1024xf32, #tpu.memory_space<vmem>>
      %dma_start3A_776 = arith.constant 0 : i32
      %dma_start3A_777 = tpu.memref_slice %arg6[%add3A_749, %dma_start3A_776] : memref<32768x1024xf32, #tpu.memory_space<hbm>> -> memref<8x1024xf32, #tpu.memory_space<hbm>>
      %dma_start3A_778 = arith.constant 0 : i32
      %dma_start3A_779 = tpu.memref_slice %arg6[%add3A_749, %dma_start3A_778] : memref<32768x1024xf32, #tpu.memory_space<hbm>> -> memref<8x1024xf32, #tpu.memory_space<hbm>>
      %dma_start3A_780 = arith.constant 16 : i32
      %dma_start3A_781 = arith.constant 0 : i32
      %dma_start3A_782 = tpu.memref_slice %arg11[%dma_start3A_780, %dma_start3A_781] : memref<32x1024xf32, #tpu.memory_space<vmem>> -> memref<8x1024xf32, #tpu.memory_space<vmem>>
      tpu.enqueue_dma source(%dma_start3A_782 : memref<8x1024xf32, #tpu.memory_space<vmem>>) target(%dma_start3A_779 : memref<8x1024xf32, #tpu.memory_space<hbm>>) target_semaphore(%arg16 : memref<!tpu.dma_semaphore, #tpu.memory_space<semaphore_mem>>)
      %dma_start3A_783 = arith.constant 24 : i32
      %dma_start3A_784 = arith.constant 0 : i32
      %dma_start3A_785 = tpu.memref_slice %arg11[%dma_start3A_783, %dma_start3A_784] : memref<32x1024xf32, #tpu.memory_space<vmem>> -> memref<8x1024xf32, #tpu.memory_space<vmem>>
      %dma_start3A_786 = arith.constant 0 : i32
      %dma_start3A_787 = tpu.memref_slice %arg6[%add3A_752, %dma_start3A_786] : memref<32768x1024xf32, #tpu.memory_space<hbm>> -> memref<8x1024xf32, #tpu.memory_space<hbm>>
      %dma_start3A_788 = arith.constant 0 : i32
      %dma_start3A_789 = tpu.memref_slice %arg6[%add3A_752, %dma_start3A_788] : memref<32768x1024xf32, #tpu.memory_space<hbm>> -> memref<8x1024xf32, #tpu.memory_space<hbm>>
      %dma_start3A_790 = arith.constant 24 : i32
      %dma_start3A_791 = arith.constant 0 : i32
      %dma_start3A_792 = tpu.memref_slice %arg11[%dma_start3A_790, %dma_start3A_791] : memref<32x1024xf32, #tpu.memory_space<vmem>> -> memref<8x1024xf32, #tpu.memory_space<vmem>>
      tpu.enqueue_dma source(%dma_start3A_792 : memref<8x1024xf32, #tpu.memory_space<vmem>>) target(%dma_start3A_789 : memref<8x1024xf32, #tpu.memory_space<hbm>>) target_semaphore(%arg16 : memref<!tpu.dma_semaphore, #tpu.memory_space<semaphore_mem>>)
      %add3A_793 = arith.constant 1 : i32
      %add3A_794 = arith.addi %add3A_575, %add3A_793 : i32
      %mul3A_795 = arith.constant 8 : i32
      %mul3A_796 = arith.muli %add3A_794, %mul3A_795 : i32
      %multiple_of3A_797 = tpu.assume_multiple %mul3A_796, 8 : i32
      %add3A_798 = arith.addi %mul3A_2, %multiple_of3A_797 : i32
      %dma_wait3A_799 = arith.constant 0 : i32
      %dma_wait3A_800 = tpu.memref_slice %arg5[%add3A_798, %dma_wait3A_799] : memref<8192x1024xf32, #tpu.memory_space<hbm>> -> memref<8x1024xf32, #tpu.memory_space<hbm>>
      %dma_wait3A_801 = arith.constant 0 : i32
      %dma_wait3A_802 = tpu.memref_slice %arg5[%add3A_798, %dma_wait3A_801] : memref<8192x1024xf32, #tpu.memory_space<hbm>> -> memref<8x1024xf32, #tpu.memory_space<hbm>>
      tpu.wait_dma2 semaphore(%arg17 : memref<!tpu.dma_semaphore, #tpu.memory_space<semaphore_mem>>) src(%dma_wait3A_802 : memref<8x1024xf32, #tpu.memory_space<hbm>>) dst(%arg13 : memref<8x1024xf32, #tpu.memory_space<vmem>>)
      %mul3A_803 = arith.constant 8 : i32
      %mul3A_804 = arith.muli %add3A_794, %mul3A_803 : i32
      %multiple_of3A_805 = tpu.assume_multiple %mul3A_804, 8 : i32
      %add3A_806 = arith.constant 0 : i32
      %add3A_807 = arith.addi %add3A_806, %multiple_of3A_805 : i32
      %add3A_808 = arith.constant 256 : i32
      %add3A_809 = arith.addi %add3A_808, %multiple_of3A_805 : i32
      %add3A_810 = arith.constant 512 : i32
      %add3A_811 = arith.addi %add3A_810, %multiple_of3A_805 : i32
      %add3A_812 = arith.constant 768 : i32
      %add3A_813 = arith.addi %add3A_812, %multiple_of3A_805 : i32
      %dma_wait3A_814 = arith.constant 0 : i32
      %dma_wait3A_815 = arith.constant 0 : i32
      %dma_wait3A_816 = tpu.memref_slice %arg9[%dma_wait3A_814, %dma_wait3A_815] : memref<32x1024xf32, #tpu.memory_space<vmem>> -> memref<8x1024xf32, #tpu.memory_space<vmem>>
      %dma_wait3A_817 = tpu.memref_slice %arg8[%add3A_807] : memref<1024xi32, #tpu.memory_space<vmem>> -> memref<8xi32, #tpu.memory_space<vmem>>
      %dma_wait3A_818 = arith.constant 0 : i32
      %dma_wait3A_819 = arith.constant 0 : i32
      %dma_wait3A_820 = tpu.memref_slice %arg4[%dma_wait3A_818, %dma_wait3A_819] : memref<100000x1024xf32, #tpu.memory_space<hbm>> -> memref<100000x1024xf32, #tpu.memory_space<hbm>>
      tpu.wait_indirect_dma semaphore(%arg15 : memref<!tpu.dma_semaphore, #tpu.memory_space<semaphore_mem>>) src(%dma_wait3A_820 : memref<100000x1024xf32, #tpu.memory_space<hbm>>) dst(%dma_wait3A_816 : memref<8x1024xf32, #tpu.memory_space<vmem>>)
      %dma_wait3A_821 = arith.constant 8 : i32
      %dma_wait3A_822 = arith.constant 0 : i32
      %dma_wait3A_823 = tpu.memref_slice %arg9[%dma_wait3A_821, %dma_wait3A_822] : memref<32x1024xf32, #tpu.memory_space<vmem>> -> memref<8x1024xf32, #tpu.memory_space<vmem>>
      %dma_wait3A_824 = tpu.memref_slice %arg8[%add3A_809] : memref<1024xi32, #tpu.memory_space<vmem>> -> memref<8xi32, #tpu.memory_space<vmem>>
      %dma_wait3A_825 = arith.constant 0 : i32
      %dma_wait3A_826 = arith.constant 0 : i32
      %dma_wait3A_827 = tpu.memref_slice %arg4[%dma_wait3A_825, %dma_wait3A_826] : memref<100000x1024xf32, #tpu.memory_space<hbm>> -> memref<100000x1024xf32, #tpu.memory_space<hbm>>
      tpu.wait_indirect_dma semaphore(%arg15 : memref<!tpu.dma_semaphore, #tpu.memory_space<semaphore_mem>>) src(%dma_wait3A_827 : memref<100000x1024xf32, #tpu.memory_space<hbm>>) dst(%dma_wait3A_823 : memref<8x1024xf32, #tpu.memory_space<vmem>>)
      %dma_wait3A_828 = arith.constant 16 : i32
      %dma_wait3A_829 = arith.constant 0 : i32
      %dma_wait3A_830 = tpu.memref_slice %arg9[%dma_wait3A_828, %dma_wait3A_829] : memref<32x1024xf32, #tpu.memory_space<vmem>> -> memref<8x1024xf32, #tpu.memory_space<vmem>>
      %dma_wait3A_831 = tpu.memref_slice %arg8[%add3A_811] : memref<1024xi32, #tpu.memory_space<vmem>> -> memref<8xi32, #tpu.memory_space<vmem>>
      %dma_wait3A_832 = arith.constant 0 : i32
      %dma_wait3A_833 = arith.constant 0 : i32
      %dma_wait3A_834 = tpu.memref_slice %arg4[%dma_wait3A_832, %dma_wait3A_833] : memref<100000x1024xf32, #tpu.memory_space<hbm>> -> memref<100000x1024xf32, #tpu.memory_space<hbm>>
      tpu.wait_indirect_dma semaphore(%arg15 : memref<!tpu.dma_semaphore, #tpu.memory_space<semaphore_mem>>) src(%dma_wait3A_834 : memref<100000x1024xf32, #tpu.memory_space<hbm>>) dst(%dma_wait3A_830 : memref<8x1024xf32, #tpu.memory_space<vmem>>)
      %dma_wait3A_835 = arith.constant 24 : i32
      %dma_wait3A_836 = arith.constant 0 : i32
      %dma_wait3A_837 = tpu.memref_slice %arg9[%dma_wait3A_835, %dma_wait3A_836] : memref<32x1024xf32, #tpu.memory_space<vmem>> -> memref<8x1024xf32, #tpu.memory_space<vmem>>
      %dma_wait3A_838 = tpu.memref_slice %arg8[%add3A_813] : memref<1024xi32, #tpu.memory_space<vmem>> -> memref<8xi32, #tpu.memory_space<vmem>>
      %dma_wait3A_839 = arith.constant 0 : i32
      %dma_wait3A_840 = arith.constant 0 : i32
      %dma_wait3A_841 = tpu.memref_slice %arg4[%dma_wait3A_839, %dma_wait3A_840] : memref<100000x1024xf32, #tpu.memory_space<hbm>> -> memref<100000x1024xf32, #tpu.memory_space<hbm>>
      tpu.wait_indirect_dma semaphore(%arg15 : memref<!tpu.dma_semaphore, #tpu.memory_space<semaphore_mem>>) src(%dma_wait3A_841 : memref<100000x1024xf32, #tpu.memory_space<hbm>>) dst(%dma_wait3A_837 : memref<8x1024xf32, #tpu.memory_space<vmem>>)
      %sub3A_842 = arith.constant 2 : i32
      %sub3A_843 = arith.subi %add3A_794, %sub3A_842 : i32
      %mul3A_844 = arith.constant 8 : i32
      %mul3A_845 = arith.muli %sub3A_843, %mul3A_844 : i32
      %multiple_of3A_846 = tpu.assume_multiple %mul3A_845, 8 : i32
      %add3A_847 = arith.constant 0 : i32
      %add3A_848 = arith.addi %add3A_847, %mul3A_2 : i32
      %add3A_849 = arith.addi %add3A_848, %multiple_of3A_846 : i32
      %add3A_850 = arith.constant 8192 : i32
      %add3A_851 = arith.addi %add3A_850, %mul3A_2 : i32
      %add3A_852 = arith.addi %add3A_851, %multiple_of3A_846 : i32
      %add3A_853 = arith.constant 16384 : i32
      %add3A_854 = arith.addi %add3A_853, %mul3A_2 : i32
      %add3A_855 = arith.addi %add3A_854, %multiple_of3A_846 : i32
      %add3A_856 = arith.constant 24576 : i32
      %add3A_857 = arith.addi %add3A_856, %mul3A_2 : i32
      %add3A_858 = arith.addi %add3A_857, %multiple_of3A_846 : i32
      %dma_wait3A_859 = arith.constant 0 : i32
      %dma_wait3A_860 = arith.constant 0 : i32
      %dma_wait3A_861 = tpu.memref_slice %arg10[%dma_wait3A_859, %dma_wait3A_860] : memref<32x1024xf32, #tpu.memory_space<vmem>> -> memref<8x1024xf32, #tpu.memory_space<vmem>>
      %dma_wait3A_862 = arith.constant 0 : i32
      %dma_wait3A_863 = tpu.memref_slice %arg6[%add3A_849, %dma_wait3A_862] : memref<32768x1024xf32, #tpu.memory_space<hbm>> -> memref<8x1024xf32, #tpu.memory_space<hbm>>
      %dma_wait3A_864 = arith.constant 0 : i32
      %dma_wait3A_865 = tpu.memref_slice %arg6[%add3A_849, %dma_wait3A_864] : memref<32768x1024xf32, #tpu.memory_space<hbm>> -> memref<8x1024xf32, #tpu.memory_space<hbm>>
      %dma_wait3A_866 = arith.constant 0 : i32
      %dma_wait3A_867 = arith.constant 0 : i32
      %dma_wait3A_868 = tpu.memref_slice %arg10[%dma_wait3A_866, %dma_wait3A_867] : memref<32x1024xf32, #tpu.memory_space<vmem>> -> memref<8x1024xf32, #tpu.memory_space<vmem>>
      tpu.wait_dma2 semaphore(%arg16 : memref<!tpu.dma_semaphore, #tpu.memory_space<semaphore_mem>>) src(%dma_wait3A_868 : memref<8x1024xf32, #tpu.memory_space<vmem>>) dst(%dma_wait3A_865 : memref<8x1024xf32, #tpu.memory_space<hbm>>)
      %dma_wait3A_869 = arith.constant 8 : i32
      %dma_wait3A_870 = arith.constant 0 : i32
      %dma_wait3A_871 = tpu.memref_slice %arg10[%dma_wait3A_869, %dma_wait3A_870] : memref<32x1024xf32, #tpu.memory_space<vmem>> -> memref<8x1024xf32, #tpu.memory_space<vmem>>
      %dma_wait3A_872 = arith.constant 0 : i32
      %dma_wait3A_873 = tpu.memref_slice %arg6[%add3A_852, %dma_wait3A_872] : memref<32768x1024xf32, #tpu.memory_space<hbm>> -> memref<8x1024xf32, #tpu.memory_space<hbm>>
      %dma_wait3A_874 = arith.constant 0 : i32
      %dma_wait3A_875 = tpu.memref_slice %arg6[%add3A_852, %dma_wait3A_874] : memref<32768x1024xf32, #tpu.memory_space<hbm>> -> memref<8x1024xf32, #tpu.memory_space<hbm>>
      %dma_wait3A_876 = arith.constant 8 : i32
      %dma_wait3A_877 = arith.constant 0 : i32
      %dma_wait3A_878 = tpu.memref_slice %arg10[%dma_wait3A_876, %dma_wait3A_877] : memref<32x1024xf32, #tpu.memory_space<vmem>> -> memref<8x1024xf32, #tpu.memory_space<vmem>>
      tpu.wait_dma2 semaphore(%arg16 : memref<!tpu.dma_semaphore, #tpu.memory_space<semaphore_mem>>) src(%dma_wait3A_878 : memref<8x1024xf32, #tpu.memory_space<vmem>>) dst(%dma_wait3A_875 : memref<8x1024xf32, #tpu.memory_space<hbm>>)
      %dma_wait3A_879 = arith.constant 16 : i32
      %dma_wait3A_880 = arith.constant 0 : i32
      %dma_wait3A_881 = tpu.memref_slice %arg10[%dma_wait3A_879, %dma_wait3A_880] : memref<32x1024xf32, #tpu.memory_space<vmem>> -> memref<8x1024xf32, #tpu.memory_space<vmem>>
      %dma_wait3A_882 = arith.constant 0 : i32
      %dma_wait3A_883 = tpu.memref_slice %arg6[%add3A_855, %dma_wait3A_882] : memref<32768x1024xf32, #tpu.memory_space<hbm>> -> memref<8x1024xf32, #tpu.memory_space<hbm>>
      %dma_wait3A_884 = arith.constant 0 : i32
      %dma_wait3A_885 = tpu.memref_slice %arg6[%add3A_855, %dma_wait3A_884] : memref<32768x1024xf32, #tpu.memory_space<hbm>> -> memref<8x1024xf32, #tpu.memory_space<hbm>>
      %dma_wait3A_886 = arith.constant 16 : i32
      %dma_wait3A_887 = arith.constant 0 : i32
      %dma_wait3A_888 = tpu.memref_slice %arg10[%dma_wait3A_886, %dma_wait3A_887] : memref<32x1024xf32, #tpu.memory_space<vmem>> -> memref<8x1024xf32, #tpu.memory_space<vmem>>
      tpu.wait_dma2 semaphore(%arg16 : memref<!tpu.dma_semaphore, #tpu.memory_space<semaphore_mem>>) src(%dma_wait3A_888 : memref<8x1024xf32, #tpu.memory_space<vmem>>) dst(%dma_wait3A_885 : memref<8x1024xf32, #tpu.memory_space<hbm>>)
      %dma_wait3A_889 = arith.constant 24 : i32
      %dma_wait3A_890 = arith.constant 0 : i32
      %dma_wait3A_891 = tpu.memref_slice %arg10[%dma_wait3A_889, %dma_wait3A_890] : memref<32x1024xf32, #tpu.memory_space<vmem>> -> memref<8x1024xf32, #tpu.memory_space<vmem>>
      %dma_wait3A_892 = arith.constant 0 : i32
      %dma_wait3A_893 = tpu.memref_slice %arg6[%add3A_858, %dma_wait3A_892] : memref<32768x1024xf32, #tpu.memory_space<hbm>> -> memref<8x1024xf32, #tpu.memory_space<hbm>>
      %dma_wait3A_894 = arith.constant 0 : i32
      %dma_wait3A_895 = tpu.memref_slice %arg6[%add3A_858, %dma_wait3A_894] : memref<32768x1024xf32, #tpu.memory_space<hbm>> -> memref<8x1024xf32, #tpu.memory_space<hbm>>
      %dma_wait3A_896 = arith.constant 24 : i32
      %dma_wait3A_897 = arith.constant 0 : i32
      %dma_wait3A_898 = tpu.memref_slice %arg10[%dma_wait3A_896, %dma_wait3A_897] : memref<32x1024xf32, #tpu.memory_space<vmem>> -> memref<8x1024xf32, #tpu.memory_space<vmem>>
      tpu.wait_dma2 semaphore(%arg16 : memref<!tpu.dma_semaphore, #tpu.memory_space<semaphore_mem>>) src(%dma_wait3A_898 : memref<8x1024xf32, #tpu.memory_space<vmem>>) dst(%dma_wait3A_895 : memref<8x1024xf32, #tpu.memory_space<hbm>>)
      %add3A_899 = arith.constant 1 : i32
      %add3A_900 = arith.addi %add3A_794, %add3A_899 : i32
      %min3A_901 = arith.constant 31 : i32
      %min3A_902 = arith.minsi %add3A_900, %min3A_901 : i32
      %mul3A_903 = arith.constant 8 : i32
      %mul3A_904 = arith.muli %min3A_902, %mul3A_903 : i32
      %multiple_of3A_905 = tpu.assume_multiple %mul3A_904, 8 : i32
      %add3A_906 = arith.constant 0 : i32
      %add3A_907 = arith.addi %add3A_906, %multiple_of3A_905 : i32
      %add3A_908 = arith.constant 256 : i32
      %add3A_909 = arith.addi %add3A_908, %multiple_of3A_905 : i32
      %add3A_910 = arith.constant 512 : i32
      %add3A_911 = arith.addi %add3A_910, %multiple_of3A_905 : i32
      %add3A_912 = arith.constant 768 : i32
      %add3A_913 = arith.addi %add3A_912, %multiple_of3A_905 : i32
      %dma_start3A_914 = arith.constant 0 : i32
      %dma_start3A_915 = arith.constant 0 : i32
      %dma_start3A_916 = tpu.memref_slice %arg10[%dma_start3A_914, %dma_start3A_915] : memref<32x1024xf32, #tpu.memory_space<vmem>> -> memref<8x1024xf32, #tpu.memory_space<vmem>>
      %dma_start3A_917 = tpu.memref_slice %arg8[%add3A_907] : memref<1024xi32, #tpu.memory_space<vmem>> -> memref<8xi32, #tpu.memory_space<vmem>>
      %dma_start3A_918 = arith.constant 0 : i32
      %dma_start3A_919 = arith.constant 0 : i32
      %dma_start3A_920 = tpu.memref_slice %arg4[%dma_start3A_918, %dma_start3A_919] : memref<100000x1024xf32, #tpu.memory_space<hbm>> -> memref<100000x1024xf32, #tpu.memory_space<hbm>>
      tpu.enqueue_indirect_dma source(%dma_start3A_920 : memref<100000x1024xf32, #tpu.memory_space<hbm>>) target(%dma_start3A_916 : memref<8x1024xf32, #tpu.memory_space<vmem>>) offsets(%dma_start3A_917 : memref<8xi32, #tpu.memory_space<vmem>>) semaphore(%arg15 : memref<!tpu.dma_semaphore, #tpu.memory_space<semaphore_mem>>)
      %dma_start3A_921 = arith.constant 8 : i32
      %dma_start3A_922 = arith.constant 0 : i32
      %dma_start3A_923 = tpu.memref_slice %arg10[%dma_start3A_921, %dma_start3A_922] : memref<32x1024xf32, #tpu.memory_space<vmem>> -> memref<8x1024xf32, #tpu.memory_space<vmem>>
      %dma_start3A_924 = tpu.memref_slice %arg8[%add3A_909] : memref<1024xi32, #tpu.memory_space<vmem>> -> memref<8xi32, #tpu.memory_space<vmem>>
      %dma_start3A_925 = arith.constant 0 : i32
      %dma_start3A_926 = arith.constant 0 : i32
      %dma_start3A_927 = tpu.memref_slice %arg4[%dma_start3A_925, %dma_start3A_926] : memref<100000x1024xf32, #tpu.memory_space<hbm>> -> memref<100000x1024xf32, #tpu.memory_space<hbm>>
      tpu.enqueue_indirect_dma source(%dma_start3A_927 : memref<100000x1024xf32, #tpu.memory_space<hbm>>) target(%dma_start3A_923 : memref<8x1024xf32, #tpu.memory_space<vmem>>) offsets(%dma_start3A_924 : memref<8xi32, #tpu.memory_space<vmem>>) semaphore(%arg15 : memref<!tpu.dma_semaphore, #tpu.memory_space<semaphore_mem>>)
      %dma_start3A_928 = arith.constant 16 : i32
      %dma_start3A_929 = arith.constant 0 : i32
      %dma_start3A_930 = tpu.memref_slice %arg10[%dma_start3A_928, %dma_start3A_929] : memref<32x1024xf32, #tpu.memory_space<vmem>> -> memref<8x1024xf32, #tpu.memory_space<vmem>>
      %dma_start3A_931 = tpu.memref_slice %arg8[%add3A_911] : memref<1024xi32, #tpu.memory_space<vmem>> -> memref<8xi32, #tpu.memory_space<vmem>>
      %dma_start3A_932 = arith.constant 0 : i32
      %dma_start3A_933 = arith.constant 0 : i32
      %dma_start3A_934 = tpu.memref_slice %arg4[%dma_start3A_932, %dma_start3A_933] : memref<100000x1024xf32, #tpu.memory_space<hbm>> -> memref<100000x1024xf32, #tpu.memory_space<hbm>>
      tpu.enqueue_indirect_dma source(%dma_start3A_934 : memref<100000x1024xf32, #tpu.memory_space<hbm>>) target(%dma_start3A_930 : memref<8x1024xf32, #tpu.memory_space<vmem>>) offsets(%dma_start3A_931 : memref<8xi32, #tpu.memory_space<vmem>>) semaphore(%arg15 : memref<!tpu.dma_semaphore, #tpu.memory_space<semaphore_mem>>)
      %dma_start3A_935 = arith.constant 24 : i32
      %dma_start3A_936 = arith.constant 0 : i32
      %dma_start3A_937 = tpu.memref_slice %arg10[%dma_start3A_935, %dma_start3A_936] : memref<32x1024xf32, #tpu.memory_space<vmem>> -> memref<8x1024xf32, #tpu.memory_space<vmem>>
      %dma_start3A_938 = tpu.memref_slice %arg8[%add3A_913] : memref<1024xi32, #tpu.memory_space<vmem>> -> memref<8xi32, #tpu.memory_space<vmem>>
      %dma_start3A_939 = arith.constant 0 : i32
      %dma_start3A_940 = arith.constant 0 : i32
      %dma_start3A_941 = tpu.memref_slice %arg4[%dma_start3A_939, %dma_start3A_940] : memref<100000x1024xf32, #tpu.memory_space<hbm>> -> memref<100000x1024xf32, #tpu.memory_space<hbm>>
      tpu.enqueue_indirect_dma source(%dma_start3A_941 : memref<100000x1024xf32, #tpu.memory_space<hbm>>) target(%dma_start3A_937 : memref<8x1024xf32, #tpu.memory_space<vmem>>) offsets(%dma_start3A_938 : memref<8xi32, #tpu.memory_space<vmem>>) semaphore(%arg15 : memref<!tpu.dma_semaphore, #tpu.memory_space<semaphore_mem>>)
      %parallel_loop3A_942 = arith.constant 0 : i32
      %parallel_loop3A_943 = arith.constant 8192 : i32
      %parallel_loop3A_944 = arith.constant 16 : i32
      scf.for %parallel_loop3A_1888 = %parallel_loop3A_942 to %parallel_loop3A_943 step %parallel_loop3A_944  : i32 {
        %parallel_loop3A_1889 = arith.constant 10 : i32
        %parallel_loop3A_1890 = arith.shrsi %parallel_loop3A_1888, %parallel_loop3A_1889 : i32
        %parallel_loop3A_1891 = arith.constant 1023 : i32
        %parallel_loop3A_1892 = arith.andi %parallel_loop3A_1888, %parallel_loop3A_1891 : i32
        %parallel_loop3A_1893 = tpu.assume_multiple %parallel_loop3A_1892, 16 : i32
        %parallel_loop3A_1894 = arith.index_cast %parallel_loop3A_1890 : i32 to index
        %parallel_loop3A_1895 = arith.index_cast %parallel_loop3A_1893 : i32 to index
        %parallel_loop3A_1896 = tpu.vector_load %arg13[%parallel_loop3A_1894, %parallel_loop3A_1895] {strides = array<i32>} : memref<8x1024xf32, #tpu.memory_space<vmem>>, vector<1x16xf32>,
        %parallel_loop3A_1897 = vector.shape_cast %parallel_loop3A_1896 : vector<1x16xf32> to vector<16xf32>
        %parallel_loop3A_1898 = arith.constant 0 : i32
        %parallel_loop3A_1899 = arith.addi %parallel_loop3A_1898, %parallel_loop3A_1890 : i32
        %parallel_loop3A_1900 = arith.index_cast %parallel_loop3A_1899 : i32 to index
        %parallel_loop3A_1901 = arith.index_cast %parallel_loop3A_1893 : i32 to index
        %parallel_loop3A_1902 = tpu.vector_load %arg9[%parallel_loop3A_1900, %parallel_loop3A_1901] {strides = array<i32>} : memref<32x1024xf32, #tpu.memory_space<vmem>>, vector<1x16xf32>,
        %parallel_loop3A_1903 = vector.shape_cast %parallel_loop3A_1902 : vector<1x16xf32> to vector<16xf32>
        %parallel_loop3A_1904 = arith.addf %parallel_loop3A_1903, %parallel_loop3A_1897 : vector<16xf32>
        %parallel_loop3A_1905 = arith.constant 0 : i32
        %parallel_loop3A_1906 = arith.addi %parallel_loop3A_1905, %parallel_loop3A_1890 : i32
        %parallel_loop3A_1907 = arith.index_cast %parallel_loop3A_1906 : i32 to index
        %parallel_loop3A_1908 = arith.index_cast %parallel_loop3A_1893 : i32 to index
        %parallel_loop3A_1909 = tpu.vector_load %arg9[%parallel_loop3A_1907, %parallel_loop3A_1908] {strides = array<i32>} : memref<32x1024xf32, #tpu.memory_space<vmem>>, vector<1x16xf32>,
        %parallel_loop3A_1910 = vector.shape_cast %parallel_loop3A_1909 : vector<1x16xf32> to vector<16xf32>
        %parallel_loop3A_1911 = vector.shape_cast %parallel_loop3A_1904 : vector<16xf32> to vector<1x16xf32>
        tpu.vector_store %arg9[%parallel_loop3A_1907, %parallel_loop3A_1908], %parallel_loop3A_1911 {strides = array<i32>} : memref<32x1024xf32, #tpu.memory_space<vmem>>, vector<1x16xf32>,
        %parallel_loop3A_1912 = arith.constant 8 : i32
        %parallel_loop3A_1913 = arith.addi %parallel_loop3A_1912, %parallel_loop3A_1890 : i32
        %parallel_loop3A_1914 = arith.index_cast %parallel_loop3A_1913 : i32 to index
        %parallel_loop3A_1915 = arith.index_cast %parallel_loop3A_1893 : i32 to index
        %parallel_loop3A_1916 = tpu.vector_load %arg9[%parallel_loop3A_1914, %parallel_loop3A_1915] {strides = array<i32>} : memref<32x1024xf32, #tpu.memory_space<vmem>>, vector<1x16xf32>,
        %parallel_loop3A_1917 = vector.shape_cast %parallel_loop3A_1916 : vector<1x16xf32> to vector<16xf32>
        %parallel_loop3A_1918 = arith.addf %parallel_loop3A_1917, %parallel_loop3A_1897 : vector<16xf32>
        %parallel_loop3A_1919 = arith.constant 8 : i32
        %parallel_loop3A_1920 = arith.addi %parallel_loop3A_1919, %parallel_loop3A_1890 : i32
        %parallel_loop3A_1921 = arith.index_cast %parallel_loop3A_1920 : i32 to index
        %parallel_loop3A_1922 = arith.index_cast %parallel_loop3A_1893 : i32 to index
        %parallel_loop3A_1923 = tpu.vector_load %arg9[%parallel_loop3A_1921, %parallel_loop3A_1922] {strides = array<i32>} : memref<32x1024xf32, #tpu.memory_space<vmem>>, vector<1x16xf32>,
        %parallel_loop3A_1924 = vector.shape_cast %parallel_loop3A_1923 : vector<1x16xf32> to vector<16xf32>
        %parallel_loop3A_1925 = vector.shape_cast %parallel_loop3A_1918 : vector<16xf32> to vector<1x16xf32>
        tpu.vector_store %arg9[%parallel_loop3A_1921, %parallel_loop3A_1922], %parallel_loop3A_1925 {strides = array<i32>} : memref<32x1024xf32, #tpu.memory_space<vmem>>, vector<1x16xf32>,
        %parallel_loop3A_1926 = arith.constant 16 : i32
        %parallel_loop3A_1927 = arith.addi %parallel_loop3A_1926, %parallel_loop3A_1890 : i32
        %parallel_loop3A_1928 = arith.index_cast %parallel_loop3A_1927 : i32 to index
        %parallel_loop3A_1929 = arith.index_cast %parallel_loop3A_1893 : i32 to index
        %parallel_loop3A_1930 = tpu.vector_load %arg9[%parallel_loop3A_1928, %parallel_loop3A_1929] {strides = array<i32>} : memref<32x1024xf32, #tpu.memory_space<vmem>>, vector<1x16xf32>,
        %parallel_loop3A_1931 = vector.shape_cast %parallel_loop3A_1930 : vector<1x16xf32> to vector<16xf32>
        %parallel_loop3A_1932 = arith.addf %parallel_loop3A_1931, %parallel_loop3A_1897 : vector<16xf32>
        %parallel_loop3A_1933 = arith.constant 16 : i32
        %parallel_loop3A_1934 = arith.addi %parallel_loop3A_1933, %parallel_loop3A_1890 : i32
        %parallel_loop3A_1935 = arith.index_cast %parallel_loop3A_1934 : i32 to index
        %parallel_loop3A_1936 = arith.index_cast %parallel_loop3A_1893 : i32 to index
        %parallel_loop3A_1937 = tpu.vector_load %arg9[%parallel_loop3A_1935, %parallel_loop3A_1936] {strides = array<i32>} : memref<32x1024xf32, #tpu.memory_space<vmem>>, vector<1x16xf32>,
        %parallel_loop3A_1938 = vector.shape_cast %parallel_loop3A_1937 : vector<1x16xf32> to vector<16xf32>
        %parallel_loop3A_1939 = vector.shape_cast %parallel_loop3A_1932 : vector<16xf32> to vector<1x16xf32>
        tpu.vector_store %arg9[%parallel_loop3A_1935, %parallel_loop3A_1936], %parallel_loop3A_1939 {strides = array<i32>} : memref<32x1024xf32, #tpu.memory_space<vmem>>, vector<1x16xf32>,
        %parallel_loop3A_1940 = arith.constant 24 : i32
        %parallel_loop3A_1941 = arith.addi %parallel_loop3A_1940, %parallel_loop3A_1890 : i32
        %parallel_loop3A_1942 = arith.index_cast %parallel_loop3A_1941 : i32 to index
        %parallel_loop3A_1943 = arith.index_cast %parallel_loop3A_1893 : i32 to index
        %parallel_loop3A_1944 = tpu.vector_load %arg9[%parallel_loop3A_1942, %parallel_loop3A_1943] {strides = array<i32>} : memref<32x1024xf32, #tpu.memory_space<vmem>>, vector<1x16xf32>,
        %parallel_loop3A_1945 = vector.shape_cast %parallel_loop3A_1944 : vector<1x16xf32> to vector<16xf32>
        %parallel_loop3A_1946 = arith.addf %parallel_loop3A_1945, %parallel_loop3A_1897 : vector<16xf32>
        %parallel_loop3A_1947 = arith.constant 24 : i32
        %parallel_loop3A_1948 = arith.addi %parallel_loop3A_1947, %parallel_loop3A_1890 : i32
        %parallel_loop3A_1949 = arith.index_cast %parallel_loop3A_1948 : i32 to index
        %parallel_loop3A_1950 = arith.index_cast %parallel_loop3A_1893 : i32 to index
        %parallel_loop3A_1951 = tpu.vector_load %arg9[%parallel_loop3A_1949, %parallel_loop3A_1950] {strides = array<i32>} : memref<32x1024xf32, #tpu.memory_space<vmem>>, vector<1x16xf32>,
        %parallel_loop3A_1952 = vector.shape_cast %parallel_loop3A_1951 : vector<1x16xf32> to vector<16xf32>
        %parallel_loop3A_1953 = vector.shape_cast %parallel_loop3A_1946 : vector<16xf32> to vector<1x16xf32>
        tpu.vector_store %arg9[%parallel_loop3A_1949, %parallel_loop3A_1950], %parallel_loop3A_1953 {strides = array<i32>} : memref<32x1024xf32, #tpu.memory_space<vmem>>, vector<1x16xf32>,
      } {sc.loop_unroll_factor = 8 : i64, sc.parallel_access}
      %add3A_945 = arith.constant 2 : i32
      %add3A_946 = arith.addi %add3A_794, %add3A_945 : i32
      %min3A_947 = arith.constant 31 : i32
      %min3A_948 = arith.minsi %add3A_946, %min3A_947 : i32
      %mul3A_949 = arith.constant 8 : i32
      %mul3A_950 = arith.muli %min3A_948, %mul3A_949 : i32
      %multiple_of3A_951 = tpu.assume_multiple %mul3A_950, 8 : i32
      %add3A_952 = arith.addi %mul3A_2, %multiple_of3A_951 : i32
      %dma_start3A_953 = arith.constant 0 : i32
      %dma_start3A_954 = tpu.memref_slice %arg5[%add3A_952, %dma_start3A_953] : memref<8192x1024xf32, #tpu.memory_space<hbm>> -> memref<8x1024xf32, #tpu.memory_space<hbm>>
      %dma_start3A_955 = arith.constant 0 : i32
      %dma_start3A_956 = tpu.memref_slice %arg5[%add3A_952, %dma_start3A_955] : memref<8192x1024xf32, #tpu.memory_space<hbm>> -> memref<8x1024xf32, #tpu.memory_space<hbm>>
      tpu.enqueue_dma source(%dma_start3A_956 : memref<8x1024xf32, #tpu.memory_space<hbm>>) target(%arg13 : memref<8x1024xf32, #tpu.memory_space<vmem>>) target_semaphore(%arg17 : memref<!tpu.dma_semaphore, #tpu.memory_space<semaphore_mem>>)
      %mul3A_957 = arith.constant 8 : i32
      %mul3A_958 = arith.muli %add3A_794, %mul3A_957 : i32
      %multiple_of3A_959 = tpu.assume_multiple %mul3A_958, 8 : i32
      %add3A_960 = arith.constant 0 : i32
      %add3A_961 = arith.addi %add3A_960, %mul3A_2 : i32
      %add3A_962 = arith.addi %add3A_961, %multiple_of3A_959 : i32
      %add3A_963 = arith.constant 8192 : i32
      %add3A_964 = arith.addi %add3A_963, %mul3A_2 : i32
      %add3A_965 = arith.addi %add3A_964, %multiple_of3A_959 : i32
      %add3A_966 = arith.constant 16384 : i32
      %add3A_967 = arith.addi %add3A_966, %mul3A_2 : i32
      %add3A_968 = arith.addi %add3A_967, %multiple_of3A_959 : i32
      %add3A_969 = arith.constant 24576 : i32
      %add3A_970 = arith.addi %add3A_969, %mul3A_2 : i32
      %add3A_971 = arith.addi %add3A_970, %multiple_of3A_959 : i32
      %dma_start3A_972 = arith.constant 0 : i32
      %dma_start3A_973 = arith.constant 0 : i32
      %dma_start3A_974 = tpu.memref_slice %arg9[%dma_start3A_972, %dma_start3A_973] : memref<32x1024xf32, #tpu.memory_space<vmem>> -> memref<8x1024xf32, #tpu.memory_space<vmem>>
      %dma_start3A_975 = arith.constant 0 : i32
      %dma_start3A_976 = tpu.memref_slice %arg6[%add3A_962, %dma_start3A_975] : memref<32768x1024xf32, #tpu.memory_space<hbm>> -> memref<8x1024xf32, #tpu.memory_space<hbm>>
      %dma_start3A_977 = arith.constant 0 : i32
      %dma_start3A_978 = tpu.memref_slice %arg6[%add3A_962, %dma_start3A_977] : memref<32768x1024xf32, #tpu.memory_space<hbm>> -> memref<8x1024xf32, #tpu.memory_space<hbm>>
      %dma_start3A_979 = arith.constant 0 : i32
      %dma_start3A_980 = arith.constant 0 : i32
      %dma_start3A_981 = tpu.memref_slice %arg9[%dma_start3A_979, %dma_start3A_980] : memref<32x1024xf32, #tpu.memory_space<vmem>> -> memref<8x1024xf32, #tpu.memory_space<vmem>>
      tpu.enqueue_dma source(%dma_start3A_981 : memref<8x1024xf32, #tpu.memory_space<vmem>>) target(%dma_start3A_978 : memref<8x1024xf32, #tpu.memory_space<hbm>>) target_semaphore(%arg16 : memref<!tpu.dma_semaphore, #tpu.memory_space<semaphore_mem>>)
      %dma_start3A_982 = arith.constant 8 : i32
      %dma_start3A_983 = arith.constant 0 : i32
      %dma_start3A_984 = tpu.memref_slice %arg9[%dma_start3A_982, %dma_start3A_983] : memref<32x1024xf32, #tpu.memory_space<vmem>> -> memref<8x1024xf32, #tpu.memory_space<vmem>>
      %dma_start3A_985 = arith.constant 0 : i32
      %dma_start3A_986 = tpu.memref_slice %arg6[%add3A_965, %dma_start3A_985] : memref<32768x1024xf32, #tpu.memory_space<hbm>> -> memref<8x1024xf32, #tpu.memory_space<hbm>>
      %dma_start3A_987 = arith.constant 0 : i32
      %dma_start3A_988 = tpu.memref_slice %arg6[%add3A_965, %dma_start3A_987] : memref<32768x1024xf32, #tpu.memory_space<hbm>> -> memref<8x1024xf32, #tpu.memory_space<hbm>>
      %dma_start3A_989 = arith.constant 8 : i32
      %dma_start3A_990 = arith.constant 0 : i32
      %dma_start3A_991 = tpu.memref_slice %arg9[%dma_start3A_989, %dma_start3A_990] : memref<32x1024xf32, #tpu.memory_space<vmem>> -> memref<8x1024xf32, #tpu.memory_space<vmem>>
      tpu.enqueue_dma source(%dma_start3A_991 : memref<8x1024xf32, #tpu.memory_space<vmem>>) target(%dma_start3A_988 : memref<8x1024xf32, #tpu.memory_space<hbm>>) target_semaphore(%arg16 : memref<!tpu.dma_semaphore, #tpu.memory_space<semaphore_mem>>)
      %dma_start3A_992 = arith.constant 16 : i32
      %dma_start3A_993 = arith.constant 0 : i32
      %dma_start3A_994 = tpu.memref_slice %arg9[%dma_start3A_992, %dma_start3A_993] : memref<32x1024xf32, #tpu.memory_space<vmem>> -> memref<8x1024xf32, #tpu.memory_space<vmem>>
      %dma_start3A_995 = arith.constant 0 : i32
      %dma_start3A_996 = tpu.memref_slice %arg6[%add3A_968, %dma_start3A_995] : memref<32768x1024xf32, #tpu.memory_space<hbm>> -> memref<8x1024xf32, #tpu.memory_space<hbm>>
      %dma_start3A_997 = arith.constant 0 : i32
      %dma_start3A_998 = tpu.memref_slice %arg6[%add3A_968, %dma_start3A_997] : memref<32768x1024xf32, #tpu.memory_space<hbm>> -> memref<8x1024xf32, #tpu.memory_space<hbm>>
      %dma_start3A_999 = arith.constant 16 : i32
      %dma_start3A_1000 = arith.constant 0 : i32
      %dma_start3A_1001 = tpu.memref_slice %arg9[%dma_start3A_999, %dma_start3A_1000] : memref<32x1024xf32, #tpu.memory_space<vmem>> -> memref<8x1024xf32, #tpu.memory_space<vmem>>
      tpu.enqueue_dma source(%dma_start3A_1001 : memref<8x1024xf32, #tpu.memory_space<vmem>>) target(%dma_start3A_998 : memref<8x1024xf32, #tpu.memory_space<hbm>>) target_semaphore(%arg16 : memref<!tpu.dma_semaphore, #tpu.memory_space<semaphore_mem>>)
      %dma_start3A_1002 = arith.constant 24 : i32
      %dma_start3A_1003 = arith.constant 0 : i32
      %dma_start3A_1004 = tpu.memref_slice %arg9[%dma_start3A_1002, %dma_start3A_1003] : memref<32x1024xf32, #tpu.memory_space<vmem>> -> memref<8x1024xf32, #tpu.memory_space<vmem>>
      %dma_start3A_1005 = arith.constant 0 : i32
      %dma_start3A_1006 = tpu.memref_slice %arg6[%add3A_971, %dma_start3A_1005] : memref<32768x1024xf32, #tpu.memory_space<hbm>> -> memref<8x1024xf32, #tpu.memory_space<hbm>>
      %dma_start3A_1007 = arith.constant 0 : i32
      %dma_start3A_1008 = tpu.memref_slice %arg6[%add3A_971, %dma_start3A_1007] : memref<32768x1024xf32, #tpu.memory_space<hbm>> -> memref<8x1024xf32, #tpu.memory_space<hbm>>
      %dma_start3A_1009 = arith.constant 24 : i32
      %dma_start3A_1010 = arith.constant 0 : i32
      %dma_start3A_1011 = tpu.memref_slice %arg9[%dma_start3A_1009, %dma_start3A_1010] : memref<32x1024xf32, #tpu.memory_space<vmem>> -> memref<8x1024xf32, #tpu.memory_space<vmem>>
      tpu.enqueue_dma source(%dma_start3A_1011 : memref<8x1024xf32, #tpu.memory_space<vmem>>) target(%dma_start3A_1008 : memref<8x1024xf32, #tpu.memory_space<hbm>>) target_semaphore(%arg16 : memref<!tpu.dma_semaphore, #tpu.memory_space<semaphore_mem>>)
      %add3A_1012 = arith.constant 2 : i32
      %add3A_1013 = arith.addi %add3A_575, %add3A_1012 : i32
      %mul3A_1014 = arith.constant 8 : i32
      %mul3A_1015 = arith.muli %add3A_1013, %mul3A_1014 : i32
      %multiple_of3A_1016 = tpu.assume_multiple %mul3A_1015, 8 : i32
      %add3A_1017 = arith.addi %mul3A_2, %multiple_of3A_1016 : i32
      %dma_wait3A_1018 = arith.constant 0 : i32
      %dma_wait3A_1019 = tpu.memref_slice %arg5[%add3A_1017, %dma_wait3A_1018] : memref<8192x1024xf32, #tpu.memory_space<hbm>> -> memref<8x1024xf32, #tpu.memory_space<hbm>>
      %dma_wait3A_1020 = arith.constant 0 : i32
      %dma_wait3A_1021 = tpu.memref_slice %arg5[%add3A_1017, %dma_wait3A_1020] : memref<8192x1024xf32, #tpu.memory_space<hbm>> -> memref<8x1024xf32, #tpu.memory_space<hbm>>
      tpu.wait_dma2 semaphore(%arg17 : memref<!tpu.dma_semaphore, #tpu.memory_space<semaphore_mem>>) src(%dma_wait3A_1021 : memref<8x1024xf32, #tpu.memory_space<hbm>>) dst(%arg12 : memref<8x1024xf32, #tpu.memory_space<vmem>>)
      %mul3A_1022 = arith.constant 8 : i32
      %mul3A_1023 = arith.muli %add3A_1013, %mul3A_1022 : i32
      %multiple_of3A_1024 = tpu.assume_multiple %mul3A_1023, 8 : i32
      %add3A_1025 = arith.constant 0 : i32
      %add3A_1026 = arith.addi %add3A_1025, %multiple_of3A_1024 : i32
      %add3A_1027 = arith.constant 256 : i32
      %add3A_1028 = arith.addi %add3A_1027, %multiple_of3A_1024 : i32
      %add3A_1029 = arith.constant 512 : i32
      %add3A_1030 = arith.addi %add3A_1029, %multiple_of3A_1024 : i32
      %add3A_1031 = arith.constant 768 : i32
      %add3A_1032 = arith.addi %add3A_1031, %multiple_of3A_1024 : i32
      %dma_wait3A_1033 = arith.constant 0 : i32
      %dma_wait3A_1034 = arith.constant 0 : i32
      %dma_wait3A_1035 = tpu.memref_slice %arg10[%dma_wait3A_1033, %dma_wait3A_1034] : memref<32x1024xf32, #tpu.memory_space<vmem>> -> memref<8x1024xf32, #tpu.memory_space<vmem>>
      %dma_wait3A_1036 = tpu.memref_slice %arg8[%add3A_1026] : memref<1024xi32, #tpu.memory_space<vmem>> -> memref<8xi32, #tpu.memory_space<vmem>>
      %dma_wait3A_1037 = arith.constant 0 : i32
      %dma_wait3A_1038 = arith.constant 0 : i32
      %dma_wait3A_1039 = tpu.memref_slice %arg4[%dma_wait3A_1037, %dma_wait3A_1038] : memref<100000x1024xf32, #tpu.memory_space<hbm>> -> memref<100000x1024xf32, #tpu.memory_space<hbm>>
      tpu.wait_indirect_dma semaphore(%arg15 : memref<!tpu.dma_semaphore, #tpu.memory_space<semaphore_mem>>) src(%dma_wait3A_1039 : memref<100000x1024xf32, #tpu.memory_space<hbm>>) dst(%dma_wait3A_1035 : memref<8x1024xf32, #tpu.memory_space<vmem>>)
      %dma_wait3A_1040 = arith.constant 8 : i32
      %dma_wait3A_1041 = arith.constant 0 : i32
      %dma_wait3A_1042 = tpu.memref_slice %arg10[%dma_wait3A_1040, %dma_wait3A_1041] : memref<32x1024xf32, #tpu.memory_space<vmem>> -> memref<8x1024xf32, #tpu.memory_space<vmem>>
      %dma_wait3A_1043 = tpu.memref_slice %arg8[%add3A_1028] : memref<1024xi32, #tpu.memory_space<vmem>> -> memref<8xi32, #tpu.memory_space<vmem>>
      %dma_wait3A_1044 = arith.constant 0 : i32
      %dma_wait3A_1045 = arith.constant 0 : i32
      %dma_wait3A_1046 = tpu.memref_slice %arg4[%dma_wait3A_1044, %dma_wait3A_1045] : memref<100000x1024xf32, #tpu.memory_space<hbm>> -> memref<100000x1024xf32, #tpu.memory_space<hbm>>
      tpu.wait_indirect_dma semaphore(%arg15 : memref<!tpu.dma_semaphore, #tpu.memory_space<semaphore_mem>>) src(%dma_wait3A_1046 : memref<100000x1024xf32, #tpu.memory_space<hbm>>) dst(%dma_wait3A_1042 : memref<8x1024xf32, #tpu.memory_space<vmem>>)
      %dma_wait3A_1047 = arith.constant 16 : i32
      %dma_wait3A_1048 = arith.constant 0 : i32
      %dma_wait3A_1049 = tpu.memref_slice %arg10[%dma_wait3A_1047, %dma_wait3A_1048] : memref<32x1024xf32, #tpu.memory_space<vmem>> -> memref<8x1024xf32, #tpu.memory_space<vmem>>
      %dma_wait3A_1050 = tpu.memref_slice %arg8[%add3A_1030] : memref<1024xi32, #tpu.memory_space<vmem>> -> memref<8xi32, #tpu.memory_space<vmem>>
      %dma_wait3A_1051 = arith.constant 0 : i32
      %dma_wait3A_1052 = arith.constant 0 : i32
      %dma_wait3A_1053 = tpu.memref_slice %arg4[%dma_wait3A_1051, %dma_wait3A_1052] : memref<100000x1024xf32, #tpu.memory_space<hbm>> -> memref<100000x1024xf32, #tpu.memory_space<hbm>>
      tpu.wait_indirect_dma semaphore(%arg15 : memref<!tpu.dma_semaphore, #tpu.memory_space<semaphore_mem>>) src(%dma_wait3A_1053 : memref<100000x1024xf32, #tpu.memory_space<hbm>>) dst(%dma_wait3A_1049 : memref<8x1024xf32, #tpu.memory_space<vmem>>)
      %dma_wait3A_1054 = arith.constant 24 : i32
      %dma_wait3A_1055 = arith.constant 0 : i32
      %dma_wait3A_1056 = tpu.memref_slice %arg10[%dma_wait3A_1054, %dma_wait3A_1055] : memref<32x1024xf32, #tpu.memory_space<vmem>> -> memref<8x1024xf32, #tpu.memory_space<vmem>>
      %dma_wait3A_1057 = tpu.memref_slice %arg8[%add3A_1032] : memref<1024xi32, #tpu.memory_space<vmem>> -> memref<8xi32, #tpu.memory_space<vmem>>
      %dma_wait3A_1058 = arith.constant 0 : i32
      %dma_wait3A_1059 = arith.constant 0 : i32
      %dma_wait3A_1060 = tpu.memref_slice %arg4[%dma_wait3A_1058, %dma_wait3A_1059] : memref<100000x1024xf32, #tpu.memory_space<hbm>> -> memref<100000x1024xf32, #tpu.memory_space<hbm>>
      tpu.wait_indirect_dma semaphore(%arg15 : memref<!tpu.dma_semaphore, #tpu.memory_space<semaphore_mem>>) src(%dma_wait3A_1060 : memref<100000x1024xf32, #tpu.memory_space<hbm>>) dst(%dma_wait3A_1056 : memref<8x1024xf32, #tpu.memory_space<vmem>>)
      %sub3A_1061 = arith.constant 2 : i32
      %sub3A_1062 = arith.subi %add3A_1013, %sub3A_1061 : i32
      %mul3A_1063 = arith.constant 8 : i32
      %mul3A_1064 = arith.muli %sub3A_1062, %mul3A_1063 : i32
      %multiple_of3A_1065 = tpu.assume_multiple %mul3A_1064, 8 : i32
      %add3A_1066 = arith.constant 0 : i32
      %add3A_1067 = arith.addi %add3A_1066, %mul3A_2 : i32
      %add3A_1068 = arith.addi %add3A_1067, %multiple_of3A_1065 : i32
      %add3A_1069 = arith.constant 8192 : i32
      %add3A_1070 = arith.addi %add3A_1069, %mul3A_2 : i32
      %add3A_1071 = arith.addi %add3A_1070, %multiple_of3A_1065 : i32
      %add3A_1072 = arith.constant 16384 : i32
      %add3A_1073 = arith.addi %add3A_1072, %mul3A_2 : i32
      %add3A_1074 = arith.addi %add3A_1073, %multiple_of3A_1065 : i32
      %add3A_1075 = arith.constant 24576 : i32
      %add3A_1076 = arith.addi %add3A_1075, %mul3A_2 : i32
      %add3A_1077 = arith.addi %add3A_1076, %multiple_of3A_1065 : i32
      %dma_wait3A_1078 = arith.constant 0 : i32
      %dma_wait3A_1079 = arith.constant 0 : i32
      %dma_wait3A_1080 = tpu.memref_slice %arg11[%dma_wait3A_1078, %dma_wait3A_1079] : memref<32x1024xf32, #tpu.memory_space<vmem>> -> memref<8x1024xf32, #tpu.memory_space<vmem>>
      %dma_wait3A_1081 = arith.constant 0 : i32
      %dma_wait3A_1082 = tpu.memref_slice %arg6[%add3A_1068, %dma_wait3A_1081] : memref<32768x1024xf32, #tpu.memory_space<hbm>> -> memref<8x1024xf32, #tpu.memory_space<hbm>>
      %dma_wait3A_1083 = arith.constant 0 : i32
      %dma_wait3A_1084 = tpu.memref_slice %arg6[%add3A_1068, %dma_wait3A_1083] : memref<32768x1024xf32, #tpu.memory_space<hbm>> -> memref<8x1024xf32, #tpu.memory_space<hbm>>
      %dma_wait3A_1085 = arith.constant 0 : i32
      %dma_wait3A_1086 = arith.constant 0 : i32
      %dma_wait3A_1087 = tpu.memref_slice %arg11[%dma_wait3A_1085, %dma_wait3A_1086] : memref<32x1024xf32, #tpu.memory_space<vmem>> -> memref<8x1024xf32, #tpu.memory_space<vmem>>
      tpu.wait_dma2 semaphore(%arg16 : memref<!tpu.dma_semaphore, #tpu.memory_space<semaphore_mem>>) src(%dma_wait3A_1087 : memref<8x1024xf32, #tpu.memory_space<vmem>>) dst(%dma_wait3A_1084 : memref<8x1024xf32, #tpu.memory_space<hbm>>)
      %dma_wait3A_1088 = arith.constant 8 : i32
      %dma_wait3A_1089 = arith.constant 0 : i32
      %dma_wait3A_1090 = tpu.memref_slice %arg11[%dma_wait3A_1088, %dma_wait3A_1089] : memref<32x1024xf32, #tpu.memory_space<vmem>> -> memref<8x1024xf32, #tpu.memory_space<vmem>>
      %dma_wait3A_1091 = arith.constant 0 : i32
      %dma_wait3A_1092 = tpu.memref_slice %arg6[%add3A_1071, %dma_wait3A_1091] : memref<32768x1024xf32, #tpu.memory_space<hbm>> -> memref<8x1024xf32, #tpu.memory_space<hbm>>
      %dma_wait3A_1093 = arith.constant 0 : i32
      %dma_wait3A_1094 = tpu.memref_slice %arg6[%add3A_1071, %dma_wait3A_1093] : memref<32768x1024xf32, #tpu.memory_space<hbm>> -> memref<8x1024xf32, #tpu.memory_space<hbm>>
      %dma_wait3A_1095 = arith.constant 8 : i32
      %dma_wait3A_1096 = arith.constant 0 : i32
      %dma_wait3A_1097 = tpu.memref_slice %arg11[%dma_wait3A_1095, %dma_wait3A_1096] : memref<32x1024xf32, #tpu.memory_space<vmem>> -> memref<8x1024xf32, #tpu.memory_space<vmem>>
      tpu.wait_dma2 semaphore(%arg16 : memref<!tpu.dma_semaphore, #tpu.memory_space<semaphore_mem>>) src(%dma_wait3A_1097 : memref<8x1024xf32, #tpu.memory_space<vmem>>) dst(%dma_wait3A_1094 : memref<8x1024xf32, #tpu.memory_space<hbm>>)
      %dma_wait3A_1098 = arith.constant 16 : i32
      %dma_wait3A_1099 = arith.constant 0 : i32
      %dma_wait3A_1100 = tpu.memref_slice %arg11[%dma_wait3A_1098, %dma_wait3A_1099] : memref<32x1024xf32, #tpu.memory_space<vmem>> -> memref<8x1024xf32, #tpu.memory_space<vmem>>
      %dma_wait3A_1101 = arith.constant 0 : i32
      %dma_wait3A_1102 = tpu.memref_slice %arg6[%add3A_1074, %dma_wait3A_1101] : memref<32768x1024xf32, #tpu.memory_space<hbm>> -> memref<8x1024xf32, #tpu.memory_space<hbm>>
      %dma_wait3A_1103 = arith.constant 0 : i32
      %dma_wait3A_1104 = tpu.memref_slice %arg6[%add3A_1074, %dma_wait3A_1103] : memref<32768x1024xf32, #tpu.memory_space<hbm>> -> memref<8x1024xf32, #tpu.memory_space<hbm>>
      %dma_wait3A_1105 = arith.constant 16 : i32
      %dma_wait3A_1106 = arith.constant 0 : i32
      %dma_wait3A_1107 = tpu.memref_slice %arg11[%dma_wait3A_1105, %dma_wait3A_1106] : memref<32x1024xf32, #tpu.memory_space<vmem>> -> memref<8x1024xf32, #tpu.memory_space<vmem>>
      tpu.wait_dma2 semaphore(%arg16 : memref<!tpu.dma_semaphore, #tpu.memory_space<semaphore_mem>>) src(%dma_wait3A_1107 : memref<8x1024xf32, #tpu.memory_space<vmem>>) dst(%dma_wait3A_1104 : memref<8x1024xf32, #tpu.memory_space<hbm>>)
      %dma_wait3A_1108 = arith.constant 24 : i32
      %dma_wait3A_1109 = arith.constant 0 : i32
      %dma_wait3A_1110 = tpu.memref_slice %arg11[%dma_wait3A_1108, %dma_wait3A_1109] : memref<32x1024xf32, #tpu.memory_space<vmem>> -> memref<8x1024xf32, #tpu.memory_space<vmem>>
      %dma_wait3A_1111 = arith.constant 0 : i32
      %dma_wait3A_1112 = tpu.memref_slice %arg6[%add3A_1077, %dma_wait3A_1111] : memref<32768x1024xf32, #tpu.memory_space<hbm>> -> memref<8x1024xf32, #tpu.memory_space<hbm>>
      %dma_wait3A_1113 = arith.constant 0 : i32
      %dma_wait3A_1114 = tpu.memref_slice %arg6[%add3A_1077, %dma_wait3A_1113] : memref<32768x1024xf32, #tpu.memory_space<hbm>> -> memref<8x1024xf32, #tpu.memory_space<hbm>>
      %dma_wait3A_1115 = arith.constant 24 : i32
      %dma_wait3A_1116 = arith.constant 0 : i32
      %dma_wait3A_1117 = tpu.memref_slice %arg11[%dma_wait3A_1115, %dma_wait3A_1116] : memref<32x1024xf32, #tpu.memory_space<vmem>> -> memref<8x1024xf32, #tpu.memory_space<vmem>>
      tpu.wait_dma2 semaphore(%arg16 : memref<!tpu.dma_semaphore, #tpu.memory_space<semaphore_mem>>) src(%dma_wait3A_1117 : memref<8x1024xf32, #tpu.memory_space<vmem>>) dst(%dma_wait3A_1114 : memref<8x1024xf32, #tpu.memory_space<hbm>>)
      %add3A_1118 = arith.constant 1 : i32
      %add3A_1119 = arith.addi %add3A_1013, %add3A_1118 : i32
      %min3A_1120 = arith.constant 31 : i32
      %min3A_1121 = arith.minsi %add3A_1119, %min3A_1120 : i32
      %mul3A_1122 = arith.constant 8 : i32
      %mul3A_1123 = arith.muli %min3A_1121, %mul3A_1122 : i32
      %multiple_of3A_1124 = tpu.assume_multiple %mul3A_1123, 8 : i32
      %add3A_1125 = arith.constant 0 : i32
      %add3A_1126 = arith.addi %add3A_1125, %multiple_of3A_1124 : i32
      %add3A_1127 = arith.constant 256 : i32
      %add3A_1128 = arith.addi %add3A_1127, %multiple_of3A_1124 : i32
      %add3A_1129 = arith.constant 512 : i32
      %add3A_1130 = arith.addi %add3A_1129, %multiple_of3A_1124 : i32
      %add3A_1131 = arith.constant 768 : i32
      %add3A_1132 = arith.addi %add3A_1131, %multiple_of3A_1124 : i32
      %dma_start3A_1133 = arith.constant 0 : i32
      %dma_start3A_1134 = arith.constant 0 : i32
      %dma_start3A_1135 = tpu.memref_slice %arg11[%dma_start3A_1133, %dma_start3A_1134] : memref<32x1024xf32, #tpu.memory_space<vmem>> -> memref<8x1024xf32, #tpu.memory_space<vmem>>
      %dma_start3A_1136 = tpu.memref_slice %arg8[%add3A_1126] : memref<1024xi32, #tpu.memory_space<vmem>> -> memref<8xi32, #tpu.memory_space<vmem>>
      %dma_start3A_1137 = arith.constant 0 : i32
      %dma_start3A_1138 = arith.constant 0 : i32
      %dma_start3A_1139 = tpu.memref_slice %arg4[%dma_start3A_1137, %dma_start3A_1138] : memref<100000x1024xf32, #tpu.memory_space<hbm>> -> memref<100000x1024xf32, #tpu.memory_space<hbm>>
      tpu.enqueue_indirect_dma source(%dma_start3A_1139 : memref<100000x1024xf32, #tpu.memory_space<hbm>>) target(%dma_start3A_1135 : memref<8x1024xf32, #tpu.memory_space<vmem>>) offsets(%dma_start3A_1136 : memref<8xi32, #tpu.memory_space<vmem>>) semaphore(%arg15 : memref<!tpu.dma_semaphore, #tpu.memory_space<semaphore_mem>>)
      %dma_start3A_1140 = arith.constant 8 : i32
      %dma_start3A_1141 = arith.constant 0 : i32
      %dma_start3A_1142 = tpu.memref_slice %arg11[%dma_start3A_1140, %dma_start3A_1141] : memref<32x1024xf32, #tpu.memory_space<vmem>> -> memref<8x1024xf32, #tpu.memory_space<vmem>>
      %dma_start3A_1143 = tpu.memref_slice %arg8[%add3A_1128] : memref<1024xi32, #tpu.memory_space<vmem>> -> memref<8xi32, #tpu.memory_space<vmem>>
      %dma_start3A_1144 = arith.constant 0 : i32
      %dma_start3A_1145 = arith.constant 0 : i32
      %dma_start3A_1146 = tpu.memref_slice %arg4[%dma_start3A_1144, %dma_start3A_1145] : memref<100000x1024xf32, #tpu.memory_space<hbm>> -> memref<100000x1024xf32, #tpu.memory_space<hbm>>
      tpu.enqueue_indirect_dma source(%dma_start3A_1146 : memref<100000x1024xf32, #tpu.memory_space<hbm>>) target(%dma_start3A_1142 : memref<8x1024xf32, #tpu.memory_space<vmem>>) offsets(%dma_start3A_1143 : memref<8xi32, #tpu.memory_space<vmem>>) semaphore(%arg15 : memref<!tpu.dma_semaphore, #tpu.memory_space<semaphore_mem>>)
      %dma_start3A_1147 = arith.constant 16 : i32
      %dma_start3A_1148 = arith.constant 0 : i32
      %dma_start3A_1149 = tpu.memref_slice %arg11[%dma_start3A_1147, %dma_start3A_1148] : memref<32x1024xf32, #tpu.memory_space<vmem>> -> memref<8x1024xf32, #tpu.memory_space<vmem>>
      %dma_start3A_1150 = tpu.memref_slice %arg8[%add3A_1130] : memref<1024xi32, #tpu.memory_space<vmem>> -> memref<8xi32, #tpu.memory_space<vmem>>
      %dma_start3A_1151 = arith.constant 0 : i32
      %dma_start3A_1152 = arith.constant 0 : i32
      %dma_start3A_1153 = tpu.memref_slice %arg4[%dma_start3A_1151, %dma_start3A_1152] : memref<100000x1024xf32, #tpu.memory_space<hbm>> -> memref<100000x1024xf32, #tpu.memory_space<hbm>>
      tpu.enqueue_indirect_dma source(%dma_start3A_1153 : memref<100000x1024xf32, #tpu.memory_space<hbm>>) target(%dma_start3A_1149 : memref<8x1024xf32, #tpu.memory_space<vmem>>) offsets(%dma_start3A_1150 : memref<8xi32, #tpu.memory_space<vmem>>) semaphore(%arg15 : memref<!tpu.dma_semaphore, #tpu.memory_space<semaphore_mem>>)
      %dma_start3A_1154 = arith.constant 24 : i32
      %dma_start3A_1155 = arith.constant 0 : i32
      %dma_start3A_1156 = tpu.memref_slice %arg11[%dma_start3A_1154, %dma_start3A_1155] : memref<32x1024xf32, #tpu.memory_space<vmem>> -> memref<8x1024xf32, #tpu.memory_space<vmem>>
      %dma_start3A_1157 = tpu.memref_slice %arg8[%add3A_1132] : memref<1024xi32, #tpu.memory_space<vmem>> -> memref<8xi32, #tpu.memory_space<vmem>>
      %dma_start3A_1158 = arith.constant 0 : i32
      %dma_start3A_1159 = arith.constant 0 : i32
      %dma_start3A_1160 = tpu.memref_slice %arg4[%dma_start3A_1158, %dma_start3A_1159] : memref<100000x1024xf32, #tpu.memory_space<hbm>> -> memref<100000x1024xf32, #tpu.memory_space<hbm>>
      tpu.enqueue_indirect_dma source(%dma_start3A_1160 : memref<100000x1024xf32, #tpu.memory_space<hbm>>) target(%dma_start3A_1156 : memref<8x1024xf32, #tpu.memory_space<vmem>>) offsets(%dma_start3A_1157 : memref<8xi32, #tpu.memory_space<vmem>>) semaphore(%arg15 : memref<!tpu.dma_semaphore, #tpu.memory_space<semaphore_mem>>)
      %parallel_loop3A_1161 = arith.constant 0 : i32
      %parallel_loop3A_1162 = arith.constant 8192 : i32
      %parallel_loop3A_1163 = arith.constant 16 : i32
      scf.for %parallel_loop3A_1888 = %parallel_loop3A_1161 to %parallel_loop3A_1162 step %parallel_loop3A_1163  : i32 {
        %parallel_loop3A_1889 = arith.constant 10 : i32
        %parallel_loop3A_1890 = arith.shrsi %parallel_loop3A_1888, %parallel_loop3A_1889 : i32
        %parallel_loop3A_1891 = arith.constant 1023 : i32
        %parallel_loop3A_1892 = arith.andi %parallel_loop3A_1888, %parallel_loop3A_1891 : i32
        %parallel_loop3A_1893 = tpu.assume_multiple %parallel_loop3A_1892, 16 : i32
        %parallel_loop3A_1894 = arith.index_cast %parallel_loop3A_1890 : i32 to index
        %parallel_loop3A_1895 = arith.index_cast %parallel_loop3A_1893 : i32 to index
        %parallel_loop3A_1896 = tpu.vector_load %arg12[%parallel_loop3A_1894, %parallel_loop3A_1895] {strides = array<i32>} : memref<8x1024xf32, #tpu.memory_space<vmem>>, vector<1x16xf32>,
        %parallel_loop3A_1897 = vector.shape_cast %parallel_loop3A_1896 : vector<1x16xf32> to vector<16xf32>
        %parallel_loop3A_1898 = arith.constant 0 : i32
        %parallel_loop3A_1899 = arith.addi %parallel_loop3A_1898, %parallel_loop3A_1890 : i32
        %parallel_loop3A_1900 = arith.index_cast %parallel_loop3A_1899 : i32 to index
        %parallel_loop3A_1901 = arith.index_cast %parallel_loop3A_1893 : i32 to index
        %parallel_loop3A_1902 = tpu.vector_load %arg10[%parallel_loop3A_1900, %parallel_loop3A_1901] {strides = array<i32>} : memref<32x1024xf32, #tpu.memory_space<vmem>>, vector<1x16xf32>,
        %parallel_loop3A_1903 = vector.shape_cast %parallel_loop3A_1902 : vector<1x16xf32> to vector<16xf32>
        %parallel_loop3A_1904 = arith.addf %parallel_loop3A_1903, %parallel_loop3A_1897 : vector<16xf32>
        %parallel_loop3A_1905 = arith.constant 0 : i32
        %parallel_loop3A_1906 = arith.addi %parallel_loop3A_1905, %parallel_loop3A_1890 : i32
        %parallel_loop3A_1907 = arith.index_cast %parallel_loop3A_1906 : i32 to index
        %parallel_loop3A_1908 = arith.index_cast %parallel_loop3A_1893 : i32 to index
        %parallel_loop3A_1909 = tpu.vector_load %arg10[%parallel_loop3A_1907, %parallel_loop3A_1908] {strides = array<i32>} : memref<32x1024xf32, #tpu.memory_space<vmem>>, vector<1x16xf32>,
        %parallel_loop3A_1910 = vector.shape_cast %parallel_loop3A_1909 : vector<1x16xf32> to vector<16xf32>
        %parallel_loop3A_1911 = vector.shape_cast %parallel_loop3A_1904 : vector<16xf32> to vector<1x16xf32>
        tpu.vector_store %arg10[%parallel_loop3A_1907, %parallel_loop3A_1908], %parallel_loop3A_1911 {strides = array<i32>} : memref<32x1024xf32, #tpu.memory_space<vmem>>, vector<1x16xf32>,
        %parallel_loop3A_1912 = arith.constant 8 : i32
        %parallel_loop3A_1913 = arith.addi %parallel_loop3A_1912, %parallel_loop3A_1890 : i32
        %parallel_loop3A_1914 = arith.index_cast %parallel_loop3A_1913 : i32 to index
        %parallel_loop3A_1915 = arith.index_cast %parallel_loop3A_1893 : i32 to index
        %parallel_loop3A_1916 = tpu.vector_load %arg10[%parallel_loop3A_1914, %parallel_loop3A_1915] {strides = array<i32>} : memref<32x1024xf32, #tpu.memory_space<vmem>>, vector<1x16xf32>,
        %parallel_loop3A_1917 = vector.shape_cast %parallel_loop3A_1916 : vector<1x16xf32> to vector<16xf32>
        %parallel_loop3A_1918 = arith.addf %parallel_loop3A_1917, %parallel_loop3A_1897 : vector<16xf32>
        %parallel_loop3A_1919 = arith.constant 8 : i32
        %parallel_loop3A_1920 = arith.addi %parallel_loop3A_1919, %parallel_loop3A_1890 : i32
        %parallel_loop3A_1921 = arith.index_cast %parallel_loop3A_1920 : i32 to index
        %parallel_loop3A_1922 = arith.index_cast %parallel_loop3A_1893 : i32 to index
        %parallel_loop3A_1923 = tpu.vector_load %arg10[%parallel_loop3A_1921, %parallel_loop3A_1922] {strides = array<i32>} : memref<32x1024xf32, #tpu.memory_space<vmem>>, vector<1x16xf32>,
        %parallel_loop3A_1924 = vector.shape_cast %parallel_loop3A_1923 : vector<1x16xf32> to vector<16xf32>
        %parallel_loop3A_1925 = vector.shape_cast %parallel_loop3A_1918 : vector<16xf32> to vector<1x16xf32>
        tpu.vector_store %arg10[%parallel_loop3A_1921, %parallel_loop3A_1922], %parallel_loop3A_1925 {strides = array<i32>} : memref<32x1024xf32, #tpu.memory_space<vmem>>, vector<1x16xf32>,
        %parallel_loop3A_1926 = arith.constant 16 : i32
        %parallel_loop3A_1927 = arith.addi %parallel_loop3A_1926, %parallel_loop3A_1890 : i32
        %parallel_loop3A_1928 = arith.index_cast %parallel_loop3A_1927 : i32 to index
        %parallel_loop3A_1929 = arith.index_cast %parallel_loop3A_1893 : i32 to index
        %parallel_loop3A_1930 = tpu.vector_load %arg10[%parallel_loop3A_1928, %parallel_loop3A_1929] {strides = array<i32>} : memref<32x1024xf32, #tpu.memory_space<vmem>>, vector<1x16xf32>,
        %parallel_loop3A_1931 = vector.shape_cast %parallel_loop3A_1930 : vector<1x16xf32> to vector<16xf32>
        %parallel_loop3A_1932 = arith.addf %parallel_loop3A_1931, %parallel_loop3A_1897 : vector<16xf32>
        %parallel_loop3A_1933 = arith.constant 16 : i32
        %parallel_loop3A_1934 = arith.addi %parallel_loop3A_1933, %parallel_loop3A_1890 : i32
        %parallel_loop3A_1935 = arith.index_cast %parallel_loop3A_1934 : i32 to index
        %parallel_loop3A_1936 = arith.index_cast %parallel_loop3A_1893 : i32 to index
        %parallel_loop3A_1937 = tpu.vector_load %arg10[%parallel_loop3A_1935, %parallel_loop3A_1936] {strides = array<i32>} : memref<32x1024xf32, #tpu.memory_space<vmem>>, vector<1x16xf32>,
        %parallel_loop3A_1938 = vector.shape_cast %parallel_loop3A_1937 : vector<1x16xf32> to vector<16xf32>
        %parallel_loop3A_1939 = vector.shape_cast %parallel_loop3A_1932 : vector<16xf32> to vector<1x16xf32>
        tpu.vector_store %arg10[%parallel_loop3A_1935, %parallel_loop3A_1936], %parallel_loop3A_1939 {strides = array<i32>} : memref<32x1024xf32, #tpu.memory_space<vmem>>, vector<1x16xf32>,
        %parallel_loop3A_1940 = arith.constant 24 : i32
        %parallel_loop3A_1941 = arith.addi %parallel_loop3A_1940, %parallel_loop3A_1890 : i32
        %parallel_loop3A_1942 = arith.index_cast %parallel_loop3A_1941 : i32 to index
        %parallel_loop3A_1943 = arith.index_cast %parallel_loop3A_1893 : i32 to index
        %parallel_loop3A_1944 = tpu.vector_load %arg10[%parallel_loop3A_1942, %parallel_loop3A_1943] {strides = array<i32>} : memref<32x1024xf32, #tpu.memory_space<vmem>>, vector<1x16xf32>,
        %parallel_loop3A_1945 = vector.shape_cast %parallel_loop3A_1944 : vector<1x16xf32> to vector<16xf32>
        %parallel_loop3A_1946 = arith.addf %parallel_loop3A_1945, %parallel_loop3A_1897 : vector<16xf32>
        %parallel_loop3A_1947 = arith.constant 24 : i32
        %parallel_loop3A_1948 = arith.addi %parallel_loop3A_1947, %parallel_loop3A_1890 : i32
        %parallel_loop3A_1949 = arith.index_cast %parallel_loop3A_1948 : i32 to index
        %parallel_loop3A_1950 = arith.index_cast %parallel_loop3A_1893 : i32 to index
        %parallel_loop3A_1951 = tpu.vector_load %arg10[%parallel_loop3A_1949, %parallel_loop3A_1950] {strides = array<i32>} : memref<32x1024xf32, #tpu.memory_space<vmem>>, vector<1x16xf32>,
        %parallel_loop3A_1952 = vector.shape_cast %parallel_loop3A_1951 : vector<1x16xf32> to vector<16xf32>
        %parallel_loop3A_1953 = vector.shape_cast %parallel_loop3A_1946 : vector<16xf32> to vector<1x16xf32>
        tpu.vector_store %arg10[%parallel_loop3A_1949, %parallel_loop3A_1950], %parallel_loop3A_1953 {strides = array<i32>} : memref<32x1024xf32, #tpu.memory_space<vmem>>, vector<1x16xf32>,
      } {sc.loop_unroll_factor = 8 : i64, sc.parallel_access}
      %add3A_1164 = arith.constant 2 : i32
      %add3A_1165 = arith.addi %add3A_1013, %add3A_1164 : i32
      %min3A_1166 = arith.constant 31 : i32
      %min3A_1167 = arith.minsi %add3A_1165, %min3A_1166 : i32
      %mul3A_1168 = arith.constant 8 : i32
      %mul3A_1169 = arith.muli %min3A_1167, %mul3A_1168 : i32
      %multiple_of3A_1170 = tpu.assume_multiple %mul3A_1169, 8 : i32
      %add3A_1171 = arith.addi %mul3A_2, %multiple_of3A_1170 : i32
      %dma_start3A_1172 = arith.constant 0 : i32
      %dma_start3A_1173 = tpu.memref_slice %arg5[%add3A_1171, %dma_start3A_1172] : memref<8192x1024xf32, #tpu.memory_space<hbm>> -> memref<8x1024xf32, #tpu.memory_space<hbm>>
      %dma_start3A_1174 = arith.constant 0 : i32
      %dma_start3A_1175 = tpu.memref_slice %arg5[%add3A_1171, %dma_start3A_1174] : memref<8192x1024xf32, #tpu.memory_space<hbm>> -> memref<8x1024xf32, #tpu.memory_space<hbm>>
      tpu.enqueue_dma source(%dma_start3A_1175 : memref<8x1024xf32, #tpu.memory_space<hbm>>) target(%arg12 : memref<8x1024xf32, #tpu.memory_space<vmem>>) target_semaphore(%arg17 : memref<!tpu.dma_semaphore, #tpu.memory_space<semaphore_mem>>)
      %mul3A_1176 = arith.constant 8 : i32
      %mul3A_1177 = arith.muli %add3A_1013, %mul3A_1176 : i32
      %multiple_of3A_1178 = tpu.assume_multiple %mul3A_1177, 8 : i32
      %add3A_1179 = arith.constant 0 : i32
      %add3A_1180 = arith.addi %add3A_1179, %mul3A_2 : i32
      %add3A_1181 = arith.addi %add3A_1180, %multiple_of3A_1178 : i32
      %add3A_1182 = arith.constant 8192 : i32
      %add3A_1183 = arith.addi %add3A_1182, %mul3A_2 : i32
      %add3A_1184 = arith.addi %add3A_1183, %multiple_of3A_1178 : i32
      %add3A_1185 = arith.constant 16384 : i32
      %add3A_1186 = arith.addi %add3A_1185, %mul3A_2 : i32
      %add3A_1187 = arith.addi %add3A_1186, %multiple_of3A_1178 : i32
      %add3A_1188 = arith.constant 24576 : i32
      %add3A_1189 = arith.addi %add3A_1188, %mul3A_2 : i32
      %add3A_1190 = arith.addi %add3A_1189, %multiple_of3A_1178 : i32
      %dma_start3A_1191 = arith.constant 0 : i32
      %dma_start3A_1192 = arith.constant 0 : i32
      %dma_start3A_1193 = tpu.memref_slice %arg10[%dma_start3A_1191, %dma_start3A_1192] : memref<32x1024xf32, #tpu.memory_space<vmem>> -> memref<8x1024xf32, #tpu.memory_space<vmem>>
      %dma_start3A_1194 = arith.constant 0 : i32
      %dma_start3A_1195 = tpu.memref_slice %arg6[%add3A_1181, %dma_start3A_1194] : memref<32768x1024xf32, #tpu.memory_space<hbm>> -> memref<8x1024xf32, #tpu.memory_space<hbm>>
      %dma_start3A_1196 = arith.constant 0 : i32
      %dma_start3A_1197 = tpu.memref_slice %arg6[%add3A_1181, %dma_start3A_1196] : memref<32768x1024xf32, #tpu.memory_space<hbm>> -> memref<8x1024xf32, #tpu.memory_space<hbm>>
      %dma_start3A_1198 = arith.constant 0 : i32
      %dma_start3A_1199 = arith.constant 0 : i32
      %dma_start3A_1200 = tpu.memref_slice %arg10[%dma_start3A_1198, %dma_start3A_1199] : memref<32x1024xf32, #tpu.memory_space<vmem>> -> memref<8x1024xf32, #tpu.memory_space<vmem>>
      tpu.enqueue_dma source(%dma_start3A_1200 : memref<8x1024xf32, #tpu.memory_space<vmem>>) target(%dma_start3A_1197 : memref<8x1024xf32, #tpu.memory_space<hbm>>) target_semaphore(%arg16 : memref<!tpu.dma_semaphore, #tpu.memory_space<semaphore_mem>>)
      %dma_start3A_1201 = arith.constant 8 : i32
      %dma_start3A_1202 = arith.constant 0 : i32
      %dma_start3A_1203 = tpu.memref_slice %arg10[%dma_start3A_1201, %dma_start3A_1202] : memref<32x1024xf32, #tpu.memory_space<vmem>> -> memref<8x1024xf32, #tpu.memory_space<vmem>>
      %dma_start3A_1204 = arith.constant 0 : i32
      %dma_start3A_1205 = tpu.memref_slice %arg6[%add3A_1184, %dma_start3A_1204] : memref<32768x1024xf32, #tpu.memory_space<hbm>> -> memref<8x1024xf32, #tpu.memory_space<hbm>>
      %dma_start3A_1206 = arith.constant 0 : i32
      %dma_start3A_1207 = tpu.memref_slice %arg6[%add3A_1184, %dma_start3A_1206] : memref<32768x1024xf32, #tpu.memory_space<hbm>> -> memref<8x1024xf32, #tpu.memory_space<hbm>>
      %dma_start3A_1208 = arith.constant 8 : i32
      %dma_start3A_1209 = arith.constant 0 : i32
      %dma_start3A_1210 = tpu.memref_slice %arg10[%dma_start3A_1208, %dma_start3A_1209] : memref<32x1024xf32, #tpu.memory_space<vmem>> -> memref<8x1024xf32, #tpu.memory_space<vmem>>
      tpu.enqueue_dma source(%dma_start3A_1210 : memref<8x1024xf32, #tpu.memory_space<vmem>>) target(%dma_start3A_1207 : memref<8x1024xf32, #tpu.memory_space<hbm>>) target_semaphore(%arg16 : memref<!tpu.dma_semaphore, #tpu.memory_space<semaphore_mem>>)
      %dma_start3A_1211 = arith.constant 16 : i32
      %dma_start3A_1212 = arith.constant 0 : i32
      %dma_start3A_1213 = tpu.memref_slice %arg10[%dma_start3A_1211, %dma_start3A_1212] : memref<32x1024xf32, #tpu.memory_space<vmem>> -> memref<8x1024xf32, #tpu.memory_space<vmem>>
      %dma_start3A_1214 = arith.constant 0 : i32
      %dma_start3A_1215 = tpu.memref_slice %arg6[%add3A_1187, %dma_start3A_1214] : memref<32768x1024xf32, #tpu.memory_space<hbm>> -> memref<8x1024xf32, #tpu.memory_space<hbm>>
      %dma_start3A_1216 = arith.constant 0 : i32
      %dma_start3A_1217 = tpu.memref_slice %arg6[%add3A_1187, %dma_start3A_1216] : memref<32768x1024xf32, #tpu.memory_space<hbm>> -> memref<8x1024xf32, #tpu.memory_space<hbm>>
      %dma_start3A_1218 = arith.constant 16 : i32
      %dma_start3A_1219 = arith.constant 0 : i32
      %dma_start3A_1220 = tpu.memref_slice %arg10[%dma_start3A_1218, %dma_start3A_1219] : memref<32x1024xf32, #tpu.memory_space<vmem>> -> memref<8x1024xf32, #tpu.memory_space<vmem>>
      tpu.enqueue_dma source(%dma_start3A_1220 : memref<8x1024xf32, #tpu.memory_space<vmem>>) target(%dma_start3A_1217 : memref<8x1024xf32, #tpu.memory_space<hbm>>) target_semaphore(%arg16 : memref<!tpu.dma_semaphore, #tpu.memory_space<semaphore_mem>>)
      %dma_start3A_1221 = arith.constant 24 : i32
      %dma_start3A_1222 = arith.constant 0 : i32
      %dma_start3A_1223 = tpu.memref_slice %arg10[%dma_start3A_1221, %dma_start3A_1222] : memref<32x1024xf32, #tpu.memory_space<vmem>> -> memref<8x1024xf32, #tpu.memory_space<vmem>>
      %dma_start3A_1224 = arith.constant 0 : i32
      %dma_start3A_1225 = tpu.memref_slice %arg6[%add3A_1190, %dma_start3A_1224] : memref<32768x1024xf32, #tpu.memory_space<hbm>> -> memref<8x1024xf32, #tpu.memory_space<hbm>>
      %dma_start3A_1226 = arith.constant 0 : i32
      %dma_start3A_1227 = tpu.memref_slice %arg6[%add3A_1190, %dma_start3A_1226] : memref<32768x1024xf32, #tpu.memory_space<hbm>> -> memref<8x1024xf32, #tpu.memory_space<hbm>>
      %dma_start3A_1228 = arith.constant 24 : i32
      %dma_start3A_1229 = arith.constant 0 : i32
      %dma_start3A_1230 = tpu.memref_slice %arg10[%dma_start3A_1228, %dma_start3A_1229] : memref<32x1024xf32, #tpu.memory_space<vmem>> -> memref<8x1024xf32, #tpu.memory_space<vmem>>
      tpu.enqueue_dma source(%dma_start3A_1230 : memref<8x1024xf32, #tpu.memory_space<vmem>>) target(%dma_start3A_1227 : memref<8x1024xf32, #tpu.memory_space<hbm>>) target_semaphore(%arg16 : memref<!tpu.dma_semaphore, #tpu.memory_space<semaphore_mem>>)
      %add3A_1231 = arith.constant 3 : i32
      %add3A_1232 = arith.addi %add3A_575, %add3A_1231 : i32
      %mul3A_1233 = arith.constant 8 : i32
      %mul3A_1234 = arith.muli %add3A_1232, %mul3A_1233 : i32
      %multiple_of3A_1235 = tpu.assume_multiple %mul3A_1234, 8 : i32
      %add3A_1236 = arith.addi %mul3A_2, %multiple_of3A_1235 : i32
      %dma_wait3A_1237 = arith.constant 0 : i32
      %dma_wait3A_1238 = tpu.memref_slice %arg5[%add3A_1236, %dma_wait3A_1237] : memref<8192x1024xf32, #tpu.memory_space<hbm>> -> memref<8x1024xf32, #tpu.memory_space<hbm>>
      %dma_wait3A_1239 = arith.constant 0 : i32
      %dma_wait3A_1240 = tpu.memref_slice %arg5[%add3A_1236, %dma_wait3A_1239] : memref<8192x1024xf32, #tpu.memory_space<hbm>> -> memref<8x1024xf32, #tpu.memory_space<hbm>>
      tpu.wait_dma2 semaphore(%arg17 : memref<!tpu.dma_semaphore, #tpu.memory_space<semaphore_mem>>) src(%dma_wait3A_1240 : memref<8x1024xf32, #tpu.memory_space<hbm>>) dst(%arg13 : memref<8x1024xf32, #tpu.memory_space<vmem>>)
      %mul3A_1241 = arith.constant 8 : i32
      %mul3A_1242 = arith.muli %add3A_1232, %mul3A_1241 : i32
      %multiple_of3A_1243 = tpu.assume_multiple %mul3A_1242, 8 : i32
      %add3A_1244 = arith.constant 0 : i32
      %add3A_1245 = arith.addi %add3A_1244, %multiple_of3A_1243 : i32
      %add3A_1246 = arith.constant 256 : i32
      %add3A_1247 = arith.addi %add3A_1246, %multiple_of3A_1243 : i32
      %add3A_1248 = arith.constant 512 : i32
      %add3A_1249 = arith.addi %add3A_1248, %multiple_of3A_1243 : i32
      %add3A_1250 = arith.constant 768 : i32
      %add3A_1251 = arith.addi %add3A_1250, %multiple_of3A_1243 : i32
      %dma_wait3A_1252 = arith.constant 0 : i32
      %dma_wait3A_1253 = arith.constant 0 : i32
      %dma_wait3A_1254 = tpu.memref_slice %arg11[%dma_wait3A_1252, %dma_wait3A_1253] : memref<32x1024xf32, #tpu.memory_space<vmem>> -> memref<8x1024xf32, #tpu.memory_space<vmem>>
      %dma_wait3A_1255 = tpu.memref_slice %arg8[%add3A_1245] : memref<1024xi32, #tpu.memory_space<vmem>> -> memref<8xi32, #tpu.memory_space<vmem>>
      %dma_wait3A_1256 = arith.constant 0 : i32
      %dma_wait3A_1257 = arith.constant 0 : i32
      %dma_wait3A_1258 = tpu.memref_slice %arg4[%dma_wait3A_1256, %dma_wait3A_1257] : memref<100000x1024xf32, #tpu.memory_space<hbm>> -> memref<100000x1024xf32, #tpu.memory_space<hbm>>
      tpu.wait_indirect_dma semaphore(%arg15 : memref<!tpu.dma_semaphore, #tpu.memory_space<semaphore_mem>>) src(%dma_wait3A_1258 : memref<100000x1024xf32, #tpu.memory_space<hbm>>) dst(%dma_wait3A_1254 : memref<8x1024xf32, #tpu.memory_space<vmem>>)
      %dma_wait3A_1259 = arith.constant 8 : i32
      %dma_wait3A_1260 = arith.constant 0 : i32
      %dma_wait3A_1261 = tpu.memref_slice %arg11[%dma_wait3A_1259, %dma_wait3A_1260] : memref<32x1024xf32, #tpu.memory_space<vmem>> -> memref<8x1024xf32, #tpu.memory_space<vmem>>
      %dma_wait3A_1262 = tpu.memref_slice %arg8[%add3A_1247] : memref<1024xi32, #tpu.memory_space<vmem>> -> memref<8xi32, #tpu.memory_space<vmem>>
      %dma_wait3A_1263 = arith.constant 0 : i32
      %dma_wait3A_1264 = arith.constant 0 : i32
      %dma_wait3A_1265 = tpu.memref_slice %arg4[%dma_wait3A_1263, %dma_wait3A_1264] : memref<100000x1024xf32, #tpu.memory_space<hbm>> -> memref<100000x1024xf32, #tpu.memory_space<hbm>>
      tpu.wait_indirect_dma semaphore(%arg15 : memref<!tpu.dma_semaphore, #tpu.memory_space<semaphore_mem>>) src(%dma_wait3A_1265 : memref<100000x1024xf32, #tpu.memory_space<hbm>>) dst(%dma_wait3A_1261 : memref<8x1024xf32, #tpu.memory_space<vmem>>)
      %dma_wait3A_1266 = arith.constant 16 : i32
      %dma_wait3A_1267 = arith.constant 0 : i32
      %dma_wait3A_1268 = tpu.memref_slice %arg11[%dma_wait3A_1266, %dma_wait3A_1267] : memref<32x1024xf32, #tpu.memory_space<vmem>> -> memref<8x1024xf32, #tpu.memory_space<vmem>>
      %dma_wait3A_1269 = tpu.memref_slice %arg8[%add3A_1249] : memref<1024xi32, #tpu.memory_space<vmem>> -> memref<8xi32, #tpu.memory_space<vmem>>
      %dma_wait3A_1270 = arith.constant 0 : i32
      %dma_wait3A_1271 = arith.constant 0 : i32
      %dma_wait3A_1272 = tpu.memref_slice %arg4[%dma_wait3A_1270, %dma_wait3A_1271] : memref<100000x1024xf32, #tpu.memory_space<hbm>> -> memref<100000x1024xf32, #tpu.memory_space<hbm>>
      tpu.wait_indirect_dma semaphore(%arg15 : memref<!tpu.dma_semaphore, #tpu.memory_space<semaphore_mem>>) src(%dma_wait3A_1272 : memref<100000x1024xf32, #tpu.memory_space<hbm>>) dst(%dma_wait3A_1268 : memref<8x1024xf32, #tpu.memory_space<vmem>>)
      %dma_wait3A_1273 = arith.constant 24 : i32
      %dma_wait3A_1274 = arith.constant 0 : i32
      %dma_wait3A_1275 = tpu.memref_slice %arg11[%dma_wait3A_1273, %dma_wait3A_1274] : memref<32x1024xf32, #tpu.memory_space<vmem>> -> memref<8x1024xf32, #tpu.memory_space<vmem>>
      %dma_wait3A_1276 = tpu.memref_slice %arg8[%add3A_1251] : memref<1024xi32, #tpu.memory_space<vmem>> -> memref<8xi32, #tpu.memory_space<vmem>>
      %dma_wait3A_1277 = arith.constant 0 : i32
      %dma_wait3A_1278 = arith.constant 0 : i32
      %dma_wait3A_1279 = tpu.memref_slice %arg4[%dma_wait3A_1277, %dma_wait3A_1278] : memref<100000x1024xf32, #tpu.memory_space<hbm>> -> memref<100000x1024xf32, #tpu.memory_space<hbm>>
      tpu.wait_indirect_dma semaphore(%arg15 : memref<!tpu.dma_semaphore, #tpu.memory_space<semaphore_mem>>) src(%dma_wait3A_1279 : memref<100000x1024xf32, #tpu.memory_space<hbm>>) dst(%dma_wait3A_1275 : memref<8x1024xf32, #tpu.memory_space<vmem>>)
      %sub3A_1280 = arith.constant 2 : i32
      %sub3A_1281 = arith.subi %add3A_1232, %sub3A_1280 : i32
      %mul3A_1282 = arith.constant 8 : i32
      %mul3A_1283 = arith.muli %sub3A_1281, %mul3A_1282 : i32
      %multiple_of3A_1284 = tpu.assume_multiple %mul3A_1283, 8 : i32
      %add3A_1285 = arith.constant 0 : i32
      %add3A_1286 = arith.addi %add3A_1285, %mul3A_2 : i32
      %add3A_1287 = arith.addi %add3A_1286, %multiple_of3A_1284 : i32
      %add3A_1288 = arith.constant 8192 : i32
      %add3A_1289 = arith.addi %add3A_1288, %mul3A_2 : i32
      %add3A_1290 = arith.addi %add3A_1289, %multiple_of3A_1284 : i32
      %add3A_1291 = arith.constant 16384 : i32
      %add3A_1292 = arith.addi %add3A_1291, %mul3A_2 : i32
      %add3A_1293 = arith.addi %add3A_1292, %multiple_of3A_1284 : i32
      %add3A_1294 = arith.constant 24576 : i32
      %add3A_1295 = arith.addi %add3A_1294, %mul3A_2 : i32
      %add3A_1296 = arith.addi %add3A_1295, %multiple_of3A_1284 : i32
      %dma_wait3A_1297 = arith.constant 0 : i32
      %dma_wait3A_1298 = arith.constant 0 : i32
      %dma_wait3A_1299 = tpu.memref_slice %arg9[%dma_wait3A_1297, %dma_wait3A_1298] : memref<32x1024xf32, #tpu.memory_space<vmem>> -> memref<8x1024xf32, #tpu.memory_space<vmem>>
      %dma_wait3A_1300 = arith.constant 0 : i32
      %dma_wait3A_1301 = tpu.memref_slice %arg6[%add3A_1287, %dma_wait3A_1300] : memref<32768x1024xf32, #tpu.memory_space<hbm>> -> memref<8x1024xf32, #tpu.memory_space<hbm>>
      %dma_wait3A_1302 = arith.constant 0 : i32
      %dma_wait3A_1303 = tpu.memref_slice %arg6[%add3A_1287, %dma_wait3A_1302] : memref<32768x1024xf32, #tpu.memory_space<hbm>> -> memref<8x1024xf32, #tpu.memory_space<hbm>>
      %dma_wait3A_1304 = arith.constant 0 : i32
      %dma_wait3A_1305 = arith.constant 0 : i32
      %dma_wait3A_1306 = tpu.memref_slice %arg9[%dma_wait3A_1304, %dma_wait3A_1305] : memref<32x1024xf32, #tpu.memory_space<vmem>> -> memref<8x1024xf32, #tpu.memory_space<vmem>>
      tpu.wait_dma2 semaphore(%arg16 : memref<!tpu.dma_semaphore, #tpu.memory_space<semaphore_mem>>) src(%dma_wait3A_1306 : memref<8x1024xf32, #tpu.memory_space<vmem>>) dst(%dma_wait3A_1303 : memref<8x1024xf32, #tpu.memory_space<hbm>>)
      %dma_wait3A_1307 = arith.constant 8 : i32
      %dma_wait3A_1308 = arith.constant 0 : i32
      %dma_wait3A_1309 = tpu.memref_slice %arg9[%dma_wait3A_1307, %dma_wait3A_1308] : memref<32x1024xf32, #tpu.memory_space<vmem>> -> memref<8x1024xf32, #tpu.memory_space<vmem>>
      %dma_wait3A_1310 = arith.constant 0 : i32
      %dma_wait3A_1311 = tpu.memref_slice %arg6[%add3A_1290, %dma_wait3A_1310] : memref<32768x1024xf32, #tpu.memory_space<hbm>> -> memref<8x1024xf32, #tpu.memory_space<hbm>>
      %dma_wait3A_1312 = arith.constant 0 : i32
      %dma_wait3A_1313 = tpu.memref_slice %arg6[%add3A_1290, %dma_wait3A_1312] : memref<32768x1024xf32, #tpu.memory_space<hbm>> -> memref<8x1024xf32, #tpu.memory_space<hbm>>
      %dma_wait3A_1314 = arith.constant 8 : i32
      %dma_wait3A_1315 = arith.constant 0 : i32
      %dma_wait3A_1316 = tpu.memref_slice %arg9[%dma_wait3A_1314, %dma_wait3A_1315] : memref<32x1024xf32, #tpu.memory_space<vmem>> -> memref<8x1024xf32, #tpu.memory_space<vmem>>
      tpu.wait_dma2 semaphore(%arg16 : memref<!tpu.dma_semaphore, #tpu.memory_space<semaphore_mem>>) src(%dma_wait3A_1316 : memref<8x1024xf32, #tpu.memory_space<vmem>>) dst(%dma_wait3A_1313 : memref<8x1024xf32, #tpu.memory_space<hbm>>)
      %dma_wait3A_1317 = arith.constant 16 : i32
      %dma_wait3A_1318 = arith.constant 0 : i32
      %dma_wait3A_1319 = tpu.memref_slice %arg9[%dma_wait3A_1317, %dma_wait3A_1318] : memref<32x1024xf32, #tpu.memory_space<vmem>> -> memref<8x1024xf32, #tpu.memory_space<vmem>>
      %dma_wait3A_1320 = arith.constant 0 : i32
      %dma_wait3A_1321 = tpu.memref_slice %arg6[%add3A_1293, %dma_wait3A_1320] : memref<32768x1024xf32, #tpu.memory_space<hbm>> -> memref<8x1024xf32, #tpu.memory_space<hbm>>
      %dma_wait3A_1322 = arith.constant 0 : i32
      %dma_wait3A_1323 = tpu.memref_slice %arg6[%add3A_1293, %dma_wait3A_1322] : memref<32768x1024xf32, #tpu.memory_space<hbm>> -> memref<8x1024xf32, #tpu.memory_space<hbm>>
      %dma_wait3A_1324 = arith.constant 16 : i32
      %dma_wait3A_1325 = arith.constant 0 : i32
      %dma_wait3A_1326 = tpu.memref_slice %arg9[%dma_wait3A_1324, %dma_wait3A_1325] : memref<32x1024xf32, #tpu.memory_space<vmem>> -> memref<8x1024xf32, #tpu.memory_space<vmem>>
      tpu.wait_dma2 semaphore(%arg16 : memref<!tpu.dma_semaphore, #tpu.memory_space<semaphore_mem>>) src(%dma_wait3A_1326 : memref<8x1024xf32, #tpu.memory_space<vmem>>) dst(%dma_wait3A_1323 : memref<8x1024xf32, #tpu.memory_space<hbm>>)
      %dma_wait3A_1327 = arith.constant 24 : i32
      %dma_wait3A_1328 = arith.constant 0 : i32
      %dma_wait3A_1329 = tpu.memref_slice %arg9[%dma_wait3A_1327, %dma_wait3A_1328] : memref<32x1024xf32, #tpu.memory_space<vmem>> -> memref<8x1024xf32, #tpu.memory_space<vmem>>
      %dma_wait3A_1330 = arith.constant 0 : i32
      %dma_wait3A_1331 = tpu.memref_slice %arg6[%add3A_1296, %dma_wait3A_1330] : memref<32768x1024xf32, #tpu.memory_space<hbm>> -> memref<8x1024xf32, #tpu.memory_space<hbm>>
      %dma_wait3A_1332 = arith.constant 0 : i32
      %dma_wait3A_1333 = tpu.memref_slice %arg6[%add3A_1296, %dma_wait3A_1332] : memref<32768x1024xf32, #tpu.memory_space<hbm>> -> memref<8x1024xf32, #tpu.memory_space<hbm>>
      %dma_wait3A_1334 = arith.constant 24 : i32
      %dma_wait3A_1335 = arith.constant 0 : i32
      %dma_wait3A_1336 = tpu.memref_slice %arg9[%dma_wait3A_1334, %dma_wait3A_1335] : memref<32x1024xf32, #tpu.memory_space<vmem>> -> memref<8x1024xf32, #tpu.memory_space<vmem>>
      tpu.wait_dma2 semaphore(%arg16 : memref<!tpu.dma_semaphore, #tpu.memory_space<semaphore_mem>>) src(%dma_wait3A_1336 : memref<8x1024xf32, #tpu.memory_space<vmem>>) dst(%dma_wait3A_1333 : memref<8x1024xf32, #tpu.memory_space<hbm>>)
      %add3A_1337 = arith.constant 1 : i32
      %add3A_1338 = arith.addi %add3A_1232, %add3A_1337 : i32
      %min3A_1339 = arith.constant 31 : i32
      %min3A_1340 = arith.minsi %add3A_1338, %min3A_1339 : i32
      %mul3A_1341 = arith.constant 8 : i32
      %mul3A_1342 = arith.muli %min3A_1340, %mul3A_1341 : i32
      %multiple_of3A_1343 = tpu.assume_multiple %mul3A_1342, 8 : i32
      %add3A_1344 = arith.constant 0 : i32
      %add3A_1345 = arith.addi %add3A_1344, %multiple_of3A_1343 : i32
      %add3A_1346 = arith.constant 256 : i32
      %add3A_1347 = arith.addi %add3A_1346, %multiple_of3A_1343 : i32
      %add3A_1348 = arith.constant 512 : i32
      %add3A_1349 = arith.addi %add3A_1348, %multiple_of3A_1343 : i32
      %add3A_1350 = arith.constant 768 : i32
      %add3A_1351 = arith.addi %add3A_1350, %multiple_of3A_1343 : i32
      %dma_start3A_1352 = arith.constant 0 : i32
      %dma_start3A_1353 = arith.constant 0 : i32
      %dma_start3A_1354 = tpu.memref_slice %arg9[%dma_start3A_1352, %dma_start3A_1353] : memref<32x1024xf32, #tpu.memory_space<vmem>> -> memref<8x1024xf32, #tpu.memory_space<vmem>>
      %dma_start3A_1355 = tpu.memref_slice %arg8[%add3A_1345] : memref<1024xi32, #tpu.memory_space<vmem>> -> memref<8xi32, #tpu.memory_space<vmem>>
      %dma_start3A_1356 = arith.constant 0 : i32
      %dma_start3A_1357 = arith.constant 0 : i32
      %dma_start3A_1358 = tpu.memref_slice %arg4[%dma_start3A_1356, %dma_start3A_1357] : memref<100000x1024xf32, #tpu.memory_space<hbm>> -> memref<100000x1024xf32, #tpu.memory_space<hbm>>
      tpu.enqueue_indirect_dma source(%dma_start3A_1358 : memref<100000x1024xf32, #tpu.memory_space<hbm>>) target(%dma_start3A_1354 : memref<8x1024xf32, #tpu.memory_space<vmem>>) offsets(%dma_start3A_1355 : memref<8xi32, #tpu.memory_space<vmem>>) semaphore(%arg15 : memref<!tpu.dma_semaphore, #tpu.memory_space<semaphore_mem>>)
      %dma_start3A_1359 = arith.constant 8 : i32
      %dma_start3A_1360 = arith.constant 0 : i32
      %dma_start3A_1361 = tpu.memref_slice %arg9[%dma_start3A_1359, %dma_start3A_1360] : memref<32x1024xf32, #tpu.memory_space<vmem>> -> memref<8x1024xf32, #tpu.memory_space<vmem>>
      %dma_start3A_1362 = tpu.memref_slice %arg8[%add3A_1347] : memref<1024xi32, #tpu.memory_space<vmem>> -> memref<8xi32, #tpu.memory_space<vmem>>
      %dma_start3A_1363 = arith.constant 0 : i32
      %dma_start3A_1364 = arith.constant 0 : i32
      %dma_start3A_1365 = tpu.memref_slice %arg4[%dma_start3A_1363, %dma_start3A_1364] : memref<100000x1024xf32, #tpu.memory_space<hbm>> -> memref<100000x1024xf32, #tpu.memory_space<hbm>>
      tpu.enqueue_indirect_dma source(%dma_start3A_1365 : memref<100000x1024xf32, #tpu.memory_space<hbm>>) target(%dma_start3A_1361 : memref<8x1024xf32, #tpu.memory_space<vmem>>) offsets(%dma_start3A_1362 : memref<8xi32, #tpu.memory_space<vmem>>) semaphore(%arg15 : memref<!tpu.dma_semaphore, #tpu.memory_space<semaphore_mem>>)
      %dma_start3A_1366 = arith.constant 16 : i32
      %dma_start3A_1367 = arith.constant 0 : i32
      %dma_start3A_1368 = tpu.memref_slice %arg9[%dma_start3A_1366, %dma_start3A_1367] : memref<32x1024xf32, #tpu.memory_space<vmem>> -> memref<8x1024xf32, #tpu.memory_space<vmem>>
      %dma_start3A_1369 = tpu.memref_slice %arg8[%add3A_1349] : memref<1024xi32, #tpu.memory_space<vmem>> -> memref<8xi32, #tpu.memory_space<vmem>>
      %dma_start3A_1370 = arith.constant 0 : i32
      %dma_start3A_1371 = arith.constant 0 : i32
      %dma_start3A_1372 = tpu.memref_slice %arg4[%dma_start3A_1370, %dma_start3A_1371] : memref<100000x1024xf32, #tpu.memory_space<hbm>> -> memref<100000x1024xf32, #tpu.memory_space<hbm>>
      tpu.enqueue_indirect_dma source(%dma_start3A_1372 : memref<100000x1024xf32, #tpu.memory_space<hbm>>) target(%dma_start3A_1368 : memref<8x1024xf32, #tpu.memory_space<vmem>>) offsets(%dma_start3A_1369 : memref<8xi32, #tpu.memory_space<vmem>>) semaphore(%arg15 : memref<!tpu.dma_semaphore, #tpu.memory_space<semaphore_mem>>)
      %dma_start3A_1373 = arith.constant 24 : i32
      %dma_start3A_1374 = arith.constant 0 : i32
      %dma_start3A_1375 = tpu.memref_slice %arg9[%dma_start3A_1373, %dma_start3A_1374] : memref<32x1024xf32, #tpu.memory_space<vmem>> -> memref<8x1024xf32, #tpu.memory_space<vmem>>
      %dma_start3A_1376 = tpu.memref_slice %arg8[%add3A_1351] : memref<1024xi32, #tpu.memory_space<vmem>> -> memref<8xi32, #tpu.memory_space<vmem>>
      %dma_start3A_1377 = arith.constant 0 : i32
      %dma_start3A_1378 = arith.constant 0 : i32
      %dma_start3A_1379 = tpu.memref_slice %arg4[%dma_start3A_1377, %dma_start3A_1378] : memref<100000x1024xf32, #tpu.memory_space<hbm>> -> memref<100000x1024xf32, #tpu.memory_space<hbm>>
      tpu.enqueue_indirect_dma source(%dma_start3A_1379 : memref<100000x1024xf32, #tpu.memory_space<hbm>>) target(%dma_start3A_1375 : memref<8x1024xf32, #tpu.memory_space<vmem>>) offsets(%dma_start3A_1376 : memref<8xi32, #tpu.memory_space<vmem>>) semaphore(%arg15 : memref<!tpu.dma_semaphore, #tpu.memory_space<semaphore_mem>>)
      %parallel_loop3A_1380 = arith.constant 0 : i32
      %parallel_loop3A_1381 = arith.constant 8192 : i32
      %parallel_loop3A_1382 = arith.constant 16 : i32
      scf.for %parallel_loop3A_1888 = %parallel_loop3A_1380 to %parallel_loop3A_1381 step %parallel_loop3A_1382  : i32 {
        %parallel_loop3A_1889 = arith.constant 10 : i32
        %parallel_loop3A_1890 = arith.shrsi %parallel_loop3A_1888, %parallel_loop3A_1889 : i32
        %parallel_loop3A_1891 = arith.constant 1023 : i32
        %parallel_loop3A_1892 = arith.andi %parallel_loop3A_1888, %parallel_loop3A_1891 : i32
        %parallel_loop3A_1893 = tpu.assume_multiple %parallel_loop3A_1892, 16 : i32
        %parallel_loop3A_1894 = arith.index_cast %parallel_loop3A_1890 : i32 to index
        %parallel_loop3A_1895 = arith.index_cast %parallel_loop3A_1893 : i32 to index
        %parallel_loop3A_1896 = tpu.vector_load %arg13[%parallel_loop3A_1894, %parallel_loop3A_1895] {strides = array<i32>} : memref<8x1024xf32, #tpu.memory_space<vmem>>, vector<1x16xf32>,
        %parallel_loop3A_1897 = vector.shape_cast %parallel_loop3A_1896 : vector<1x16xf32> to vector<16xf32>
        %parallel_loop3A_1898 = arith.constant 0 : i32
        %parallel_loop3A_1899 = arith.addi %parallel_loop3A_1898, %parallel_loop3A_1890 : i32
        %parallel_loop3A_1900 = arith.index_cast %parallel_loop3A_1899 : i32 to index
        %parallel_loop3A_1901 = arith.index_cast %parallel_loop3A_1893 : i32 to index
        %parallel_loop3A_1902 = tpu.vector_load %arg11[%parallel_loop3A_1900, %parallel_loop3A_1901] {strides = array<i32>} : memref<32x1024xf32, #tpu.memory_space<vmem>>, vector<1x16xf32>,
        %parallel_loop3A_1903 = vector.shape_cast %parallel_loop3A_1902 : vector<1x16xf32> to vector<16xf32>
        %parallel_loop3A_1904 = arith.addf %parallel_loop3A_1903, %parallel_loop3A_1897 : vector<16xf32>
        %parallel_loop3A_1905 = arith.constant 0 : i32
        %parallel_loop3A_1906 = arith.addi %parallel_loop3A_1905, %parallel_loop3A_1890 : i32
        %parallel_loop3A_1907 = arith.index_cast %parallel_loop3A_1906 : i32 to index
        %parallel_loop3A_1908 = arith.index_cast %parallel_loop3A_1893 : i32 to index
        %parallel_loop3A_1909 = tpu.vector_load %arg11[%parallel_loop3A_1907, %parallel_loop3A_1908] {strides = array<i32>} : memref<32x1024xf32, #tpu.memory_space<vmem>>, vector<1x16xf32>,
        %parallel_loop3A_1910 = vector.shape_cast %parallel_loop3A_1909 : vector<1x16xf32> to vector<16xf32>
        %parallel_loop3A_1911 = vector.shape_cast %parallel_loop3A_1904 : vector<16xf32> to vector<1x16xf32>
        tpu.vector_store %arg11[%parallel_loop3A_1907, %parallel_loop3A_1908], %parallel_loop3A_1911 {strides = array<i32>} : memref<32x1024xf32, #tpu.memory_space<vmem>>, vector<1x16xf32>,
        %parallel_loop3A_1912 = arith.constant 8 : i32
        %parallel_loop3A_1913 = arith.addi %parallel_loop3A_1912, %parallel_loop3A_1890 : i32
        %parallel_loop3A_1914 = arith.index_cast %parallel_loop3A_1913 : i32 to index
        %parallel_loop3A_1915 = arith.index_cast %parallel_loop3A_1893 : i32 to index
        %parallel_loop3A_1916 = tpu.vector_load %arg11[%parallel_loop3A_1914, %parallel_loop3A_1915] {strides = array<i32>} : memref<32x1024xf32, #tpu.memory_space<vmem>>, vector<1x16xf32>,
        %parallel_loop3A_1917 = vector.shape_cast %parallel_loop3A_1916 : vector<1x16xf32> to vector<16xf32>
        %parallel_loop3A_1918 = arith.addf %parallel_loop3A_1917, %parallel_loop3A_1897 : vector<16xf32>
        %parallel_loop3A_1919 = arith.constant 8 : i32
        %parallel_loop3A_1920 = arith.addi %parallel_loop3A_1919, %parallel_loop3A_1890 : i32
        %parallel_loop3A_1921 = arith.index_cast %parallel_loop3A_1920 : i32 to index
        %parallel_loop3A_1922 = arith.index_cast %parallel_loop3A_1893 : i32 to index
        %parallel_loop3A_1923 = tpu.vector_load %arg11[%parallel_loop3A_1921, %parallel_loop3A_1922] {strides = array<i32>} : memref<32x1024xf32, #tpu.memory_space<vmem>>, vector<1x16xf32>,
        %parallel_loop3A_1924 = vector.shape_cast %parallel_loop3A_1923 : vector<1x16xf32> to vector<16xf32>
        %parallel_loop3A_1925 = vector.shape_cast %parallel_loop3A_1918 : vector<16xf32> to vector<1x16xf32>
        tpu.vector_store %arg11[%parallel_loop3A_1921, %parallel_loop3A_1922], %parallel_loop3A_1925 {strides = array<i32>} : memref<32x1024xf32, #tpu.memory_space<vmem>>, vector<1x16xf32>,
        %parallel_loop3A_1926 = arith.constant 16 : i32
        %parallel_loop3A_1927 = arith.addi %parallel_loop3A_1926, %parallel_loop3A_1890 : i32
        %parallel_loop3A_1928 = arith.index_cast %parallel_loop3A_1927 : i32 to index
        %parallel_loop3A_1929 = arith.index_cast %parallel_loop3A_1893 : i32 to index
        %parallel_loop3A_1930 = tpu.vector_load %arg11[%parallel_loop3A_1928, %parallel_loop3A_1929] {strides = array<i32>} : memref<32x1024xf32, #tpu.memory_space<vmem>>, vector<1x16xf32>,
        %parallel_loop3A_1931 = vector.shape_cast %parallel_loop3A_1930 : vector<1x16xf32> to vector<16xf32>
        %parallel_loop3A_1932 = arith.addf %parallel_loop3A_1931, %parallel_loop3A_1897 : vector<16xf32>
        %parallel_loop3A_1933 = arith.constant 16 : i32
        %parallel_loop3A_1934 = arith.addi %parallel_loop3A_1933, %parallel_loop3A_1890 : i32
        %parallel_loop3A_1935 = arith.index_cast %parallel_loop3A_1934 : i32 to index
        %parallel_loop3A_1936 = arith.index_cast %parallel_loop3A_1893 : i32 to index
        %parallel_loop3A_1937 = tpu.vector_load %arg11[%parallel_loop3A_1935, %parallel_loop3A_1936] {strides = array<i32>} : memref<32x1024xf32, #tpu.memory_space<vmem>>, vector<1x16xf32>,
        %parallel_loop3A_1938 = vector.shape_cast %parallel_loop3A_1937 : vector<1x16xf32> to vector<16xf32>
        %parallel_loop3A_1939 = vector.shape_cast %parallel_loop3A_1932 : vector<16xf32> to vector<1x16xf32>
        tpu.vector_store %arg11[%parallel_loop3A_1935, %parallel_loop3A_1936], %parallel_loop3A_1939 {strides = array<i32>} : memref<32x1024xf32, #tpu.memory_space<vmem>>, vector<1x16xf32>,
        %parallel_loop3A_1940 = arith.constant 24 : i32
        %parallel_loop3A_1941 = arith.addi %parallel_loop3A_1940, %parallel_loop3A_1890 : i32
        %parallel_loop3A_1942 = arith.index_cast %parallel_loop3A_1941 : i32 to index
        %parallel_loop3A_1943 = arith.index_cast %parallel_loop3A_1893 : i32 to index
        %parallel_loop3A_1944 = tpu.vector_load %arg11[%parallel_loop3A_1942, %parallel_loop3A_1943] {strides = array<i32>} : memref<32x1024xf32, #tpu.memory_space<vmem>>, vector<1x16xf32>,
        %parallel_loop3A_1945 = vector.shape_cast %parallel_loop3A_1944 : vector<1x16xf32> to vector<16xf32>
        %parallel_loop3A_1946 = arith.addf %parallel_loop3A_1945, %parallel_loop3A_1897 : vector<16xf32>
        %parallel_loop3A_1947 = arith.constant 24 : i32
        %parallel_loop3A_1948 = arith.addi %parallel_loop3A_1947, %parallel_loop3A_1890 : i32
        %parallel_loop3A_1949 = arith.index_cast %parallel_loop3A_1948 : i32 to index
        %parallel_loop3A_1950 = arith.index_cast %parallel_loop3A_1893 : i32 to index
        %parallel_loop3A_1951 = tpu.vector_load %arg11[%parallel_loop3A_1949, %parallel_loop3A_1950] {strides = array<i32>} : memref<32x1024xf32, #tpu.memory_space<vmem>>, vector<1x16xf32>,
        %parallel_loop3A_1952 = vector.shape_cast %parallel_loop3A_1951 : vector<1x16xf32> to vector<16xf32>
        %parallel_loop3A_1953 = vector.shape_cast %parallel_loop3A_1946 : vector<16xf32> to vector<1x16xf32>
        tpu.vector_store %arg11[%parallel_loop3A_1949, %parallel_loop3A_1950], %parallel_loop3A_1953 {strides = array<i32>} : memref<32x1024xf32, #tpu.memory_space<vmem>>, vector<1x16xf32>,
      } {sc.loop_unroll_factor = 8 : i64, sc.parallel_access}
      %add3A_1383 = arith.constant 2 : i32
      %add3A_1384 = arith.addi %add3A_1232, %add3A_1383 : i32
      %min3A_1385 = arith.constant 31 : i32
      %min3A_1386 = arith.minsi %add3A_1384, %min3A_1385 : i32
      %mul3A_1387 = arith.constant 8 : i32
      %mul3A_1388 = arith.muli %min3A_1386, %mul3A_1387 : i32
      %multiple_of3A_1389 = tpu.assume_multiple %mul3A_1388, 8 : i32
      %add3A_1390 = arith.addi %mul3A_2, %multiple_of3A_1389 : i32
      %dma_start3A_1391 = arith.constant 0 : i32
      %dma_start3A_1392 = tpu.memref_slice %arg5[%add3A_1390, %dma_start3A_1391] : memref<8192x1024xf32, #tpu.memory_space<hbm>> -> memref<8x1024xf32, #tpu.memory_space<hbm>>
      %dma_start3A_1393 = arith.constant 0 : i32
      %dma_start3A_1394 = tpu.memref_slice %arg5[%add3A_1390, %dma_start3A_1393] : memref<8192x1024xf32, #tpu.memory_space<hbm>> -> memref<8x1024xf32, #tpu.memory_space<hbm>>
      tpu.enqueue_dma source(%dma_start3A_1394 : memref<8x1024xf32, #tpu.memory_space<hbm>>) target(%arg13 : memref<8x1024xf32, #tpu.memory_space<vmem>>) target_semaphore(%arg17 : memref<!tpu.dma_semaphore, #tpu.memory_space<semaphore_mem>>)
      %mul3A_1395 = arith.constant 8 : i32
      %mul3A_1396 = arith.muli %add3A_1232, %mul3A_1395 : i32
      %multiple_of3A_1397 = tpu.assume_multiple %mul3A_1396, 8 : i32
      %add3A_1398 = arith.constant 0 : i32
      %add3A_1399 = arith.addi %add3A_1398, %mul3A_2 : i32
      %add3A_1400 = arith.addi %add3A_1399, %multiple_of3A_1397 : i32
      %add3A_1401 = arith.constant 8192 : i32
      %add3A_1402 = arith.addi %add3A_1401, %mul3A_2 : i32
      %add3A_1403 = arith.addi %add3A_1402, %multiple_of3A_1397 : i32
      %add3A_1404 = arith.constant 16384 : i32
      %add3A_1405 = arith.addi %add3A_1404, %mul3A_2 : i32
      %add3A_1406 = arith.addi %add3A_1405, %multiple_of3A_1397 : i32
      %add3A_1407 = arith.constant 24576 : i32
      %add3A_1408 = arith.addi %add3A_1407, %mul3A_2 : i32
      %add3A_1409 = arith.addi %add3A_1408, %multiple_of3A_1397 : i32
      %dma_start3A_1410 = arith.constant 0 : i32
      %dma_start3A_1411 = arith.constant 0 : i32
      %dma_start3A_1412 = tpu.memref_slice %arg11[%dma_start3A_1410, %dma_start3A_1411] : memref<32x1024xf32, #tpu.memory_space<vmem>> -> memref<8x1024xf32, #tpu.memory_space<vmem>>
      %dma_start3A_1413 = arith.constant 0 : i32
      %dma_start3A_1414 = tpu.memref_slice %arg6[%add3A_1400, %dma_start3A_1413] : memref<32768x1024xf32, #tpu.memory_space<hbm>> -> memref<8x1024xf32, #tpu.memory_space<hbm>>
      %dma_start3A_1415 = arith.constant 0 : i32
      %dma_start3A_1416 = tpu.memref_slice %arg6[%add3A_1400, %dma_start3A_1415] : memref<32768x1024xf32, #tpu.memory_space<hbm>> -> memref<8x1024xf32, #tpu.memory_space<hbm>>
      %dma_start3A_1417 = arith.constant 0 : i32
      %dma_start3A_1418 = arith.constant 0 : i32
      %dma_start3A_1419 = tpu.memref_slice %arg11[%dma_start3A_1417, %dma_start3A_1418] : memref<32x1024xf32, #tpu.memory_space<vmem>> -> memref<8x1024xf32, #tpu.memory_space<vmem>>
      tpu.enqueue_dma source(%dma_start3A_1419 : memref<8x1024xf32, #tpu.memory_space<vmem>>) target(%dma_start3A_1416 : memref<8x1024xf32, #tpu.memory_space<hbm>>) target_semaphore(%arg16 : memref<!tpu.dma_semaphore, #tpu.memory_space<semaphore_mem>>)
      %dma_start3A_1420 = arith.constant 8 : i32
      %dma_start3A_1421 = arith.constant 0 : i32
      %dma_start3A_1422 = tpu.memref_slice %arg11[%dma_start3A_1420, %dma_start3A_1421] : memref<32x1024xf32, #tpu.memory_space<vmem>> -> memref<8x1024xf32, #tpu.memory_space<vmem>>
      %dma_start3A_1423 = arith.constant 0 : i32
      %dma_start3A_1424 = tpu.memref_slice %arg6[%add3A_1403, %dma_start3A_1423] : memref<32768x1024xf32, #tpu.memory_space<hbm>> -> memref<8x1024xf32, #tpu.memory_space<hbm>>
      %dma_start3A_1425 = arith.constant 0 : i32
      %dma_start3A_1426 = tpu.memref_slice %arg6[%add3A_1403, %dma_start3A_1425] : memref<32768x1024xf32, #tpu.memory_space<hbm>> -> memref<8x1024xf32, #tpu.memory_space<hbm>>
      %dma_start3A_1427 = arith.constant 8 : i32
      %dma_start3A_1428 = arith.constant 0 : i32
      %dma_start3A_1429 = tpu.memref_slice %arg11[%dma_start3A_1427, %dma_start3A_1428] : memref<32x1024xf32, #tpu.memory_space<vmem>> -> memref<8x1024xf32, #tpu.memory_space<vmem>>
      tpu.enqueue_dma source(%dma_start3A_1429 : memref<8x1024xf32, #tpu.memory_space<vmem>>) target(%dma_start3A_1426 : memref<8x1024xf32, #tpu.memory_space<hbm>>) target_semaphore(%arg16 : memref<!tpu.dma_semaphore, #tpu.memory_space<semaphore_mem>>)
      %dma_start3A_1430 = arith.constant 16 : i32
      %dma_start3A_1431 = arith.constant 0 : i32
      %dma_start3A_1432 = tpu.memref_slice %arg11[%dma_start3A_1430, %dma_start3A_1431] : memref<32x1024xf32, #tpu.memory_space<vmem>> -> memref<8x1024xf32, #tpu.memory_space<vmem>>
      %dma_start3A_1433 = arith.constant 0 : i32
      %dma_start3A_1434 = tpu.memref_slice %arg6[%add3A_1406, %dma_start3A_1433] : memref<32768x1024xf32, #tpu.memory_space<hbm>> -> memref<8x1024xf32, #tpu.memory_space<hbm>>
      %dma_start3A_1435 = arith.constant 0 : i32
      %dma_start3A_1436 = tpu.memref_slice %arg6[%add3A_1406, %dma_start3A_1435] : memref<32768x1024xf32, #tpu.memory_space<hbm>> -> memref<8x1024xf32, #tpu.memory_space<hbm>>
      %dma_start3A_1437 = arith.constant 16 : i32
      %dma_start3A_1438 = arith.constant 0 : i32
      %dma_start3A_1439 = tpu.memref_slice %arg11[%dma_start3A_1437, %dma_start3A_1438] : memref<32x1024xf32, #tpu.memory_space<vmem>> -> memref<8x1024xf32, #tpu.memory_space<vmem>>
      tpu.enqueue_dma source(%dma_start3A_1439 : memref<8x1024xf32, #tpu.memory_space<vmem>>) target(%dma_start3A_1436 : memref<8x1024xf32, #tpu.memory_space<hbm>>) target_semaphore(%arg16 : memref<!tpu.dma_semaphore, #tpu.memory_space<semaphore_mem>>)
      %dma_start3A_1440 = arith.constant 24 : i32
      %dma_start3A_1441 = arith.constant 0 : i32
      %dma_start3A_1442 = tpu.memref_slice %arg11[%dma_start3A_1440, %dma_start3A_1441] : memref<32x1024xf32, #tpu.memory_space<vmem>> -> memref<8x1024xf32, #tpu.memory_space<vmem>>
      %dma_start3A_1443 = arith.constant 0 : i32
      %dma_start3A_1444 = tpu.memref_slice %arg6[%add3A_1409, %dma_start3A_1443] : memref<32768x1024xf32, #tpu.memory_space<hbm>> -> memref<8x1024xf32, #tpu.memory_space<hbm>>
      %dma_start3A_1445 = arith.constant 0 : i32
      %dma_start3A_1446 = tpu.memref_slice %arg6[%add3A_1409, %dma_start3A_1445] : memref<32768x1024xf32, #tpu.memory_space<hbm>> -> memref<8x1024xf32, #tpu.memory_space<hbm>>
      %dma_start3A_1447 = arith.constant 24 : i32
      %dma_start3A_1448 = arith.constant 0 : i32
      %dma_start3A_1449 = tpu.memref_slice %arg11[%dma_start3A_1447, %dma_start3A_1448] : memref<32x1024xf32, #tpu.memory_space<vmem>> -> memref<8x1024xf32, #tpu.memory_space<vmem>>
      tpu.enqueue_dma source(%dma_start3A_1449 : memref<8x1024xf32, #tpu.memory_space<vmem>>) target(%dma_start3A_1446 : memref<8x1024xf32, #tpu.memory_space<hbm>>) target_semaphore(%arg16 : memref<!tpu.dma_semaphore, #tpu.memory_space<semaphore_mem>>)
      %add3A_1450 = arith.constant 4 : i32
      %add3A_1451 = arith.addi %add3A_575, %add3A_1450 : i32
      %mul3A_1452 = arith.constant 8 : i32
      %mul3A_1453 = arith.muli %add3A_1451, %mul3A_1452 : i32
      %multiple_of3A_1454 = tpu.assume_multiple %mul3A_1453, 8 : i32
      %add3A_1455 = arith.addi %mul3A_2, %multiple_of3A_1454 : i32
      %dma_wait3A_1456 = arith.constant 0 : i32
      %dma_wait3A_1457 = tpu.memref_slice %arg5[%add3A_1455, %dma_wait3A_1456] : memref<8192x1024xf32, #tpu.memory_space<hbm>> -> memref<8x1024xf32, #tpu.memory_space<hbm>>
      %dma_wait3A_1458 = arith.constant 0 : i32
      %dma_wait3A_1459 = tpu.memref_slice %arg5[%add3A_1455, %dma_wait3A_1458] : memref<8192x1024xf32, #tpu.memory_space<hbm>> -> memref<8x1024xf32, #tpu.memory_space<hbm>>
      tpu.wait_dma2 semaphore(%arg17 : memref<!tpu.dma_semaphore, #tpu.memory_space<semaphore_mem>>) src(%dma_wait3A_1459 : memref<8x1024xf32, #tpu.memory_space<hbm>>) dst(%arg12 : memref<8x1024xf32, #tpu.memory_space<vmem>>)
      %mul3A_1460 = arith.constant 8 : i32
      %mul3A_1461 = arith.muli %add3A_1451, %mul3A_1460 : i32
      %multiple_of3A_1462 = tpu.assume_multiple %mul3A_1461, 8 : i32
      %add3A_1463 = arith.constant 0 : i32
      %add3A_1464 = arith.addi %add3A_1463, %multiple_of3A_1462 : i32
      %add3A_1465 = arith.constant 256 : i32
      %add3A_1466 = arith.addi %add3A_1465, %multiple_of3A_1462 : i32
      %add3A_1467 = arith.constant 512 : i32
      %add3A_1468 = arith.addi %add3A_1467, %multiple_of3A_1462 : i32
      %add3A_1469 = arith.constant 768 : i32
      %add3A_1470 = arith.addi %add3A_1469, %multiple_of3A_1462 : i32
      %dma_wait3A_1471 = arith.constant 0 : i32
      %dma_wait3A_1472 = arith.constant 0 : i32
      %dma_wait3A_1473 = tpu.memref_slice %arg9[%dma_wait3A_1471, %dma_wait3A_1472] : memref<32x1024xf32, #tpu.memory_space<vmem>> -> memref<8x1024xf32, #tpu.memory_space<vmem>>
      %dma_wait3A_1474 = tpu.memref_slice %arg8[%add3A_1464] : memref<1024xi32, #tpu.memory_space<vmem>> -> memref<8xi32, #tpu.memory_space<vmem>>
      %dma_wait3A_1475 = arith.constant 0 : i32
      %dma_wait3A_1476 = arith.constant 0 : i32
      %dma_wait3A_1477 = tpu.memref_slice %arg4[%dma_wait3A_1475, %dma_wait3A_1476] : memref<100000x1024xf32, #tpu.memory_space<hbm>> -> memref<100000x1024xf32, #tpu.memory_space<hbm>>
      tpu.wait_indirect_dma semaphore(%arg15 : memref<!tpu.dma_semaphore, #tpu.memory_space<semaphore_mem>>) src(%dma_wait3A_1477 : memref<100000x1024xf32, #tpu.memory_space<hbm>>) dst(%dma_wait3A_1473 : memref<8x1024xf32, #tpu.memory_space<vmem>>)
      %dma_wait3A_1478 = arith.constant 8 : i32
      %dma_wait3A_1479 = arith.constant 0 : i32
      %dma_wait3A_1480 = tpu.memref_slice %arg9[%dma_wait3A_1478, %dma_wait3A_1479] : memref<32x1024xf32, #tpu.memory_space<vmem>> -> memref<8x1024xf32, #tpu.memory_space<vmem>>
      %dma_wait3A_1481 = tpu.memref_slice %arg8[%add3A_1466] : memref<1024xi32, #tpu.memory_space<vmem>> -> memref<8xi32, #tpu.memory_space<vmem>>
      %dma_wait3A_1482 = arith.constant 0 : i32
      %dma_wait3A_1483 = arith.constant 0 : i32
      %dma_wait3A_1484 = tpu.memref_slice %arg4[%dma_wait3A_1482, %dma_wait3A_1483] : memref<100000x1024xf32, #tpu.memory_space<hbm>> -> memref<100000x1024xf32, #tpu.memory_space<hbm>>
      tpu.wait_indirect_dma semaphore(%arg15 : memref<!tpu.dma_semaphore, #tpu.memory_space<semaphore_mem>>) src(%dma_wait3A_1484 : memref<100000x1024xf32, #tpu.memory_space<hbm>>) dst(%dma_wait3A_1480 : memref<8x1024xf32, #tpu.memory_space<vmem>>)
      %dma_wait3A_1485 = arith.constant 16 : i32
      %dma_wait3A_1486 = arith.constant 0 : i32
      %dma_wait3A_1487 = tpu.memref_slice %arg9[%dma_wait3A_1485, %dma_wait3A_1486] : memref<32x1024xf32, #tpu.memory_space<vmem>> -> memref<8x1024xf32, #tpu.memory_space<vmem>>
      %dma_wait3A_1488 = tpu.memref_slice %arg8[%add3A_1468] : memref<1024xi32, #tpu.memory_space<vmem>> -> memref<8xi32, #tpu.memory_space<vmem>>
      %dma_wait3A_1489 = arith.constant 0 : i32
      %dma_wait3A_1490 = arith.constant 0 : i32
      %dma_wait3A_1491 = tpu.memref_slice %arg4[%dma_wait3A_1489, %dma_wait3A_1490] : memref<100000x1024xf32, #tpu.memory_space<hbm>> -> memref<100000x1024xf32, #tpu.memory_space<hbm>>
      tpu.wait_indirect_dma semaphore(%arg15 : memref<!tpu.dma_semaphore, #tpu.memory_space<semaphore_mem>>) src(%dma_wait3A_1491 : memref<100000x1024xf32, #tpu.memory_space<hbm>>) dst(%dma_wait3A_1487 : memref<8x1024xf32, #tpu.memory_space<vmem>>)
      %dma_wait3A_1492 = arith.constant 24 : i32
      %dma_wait3A_1493 = arith.constant 0 : i32
      %dma_wait3A_1494 = tpu.memref_slice %arg9[%dma_wait3A_1492, %dma_wait3A_1493] : memref<32x1024xf32, #tpu.memory_space<vmem>> -> memref<8x1024xf32, #tpu.memory_space<vmem>>
      %dma_wait3A_1495 = tpu.memref_slice %arg8[%add3A_1470] : memref<1024xi32, #tpu.memory_space<vmem>> -> memref<8xi32, #tpu.memory_space<vmem>>
      %dma_wait3A_1496 = arith.constant 0 : i32
      %dma_wait3A_1497 = arith.constant 0 : i32
      %dma_wait3A_1498 = tpu.memref_slice %arg4[%dma_wait3A_1496, %dma_wait3A_1497] : memref<100000x1024xf32, #tpu.memory_space<hbm>> -> memref<100000x1024xf32, #tpu.memory_space<hbm>>
      tpu.wait_indirect_dma semaphore(%arg15 : memref<!tpu.dma_semaphore, #tpu.memory_space<semaphore_mem>>) src(%dma_wait3A_1498 : memref<100000x1024xf32, #tpu.memory_space<hbm>>) dst(%dma_wait3A_1494 : memref<8x1024xf32, #tpu.memory_space<vmem>>)
      %sub3A_1499 = arith.constant 2 : i32
      %sub3A_1500 = arith.subi %add3A_1451, %sub3A_1499 : i32
      %mul3A_1501 = arith.constant 8 : i32
      %mul3A_1502 = arith.muli %sub3A_1500, %mul3A_1501 : i32
      %multiple_of3A_1503 = tpu.assume_multiple %mul3A_1502, 8 : i32
      %add3A_1504 = arith.constant 0 : i32
      %add3A_1505 = arith.addi %add3A_1504, %mul3A_2 : i32
      %add3A_1506 = arith.addi %add3A_1505, %multiple_of3A_1503 : i32
      %add3A_1507 = arith.constant 8192 : i32
      %add3A_1508 = arith.addi %add3A_1507, %mul3A_2 : i32
      %add3A_1509 = arith.addi %add3A_1508, %multiple_of3A_1503 : i32
      %add3A_1510 = arith.constant 16384 : i32
      %add3A_1511 = arith.addi %add3A_1510, %mul3A_2 : i32
      %add3A_1512 = arith.addi %add3A_1511, %multiple_of3A_1503 : i32
      %add3A_1513 = arith.constant 24576 : i32
      %add3A_1514 = arith.addi %add3A_1513, %mul3A_2 : i32
      %add3A_1515 = arith.addi %add3A_1514, %multiple_of3A_1503 : i32
      %dma_wait3A_1516 = arith.constant 0 : i32
      %dma_wait3A_1517 = arith.constant 0 : i32
      %dma_wait3A_1518 = tpu.memref_slice %arg10[%dma_wait3A_1516, %dma_wait3A_1517] : memref<32x1024xf32, #tpu.memory_space<vmem>> -> memref<8x1024xf32, #tpu.memory_space<vmem>>
      %dma_wait3A_1519 = arith.constant 0 : i32
      %dma_wait3A_1520 = tpu.memref_slice %arg6[%add3A_1506, %dma_wait3A_1519] : memref<32768x1024xf32, #tpu.memory_space<hbm>> -> memref<8x1024xf32, #tpu.memory_space<hbm>>
      %dma_wait3A_1521 = arith.constant 0 : i32
      %dma_wait3A_1522 = tpu.memref_slice %arg6[%add3A_1506, %dma_wait3A_1521] : memref<32768x1024xf32, #tpu.memory_space<hbm>> -> memref<8x1024xf32, #tpu.memory_space<hbm>>
      %dma_wait3A_1523 = arith.constant 0 : i32
      %dma_wait3A_1524 = arith.constant 0 : i32
      %dma_wait3A_1525 = tpu.memref_slice %arg10[%dma_wait3A_1523, %dma_wait3A_1524] : memref<32x1024xf32, #tpu.memory_space<vmem>> -> memref<8x1024xf32, #tpu.memory_space<vmem>>
      tpu.wait_dma2 semaphore(%arg16 : memref<!tpu.dma_semaphore, #tpu.memory_space<semaphore_mem>>) src(%dma_wait3A_1525 : memref<8x1024xf32, #tpu.memory_space<vmem>>) dst(%dma_wait3A_1522 : memref<8x1024xf32, #tpu.memory_space<hbm>>)
      %dma_wait3A_1526 = arith.constant 8 : i32
      %dma_wait3A_1527 = arith.constant 0 : i32
      %dma_wait3A_1528 = tpu.memref_slice %arg10[%dma_wait3A_1526, %dma_wait3A_1527] : memref<32x1024xf32, #tpu.memory_space<vmem>> -> memref<8x1024xf32, #tpu.memory_space<vmem>>
      %dma_wait3A_1529 = arith.constant 0 : i32
      %dma_wait3A_1530 = tpu.memref_slice %arg6[%add3A_1509, %dma_wait3A_1529] : memref<32768x1024xf32, #tpu.memory_space<hbm>> -> memref<8x1024xf32, #tpu.memory_space<hbm>>
      %dma_wait3A_1531 = arith.constant 0 : i32
      %dma_wait3A_1532 = tpu.memref_slice %arg6[%add3A_1509, %dma_wait3A_1531] : memref<32768x1024xf32, #tpu.memory_space<hbm>> -> memref<8x1024xf32, #tpu.memory_space<hbm>>
      %dma_wait3A_1533 = arith.constant 8 : i32
      %dma_wait3A_1534 = arith.constant 0 : i32
      %dma_wait3A_1535 = tpu.memref_slice %arg10[%dma_wait3A_1533, %dma_wait3A_1534] : memref<32x1024xf32, #tpu.memory_space<vmem>> -> memref<8x1024xf32, #tpu.memory_space<vmem>>
      tpu.wait_dma2 semaphore(%arg16 : memref<!tpu.dma_semaphore, #tpu.memory_space<semaphore_mem>>) src(%dma_wait3A_1535 : memref<8x1024xf32, #tpu.memory_space<vmem>>) dst(%dma_wait3A_1532 : memref<8x1024xf32, #tpu.memory_space<hbm>>)
      %dma_wait3A_1536 = arith.constant 16 : i32
      %dma_wait3A_1537 = arith.constant 0 : i32
      %dma_wait3A_1538 = tpu.memref_slice %arg10[%dma_wait3A_1536, %dma_wait3A_1537] : memref<32x1024xf32, #tpu.memory_space<vmem>> -> memref<8x1024xf32, #tpu.memory_space<vmem>>
      %dma_wait3A_1539 = arith.constant 0 : i32
      %dma_wait3A_1540 = tpu.memref_slice %arg6[%add3A_1512, %dma_wait3A_1539] : memref<32768x1024xf32, #tpu.memory_space<hbm>> -> memref<8x1024xf32, #tpu.memory_space<hbm>>
      %dma_wait3A_1541 = arith.constant 0 : i32
      %dma_wait3A_1542 = tpu.memref_slice %arg6[%add3A_1512, %dma_wait3A_1541] : memref<32768x1024xf32, #tpu.memory_space<hbm>> -> memref<8x1024xf32, #tpu.memory_space<hbm>>
      %dma_wait3A_1543 = arith.constant 16 : i32
      %dma_wait3A_1544 = arith.constant 0 : i32
      %dma_wait3A_1545 = tpu.memref_slice %arg10[%dma_wait3A_1543, %dma_wait3A_1544] : memref<32x1024xf32, #tpu.memory_space<vmem>> -> memref<8x1024xf32, #tpu.memory_space<vmem>>
      tpu.wait_dma2 semaphore(%arg16 : memref<!tpu.dma_semaphore, #tpu.memory_space<semaphore_mem>>) src(%dma_wait3A_1545 : memref<8x1024xf32, #tpu.memory_space<vmem>>) dst(%dma_wait3A_1542 : memref<8x1024xf32, #tpu.memory_space<hbm>>)
      %dma_wait3A_1546 = arith.constant 24 : i32
      %dma_wait3A_1547 = arith.constant 0 : i32
      %dma_wait3A_1548 = tpu.memref_slice %arg10[%dma_wait3A_1546, %dma_wait3A_1547] : memref<32x1024xf32, #tpu.memory_space<vmem>> -> memref<8x1024xf32, #tpu.memory_space<vmem>>
      %dma_wait3A_1549 = arith.constant 0 : i32
      %dma_wait3A_1550 = tpu.memref_slice %arg6[%add3A_1515, %dma_wait3A_1549] : memref<32768x1024xf32, #tpu.memory_space<hbm>> -> memref<8x1024xf32, #tpu.memory_space<hbm>>
      %dma_wait3A_1551 = arith.constant 0 : i32
      %dma_wait3A_1552 = tpu.memref_slice %arg6[%add3A_1515, %dma_wait3A_1551] : memref<32768x1024xf32, #tpu.memory_space<hbm>> -> memref<8x1024xf32, #tpu.memory_space<hbm>>
      %dma_wait3A_1553 = arith.constant 24 : i32
      %dma_wait3A_1554 = arith.constant 0 : i32
      %dma_wait3A_1555 = tpu.memref_slice %arg10[%dma_wait3A_1553, %dma_wait3A_1554] : memref<32x1024xf32, #tpu.memory_space<vmem>> -> memref<8x1024xf32, #tpu.memory_space<vmem>>
      tpu.wait_dma2 semaphore(%arg16 : memref<!tpu.dma_semaphore, #tpu.memory_space<semaphore_mem>>) src(%dma_wait3A_1555 : memref<8x1024xf32, #tpu.memory_space<vmem>>) dst(%dma_wait3A_1552 : memref<8x1024xf32, #tpu.memory_space<hbm>>)
      %add3A_1556 = arith.constant 1 : i32
      %add3A_1557 = arith.addi %add3A_1451, %add3A_1556 : i32
      %min3A_1558 = arith.constant 31 : i32
      %min3A_1559 = arith.minsi %add3A_1557, %min3A_1558 : i32
      %mul3A_1560 = arith.constant 8 : i32
      %mul3A_1561 = arith.muli %min3A_1559, %mul3A_1560 : i32
      %multiple_of3A_1562 = tpu.assume_multiple %mul3A_1561, 8 : i32
      %add3A_1563 = arith.constant 0 : i32
      %add3A_1564 = arith.addi %add3A_1563, %multiple_of3A_1562 : i32
      %add3A_1565 = arith.constant 256 : i32
      %add3A_1566 = arith.addi %add3A_1565, %multiple_of3A_1562 : i32
      %add3A_1567 = arith.constant 512 : i32
      %add3A_1568 = arith.addi %add3A_1567, %multiple_of3A_1562 : i32
      %add3A_1569 = arith.constant 768 : i32
      %add3A_1570 = arith.addi %add3A_1569, %multiple_of3A_1562 : i32
      %dma_start3A_1571 = arith.constant 0 : i32
      %dma_start3A_1572 = arith.constant 0 : i32
      %dma_start3A_1573 = tpu.memref_slice %arg10[%dma_start3A_1571, %dma_start3A_1572] : memref<32x1024xf32, #tpu.memory_space<vmem>> -> memref<8x1024xf32, #tpu.memory_space<vmem>>
      %dma_start3A_1574 = tpu.memref_slice %arg8[%add3A_1564] : memref<1024xi32, #tpu.memory_space<vmem>> -> memref<8xi32, #tpu.memory_space<vmem>>
      %dma_start3A_1575 = arith.constant 0 : i32
      %dma_start3A_1576 = arith.constant 0 : i32
      %dma_start3A_1577 = tpu.memref_slice %arg4[%dma_start3A_1575, %dma_start3A_1576] : memref<100000x1024xf32, #tpu.memory_space<hbm>> -> memref<100000x1024xf32, #tpu.memory_space<hbm>>
      tpu.enqueue_indirect_dma source(%dma_start3A_1577 : memref<100000x1024xf32, #tpu.memory_space<hbm>>) target(%dma_start3A_1573 : memref<8x1024xf32, #tpu.memory_space<vmem>>) offsets(%dma_start3A_1574 : memref<8xi32, #tpu.memory_space<vmem>>) semaphore(%arg15 : memref<!tpu.dma_semaphore, #tpu.memory_space<semaphore_mem>>)
      %dma_start3A_1578 = arith.constant 8 : i32
      %dma_start3A_1579 = arith.constant 0 : i32
      %dma_start3A_1580 = tpu.memref_slice %arg10[%dma_start3A_1578, %dma_start3A_1579] : memref<32x1024xf32, #tpu.memory_space<vmem>> -> memref<8x1024xf32, #tpu.memory_space<vmem>>
      %dma_start3A_1581 = tpu.memref_slice %arg8[%add3A_1566] : memref<1024xi32, #tpu.memory_space<vmem>> -> memref<8xi32, #tpu.memory_space<vmem>>
      %dma_start3A_1582 = arith.constant 0 : i32
      %dma_start3A_1583 = arith.constant 0 : i32
      %dma_start3A_1584 = tpu.memref_slice %arg4[%dma_start3A_1582, %dma_start3A_1583] : memref<100000x1024xf32, #tpu.memory_space<hbm>> -> memref<100000x1024xf32, #tpu.memory_space<hbm>>
      tpu.enqueue_indirect_dma source(%dma_start3A_1584 : memref<100000x1024xf32, #tpu.memory_space<hbm>>) target(%dma_start3A_1580 : memref<8x1024xf32, #tpu.memory_space<vmem>>) offsets(%dma_start3A_1581 : memref<8xi32, #tpu.memory_space<vmem>>) semaphore(%arg15 : memref<!tpu.dma_semaphore, #tpu.memory_space<semaphore_mem>>)
      %dma_start3A_1585 = arith.constant 16 : i32
      %dma_start3A_1586 = arith.constant 0 : i32
      %dma_start3A_1587 = tpu.memref_slice %arg10[%dma_start3A_1585, %dma_start3A_1586] : memref<32x1024xf32, #tpu.memory_space<vmem>> -> memref<8x1024xf32, #tpu.memory_space<vmem>>
      %dma_start3A_1588 = tpu.memref_slice %arg8[%add3A_1568] : memref<1024xi32, #tpu.memory_space<vmem>> -> memref<8xi32, #tpu.memory_space<vmem>>
      %dma_start3A_1589 = arith.constant 0 : i32
      %dma_start3A_1590 = arith.constant 0 : i32
      %dma_start3A_1591 = tpu.memref_slice %arg4[%dma_start3A_1589, %dma_start3A_1590] : memref<100000x1024xf32, #tpu.memory_space<hbm>> -> memref<100000x1024xf32, #tpu.memory_space<hbm>>
      tpu.enqueue_indirect_dma source(%dma_start3A_1591 : memref<100000x1024xf32, #tpu.memory_space<hbm>>) target(%dma_start3A_1587 : memref<8x1024xf32, #tpu.memory_space<vmem>>) offsets(%dma_start3A_1588 : memref<8xi32, #tpu.memory_space<vmem>>) semaphore(%arg15 : memref<!tpu.dma_semaphore, #tpu.memory_space<semaphore_mem>>)
      %dma_start3A_1592 = arith.constant 24 : i32
      %dma_start3A_1593 = arith.constant 0 : i32
      %dma_start3A_1594 = tpu.memref_slice %arg10[%dma_start3A_1592, %dma_start3A_1593] : memref<32x1024xf32, #tpu.memory_space<vmem>> -> memref<8x1024xf32, #tpu.memory_space<vmem>>
      %dma_start3A_1595 = tpu.memref_slice %arg8[%add3A_1570] : memref<1024xi32, #tpu.memory_space<vmem>> -> memref<8xi32, #tpu.memory_space<vmem>>
      %dma_start3A_1596 = arith.constant 0 : i32
      %dma_start3A_1597 = arith.constant 0 : i32
      %dma_start3A_1598 = tpu.memref_slice %arg4[%dma_start3A_1596, %dma_start3A_1597] : memref<100000x1024xf32, #tpu.memory_space<hbm>> -> memref<100000x1024xf32, #tpu.memory_space<hbm>>
      tpu.enqueue_indirect_dma source(%dma_start3A_1598 : memref<100000x1024xf32, #tpu.memory_space<hbm>>) target(%dma_start3A_1594 : memref<8x1024xf32, #tpu.memory_space<vmem>>) offsets(%dma_start3A_1595 : memref<8xi32, #tpu.memory_space<vmem>>) semaphore(%arg15 : memref<!tpu.dma_semaphore, #tpu.memory_space<semaphore_mem>>)
      %parallel_loop3A_1599 = arith.constant 0 : i32
      %parallel_loop3A_1600 = arith.constant 8192 : i32
      %parallel_loop3A_1601 = arith.constant 16 : i32
      scf.for %parallel_loop3A_1888 = %parallel_loop3A_1599 to %parallel_loop3A_1600 step %parallel_loop3A_1601  : i32 {
        %parallel_loop3A_1889 = arith.constant 10 : i32
        %parallel_loop3A_1890 = arith.shrsi %parallel_loop3A_1888, %parallel_loop3A_1889 : i32
        %parallel_loop3A_1891 = arith.constant 1023 : i32
        %parallel_loop3A_1892 = arith.andi %parallel_loop3A_1888, %parallel_loop3A_1891 : i32
        %parallel_loop3A_1893 = tpu.assume_multiple %parallel_loop3A_1892, 16 : i32
        %parallel_loop3A_1894 = arith.index_cast %parallel_loop3A_1890 : i32 to index
        %parallel_loop3A_1895 = arith.index_cast %parallel_loop3A_1893 : i32 to index
        %parallel_loop3A_1896 = tpu.vector_load %arg12[%parallel_loop3A_1894, %parallel_loop3A_1895] {strides = array<i32>} : memref<8x1024xf32, #tpu.memory_space<vmem>>, vector<1x16xf32>,
        %parallel_loop3A_1897 = vector.shape_cast %parallel_loop3A_1896 : vector<1x16xf32> to vector<16xf32>
        %parallel_loop3A_1898 = arith.constant 0 : i32
        %parallel_loop3A_1899 = arith.addi %parallel_loop3A_1898, %parallel_loop3A_1890 : i32
        %parallel_loop3A_1900 = arith.index_cast %parallel_loop3A_1899 : i32 to index
        %parallel_loop3A_1901 = arith.index_cast %parallel_loop3A_1893 : i32 to index
        %parallel_loop3A_1902 = tpu.vector_load %arg9[%parallel_loop3A_1900, %parallel_loop3A_1901] {strides = array<i32>} : memref<32x1024xf32, #tpu.memory_space<vmem>>, vector<1x16xf32>,
        %parallel_loop3A_1903 = vector.shape_cast %parallel_loop3A_1902 : vector<1x16xf32> to vector<16xf32>
        %parallel_loop3A_1904 = arith.addf %parallel_loop3A_1903, %parallel_loop3A_1897 : vector<16xf32>
        %parallel_loop3A_1905 = arith.constant 0 : i32
        %parallel_loop3A_1906 = arith.addi %parallel_loop3A_1905, %parallel_loop3A_1890 : i32
        %parallel_loop3A_1907 = arith.index_cast %parallel_loop3A_1906 : i32 to index
        %parallel_loop3A_1908 = arith.index_cast %parallel_loop3A_1893 : i32 to index
        %parallel_loop3A_1909 = tpu.vector_load %arg9[%parallel_loop3A_1907, %parallel_loop3A_1908] {strides = array<i32>} : memref<32x1024xf32, #tpu.memory_space<vmem>>, vector<1x16xf32>,
        %parallel_loop3A_1910 = vector.shape_cast %parallel_loop3A_1909 : vector<1x16xf32> to vector<16xf32>
        %parallel_loop3A_1911 = vector.shape_cast %parallel_loop3A_1904 : vector<16xf32> to vector<1x16xf32>
        tpu.vector_store %arg9[%parallel_loop3A_1907, %parallel_loop3A_1908], %parallel_loop3A_1911 {strides = array<i32>} : memref<32x1024xf32, #tpu.memory_space<vmem>>, vector<1x16xf32>,
        %parallel_loop3A_1912 = arith.constant 8 : i32
        %parallel_loop3A_1913 = arith.addi %parallel_loop3A_1912, %parallel_loop3A_1890 : i32
        %parallel_loop3A_1914 = arith.index_cast %parallel_loop3A_1913 : i32 to index
        %parallel_loop3A_1915 = arith.index_cast %parallel_loop3A_1893 : i32 to index
        %parallel_loop3A_1916 = tpu.vector_load %arg9[%parallel_loop3A_1914, %parallel_loop3A_1915] {strides = array<i32>} : memref<32x1024xf32, #tpu.memory_space<vmem>>, vector<1x16xf32>,
        %parallel_loop3A_1917 = vector.shape_cast %parallel_loop3A_1916 : vector<1x16xf32> to vector<16xf32>
        %parallel_loop3A_1918 = arith.addf %parallel_loop3A_1917, %parallel_loop3A_1897 : vector<16xf32>
        %parallel_loop3A_1919 = arith.constant 8 : i32
        %parallel_loop3A_1920 = arith.addi %parallel_loop3A_1919, %parallel_loop3A_1890 : i32
        %parallel_loop3A_1921 = arith.index_cast %parallel_loop3A_1920 : i32 to index
        %parallel_loop3A_1922 = arith.index_cast %parallel_loop3A_1893 : i32 to index
        %parallel_loop3A_1923 = tpu.vector_load %arg9[%parallel_loop3A_1921, %parallel_loop3A_1922] {strides = array<i32>} : memref<32x1024xf32, #tpu.memory_space<vmem>>, vector<1x16xf32>,
        %parallel_loop3A_1924 = vector.shape_cast %parallel_loop3A_1923 : vector<1x16xf32> to vector<16xf32>
        %parallel_loop3A_1925 = vector.shape_cast %parallel_loop3A_1918 : vector<16xf32> to vector<1x16xf32>
        tpu.vector_store %arg9[%parallel_loop3A_1921, %parallel_loop3A_1922], %parallel_loop3A_1925 {strides = array<i32>} : memref<32x1024xf32, #tpu.memory_space<vmem>>, vector<1x16xf32>,
        %parallel_loop3A_1926 = arith.constant 16 : i32
        %parallel_loop3A_1927 = arith.addi %parallel_loop3A_1926, %parallel_loop3A_1890 : i32
        %parallel_loop3A_1928 = arith.index_cast %parallel_loop3A_1927 : i32 to index
        %parallel_loop3A_1929 = arith.index_cast %parallel_loop3A_1893 : i32 to index
        %parallel_loop3A_1930 = tpu.vector_load %arg9[%parallel_loop3A_1928, %parallel_loop3A_1929] {strides = array<i32>} : memref<32x1024xf32, #tpu.memory_space<vmem>>, vector<1x16xf32>,
        %parallel_loop3A_1931 = vector.shape_cast %parallel_loop3A_1930 : vector<1x16xf32> to vector<16xf32>
        %parallel_loop3A_1932 = arith.addf %parallel_loop3A_1931, %parallel_loop3A_1897 : vector<16xf32>
        %parallel_loop3A_1933 = arith.constant 16 : i32
        %parallel_loop3A_1934 = arith.addi %parallel_loop3A_1933, %parallel_loop3A_1890 : i32
        %parallel_loop3A_1935 = arith.index_cast %parallel_loop3A_1934 : i32 to index
        %parallel_loop3A_1936 = arith.index_cast %parallel_loop3A_1893 : i32 to index
        %parallel_loop3A_1937 = tpu.vector_load %arg9[%parallel_loop3A_1935, %parallel_loop3A_1936] {strides = array<i32>} : memref<32x1024xf32, #tpu.memory_space<vmem>>, vector<1x16xf32>,
        %parallel_loop3A_1938 = vector.shape_cast %parallel_loop3A_1937 : vector<1x16xf32> to vector<16xf32>
        %parallel_loop3A_1939 = vector.shape_cast %parallel_loop3A_1932 : vector<16xf32> to vector<1x16xf32>
        tpu.vector_store %arg9[%parallel_loop3A_1935, %parallel_loop3A_1936], %parallel_loop3A_1939 {strides = array<i32>} : memref<32x1024xf32, #tpu.memory_space<vmem>>, vector<1x16xf32>,
        %parallel_loop3A_1940 = arith.constant 24 : i32
        %parallel_loop3A_1941 = arith.addi %parallel_loop3A_1940, %parallel_loop3A_1890 : i32
        %parallel_loop3A_1942 = arith.index_cast %parallel_loop3A_1941 : i32 to index
        %parallel_loop3A_1943 = arith.index_cast %parallel_loop3A_1893 : i32 to index
        %parallel_loop3A_1944 = tpu.vector_load %arg9[%parallel_loop3A_1942, %parallel_loop3A_1943] {strides = array<i32>} : memref<32x1024xf32, #tpu.memory_space<vmem>>, vector<1x16xf32>,
        %parallel_loop3A_1945 = vector.shape_cast %parallel_loop3A_1944 : vector<1x16xf32> to vector<16xf32>
        %parallel_loop3A_1946 = arith.addf %parallel_loop3A_1945, %parallel_loop3A_1897 : vector<16xf32>
        %parallel_loop3A_1947 = arith.constant 24 : i32
        %parallel_loop3A_1948 = arith.addi %parallel_loop3A_1947, %parallel_loop3A_1890 : i32
        %parallel_loop3A_1949 = arith.index_cast %parallel_loop3A_1948 : i32 to index
        %parallel_loop3A_1950 = arith.index_cast %parallel_loop3A_1893 : i32 to index
        %parallel_loop3A_1951 = tpu.vector_load %arg9[%parallel_loop3A_1949, %parallel_loop3A_1950] {strides = array<i32>} : memref<32x1024xf32, #tpu.memory_space<vmem>>, vector<1x16xf32>,
        %parallel_loop3A_1952 = vector.shape_cast %parallel_loop3A_1951 : vector<1x16xf32> to vector<16xf32>
        %parallel_loop3A_1953 = vector.shape_cast %parallel_loop3A_1946 : vector<16xf32> to vector<1x16xf32>
        tpu.vector_store %arg9[%parallel_loop3A_1949, %parallel_loop3A_1950], %parallel_loop3A_1953 {strides = array<i32>} : memref<32x1024xf32, #tpu.memory_space<vmem>>, vector<1x16xf32>,
      } {sc.loop_unroll_factor = 8 : i64, sc.parallel_access}
      %add3A_1602 = arith.constant 2 : i32
      %add3A_1603 = arith.addi %add3A_1451, %add3A_1602 : i32
      %min3A_1604 = arith.constant 31 : i32
      %min3A_1605 = arith.minsi %add3A_1603, %min3A_1604 : i32
      %mul3A_1606 = arith.constant 8 : i32
      %mul3A_1607 = arith.muli %min3A_1605, %mul3A_1606 : i32
      %multiple_of3A_1608 = tpu.assume_multiple %mul3A_1607, 8 : i32
      %add3A_1609 = arith.addi %mul3A_2, %multiple_of3A_1608 : i32
      %dma_start3A_1610 = arith.constant 0 : i32
      %dma_start3A_1611 = tpu.memref_slice %arg5[%add3A_1609, %dma_start3A_1610] : memref<8192x1024xf32, #tpu.memory_space<hbm>> -> memref<8x1024xf32, #tpu.memory_space<hbm>>
      %dma_start3A_1612 = arith.constant 0 : i32
      %dma_start3A_1613 = tpu.memref_slice %arg5[%add3A_1609, %dma_start3A_1612] : memref<8192x1024xf32, #tpu.memory_space<hbm>> -> memref<8x1024xf32, #tpu.memory_space<hbm>>
      tpu.enqueue_dma source(%dma_start3A_1613 : memref<8x1024xf32, #tpu.memory_space<hbm>>) target(%arg12 : memref<8x1024xf32, #tpu.memory_space<vmem>>) target_semaphore(%arg17 : memref<!tpu.dma_semaphore, #tpu.memory_space<semaphore_mem>>)
      %mul3A_1614 = arith.constant 8 : i32
      %mul3A_1615 = arith.muli %add3A_1451, %mul3A_1614 : i32
      %multiple_of3A_1616 = tpu.assume_multiple %mul3A_1615, 8 : i32
      %add3A_1617 = arith.constant 0 : i32
      %add3A_1618 = arith.addi %add3A_1617, %mul3A_2 : i32
      %add3A_1619 = arith.addi %add3A_1618, %multiple_of3A_1616 : i32
      %add3A_1620 = arith.constant 8192 : i32
      %add3A_1621 = arith.addi %add3A_1620, %mul3A_2 : i32
      %add3A_1622 = arith.addi %add3A_1621, %multiple_of3A_1616 : i32
      %add3A_1623 = arith.constant 16384 : i32
      %add3A_1624 = arith.addi %add3A_1623, %mul3A_2 : i32
      %add3A_1625 = arith.addi %add3A_1624, %multiple_of3A_1616 : i32
      %add3A_1626 = arith.constant 24576 : i32
      %add3A_1627 = arith.addi %add3A_1626, %mul3A_2 : i32
      %add3A_1628 = arith.addi %add3A_1627, %multiple_of3A_1616 : i32
      %dma_start3A_1629 = arith.constant 0 : i32
      %dma_start3A_1630 = arith.constant 0 : i32
      %dma_start3A_1631 = tpu.memref_slice %arg9[%dma_start3A_1629, %dma_start3A_1630] : memref<32x1024xf32, #tpu.memory_space<vmem>> -> memref<8x1024xf32, #tpu.memory_space<vmem>>
      %dma_start3A_1632 = arith.constant 0 : i32
      %dma_start3A_1633 = tpu.memref_slice %arg6[%add3A_1619, %dma_start3A_1632] : memref<32768x1024xf32, #tpu.memory_space<hbm>> -> memref<8x1024xf32, #tpu.memory_space<hbm>>
      %dma_start3A_1634 = arith.constant 0 : i32
      %dma_start3A_1635 = tpu.memref_slice %arg6[%add3A_1619, %dma_start3A_1634] : memref<32768x1024xf32, #tpu.memory_space<hbm>> -> memref<8x1024xf32, #tpu.memory_space<hbm>>
      %dma_start3A_1636 = arith.constant 0 : i32
      %dma_start3A_1637 = arith.constant 0 : i32
      %dma_start3A_1638 = tpu.memref_slice %arg9[%dma_start3A_1636, %dma_start3A_1637] : memref<32x1024xf32, #tpu.memory_space<vmem>> -> memref<8x1024xf32, #tpu.memory_space<vmem>>
      tpu.enqueue_dma source(%dma_start3A_1638 : memref<8x1024xf32, #tpu.memory_space<vmem>>) target(%dma_start3A_1635 : memref<8x1024xf32, #tpu.memory_space<hbm>>) target_semaphore(%arg16 : memref<!tpu.dma_semaphore, #tpu.memory_space<semaphore_mem>>)
      %dma_start3A_1639 = arith.constant 8 : i32
      %dma_start3A_1640 = arith.constant 0 : i32
      %dma_start3A_1641 = tpu.memref_slice %arg9[%dma_start3A_1639, %dma_start3A_1640] : memref<32x1024xf32, #tpu.memory_space<vmem>> -> memref<8x1024xf32, #tpu.memory_space<vmem>>
      %dma_start3A_1642 = arith.constant 0 : i32
      %dma_start3A_1643 = tpu.memref_slice %arg6[%add3A_1622, %dma_start3A_1642] : memref<32768x1024xf32, #tpu.memory_space<hbm>> -> memref<8x1024xf32, #tpu.memory_space<hbm>>
      %dma_start3A_1644 = arith.constant 0 : i32
      %dma_start3A_1645 = tpu.memref_slice %arg6[%add3A_1622, %dma_start3A_1644] : memref<32768x1024xf32, #tpu.memory_space<hbm>> -> memref<8x1024xf32, #tpu.memory_space<hbm>>
      %dma_start3A_1646 = arith.constant 8 : i32
      %dma_start3A_1647 = arith.constant 0 : i32
      %dma_start3A_1648 = tpu.memref_slice %arg9[%dma_start3A_1646, %dma_start3A_1647] : memref<32x1024xf32, #tpu.memory_space<vmem>> -> memref<8x1024xf32, #tpu.memory_space<vmem>>
      tpu.enqueue_dma source(%dma_start3A_1648 : memref<8x1024xf32, #tpu.memory_space<vmem>>) target(%dma_start3A_1645 : memref<8x1024xf32, #tpu.memory_space<hbm>>) target_semaphore(%arg16 : memref<!tpu.dma_semaphore, #tpu.memory_space<semaphore_mem>>)
      %dma_start3A_1649 = arith.constant 16 : i32
      %dma_start3A_1650 = arith.constant 0 : i32
      %dma_start3A_1651 = tpu.memref_slice %arg9[%dma_start3A_1649, %dma_start3A_1650] : memref<32x1024xf32, #tpu.memory_space<vmem>> -> memref<8x1024xf32, #tpu.memory_space<vmem>>
      %dma_start3A_1652 = arith.constant 0 : i32
      %dma_start3A_1653 = tpu.memref_slice %arg6[%add3A_1625, %dma_start3A_1652] : memref<32768x1024xf32, #tpu.memory_space<hbm>> -> memref<8x1024xf32, #tpu.memory_space<hbm>>
      %dma_start3A_1654 = arith.constant 0 : i32
      %dma_start3A_1655 = tpu.memref_slice %arg6[%add3A_1625, %dma_start3A_1654] : memref<32768x1024xf32, #tpu.memory_space<hbm>> -> memref<8x1024xf32, #tpu.memory_space<hbm>>
      %dma_start3A_1656 = arith.constant 16 : i32
      %dma_start3A_1657 = arith.constant 0 : i32
      %dma_start3A_1658 = tpu.memref_slice %arg9[%dma_start3A_1656, %dma_start3A_1657] : memref<32x1024xf32, #tpu.memory_space<vmem>> -> memref<8x1024xf32, #tpu.memory_space<vmem>>
      tpu.enqueue_dma source(%dma_start3A_1658 : memref<8x1024xf32, #tpu.memory_space<vmem>>) target(%dma_start3A_1655 : memref<8x1024xf32, #tpu.memory_space<hbm>>) target_semaphore(%arg16 : memref<!tpu.dma_semaphore, #tpu.memory_space<semaphore_mem>>)
      %dma_start3A_1659 = arith.constant 24 : i32
      %dma_start3A_1660 = arith.constant 0 : i32
      %dma_start3A_1661 = tpu.memref_slice %arg9[%dma_start3A_1659, %dma_start3A_1660] : memref<32x1024xf32, #tpu.memory_space<vmem>> -> memref<8x1024xf32, #tpu.memory_space<vmem>>
      %dma_start3A_1662 = arith.constant 0 : i32
      %dma_start3A_1663 = tpu.memref_slice %arg6[%add3A_1628, %dma_start3A_1662] : memref<32768x1024xf32, #tpu.memory_space<hbm>> -> memref<8x1024xf32, #tpu.memory_space<hbm>>
      %dma_start3A_1664 = arith.constant 0 : i32
      %dma_start3A_1665 = tpu.memref_slice %arg6[%add3A_1628, %dma_start3A_1664] : memref<32768x1024xf32, #tpu.memory_space<hbm>> -> memref<8x1024xf32, #tpu.memory_space<hbm>>
      %dma_start3A_1666 = arith.constant 24 : i32
      %dma_start3A_1667 = arith.constant 0 : i32
      %dma_start3A_1668 = tpu.memref_slice %arg9[%dma_start3A_1666, %dma_start3A_1667] : memref<32x1024xf32, #tpu.memory_space<vmem>> -> memref<8x1024xf32, #tpu.memory_space<vmem>>
      tpu.enqueue_dma source(%dma_start3A_1668 : memref<8x1024xf32, #tpu.memory_space<vmem>>) target(%dma_start3A_1665 : memref<8x1024xf32, #tpu.memory_space<hbm>>) target_semaphore(%arg16 : memref<!tpu.dma_semaphore, #tpu.memory_space<semaphore_mem>>)
      %add3A_1669 = arith.constant 5 : i32
      %add3A_1670 = arith.addi %add3A_575, %add3A_1669 : i32
      %mul3A_1671 = arith.constant 8 : i32
      %mul3A_1672 = arith.muli %add3A_1670, %mul3A_1671 : i32
      %multiple_of3A_1673 = tpu.assume_multiple %mul3A_1672, 8 : i32
      %add3A_1674 = arith.addi %mul3A_2, %multiple_of3A_1673 : i32
      %dma_wait3A_1675 = arith.constant 0 : i32
      %dma_wait3A_1676 = tpu.memref_slice %arg5[%add3A_1674, %dma_wait3A_1675] : memref<8192x1024xf32, #tpu.memory_space<hbm>> -> memref<8x1024xf32, #tpu.memory_space<hbm>>
      %dma_wait3A_1677 = arith.constant 0 : i32
      %dma_wait3A_1678 = tpu.memref_slice %arg5[%add3A_1674, %dma_wait3A_1677] : memref<8192x1024xf32, #tpu.memory_space<hbm>> -> memref<8x1024xf32, #tpu.memory_space<hbm>>
      tpu.wait_dma2 semaphore(%arg17 : memref<!tpu.dma_semaphore, #tpu.memory_space<semaphore_mem>>) src(%dma_wait3A_1678 : memref<8x1024xf32, #tpu.memory_space<hbm>>) dst(%arg13 : memref<8x1024xf32, #tpu.memory_space<vmem>>)
      %mul3A_1679 = arith.constant 8 : i32
      %mul3A_1680 = arith.muli %add3A_1670, %mul3A_1679 : i32
      %multiple_of3A_1681 = tpu.assume_multiple %mul3A_1680, 8 : i32
      %add3A_1682 = arith.constant 0 : i32
      %add3A_1683 = arith.addi %add3A_1682, %multiple_of3A_1681 : i32
      %add3A_1684 = arith.constant 256 : i32
      %add3A_1685 = arith.addi %add3A_1684, %multiple_of3A_1681 : i32
      %add3A_1686 = arith.constant 512 : i32
      %add3A_1687 = arith.addi %add3A_1686, %multiple_of3A_1681 : i32
      %add3A_1688 = arith.constant 768 : i32
      %add3A_1689 = arith.addi %add3A_1688, %multiple_of3A_1681 : i32
      %dma_wait3A_1690 = arith.constant 0 : i32
      %dma_wait3A_1691 = arith.constant 0 : i32
      %dma_wait3A_1692 = tpu.memref_slice %arg10[%dma_wait3A_1690, %dma_wait3A_1691] : memref<32x1024xf32, #tpu.memory_space<vmem>> -> memref<8x1024xf32, #tpu.memory_space<vmem>>
      %dma_wait3A_1693 = tpu.memref_slice %arg8[%add3A_1683] : memref<1024xi32, #tpu.memory_space<vmem>> -> memref<8xi32, #tpu.memory_space<vmem>>
      %dma_wait3A_1694 = arith.constant 0 : i32
      %dma_wait3A_1695 = arith.constant 0 : i32
      %dma_wait3A_1696 = tpu.memref_slice %arg4[%dma_wait3A_1694, %dma_wait3A_1695] : memref<100000x1024xf32, #tpu.memory_space<hbm>> -> memref<100000x1024xf32, #tpu.memory_space<hbm>>
      tpu.wait_indirect_dma semaphore(%arg15 : memref<!tpu.dma_semaphore, #tpu.memory_space<semaphore_mem>>) src(%dma_wait3A_1696 : memref<100000x1024xf32, #tpu.memory_space<hbm>>) dst(%dma_wait3A_1692 : memref<8x1024xf32, #tpu.memory_space<vmem>>)
      %dma_wait3A_1697 = arith.constant 8 : i32
      %dma_wait3A_1698 = arith.constant 0 : i32
      %dma_wait3A_1699 = tpu.memref_slice %arg10[%dma_wait3A_1697, %dma_wait3A_1698] : memref<32x1024xf32, #tpu.memory_space<vmem>> -> memref<8x1024xf32, #tpu.memory_space<vmem>>
      %dma_wait3A_1700 = tpu.memref_slice %arg8[%add3A_1685] : memref<1024xi32, #tpu.memory_space<vmem>> -> memref<8xi32, #tpu.memory_space<vmem>>
      %dma_wait3A_1701 = arith.constant 0 : i32
      %dma_wait3A_1702 = arith.constant 0 : i32
      %dma_wait3A_1703 = tpu.memref_slice %arg4[%dma_wait3A_1701, %dma_wait3A_1702] : memref<100000x1024xf32, #tpu.memory_space<hbm>> -> memref<100000x1024xf32, #tpu.memory_space<hbm>>
      tpu.wait_indirect_dma semaphore(%arg15 : memref<!tpu.dma_semaphore, #tpu.memory_space<semaphore_mem>>) src(%dma_wait3A_1703 : memref<100000x1024xf32, #tpu.memory_space<hbm>>) dst(%dma_wait3A_1699 : memref<8x1024xf32, #tpu.memory_space<vmem>>)
      %dma_wait3A_1704 = arith.constant 16 : i32
      %dma_wait3A_1705 = arith.constant 0 : i32
      %dma_wait3A_1706 = tpu.memref_slice %arg10[%dma_wait3A_1704, %dma_wait3A_1705] : memref<32x1024xf32, #tpu.memory_space<vmem>> -> memref<8x1024xf32, #tpu.memory_space<vmem>>
      %dma_wait3A_1707 = tpu.memref_slice %arg8[%add3A_1687] : memref<1024xi32, #tpu.memory_space<vmem>> -> memref<8xi32, #tpu.memory_space<vmem>>
      %dma_wait3A_1708 = arith.constant 0 : i32
      %dma_wait3A_1709 = arith.constant 0 : i32
      %dma_wait3A_1710 = tpu.memref_slice %arg4[%dma_wait3A_1708, %dma_wait3A_1709] : memref<100000x1024xf32, #tpu.memory_space<hbm>> -> memref<100000x1024xf32, #tpu.memory_space<hbm>>
      tpu.wait_indirect_dma semaphore(%arg15 : memref<!tpu.dma_semaphore, #tpu.memory_space<semaphore_mem>>) src(%dma_wait3A_1710 : memref<100000x1024xf32, #tpu.memory_space<hbm>>) dst(%dma_wait3A_1706 : memref<8x1024xf32, #tpu.memory_space<vmem>>)
      %dma_wait3A_1711 = arith.constant 24 : i32
      %dma_wait3A_1712 = arith.constant 0 : i32
      %dma_wait3A_1713 = tpu.memref_slice %arg10[%dma_wait3A_1711, %dma_wait3A_1712] : memref<32x1024xf32, #tpu.memory_space<vmem>> -> memref<8x1024xf32, #tpu.memory_space<vmem>>
      %dma_wait3A_1714 = tpu.memref_slice %arg8[%add3A_1689] : memref<1024xi32, #tpu.memory_space<vmem>> -> memref<8xi32, #tpu.memory_space<vmem>>
      %dma_wait3A_1715 = arith.constant 0 : i32
      %dma_wait3A_1716 = arith.constant 0 : i32
      %dma_wait3A_1717 = tpu.memref_slice %arg4[%dma_wait3A_1715, %dma_wait3A_1716] : memref<100000x1024xf32, #tpu.memory_space<hbm>> -> memref<100000x1024xf32, #tpu.memory_space<hbm>>
      tpu.wait_indirect_dma semaphore(%arg15 : memref<!tpu.dma_semaphore, #tpu.memory_space<semaphore_mem>>) src(%dma_wait3A_1717 : memref<100000x1024xf32, #tpu.memory_space<hbm>>) dst(%dma_wait3A_1713 : memref<8x1024xf32, #tpu.memory_space<vmem>>)
      %sub3A_1718 = arith.constant 2 : i32
      %sub3A_1719 = arith.subi %add3A_1670, %sub3A_1718 : i32
      %mul3A_1720 = arith.constant 8 : i32
      %mul3A_1721 = arith.muli %sub3A_1719, %mul3A_1720 : i32
      %multiple_of3A_1722 = tpu.assume_multiple %mul3A_1721, 8 : i32
      %add3A_1723 = arith.constant 0 : i32
      %add3A_1724 = arith.addi %add3A_1723, %mul3A_2 : i32
      %add3A_1725 = arith.addi %add3A_1724, %multiple_of3A_1722 : i32
      %add3A_1726 = arith.constant 8192 : i32
      %add3A_1727 = arith.addi %add3A_1726, %mul3A_2 : i32
      %add3A_1728 = arith.addi %add3A_1727, %multiple_of3A_1722 : i32
      %add3A_1729 = arith.constant 16384 : i32
      %add3A_1730 = arith.addi %add3A_1729, %mul3A_2 : i32
      %add3A_1731 = arith.addi %add3A_1730, %multiple_of3A_1722 : i32
      %add3A_1732 = arith.constant 24576 : i32
      %add3A_1733 = arith.addi %add3A_1732, %mul3A_2 : i32
      %add3A_1734 = arith.addi %add3A_1733, %multiple_of3A_1722 : i32
      %dma_wait3A_1735 = arith.constant 0 : i32
      %dma_wait3A_1736 = arith.constant 0 : i32
      %dma_wait3A_1737 = tpu.memref_slice %arg11[%dma_wait3A_1735, %dma_wait3A_1736] : memref<32x1024xf32, #tpu.memory_space<vmem>> -> memref<8x1024xf32, #tpu.memory_space<vmem>>
      %dma_wait3A_1738 = arith.constant 0 : i32
      %dma_wait3A_1739 = tpu.memref_slice %arg6[%add3A_1725, %dma_wait3A_1738] : memref<32768x1024xf32, #tpu.memory_space<hbm>> -> memref<8x1024xf32, #tpu.memory_space<hbm>>
      %dma_wait3A_1740 = arith.constant 0 : i32
      %dma_wait3A_1741 = tpu.memref_slice %arg6[%add3A_1725, %dma_wait3A_1740] : memref<32768x1024xf32, #tpu.memory_space<hbm>> -> memref<8x1024xf32, #tpu.memory_space<hbm>>
      %dma_wait3A_1742 = arith.constant 0 : i32
      %dma_wait3A_1743 = arith.constant 0 : i32
      %dma_wait3A_1744 = tpu.memref_slice %arg11[%dma_wait3A_1742, %dma_wait3A_1743] : memref<32x1024xf32, #tpu.memory_space<vmem>> -> memref<8x1024xf32, #tpu.memory_space<vmem>>
      tpu.wait_dma2 semaphore(%arg16 : memref<!tpu.dma_semaphore, #tpu.memory_space<semaphore_mem>>) src(%dma_wait3A_1744 : memref<8x1024xf32, #tpu.memory_space<vmem>>) dst(%dma_wait3A_1741 : memref<8x1024xf32, #tpu.memory_space<hbm>>)
      %dma_wait3A_1745 = arith.constant 8 : i32
      %dma_wait3A_1746 = arith.constant 0 : i32
      %dma_wait3A_1747 = tpu.memref_slice %arg11[%dma_wait3A_1745, %dma_wait3A_1746] : memref<32x1024xf32, #tpu.memory_space<vmem>> -> memref<8x1024xf32, #tpu.memory_space<vmem>>
      %dma_wait3A_1748 = arith.constant 0 : i32
      %dma_wait3A_1749 = tpu.memref_slice %arg6[%add3A_1728, %dma_wait3A_1748] : memref<32768x1024xf32, #tpu.memory_space<hbm>> -> memref<8x1024xf32, #tpu.memory_space<hbm>>
      %dma_wait3A_1750 = arith.constant 0 : i32
      %dma_wait3A_1751 = tpu.memref_slice %arg6[%add3A_1728, %dma_wait3A_1750] : memref<32768x1024xf32, #tpu.memory_space<hbm>> -> memref<8x1024xf32, #tpu.memory_space<hbm>>
      %dma_wait3A_1752 = arith.constant 8 : i32
      %dma_wait3A_1753 = arith.constant 0 : i32
      %dma_wait3A_1754 = tpu.memref_slice %arg11[%dma_wait3A_1752, %dma_wait3A_1753] : memref<32x1024xf32, #tpu.memory_space<vmem>> -> memref<8x1024xf32, #tpu.memory_space<vmem>>
      tpu.wait_dma2 semaphore(%arg16 : memref<!tpu.dma_semaphore, #tpu.memory_space<semaphore_mem>>) src(%dma_wait3A_1754 : memref<8x1024xf32, #tpu.memory_space<vmem>>) dst(%dma_wait3A_1751 : memref<8x1024xf32, #tpu.memory_space<hbm>>)
      %dma_wait3A_1755 = arith.constant 16 : i32
      %dma_wait3A_1756 = arith.constant 0 : i32
      %dma_wait3A_1757 = tpu.memref_slice %arg11[%dma_wait3A_1755, %dma_wait3A_1756] : memref<32x1024xf32, #tpu.memory_space<vmem>> -> memref<8x1024xf32, #tpu.memory_space<vmem>>
      %dma_wait3A_1758 = arith.constant 0 : i32
      %dma_wait3A_1759 = tpu.memref_slice %arg6[%add3A_1731, %dma_wait3A_1758] : memref<32768x1024xf32, #tpu.memory_space<hbm>> -> memref<8x1024xf32, #tpu.memory_space<hbm>>
      %dma_wait3A_1760 = arith.constant 0 : i32
      %dma_wait3A_1761 = tpu.memref_slice %arg6[%add3A_1731, %dma_wait3A_1760] : memref<32768x1024xf32, #tpu.memory_space<hbm>> -> memref<8x1024xf32, #tpu.memory_space<hbm>>
      %dma_wait3A_1762 = arith.constant 16 : i32
      %dma_wait3A_1763 = arith.constant 0 : i32
      %dma_wait3A_1764 = tpu.memref_slice %arg11[%dma_wait3A_1762, %dma_wait3A_1763] : memref<32x1024xf32, #tpu.memory_space<vmem>> -> memref<8x1024xf32, #tpu.memory_space<vmem>>
      tpu.wait_dma2 semaphore(%arg16 : memref<!tpu.dma_semaphore, #tpu.memory_space<semaphore_mem>>) src(%dma_wait3A_1764 : memref<8x1024xf32, #tpu.memory_space<vmem>>) dst(%dma_wait3A_1761 : memref<8x1024xf32, #tpu.memory_space<hbm>>)
      %dma_wait3A_1765 = arith.constant 24 : i32
      %dma_wait3A_1766 = arith.constant 0 : i32
      %dma_wait3A_1767 = tpu.memref_slice %arg11[%dma_wait3A_1765, %dma_wait3A_1766] : memref<32x1024xf32, #tpu.memory_space<vmem>> -> memref<8x1024xf32, #tpu.memory_space<vmem>>
      %dma_wait3A_1768 = arith.constant 0 : i32
      %dma_wait3A_1769 = tpu.memref_slice %arg6[%add3A_1734, %dma_wait3A_1768] : memref<32768x1024xf32, #tpu.memory_space<hbm>> -> memref<8x1024xf32, #tpu.memory_space<hbm>>
      %dma_wait3A_1770 = arith.constant 0 : i32
      %dma_wait3A_1771 = tpu.memref_slice %arg6[%add3A_1734, %dma_wait3A_1770] : memref<32768x1024xf32, #tpu.memory_space<hbm>> -> memref<8x1024xf32, #tpu.memory_space<hbm>>
      %dma_wait3A_1772 = arith.constant 24 : i32
      %dma_wait3A_1773 = arith.constant 0 : i32
      %dma_wait3A_1774 = tpu.memref_slice %arg11[%dma_wait3A_1772, %dma_wait3A_1773] : memref<32x1024xf32, #tpu.memory_space<vmem>> -> memref<8x1024xf32, #tpu.memory_space<vmem>>
      tpu.wait_dma2 semaphore(%arg16 : memref<!tpu.dma_semaphore, #tpu.memory_space<semaphore_mem>>) src(%dma_wait3A_1774 : memref<8x1024xf32, #tpu.memory_space<vmem>>) dst(%dma_wait3A_1771 : memref<8x1024xf32, #tpu.memory_space<hbm>>)
      %add3A_1775 = arith.constant 1 : i32
      %add3A_1776 = arith.addi %add3A_1670, %add3A_1775 : i32
      %min3A_1777 = arith.constant 31 : i32
      %min3A_1778 = arith.minsi %add3A_1776, %min3A_1777 : i32
      %mul3A_1779 = arith.constant 8 : i32
      %mul3A_1780 = arith.muli %min3A_1778, %mul3A_1779 : i32
      %multiple_of3A_1781 = tpu.assume_multiple %mul3A_1780, 8 : i32
      %add3A_1782 = arith.constant 0 : i32
      %add3A_1783 = arith.addi %add3A_1782, %multiple_of3A_1781 : i32
      %add3A_1784 = arith.constant 256 : i32
      %add3A_1785 = arith.addi %add3A_1784, %multiple_of3A_1781 : i32
      %add3A_1786 = arith.constant 512 : i32
      %add3A_1787 = arith.addi %add3A_1786, %multiple_of3A_1781 : i32
      %add3A_1788 = arith.constant 768 : i32
      %add3A_1789 = arith.addi %add3A_1788, %multiple_of3A_1781 : i32
      %dma_start3A_1790 = arith.constant 0 : i32
      %dma_start3A_1791 = arith.constant 0 : i32
      %dma_start3A_1792 = tpu.memref_slice %arg11[%dma_start3A_1790, %dma_start3A_1791] : memref<32x1024xf32, #tpu.memory_space<vmem>> -> memref<8x1024xf32, #tpu.memory_space<vmem>>
      %dma_start3A_1793 = tpu.memref_slice %arg8[%add3A_1783] : memref<1024xi32, #tpu.memory_space<vmem>> -> memref<8xi32, #tpu.memory_space<vmem>>
      %dma_start3A_1794 = arith.constant 0 : i32
      %dma_start3A_1795 = arith.constant 0 : i32
      %dma_start3A_1796 = tpu.memref_slice %arg4[%dma_start3A_1794, %dma_start3A_1795] : memref<100000x1024xf32, #tpu.memory_space<hbm>> -> memref<100000x1024xf32, #tpu.memory_space<hbm>>
      tpu.enqueue_indirect_dma source(%dma_start3A_1796 : memref<100000x1024xf32, #tpu.memory_space<hbm>>) target(%dma_start3A_1792 : memref<8x1024xf32, #tpu.memory_space<vmem>>) offsets(%dma_start3A_1793 : memref<8xi32, #tpu.memory_space<vmem>>) semaphore(%arg15 : memref<!tpu.dma_semaphore, #tpu.memory_space<semaphore_mem>>)
      %dma_start3A_1797 = arith.constant 8 : i32
      %dma_start3A_1798 = arith.constant 0 : i32
      %dma_start3A_1799 = tpu.memref_slice %arg11[%dma_start3A_1797, %dma_start3A_1798] : memref<32x1024xf32, #tpu.memory_space<vmem>> -> memref<8x1024xf32, #tpu.memory_space<vmem>>
      %dma_start3A_1800 = tpu.memref_slice %arg8[%add3A_1785] : memref<1024xi32, #tpu.memory_space<vmem>> -> memref<8xi32, #tpu.memory_space<vmem>>
      %dma_start3A_1801 = arith.constant 0 : i32
      %dma_start3A_1802 = arith.constant 0 : i32
      %dma_start3A_1803 = tpu.memref_slice %arg4[%dma_start3A_1801, %dma_start3A_1802] : memref<100000x1024xf32, #tpu.memory_space<hbm>> -> memref<100000x1024xf32, #tpu.memory_space<hbm>>
      tpu.enqueue_indirect_dma source(%dma_start3A_1803 : memref<100000x1024xf32, #tpu.memory_space<hbm>>) target(%dma_start3A_1799 : memref<8x1024xf32, #tpu.memory_space<vmem>>) offsets(%dma_start3A_1800 : memref<8xi32, #tpu.memory_space<vmem>>) semaphore(%arg15 : memref<!tpu.dma_semaphore, #tpu.memory_space<semaphore_mem>>)
      %dma_start3A_1804 = arith.constant 16 : i32
      %dma_start3A_1805 = arith.constant 0 : i32
      %dma_start3A_1806 = tpu.memref_slice %arg11[%dma_start3A_1804, %dma_start3A_1805] : memref<32x1024xf32, #tpu.memory_space<vmem>> -> memref<8x1024xf32, #tpu.memory_space<vmem>>
      %dma_start3A_1807 = tpu.memref_slice %arg8[%add3A_1787] : memref<1024xi32, #tpu.memory_space<vmem>> -> memref<8xi32, #tpu.memory_space<vmem>>
      %dma_start3A_1808 = arith.constant 0 : i32
      %dma_start3A_1809 = arith.constant 0 : i32
      %dma_start3A_1810 = tpu.memref_slice %arg4[%dma_start3A_1808, %dma_start3A_1809] : memref<100000x1024xf32, #tpu.memory_space<hbm>> -> memref<100000x1024xf32, #tpu.memory_space<hbm>>
      tpu.enqueue_indirect_dma source(%dma_start3A_1810 : memref<100000x1024xf32, #tpu.memory_space<hbm>>) target(%dma_start3A_1806 : memref<8x1024xf32, #tpu.memory_space<vmem>>) offsets(%dma_start3A_1807 : memref<8xi32, #tpu.memory_space<vmem>>) semaphore(%arg15 : memref<!tpu.dma_semaphore, #tpu.memory_space<semaphore_mem>>)
      %dma_start3A_1811 = arith.constant 24 : i32
      %dma_start3A_1812 = arith.constant 0 : i32
      %dma_start3A_1813 = tpu.memref_slice %arg11[%dma_start3A_1811, %dma_start3A_1812] : memref<32x1024xf32, #tpu.memory_space<vmem>> -> memref<8x1024xf32, #tpu.memory_space<vmem>>
      %dma_start3A_1814 = tpu.memref_slice %arg8[%add3A_1789] : memref<1024xi32, #tpu.memory_space<vmem>> -> memref<8xi32, #tpu.memory_space<vmem>>
      %dma_start3A_1815 = arith.constant 0 : i32
      %dma_start3A_1816 = arith.constant 0 : i32
      %dma_start3A_1817 = tpu.memref_slice %arg4[%dma_start3A_1815, %dma_start3A_1816] : memref<100000x1024xf32, #tpu.memory_space<hbm>> -> memref<100000x1024xf32, #tpu.memory_space<hbm>>
      tpu.enqueue_indirect_dma source(%dma_start3A_1817 : memref<100000x1024xf32, #tpu.memory_space<hbm>>) target(%dma_start3A_1813 : memref<8x1024xf32, #tpu.memory_space<vmem>>) offsets(%dma_start3A_1814 : memref<8xi32, #tpu.memory_space<vmem>>) semaphore(%arg15 : memref<!tpu.dma_semaphore, #tpu.memory_space<semaphore_mem>>)
      %parallel_loop3A_1818 = arith.constant 0 : i32
      %parallel_loop3A_1819 = arith.constant 8192 : i32
      %parallel_loop3A_1820 = arith.constant 16 : i32
      scf.for %parallel_loop3A_1888 = %parallel_loop3A_1818 to %parallel_loop3A_1819 step %parallel_loop3A_1820  : i32 {
        %parallel_loop3A_1889 = arith.constant 10 : i32
        %parallel_loop3A_1890 = arith.shrsi %parallel_loop3A_1888, %parallel_loop3A_1889 : i32
        %parallel_loop3A_1891 = arith.constant 1023 : i32
        %parallel_loop3A_1892 = arith.andi %parallel_loop3A_1888, %parallel_loop3A_1891 : i32
        %parallel_loop3A_1893 = tpu.assume_multiple %parallel_loop3A_1892, 16 : i32
        %parallel_loop3A_1894 = arith.index_cast %parallel_loop3A_1890 : i32 to index
        %parallel_loop3A_1895 = arith.index_cast %parallel_loop3A_1893 : i32 to index
        %parallel_loop3A_1896 = tpu.vector_load %arg13[%parallel_loop3A_1894, %parallel_loop3A_1895] {strides = array<i32>} : memref<8x1024xf32, #tpu.memory_space<vmem>>, vector<1x16xf32>,
        %parallel_loop3A_1897 = vector.shape_cast %parallel_loop3A_1896 : vector<1x16xf32> to vector<16xf32>
        %parallel_loop3A_1898 = arith.constant 0 : i32
        %parallel_loop3A_1899 = arith.addi %parallel_loop3A_1898, %parallel_loop3A_1890 : i32
        %parallel_loop3A_1900 = arith.index_cast %parallel_loop3A_1899 : i32 to index
        %parallel_loop3A_1901 = arith.index_cast %parallel_loop3A_1893 : i32 to index
        %parallel_loop3A_1902 = tpu.vector_load %arg10[%parallel_loop3A_1900, %parallel_loop3A_1901] {strides = array<i32>} : memref<32x1024xf32, #tpu.memory_space<vmem>>, vector<1x16xf32>,
        %parallel_loop3A_1903 = vector.shape_cast %parallel_loop3A_1902 : vector<1x16xf32> to vector<16xf32>
        %parallel_loop3A_1904 = arith.addf %parallel_loop3A_1903, %parallel_loop3A_1897 : vector<16xf32>
        %parallel_loop3A_1905 = arith.constant 0 : i32
        %parallel_loop3A_1906 = arith.addi %parallel_loop3A_1905, %parallel_loop3A_1890 : i32
        %parallel_loop3A_1907 = arith.index_cast %parallel_loop3A_1906 : i32 to index
        %parallel_loop3A_1908 = arith.index_cast %parallel_loop3A_1893 : i32 to index
        %parallel_loop3A_1909 = tpu.vector_load %arg10[%parallel_loop3A_1907, %parallel_loop3A_1908] {strides = array<i32>} : memref<32x1024xf32, #tpu.memory_space<vmem>>, vector<1x16xf32>,
        %parallel_loop3A_1910 = vector.shape_cast %parallel_loop3A_1909 : vector<1x16xf32> to vector<16xf32>
        %parallel_loop3A_1911 = vector.shape_cast %parallel_loop3A_1904 : vector<16xf32> to vector<1x16xf32>
        tpu.vector_store %arg10[%parallel_loop3A_1907, %parallel_loop3A_1908], %parallel_loop3A_1911 {strides = array<i32>} : memref<32x1024xf32, #tpu.memory_space<vmem>>, vector<1x16xf32>,
        %parallel_loop3A_1912 = arith.constant 8 : i32
        %parallel_loop3A_1913 = arith.addi %parallel_loop3A_1912, %parallel_loop3A_1890 : i32
        %parallel_loop3A_1914 = arith.index_cast %parallel_loop3A_1913 : i32 to index
        %parallel_loop3A_1915 = arith.index_cast %parallel_loop3A_1893 : i32 to index
        %parallel_loop3A_1916 = tpu.vector_load %arg10[%parallel_loop3A_1914, %parallel_loop3A_1915] {strides = array<i32>} : memref<32x1024xf32, #tpu.memory_space<vmem>>, vector<1x16xf32>,
        %parallel_loop3A_1917 = vector.shape_cast %parallel_loop3A_1916 : vector<1x16xf32> to vector<16xf32>
        %parallel_loop3A_1918 = arith.addf %parallel_loop3A_1917, %parallel_loop3A_1897 : vector<16xf32>
        %parallel_loop3A_1919 = arith.constant 8 : i32
        %parallel_loop3A_1920 = arith.addi %parallel_loop3A_1919, %parallel_loop3A_1890 : i32
        %parallel_loop3A_1921 = arith.index_cast %parallel_loop3A_1920 : i32 to index
        %parallel_loop3A_1922 = arith.index_cast %parallel_loop3A_1893 : i32 to index
        %parallel_loop3A_1923 = tpu.vector_load %arg10[%parallel_loop3A_1921, %parallel_loop3A_1922] {strides = array<i32>} : memref<32x1024xf32, #tpu.memory_space<vmem>>, vector<1x16xf32>,
        %parallel_loop3A_1924 = vector.shape_cast %parallel_loop3A_1923 : vector<1x16xf32> to vector<16xf32>
        %parallel_loop3A_1925 = vector.shape_cast %parallel_loop3A_1918 : vector<16xf32> to vector<1x16xf32>
        tpu.vector_store %arg10[%parallel_loop3A_1921, %parallel_loop3A_1922], %parallel_loop3A_1925 {strides = array<i32>} : memref<32x1024xf32, #tpu.memory_space<vmem>>, vector<1x16xf32>,
        %parallel_loop3A_1926 = arith.constant 16 : i32
        %parallel_loop3A_1927 = arith.addi %parallel_loop3A_1926, %parallel_loop3A_1890 : i32
        %parallel_loop3A_1928 = arith.index_cast %parallel_loop3A_1927 : i32 to index
        %parallel_loop3A_1929 = arith.index_cast %parallel_loop3A_1893 : i32 to index
        %parallel_loop3A_1930 = tpu.vector_load %arg10[%parallel_loop3A_1928, %parallel_loop3A_1929] {strides = array<i32>} : memref<32x1024xf32, #tpu.memory_space<vmem>>, vector<1x16xf32>,
        %parallel_loop3A_1931 = vector.shape_cast %parallel_loop3A_1930 : vector<1x16xf32> to vector<16xf32>
        %parallel_loop3A_1932 = arith.addf %parallel_loop3A_1931, %parallel_loop3A_1897 : vector<16xf32>
        %parallel_loop3A_1933 = arith.constant 16 : i32
        %parallel_loop3A_1934 = arith.addi %parallel_loop3A_1933, %parallel_loop3A_1890 : i32
        %parallel_loop3A_1935 = arith.index_cast %parallel_loop3A_1934 : i32 to index
        %parallel_loop3A_1936 = arith.index_cast %parallel_loop3A_1893 : i32 to index
        %parallel_loop3A_1937 = tpu.vector_load %arg10[%parallel_loop3A_1935, %parallel_loop3A_1936] {strides = array<i32>} : memref<32x1024xf32, #tpu.memory_space<vmem>>, vector<1x16xf32>,
        %parallel_loop3A_1938 = vector.shape_cast %parallel_loop3A_1937 : vector<1x16xf32> to vector<16xf32>
        %parallel_loop3A_1939 = vector.shape_cast %parallel_loop3A_1932 : vector<16xf32> to vector<1x16xf32>
        tpu.vector_store %arg10[%parallel_loop3A_1935, %parallel_loop3A_1936], %parallel_loop3A_1939 {strides = array<i32>} : memref<32x1024xf32, #tpu.memory_space<vmem>>, vector<1x16xf32>,
        %parallel_loop3A_1940 = arith.constant 24 : i32
        %parallel_loop3A_1941 = arith.addi %parallel_loop3A_1940, %parallel_loop3A_1890 : i32
        %parallel_loop3A_1942 = arith.index_cast %parallel_loop3A_1941 : i32 to index
        %parallel_loop3A_1943 = arith.index_cast %parallel_loop3A_1893 : i32 to index
        %parallel_loop3A_1944 = tpu.vector_load %arg10[%parallel_loop3A_1942, %parallel_loop3A_1943] {strides = array<i32>} : memref<32x1024xf32, #tpu.memory_space<vmem>>, vector<1x16xf32>,
        %parallel_loop3A_1945 = vector.shape_cast %parallel_loop3A_1944 : vector<1x16xf32> to vector<16xf32>
        %parallel_loop3A_1946 = arith.addf %parallel_loop3A_1945, %parallel_loop3A_1897 : vector<16xf32>
        %parallel_loop3A_1947 = arith.constant 24 : i32
        %parallel_loop3A_1948 = arith.addi %parallel_loop3A_1947, %parallel_loop3A_1890 : i32
        %parallel_loop3A_1949 = arith.index_cast %parallel_loop3A_1948 : i32 to index
        %parallel_loop3A_1950 = arith.index_cast %parallel_loop3A_1893 : i32 to index
        %parallel_loop3A_1951 = tpu.vector_load %arg10[%parallel_loop3A_1949, %parallel_loop3A_1950] {strides = array<i32>} : memref<32x1024xf32, #tpu.memory_space<vmem>>, vector<1x16xf32>,
        %parallel_loop3A_1952 = vector.shape_cast %parallel_loop3A_1951 : vector<1x16xf32> to vector<16xf32>
        %parallel_loop3A_1953 = vector.shape_cast %parallel_loop3A_1946 : vector<16xf32> to vector<1x16xf32>
        tpu.vector_store %arg10[%parallel_loop3A_1949, %parallel_loop3A_1950], %parallel_loop3A_1953 {strides = array<i32>} : memref<32x1024xf32, #tpu.memory_space<vmem>>, vector<1x16xf32>,
      } {sc.loop_unroll_factor = 8 : i64, sc.parallel_access}
      %add3A_1821 = arith.constant 2 : i32
      %add3A_1822 = arith.addi %add3A_1670, %add3A_1821 : i32
      %min3A_1823 = arith.constant 31 : i32
      %min3A_1824 = arith.minsi %add3A_1822, %min3A_1823 : i32
      %mul3A_1825 = arith.constant 8 : i32
      %mul3A_1826 = arith.muli %min3A_1824, %mul3A_1825 : i32
      %multiple_of3A_1827 = tpu.assume_multiple %mul3A_1826, 8 : i32
      %add3A_1828 = arith.addi %mul3A_2, %multiple_of3A_1827 : i32
      %dma_start3A_1829 = arith.constant 0 : i32
      %dma_start3A_1830 = tpu.memref_slice %arg5[%add3A_1828, %dma_start3A_1829] : memref<8192x1024xf32, #tpu.memory_space<hbm>> -> memref<8x1024xf32, #tpu.memory_space<hbm>>
      %dma_start3A_1831 = arith.constant 0 : i32
      %dma_start3A_1832 = tpu.memref_slice %arg5[%add3A_1828, %dma_start3A_1831] : memref<8192x1024xf32, #tpu.memory_space<hbm>> -> memref<8x1024xf32, #tpu.memory_space<hbm>>
      tpu.enqueue_dma source(%dma_start3A_1832 : memref<8x1024xf32, #tpu.memory_space<hbm>>) target(%arg13 : memref<8x1024xf32, #tpu.memory_space<vmem>>) target_semaphore(%arg17 : memref<!tpu.dma_semaphore, #tpu.memory_space<semaphore_mem>>)
      %mul3A_1833 = arith.constant 8 : i32
      %mul3A_1834 = arith.muli %add3A_1670, %mul3A_1833 : i32
      %multiple_of3A_1835 = tpu.assume_multiple %mul3A_1834, 8 : i32
      %add3A_1836 = arith.constant 0 : i32
      %add3A_1837 = arith.addi %add3A_1836, %mul3A_2 : i32
      %add3A_1838 = arith.addi %add3A_1837, %multiple_of3A_1835 : i32
      %add3A_1839 = arith.constant 8192 : i32
      %add3A_1840 = arith.addi %add3A_1839, %mul3A_2 : i32
      %add3A_1841 = arith.addi %add3A_1840, %multiple_of3A_1835 : i32
      %add3A_1842 = arith.constant 16384 : i32
      %add3A_1843 = arith.addi %add3A_1842, %mul3A_2 : i32
      %add3A_1844 = arith.addi %add3A_1843, %multiple_of3A_1835 : i32
      %add3A_1845 = arith.constant 24576 : i32
      %add3A_1846 = arith.addi %add3A_1845, %mul3A_2 : i32
      %add3A_1847 = arith.addi %add3A_1846, %multiple_of3A_1835 : i32
      %dma_start3A_1848 = arith.constant 0 : i32
      %dma_start3A_1849 = arith.constant 0 : i32
      %dma_start3A_1850 = tpu.memref_slice %arg10[%dma_start3A_1848, %dma_start3A_1849] : memref<32x1024xf32, #tpu.memory_space<vmem>> -> memref<8x1024xf32, #tpu.memory_space<vmem>>
      %dma_start3A_1851 = arith.constant 0 : i32
      %dma_start3A_1852 = tpu.memref_slice %arg6[%add3A_1838, %dma_start3A_1851] : memref<32768x1024xf32, #tpu.memory_space<hbm>> -> memref<8x1024xf32, #tpu.memory_space<hbm>>
      %dma_start3A_1853 = arith.constant 0 : i32
      %dma_start3A_1854 = tpu.memref_slice %arg6[%add3A_1838, %dma_start3A_1853] : memref<32768x1024xf32, #tpu.memory_space<hbm>> -> memref<8x1024xf32, #tpu.memory_space<hbm>>
      %dma_start3A_1855 = arith.constant 0 : i32
      %dma_start3A_1856 = arith.constant 0 : i32
      %dma_start3A_1857 = tpu.memref_slice %arg10[%dma_start3A_1855, %dma_start3A_1856] : memref<32x1024xf32, #tpu.memory_space<vmem>> -> memref<8x1024xf32, #tpu.memory_space<vmem>>
      tpu.enqueue_dma source(%dma_start3A_1857 : memref<8x1024xf32, #tpu.memory_space<vmem>>) target(%dma_start3A_1854 : memref<8x1024xf32, #tpu.memory_space<hbm>>) target_semaphore(%arg16 : memref<!tpu.dma_semaphore, #tpu.memory_space<semaphore_mem>>)
      %dma_start3A_1858 = arith.constant 8 : i32
      %dma_start3A_1859 = arith.constant 0 : i32
      %dma_start3A_1860 = tpu.memref_slice %arg10[%dma_start3A_1858, %dma_start3A_1859] : memref<32x1024xf32, #tpu.memory_space<vmem>> -> memref<8x1024xf32, #tpu.memory_space<vmem>>
      %dma_start3A_1861 = arith.constant 0 : i32
      %dma_start3A_1862 = tpu.memref_slice %arg6[%add3A_1841, %dma_start3A_1861] : memref<32768x1024xf32, #tpu.memory_space<hbm>> -> memref<8x1024xf32, #tpu.memory_space<hbm>>
      %dma_start3A_1863 = arith.constant 0 : i32
      %dma_start3A_1864 = tpu.memref_slice %arg6[%add3A_1841, %dma_start3A_1863] : memref<32768x1024xf32, #tpu.memory_space<hbm>> -> memref<8x1024xf32, #tpu.memory_space<hbm>>
      %dma_start3A_1865 = arith.constant 8 : i32
      %dma_start3A_1866 = arith.constant 0 : i32
      %dma_start3A_1867 = tpu.memref_slice %arg10[%dma_start3A_1865, %dma_start3A_1866] : memref<32x1024xf32, #tpu.memory_space<vmem>> -> memref<8x1024xf32, #tpu.memory_space<vmem>>
      tpu.enqueue_dma source(%dma_start3A_1867 : memref<8x1024xf32, #tpu.memory_space<vmem>>) target(%dma_start3A_1864 : memref<8x1024xf32, #tpu.memory_space<hbm>>) target_semaphore(%arg16 : memref<!tpu.dma_semaphore, #tpu.memory_space<semaphore_mem>>)
      %dma_start3A_1868 = arith.constant 16 : i32
      %dma_start3A_1869 = arith.constant 0 : i32
      %dma_start3A_1870 = tpu.memref_slice %arg10[%dma_start3A_1868, %dma_start3A_1869] : memref<32x1024xf32, #tpu.memory_space<vmem>> -> memref<8x1024xf32, #tpu.memory_space<vmem>>
      %dma_start3A_1871 = arith.constant 0 : i32
      %dma_start3A_1872 = tpu.memref_slice %arg6[%add3A_1844, %dma_start3A_1871] : memref<32768x1024xf32, #tpu.memory_space<hbm>> -> memref<8x1024xf32, #tpu.memory_space<hbm>>
      %dma_start3A_1873 = arith.constant 0 : i32
      %dma_start3A_1874 = tpu.memref_slice %arg6[%add3A_1844, %dma_start3A_1873] : memref<32768x1024xf32, #tpu.memory_space<hbm>> -> memref<8x1024xf32, #tpu.memory_space<hbm>>
      %dma_start3A_1875 = arith.constant 16 : i32
      %dma_start3A_1876 = arith.constant 0 : i32
      %dma_start3A_1877 = tpu.memref_slice %arg10[%dma_start3A_1875, %dma_start3A_1876] : memref<32x1024xf32, #tpu.memory_space<vmem>> -> memref<8x1024xf32, #tpu.memory_space<vmem>>
      tpu.enqueue_dma source(%dma_start3A_1877 : memref<8x1024xf32, #tpu.memory_space<vmem>>) target(%dma_start3A_1874 : memref<8x1024xf32, #tpu.memory_space<hbm>>) target_semaphore(%arg16 : memref<!tpu.dma_semaphore, #tpu.memory_space<semaphore_mem>>)
      %dma_start3A_1878 = arith.constant 24 : i32
      %dma_start3A_1879 = arith.constant 0 : i32
      %dma_start3A_1880 = tpu.memref_slice %arg10[%dma_start3A_1878, %dma_start3A_1879] : memref<32x1024xf32, #tpu.memory_space<vmem>> -> memref<8x1024xf32, #tpu.memory_space<vmem>>
      %dma_start3A_1881 = arith.constant 0 : i32
      %dma_start3A_1882 = tpu.memref_slice %arg6[%add3A_1847, %dma_start3A_1881] : memref<32768x1024xf32, #tpu.memory_space<hbm>> -> memref<8x1024xf32, #tpu.memory_space<hbm>>
      %dma_start3A_1883 = arith.constant 0 : i32
      %dma_start3A_1884 = tpu.memref_slice %arg6[%add3A_1847, %dma_start3A_1883] : memref<32768x1024xf32, #tpu.memory_space<hbm>> -> memref<8x1024xf32, #tpu.memory_space<hbm>>
      %dma_start3A_1885 = arith.constant 24 : i32
      %dma_start3A_1886 = arith.constant 0 : i32
      %dma_start3A_1887 = tpu.memref_slice %arg10[%dma_start3A_1885, %dma_start3A_1886] : memref<32x1024xf32, #tpu.memory_space<vmem>> -> memref<8x1024xf32, #tpu.memory_space<vmem>>
      tpu.enqueue_dma source(%dma_start3A_1887 : memref<8x1024xf32, #tpu.memory_space<vmem>>) target(%dma_start3A_1884 : memref<8x1024xf32, #tpu.memory_space<hbm>>) target_semaphore(%arg16 : memref<!tpu.dma_semaphore, #tpu.memory_space<semaphore_mem>>)
    }
    %scan3A_410 = arith.constant 5 : i32
    %multiple_of3A_411 = arith.constant 240 : i32
    %multiple_of3A_412 = tpu.assume_multiple %multiple_of3A_411, 8 : i32
    %add3A_413 = arith.constant 0 : i32
    %add3A_414 = arith.addi %add3A_413, %mul3A_2 : i32
    %add3A_415 = arith.addi %add3A_414, %multiple_of3A_412 : i32
    %add3A_416 = arith.constant 8192 : i32
    %add3A_417 = arith.addi %add3A_416, %mul3A_2 : i32
    %add3A_418 = arith.addi %add3A_417, %multiple_of3A_412 : i32
    %add3A_419 = arith.constant 16384 : i32
    %add3A_420 = arith.addi %add3A_419, %mul3A_2 : i32
    %add3A_421 = arith.addi %add3A_420, %multiple_of3A_412 : i32
    %add3A_422 = arith.constant 24576 : i32
    %add3A_423 = arith.addi %add3A_422, %mul3A_2 : i32
    %add3A_424 = arith.addi %add3A_423, %multiple_of3A_412 : i32
    %dma_wait3A_425 = arith.constant 0 : i32
    %dma_wait3A_426 = arith.constant 0 : i32
    %dma_wait3A_427 = tpu.memref_slice %arg9[%dma_wait3A_425, %dma_wait3A_426] : memref<32x1024xf32, #tpu.memory_space<vmem>> -> memref<8x1024xf32, #tpu.memory_space<vmem>>
    %dma_wait3A_428 = arith.constant 0 : i32
    %dma_wait3A_429 = tpu.memref_slice %arg6[%add3A_415, %dma_wait3A_428] : memref<32768x1024xf32, #tpu.memory_space<hbm>> -> memref<8x1024xf32, #tpu.memory_space<hbm>>
    %dma_wait3A_430 = arith.constant 0 : i32
    %dma_wait3A_431 = tpu.memref_slice %arg6[%add3A_415, %dma_wait3A_430] : memref<32768x1024xf32, #tpu.memory_space<hbm>> -> memref<8x1024xf32, #tpu.memory_space<hbm>>
    %dma_wait3A_432 = arith.constant 0 : i32
    %dma_wait3A_433 = arith.constant 0 : i32
    %dma_wait3A_434 = tpu.memref_slice %arg9[%dma_wait3A_432, %dma_wait3A_433] : memref<32x1024xf32, #tpu.memory_space<vmem>> -> memref<8x1024xf32, #tpu.memory_space<vmem>>
    tpu.wait_dma2 semaphore(%arg16 : memref<!tpu.dma_semaphore, #tpu.memory_space<semaphore_mem>>) src(%dma_wait3A_434 : memref<8x1024xf32, #tpu.memory_space<vmem>>) dst(%dma_wait3A_431 : memref<8x1024xf32, #tpu.memory_space<hbm>>)
    %dma_wait3A_435 = arith.constant 8 : i32
    %dma_wait3A_436 = arith.constant 0 : i32
    %dma_wait3A_437 = tpu.memref_slice %arg9[%dma_wait3A_435, %dma_wait3A_436] : memref<32x1024xf32, #tpu.memory_space<vmem>> -> memref<8x1024xf32, #tpu.memory_space<vmem>>
    %dma_wait3A_438 = arith.constant 0 : i32
    %dma_wait3A_439 = tpu.memref_slice %arg6[%add3A_418, %dma_wait3A_438] : memref<32768x1024xf32, #tpu.memory_space<hbm>> -> memref<8x1024xf32, #tpu.memory_space<hbm>>
    %dma_wait3A_440 = arith.constant 0 : i32
    %dma_wait3A_441 = tpu.memref_slice %arg6[%add3A_418, %dma_wait3A_440] : memref<32768x1024xf32, #tpu.memory_space<hbm>> -> memref<8x1024xf32, #tpu.memory_space<hbm>>
    %dma_wait3A_442 = arith.constant 8 : i32
    %dma_wait3A_443 = arith.constant 0 : i32
    %dma_wait3A_444 = tpu.memref_slice %arg9[%dma_wait3A_442, %dma_wait3A_443] : memref<32x1024xf32, #tpu.memory_space<vmem>> -> memref<8x1024xf32, #tpu.memory_space<vmem>>
    tpu.wait_dma2 semaphore(%arg16 : memref<!tpu.dma_semaphore, #tpu.memory_space<semaphore_mem>>) src(%dma_wait3A_444 : memref<8x1024xf32, #tpu.memory_space<vmem>>) dst(%dma_wait3A_441 : memref<8x1024xf32, #tpu.memory_space<hbm>>)
    %dma_wait3A_445 = arith.constant 16 : i32
    %dma_wait3A_446 = arith.constant 0 : i32
    %dma_wait3A_447 = tpu.memref_slice %arg9[%dma_wait3A_445, %dma_wait3A_446] : memref<32x1024xf32, #tpu.memory_space<vmem>> -> memref<8x1024xf32, #tpu.memory_space<vmem>>
    %dma_wait3A_448 = arith.constant 0 : i32
    %dma_wait3A_449 = tpu.memref_slice %arg6[%add3A_421, %dma_wait3A_448] : memref<32768x1024xf32, #tpu.memory_space<hbm>> -> memref<8x1024xf32, #tpu.memory_space<hbm>>
    %dma_wait3A_450 = arith.constant 0 : i32
    %dma_wait3A_451 = tpu.memref_slice %arg6[%add3A_421, %dma_wait3A_450] : memref<32768x1024xf32, #tpu.memory_space<hbm>> -> memref<8x1024xf32, #tpu.memory_space<hbm>>
    %dma_wait3A_452 = arith.constant 16 : i32
    %dma_wait3A_453 = arith.constant 0 : i32
    %dma_wait3A_454 = tpu.memref_slice %arg9[%dma_wait3A_452, %dma_wait3A_453] : memref<32x1024xf32, #tpu.memory_space<vmem>> -> memref<8x1024xf32, #tpu.memory_space<vmem>>
    tpu.wait_dma2 semaphore(%arg16 : memref<!tpu.dma_semaphore, #tpu.memory_space<semaphore_mem>>) src(%dma_wait3A_454 : memref<8x1024xf32, #tpu.memory_space<vmem>>) dst(%dma_wait3A_451 : memref<8x1024xf32, #tpu.memory_space<hbm>>)
    %dma_wait3A_455 = arith.constant 24 : i32
    %dma_wait3A_456 = arith.constant 0 : i32
    %dma_wait3A_457 = tpu.memref_slice %arg9[%dma_wait3A_455, %dma_wait3A_456] : memref<32x1024xf32, #tpu.memory_space<vmem>> -> memref<8x1024xf32, #tpu.memory_space<vmem>>
    %dma_wait3A_458 = arith.constant 0 : i32
    %dma_wait3A_459 = tpu.memref_slice %arg6[%add3A_424, %dma_wait3A_458] : memref<32768x1024xf32, #tpu.memory_space<hbm>> -> memref<8x1024xf32, #tpu.memory_space<hbm>>
    %dma_wait3A_460 = arith.constant 0 : i32
    %dma_wait3A_461 = tpu.memref_slice %arg6[%add3A_424, %dma_wait3A_460] : memref<32768x1024xf32, #tpu.memory_space<hbm>> -> memref<8x1024xf32, #tpu.memory_space<hbm>>
    %dma_wait3A_462 = arith.constant 24 : i32
    %dma_wait3A_463 = arith.constant 0 : i32
    %dma_wait3A_464 = tpu.memref_slice %arg9[%dma_wait3A_462, %dma_wait3A_463] : memref<32x1024xf32, #tpu.memory_space<vmem>> -> memref<8x1024xf32, #tpu.memory_space<vmem>>
    tpu.wait_dma2 semaphore(%arg16 : memref<!tpu.dma_semaphore, #tpu.memory_space<semaphore_mem>>) src(%dma_wait3A_464 : memref<8x1024xf32, #tpu.memory_space<vmem>>) dst(%dma_wait3A_461 : memref<8x1024xf32, #tpu.memory_space<hbm>>)
    %multiple_of3A_465 = arith.constant 248 : i32
    %multiple_of3A_466 = tpu.assume_multiple %multiple_of3A_465, 8 : i32
    %add3A_467 = arith.constant 0 : i32
    %add3A_468 = arith.addi %add3A_467, %mul3A_2 : i32
    %add3A_469 = arith.addi %add3A_468, %multiple_of3A_466 : i32
    %add3A_470 = arith.constant 8192 : i32
    %add3A_471 = arith.addi %add3A_470, %mul3A_2 : i32
    %add3A_472 = arith.addi %add3A_471, %multiple_of3A_466 : i32
    %add3A_473 = arith.constant 16384 : i32
    %add3A_474 = arith.addi %add3A_473, %mul3A_2 : i32
    %add3A_475 = arith.addi %add3A_474, %multiple_of3A_466 : i32
    %add3A_476 = arith.constant 24576 : i32
    %add3A_477 = arith.addi %add3A_476, %mul3A_2 : i32
    %add3A_478 = arith.addi %add3A_477, %multiple_of3A_466 : i32
    %dma_wait3A_479 = arith.constant 0 : i32
    %dma_wait3A_480 = arith.constant 0 : i32
    %dma_wait3A_481 = tpu.memref_slice %arg10[%dma_wait3A_479, %dma_wait3A_480] : memref<32x1024xf32, #tpu.memory_space<vmem>> -> memref<8x1024xf32, #tpu.memory_space<vmem>>
    %dma_wait3A_482 = arith.constant 0 : i32
    %dma_wait3A_483 = tpu.memref_slice %arg6[%add3A_469, %dma_wait3A_482] : memref<32768x1024xf32, #tpu.memory_space<hbm>> -> memref<8x1024xf32, #tpu.memory_space<hbm>>
    %dma_wait3A_484 = arith.constant 0 : i32
    %dma_wait3A_485 = tpu.memref_slice %arg6[%add3A_469, %dma_wait3A_484] : memref<32768x1024xf32, #tpu.memory_space<hbm>> -> memref<8x1024xf32, #tpu.memory_space<hbm>>
    %dma_wait3A_486 = arith.constant 0 : i32
    %dma_wait3A_487 = arith.constant 0 : i32
    %dma_wait3A_488 = tpu.memref_slice %arg10[%dma_wait3A_486, %dma_wait3A_487] : memref<32x1024xf32, #tpu.memory_space<vmem>> -> memref<8x1024xf32, #tpu.memory_space<vmem>>
    tpu.wait_dma2 semaphore(%arg16 : memref<!tpu.dma_semaphore, #tpu.memory_space<semaphore_mem>>) src(%dma_wait3A_488 : memref<8x1024xf32, #tpu.memory_space<vmem>>) dst(%dma_wait3A_485 : memref<8x1024xf32, #tpu.memory_space<hbm>>)
    %dma_wait3A_489 = arith.constant 8 : i32
    %dma_wait3A_490 = arith.constant 0 : i32
    %dma_wait3A_491 = tpu.memref_slice %arg10[%dma_wait3A_489, %dma_wait3A_490] : memref<32x1024xf32, #tpu.memory_space<vmem>> -> memref<8x1024xf32, #tpu.memory_space<vmem>>
    %dma_wait3A_492 = arith.constant 0 : i32
    %dma_wait3A_493 = tpu.memref_slice %arg6[%add3A_472, %dma_wait3A_492] : memref<32768x1024xf32, #tpu.memory_space<hbm>> -> memref<8x1024xf32, #tpu.memory_space<hbm>>
    %dma_wait3A_494 = arith.constant 0 : i32
    %dma_wait3A_495 = tpu.memref_slice %arg6[%add3A_472, %dma_wait3A_494] : memref<32768x1024xf32, #tpu.memory_space<hbm>> -> memref<8x1024xf32, #tpu.memory_space<hbm>>
    %dma_wait3A_496 = arith.constant 8 : i32
    %dma_wait3A_497 = arith.constant 0 : i32
    %dma_wait3A_498 = tpu.memref_slice %arg10[%dma_wait3A_496, %dma_wait3A_497] : memref<32x1024xf32, #tpu.memory_space<vmem>> -> memref<8x1024xf32, #tpu.memory_space<vmem>>
    tpu.wait_dma2 semaphore(%arg16 : memref<!tpu.dma_semaphore, #tpu.memory_space<semaphore_mem>>) src(%dma_wait3A_498 : memref<8x1024xf32, #tpu.memory_space<vmem>>) dst(%dma_wait3A_495 : memref<8x1024xf32, #tpu.memory_space<hbm>>)
    %dma_wait3A_499 = arith.constant 16 : i32
    %dma_wait3A_500 = arith.constant 0 : i32
    %dma_wait3A_501 = tpu.memref_slice %arg10[%dma_wait3A_499, %dma_wait3A_500] : memref<32x1024xf32, #tpu.memory_space<vmem>> -> memref<8x1024xf32, #tpu.memory_space<vmem>>
    %dma_wait3A_502 = arith.constant 0 : i32
    %dma_wait3A_503 = tpu.memref_slice %arg6[%add3A_475, %dma_wait3A_502] : memref<32768x1024xf32, #tpu.memory_space<hbm>> -> memref<8x1024xf32, #tpu.memory_space<hbm>>
    %dma_wait3A_504 = arith.constant 0 : i32
    %dma_wait3A_505 = tpu.memref_slice %arg6[%add3A_475, %dma_wait3A_504] : memref<32768x1024xf32, #tpu.memory_space<hbm>> -> memref<8x1024xf32, #tpu.memory_space<hbm>>
    %dma_wait3A_506 = arith.constant 16 : i32
    %dma_wait3A_507 = arith.constant 0 : i32
    %dma_wait3A_508 = tpu.memref_slice %arg10[%dma_wait3A_506, %dma_wait3A_507] : memref<32x1024xf32, #tpu.memory_space<vmem>> -> memref<8x1024xf32, #tpu.memory_space<vmem>>
    tpu.wait_dma2 semaphore(%arg16 : memref<!tpu.dma_semaphore, #tpu.memory_space<semaphore_mem>>) src(%dma_wait3A_508 : memref<8x1024xf32, #tpu.memory_space<vmem>>) dst(%dma_wait3A_505 : memref<8x1024xf32, #tpu.memory_space<hbm>>)
    %dma_wait3A_509 = arith.constant 24 : i32
    %dma_wait3A_510 = arith.constant 0 : i32
    %dma_wait3A_511 = tpu.memref_slice %arg10[%dma_wait3A_509, %dma_wait3A_510] : memref<32x1024xf32, #tpu.memory_space<vmem>> -> memref<8x1024xf32, #tpu.memory_space<vmem>>
    %dma_wait3A_512 = arith.constant 0 : i32
    %dma_wait3A_513 = tpu.memref_slice %arg6[%add3A_478, %dma_wait3A_512] : memref<32768x1024xf32, #tpu.memory_space<hbm>> -> memref<8x1024xf32, #tpu.memory_space<hbm>>
    %dma_wait3A_514 = arith.constant 0 : i32
    %dma_wait3A_515 = tpu.memref_slice %arg6[%add3A_478, %dma_wait3A_514] : memref<32768x1024xf32, #tpu.memory_space<hbm>> -> memref<8x1024xf32, #tpu.memory_space<hbm>>
    %dma_wait3A_516 = arith.constant 24 : i32
    %dma_wait3A_517 = arith.constant 0 : i32
    %dma_wait3A_518 = tpu.memref_slice %arg10[%dma_wait3A_516, %dma_wait3A_517] : memref<32x1024xf32, #tpu.memory_space<vmem>> -> memref<8x1024xf32, #tpu.memory_space<vmem>>
    tpu.wait_dma2 semaphore(%arg16 : memref<!tpu.dma_semaphore, #tpu.memory_space<semaphore_mem>>) src(%dma_wait3A_518 : memref<8x1024xf32, #tpu.memory_space<vmem>>) dst(%dma_wait3A_515 : memref<8x1024xf32, #tpu.memory_space<hbm>>)
    %multiple_of3A_519 = arith.constant 248 : i32
    %multiple_of3A_520 = tpu.assume_multiple %multiple_of3A_519, 8 : i32
    %add3A_521 = arith.constant 0 : i32
    %add3A_522 = arith.addi %add3A_521, %multiple_of3A_520 : i32
    %add3A_523 = arith.constant 256 : i32
    %add3A_524 = arith.addi %add3A_523, %multiple_of3A_520 : i32
    %add3A_525 = arith.constant 512 : i32
    %add3A_526 = arith.addi %add3A_525, %multiple_of3A_520 : i32
    %add3A_527 = arith.constant 768 : i32
    %add3A_528 = arith.addi %add3A_527, %multiple_of3A_520 : i32
    %dma_wait3A_529 = arith.constant 0 : i32
    %dma_wait3A_530 = arith.constant 0 : i32
    %dma_wait3A_531 = tpu.memref_slice %arg11[%dma_wait3A_529, %dma_wait3A_530] : memref<32x1024xf32, #tpu.memory_space<vmem>> -> memref<8x1024xf32, #tpu.memory_space<vmem>>
    %dma_wait3A_532 = tpu.memref_slice %arg8[%add3A_522] : memref<1024xi32, #tpu.memory_space<vmem>> -> memref<8xi32, #tpu.memory_space<vmem>>
    %dma_wait3A_533 = arith.constant 0 : i32
    %dma_wait3A_534 = arith.constant 0 : i32
    %dma_wait3A_535 = tpu.memref_slice %arg4[%dma_wait3A_533, %dma_wait3A_534] : memref<100000x1024xf32, #tpu.memory_space<hbm>> -> memref<100000x1024xf32, #tpu.memory_space<hbm>>
    tpu.wait_indirect_dma semaphore(%arg15 : memref<!tpu.dma_semaphore, #tpu.memory_space<semaphore_mem>>) src(%dma_wait3A_535 : memref<100000x1024xf32, #tpu.memory_space<hbm>>) dst(%dma_wait3A_531 : memref<8x1024xf32, #tpu.memory_space<vmem>>)
    %dma_wait3A_536 = arith.constant 8 : i32
    %dma_wait3A_537 = arith.constant 0 : i32
    %dma_wait3A_538 = tpu.memref_slice %arg11[%dma_wait3A_536, %dma_wait3A_537] : memref<32x1024xf32, #tpu.memory_space<vmem>> -> memref<8x1024xf32, #tpu.memory_space<vmem>>
    %dma_wait3A_539 = tpu.memref_slice %arg8[%add3A_524] : memref<1024xi32, #tpu.memory_space<vmem>> -> memref<8xi32, #tpu.memory_space<vmem>>
    %dma_wait3A_540 = arith.constant 0 : i32
    %dma_wait3A_541 = arith.constant 0 : i32
    %dma_wait3A_542 = tpu.memref_slice %arg4[%dma_wait3A_540, %dma_wait3A_541] : memref<100000x1024xf32, #tpu.memory_space<hbm>> -> memref<100000x1024xf32, #tpu.memory_space<hbm>>
    tpu.wait_indirect_dma semaphore(%arg15 : memref<!tpu.dma_semaphore, #tpu.memory_space<semaphore_mem>>) src(%dma_wait3A_542 : memref<100000x1024xf32, #tpu.memory_space<hbm>>) dst(%dma_wait3A_538 : memref<8x1024xf32, #tpu.memory_space<vmem>>)
    %dma_wait3A_543 = arith.constant 16 : i32
    %dma_wait3A_544 = arith.constant 0 : i32
    %dma_wait3A_545 = tpu.memref_slice %arg11[%dma_wait3A_543, %dma_wait3A_544] : memref<32x1024xf32, #tpu.memory_space<vmem>> -> memref<8x1024xf32, #tpu.memory_space<vmem>>
    %dma_wait3A_546 = tpu.memref_slice %arg8[%add3A_526] : memref<1024xi32, #tpu.memory_space<vmem>> -> memref<8xi32, #tpu.memory_space<vmem>>
    %dma_wait3A_547 = arith.constant 0 : i32
    %dma_wait3A_548 = arith.constant 0 : i32
    %dma_wait3A_549 = tpu.memref_slice %arg4[%dma_wait3A_547, %dma_wait3A_548] : memref<100000x1024xf32, #tpu.memory_space<hbm>> -> memref<100000x1024xf32, #tpu.memory_space<hbm>>
    tpu.wait_indirect_dma semaphore(%arg15 : memref<!tpu.dma_semaphore, #tpu.memory_space<semaphore_mem>>) src(%dma_wait3A_549 : memref<100000x1024xf32, #tpu.memory_space<hbm>>) dst(%dma_wait3A_545 : memref<8x1024xf32, #tpu.memory_space<vmem>>)
    %dma_wait3A_550 = arith.constant 24 : i32
    %dma_wait3A_551 = arith.constant 0 : i32
    %dma_wait3A_552 = tpu.memref_slice %arg11[%dma_wait3A_550, %dma_wait3A_551] : memref<32x1024xf32, #tpu.memory_space<vmem>> -> memref<8x1024xf32, #tpu.memory_space<vmem>>
    %dma_wait3A_553 = tpu.memref_slice %arg8[%add3A_528] : memref<1024xi32, #tpu.memory_space<vmem>> -> memref<8xi32, #tpu.memory_space<vmem>>
    %dma_wait3A_554 = arith.constant 0 : i32
    %dma_wait3A_555 = arith.constant 0 : i32
    %dma_wait3A_556 = tpu.memref_slice %arg4[%dma_wait3A_554, %dma_wait3A_555] : memref<100000x1024xf32, #tpu.memory_space<hbm>> -> memref<100000x1024xf32, #tpu.memory_space<hbm>>
    tpu.wait_indirect_dma semaphore(%arg15 : memref<!tpu.dma_semaphore, #tpu.memory_space<semaphore_mem>>) src(%dma_wait3A_556 : memref<100000x1024xf32, #tpu.memory_space<hbm>>) dst(%dma_wait3A_552 : memref<8x1024xf32, #tpu.memory_space<vmem>>)
    %multiple_of3A_557 = arith.constant 248 : i32
    %multiple_of3A_558 = tpu.assume_multiple %multiple_of3A_557, 8 : i32
    %add3A_559 = arith.addi %mul3A_2, %multiple_of3A_558 : i32
    %dma_wait3A_560 = arith.constant 0 : i32
    %dma_wait3A_561 = tpu.memref_slice %arg5[%add3A_559, %dma_wait3A_560] : memref<8192x1024xf32, #tpu.memory_space<hbm>> -> memref<8x1024xf32, #tpu.memory_space<hbm>>
    %dma_wait3A_562 = arith.constant 0 : i32
    %dma_wait3A_563 = tpu.memref_slice %arg5[%add3A_559, %dma_wait3A_562] : memref<8192x1024xf32, #tpu.memory_space<hbm>> -> memref<8x1024xf32, #tpu.memory_space<hbm>>
    tpu.wait_dma2 semaphore(%arg17 : memref<!tpu.dma_semaphore, #tpu.memory_space<semaphore_mem>>) src(%dma_wait3A_563 : memref<8x1024xf32, #tpu.memory_space<hbm>>) dst(%arg12 : memref<8x1024xf32, #tpu.memory_space<vmem>>)
    %multiple_of3A_564 = arith.constant 248 : i32
    %multiple_of3A_565 = tpu.assume_multiple %multiple_of3A_564, 8 : i32
    %add3A_566 = arith.addi %mul3A_2, %multiple_of3A_565 : i32
    %dma_wait3A_567 = arith.constant 0 : i32
    %dma_wait3A_568 = tpu.memref_slice %arg5[%add3A_566, %dma_wait3A_567] : memref<8192x1024xf32, #tpu.memory_space<hbm>> -> memref<8x1024xf32, #tpu.memory_space<hbm>>
    %dma_wait3A_569 = arith.constant 0 : i32
    %dma_wait3A_570 = tpu.memref_slice %arg5[%add3A_566, %dma_wait3A_569] : memref<8192x1024xf32, #tpu.memory_space<hbm>> -> memref<8x1024xf32, #tpu.memory_space<hbm>>
    tpu.wait_dma2 semaphore(%arg17 : memref<!tpu.dma_semaphore, #tpu.memory_space<semaphore_mem>>) src(%dma_wait3A_570 : memref<8x1024xf32, #tpu.memory_space<hbm>>) dst(%arg13 : memref<8x1024xf32, #tpu.memory_space<vmem>>)
    return
  }
}

</mosaic_0001>

<sc_bundles>
// kernel: kernel.3.cloned.1.call-start
scs
__scs_entry_jumppad:
0x0: {  	(pc) =	sbr.rel $0x88, $3  }
0x1: {  	(tag) =	ssettag $0x0;
	lr =	simm.s32 $0x1  }
0x2: {  	[smem:$0x3F9D] =	sst lr;
	_ =	strace $0xD0000000  }
0x3: {  	_ = 	snop  }
0x4: {  	_ = 	snop  }
0x5: {  	_ = 	snop  }
0x6: {  	_ = 	snop  }
0x7: {  	_ = 	snop  }
__scs_overlays_trampoline_lowered:
0x8: {  	[smem:$0x3FAC] =	sst s0  }
0x9: {  	[smem:$0x3FAD] =	sst s1  }
0xa: {  	[smem:$0x3FAE] =	sst s2  }
0xb: {  	[smem:$0x3FAF] =	sst s3  }
0xc: {  	[smem:$0x3FB0] =	sst s4  }
0xd: {  	[smem:$0x3FB1] =	sst s5  }
0xe: {  	[smem:$0x3FB2] =	sst s6  }
0xf: {  	[smem:$0x3FB3] =	sst s7  }
0x10: {  	[smem:$0x3FB4] =	sst s8  }
0x11: {  	[smem:$0x3FB5] =	sst s9;
	s0 =	simm.s32 @!p0 $0x0  }
0x12: {  	s1 =	sld [smem:$0x3F9B];
	s0 =	simm.s32 @p0 $0x1  }
0x13: {  	[smem:$0x3FB6] =	sst s0;
	s0 =	simm.s32 @!p1 $0x0  }
0x14: {  	s2 =	sld [smem:$0x3F9A];
	s0 =	simm.s32 @p1 $0x1  }
0x15: {  	[smem:$0x3FB7] =	sst s0;
	s0 =	simm.s32 @!p2 $0x0  }
0x16: {  	s3 =	sld [smem:$0x3FDB];
	s0 =	simm.s32 @p2 $0x1  }
0x17: {  	s4 =	simm.s32 $0x1BF5;
	[smem:$0x3FB9] =	sst s0  }
0x18: {  	s0 =	sld [smem:$0x3F9C];
	_ =	swait.ge [sflag:s4], $0x0  }
0x19: {  	s7 =	sld [smem:$0x3F9D]  }
0x1a: {  	s8 =	sadd.s32 $0xFFFFE003, lr  }
0x1b: {  	s9 =	sadd.s32 $0xFFFFFEF7, lr;
	s5 =	simm.s32 $0xFFFFFFFF;
	p2 =	slt.u32 s8, $0xFFFFF086  }
0x1c: {  	p1 =	slt.u32 s9, $0xF7A;
	s5 =	simm.s32 @!p2 $0x0  }
0x1d: {  	s5 =	simm.s32 @p1 $0x1;
	p0 =	seq.s32 s7, s2  }
0x1e: {  	s7 =	smul.u32 @!p0 $0xF7A, s2;
	p2 =	seq.s32 @!p0 s5, $0x0  }
0x1f: {  	s9 =	smul.u32 $0xF7A, s1;
	s8 =	simm.s32 @!p0 $0x1BF5;
	p2 =	por !p2, p0  }
0x20: {  	[sflag:s8] =	ssyncset.s32 @!p0 $0xFFFFF086;
	s6 =	sadd.s32 @!p0 s3, s7;
	s7 =	simm.s32 @!p0 $0x108  }
0x21: {  	s3 =	sadd.s32 s3, s9;
	s6 =	sadd.s32 @!p0 $0x88, s6;
	s7 =	simm.s32 @p2 $0x1082  }
0x22: {  	[simem:s7], [sflag:s8] =	dma.local @!p0 [hbm:s6], $0xF7A  }
0x23: {  	s9 =	sor.u32 $0xD0000000, s2;
	s6 =	simm.s32 $0x108;
	_ =	swait.ge @!p0 [sflag:s8], $0x0  }
0x24: {  	s3 =	sadd.s32 $0x88, s3;
	s6 =	simm.s32 @!p1 $0x1082;
	[sflag:s4] =	ssyncset.s32 $0xFFFFF086  }
0x25: {  	[simem:s6], [sflag:s4] =	dma.local [hbm:s3], $0xF7A  }
0x26: {  	[smem:$0x3F9D] =	sst s1;
	(tag) =	ssettag s2;
	_ =	strace s9  }
0x27: {  	s1 =	sld [smem:$0x3FAD]  }
0x28: {  	s2 =	sld [smem:$0x3FAE]  }
0x29: {  	s4 =	sld [smem:$0x3FB0]  }
0x2a: {  	p0 =	seq.s32 s5, $0x0;
	s5 =	sld [smem:$0x3FB1]  }
0x2b: {  	s6 =	sld [smem:$0x3FB2]  }
0x2c: {  	s7 =	sld [smem:$0x3FB3]  }
0x2d: {  	s3 =	simm.s32 $0x108;
	s8 =	sld [smem:$0x3FB4]  }
0x2e: {  	s3 =	simm.s32 @!p0 $0x1082;
	s9 =	sld [smem:$0x3FB5]  }
0x2f: {  	lr =	sadd.s32 s0, s3;
	s0 =	sld [smem:$0x3FAC]  }
0x30: {  	s3 =	sld [smem:$0x3FAF]  }
0x31: {  	[smem:$0x3FB8] =	sst s10  }
0x32: {  	s10 =	sld [smem:$0x3FB6];
	_ =	sdelay $0x3  }
0x33: {  	p0 =	seq.s32 s10, $0x1;
	s10 =	sld [smem:$0x3FB8];
	_ =	sdelay $0x3  }
0x34: {  	[smem:$0x3FB8] =	sst s10  }
0x35: {  	s10 =	sld [smem:$0x3FB7];
	_ =	sdelay $0x3  }
0x36: {  	p1 =	seq.s32 s10, $0x1;
	s10 =	sld [smem:$0x3FB8];
	_ =	sdelay $0x3  }
0x37: {  	[smem:$0x3FB8] =	sst s10  }
0x38: {  	s10 =	sld [smem:$0x3FB9]  }
0x39: {  	_ = 	snop;
	(pc) =	sbr.ind lr, $3  }
0x3a: {  	_ = 	snop  }
0x3b: {  	_ = 	snop  }
0x3c: {  	p2 =	seq.s32 s10, $0x1;
	s10 =	sld [smem:$0x3FB8]  }
0x3d: {  	_ =	shalt  }
0x3e: {  	_ =	shalt  }
0x3f: {  	_ =	shalt  }
0x40: {  	_ =	shalt  }
0x41: {  	_ =	shalt  }
0x42: {  	_ =	shalt  }
0x43: {  	_ =	shalt  }
0x44: {  	_ =	shalt  }
0x45: {  	_ =	shalt  }
0x46: {  	_ =	shalt  }
0x47: {  	_ =	shalt  }
0x48: {  	_ =	shalt  }
0x49: {  	_ =	shalt  }
0x4a: {  	_ =	shalt  }
0x4b: {  	_ =	shalt  }
0x4c: {  	_ =	shalt  }
0x4d: {  	_ =	shalt  }
0x4e: {  	_ =	shalt  }
0x4f: {  	_ =	shalt  }
0x50: {  	_ =	shalt  }
0x51: {  	_ =	shalt  }
0x52: {  	_ =	shalt  }
0x53: {  	_ =	shalt  }
0x54: {  	_ =	shalt  }
0x55: {  	_ =	shalt  }
0x56: {  	_ =	shalt  }
0x57: {  	_ =	shalt  }
0x58: {  	_ =	shalt  }
0x59: {  	_ =	shalt  }
0x5a: {  	_ =	shalt  }
0x5b: {  	_ =	shalt  }
0x5c: {  	_ =	shalt  }
0x5d: {  	_ =	shalt  }
0x5e: {  	_ =	shalt  }
0x5f: {  	_ =	shalt  }
0x60: {  	_ =	shalt  }
0x61: {  	_ =	shalt  }
0x62: {  	_ =	shalt  }
0x63: {  	_ =	shalt  }
0x64: {  	_ =	shalt  }
0x65: {  	_ =	shalt  }
0x66: {  	_ =	shalt  }
0x67: {  	_ =	shalt  }
0x68: {  	_ =	shalt  }
0x69: {  	_ =	shalt  }
0x6a: {  	_ =	shalt  }
0x6b: {  	_ =	shalt  }
0x6c: {  	_ =	shalt  }
0x6d: {  	_ =	shalt  }
0x6e: {  	_ =	shalt  }
0x6f: {  	_ =	shalt  }
0x70: {  	_ =	shalt  }
0x71: {  	_ =	shalt  }
0x72: {  	_ =	shalt  }
0x73: {  	_ =	shalt  }
0x74: {  	_ =	shalt  }
0x75: {  	_ =	shalt  }
0x76: {  	_ =	shalt  }
0x77: {  	_ =	shalt  }
0x78: {  	_ =	shalt  }
0x79: {  	_ =	shalt  }
0x7a: {  	_ =	shalt  }
0x7b: {  	_ =	shalt  }
0x7c: {  	_ =	shalt  }
0x7d: {  	_ =	shalt  }
0x7e: {  	_ =	shalt  }
0x7f: {  	_ =	shalt  }
0x80: {  	_ =	shalt  }
0x81: {  	_ =	shalt  }
0x82: {  	_ =	shalt  }
0x83: {  	_ =	shalt  }
0x84: {  	_ =	shalt  }
0x85: {  	_ =	shalt  }
0x86: {  	_ =	shalt  }
0x87: {  	_ =	shalt  }
.Lfunc_end0:
.L_simem_size_0:
called_computation_lowered:
.L_overlay_start_0:
0x88: {  	s2 =	sld [smem:$0x3FD9]  }
0x89: {  	s3 =	sld [smem:$0x3FFE];
	_ =	sdelay $0x1  }
0x8a: {  	s1 =	srdreg.scid  }
0x8b: {  	s0 =	sand.u32 $0x1, s1  }
0x8c: {  	s14 =	sshll.u32 s0, $0xA;
	s2 =	sadd.s32 s3, s2  }
0x8d: {  	s2 =	sadd.s32 s2, s14  }
0x8e: {  	[smem:$0x3FC4] =	sst s2  }
0x8f: {  	_ = 	snop  }
0x90: {  	s2 =	sld [smem:$0x3FD0];
	_ =	sdelay $0x1  }
0x91: {  	s15 =	sld [smem:$0x3FC7]  }
0x92: {  	s5 =	simm.s32 $0xA;
	s6 =	simm.s32 $0x10;
	s4 =	sld [smem:$0x3FC6]  }
0x93: {  	[smem:s6], [sflag:s5] =	dma.local [hbm:s2], $0x1  }
0x94: {  	_ =	swait.eq [sflag:s5], $0x1  }
0x95: {  	[sflag:s5] =	ssyncset.done $0x0  }
0x96: {  	s16 =	sld [smem:$0x10];
	[sflag:s5] =	ssyncadd.s32 $0xFFFFFFFF  }
0x97: {  	s17 =	sld [smem:$0x11];
	(tm) =	ssettm $0x1  }
0x98: {  	s18 =	sld [smem:$0x3FFB];
	_ =	sdelay $0x3  }
0x99: {  	_ =	strace s18  }
0x9a: {  	s6 =	sld [smem:$0x3FFC];
	_ =	sdelay $0x3  }
0x9b: {  	_ =	strace s6  }
0x9c: {  	s6 =	sld [smem:$0x3FFD];
	_ =	sdelay $0x3  }
0x9d: {  	_ =	strace s6  }
0x9e: {  	_ =	strace $0x8FFFFFFF  }
0x9f: {  	s19 =	sld [smem:$0x3FDB];
	_ =	sdelay $0x1  }
0xa0: {  	s7 =	simm.s32 $_scs_section_size  }
0xa1: {  	s8 =	simm.s32 $_size__tile_overlayer_lowered;
	s9 =	simm.s32 $_tile_overlayer_lowered  }
0xa2: {  	s22 =	simm.s32 $0x1BFF;
	s21 =	sshll.u32 s9, $0x1;
	s6 =	sadd.s32 s7, s19  }
0xa3: {  	s10 =	simm.s32 $0x0;
	s20 =	sshll.u32 s8, $0x1;
	s8 =	sadd.s32 s21, s6  }
0xa4: {  	[timem:s10], [sflag:s22] =	dma.local [hbm:s8], s20  }
0xa5: {  	_ =	swait.ge [sflag:s22], s20  }
0xa6: {  	s7 =	ssub.s32 $0x0, s20;
	[sflag:s22] =	ssyncset.done $0x0  }
0xa7: {  	[sflag:s22] =	ssyncadd.s32 s7;
	_ =	sdelay $0x1  }
0xa8: {  	s23 =	simm.s32 $0x1B8B  }
0xa9: {  	_ =	swait.ge [sflag:s23], $0x1  }
0xaa: {  	[sflag:s23] =	ssyncset.done $0x0  }
0xab: {  	s25 =	simm.s32 $0x1B8E;
	s24 =	sld [smem:$0x3FFE];
	[sflag:s23] =	ssyncadd.s32 $0xFFFFFFFF  }
0xac: {  	s26 =	simm.s32 $execute0_lowered;
	[smem:$0x3FD2] =	sst s25  }
0xad: {  	s8 =	sshll.u32 s26, $0x1;
	_ =	strace $0x80000046;
	[dreg:$0x1] =	wrdreg $0xFFFFFFFF  }
0xae: {  	s28 =	simm.s32 $_size_execute0_lowered;
	s6 =	sadd.s32 s6, s8;
	[dreg:$0x0] =	wrdreg $0x0  }
0xaf: {  	s8 =	sshll.u32 s28, $0x1;
	[dreg:$0x2] =	wrdreg s6  }
0xb0: {  	[dreg:$0x3] =	wrdreg s8  }
0xb1: {  	[dreg:$0x4] =	wrdreg $0xC0  }
0xb2: {  	_ =	task [dreg:s10], $0x5FFFF  }
0xb3: {  	[dreg:$0x1] =	wrdreg $0xFFFFFFFF  }
0xb4: {  	[dreg:$0x0] =	wrdreg $0x60  }
0xb5: {  	[dreg:$0x2] =	wrdreg s24  }
0xb6: {  	[dreg:$0x3] =	wrdreg s15  }
0xb7: {  	[dreg:$0x4] =	wrdreg s4  }
0xb8: {  	[dreg:$0x5] =	wrdreg s16  }
0xb9: {  	[dreg:$0x6] =	wrdreg s17  }
0xba: {  	[dreg:$0x7] =	wrdreg $0x9  }
0xbb: {  	_ =	task.clear_ibuf [dreg:s10], $0x8FFFF;
	_ =	strace $0x90000046  }
0xbc: {  	s29 =	simm.s32 $0x9;
	_ =	strace $0x80000048  }
0xbd: {  	_ =	swait.ge [sflag:s29], $0x1  }
0xbe: {  	[sflag:s29] =	ssyncadd.s32 $0xFFFFFFFF  }
0xbf: {  	_ =	strace $0x90000048  }
0xc0: {  	_ =	sfence  }
0xc1: {  	s30 =	sld [smem:$0x0];
	_ =	sdelay $0x2  }
0xc2: {  	s31 =	sshll.u32 s1, $0xD;
	s1 =	sshrl.u32 s1, $0x2  }
0xc3: {  	s3 =	sand.u32 $0x4000, s31;
	s1 =	sadd.s32 s1, s30  }
0xc4: {  	s0 =	sor.u32 s3, s0;
	s1 =	sshll.u32 s1, $0x11  }
0xc5: {  	s0 =	sor.u32 s1, s0  }
0xc6: {  	s0 =	sadd.s32 $0x8F2B, s0  }
0xc7: {  	[sflag:s0] =	ssyncadd.remote.s32 $0x1  }
0xc8: {  	_ =	sfence.sel $0xFFFF  }
0xc9: {  	[dreg:$0x0] =	wrdreg $0xFFFFFFFF;
	(pc) =	sbr.abs _section_cstart, $3  }
0xca: {  	[dreg:$0x1] =	wrdreg $0xFFFFFFFF  }
0xcb: {  	_ =	task.clear_ibuf [dreg:s10], $0x2FFFF;
	_ =	strace $0x9FFFFFFF  }
0xcc: {  	(tm) =	ssettm $0x7FFFFFFF  }
0xcd: {  	_ =	shalt  }
tec
execute0_lowered:
.L_overlay_start_1:
0x0: {  	(tag) =	ssettag $0x1  }
0x1: {  	s0 =	rddreg [dreg:$0x0]  }
0x2: {  	s1 =	rddreg [dreg:$0x1]  }
0x3: {  	s2 =	rddreg [dreg:$0x2]  }
0x4: {  	s4 =	rddreg [dreg:$0x3]  }
0x5: {  	s3 =	rddreg [dreg:$0x4]  }
0x6: {  	s6 =	srdreg.scid;
	s7 =	stileid.u32  }
0x7: {  	s5 =	simm.s32 $0x0;
	s29 =	simm.s32 $0x1A400;
	s28 =	simm.s32 $0x8400  }
0x8: {  	s6 =	sand.u32 $0x1, s6;
	s7 =	sshll.u32 s7, $0x1;
	[smem:$0x7FF] =	sst s5  }
0x9: {  	s9 =	sadd.s32 $0x800, s0;
	s8 =	sor.u32 s6, s7;
	_ =	strace $0x80000047  }
0xa: {  	s10 =	ssub.s32 $0x2, s6;
	s12 =	sshll.u32 s8, $0x7;
	s6 =	sshll.u32 s8, $0x8  }
0xb: {  	s11 =	sshrl.u32 s10, $0x1;
	s13 =	sshll.u32 s8, $0x5;
	s8 =	sshll.u32 s8, $0xF  }
0xc: {  	s0 =	sadd.s32 s12, s0;
	s7 =	sor.u32 $0x2000, s6;
	s21 =	sadd.s32 s9, s13  }
0xd: {  	s24 =	sor.u32 $0x400, s8;
	s26 =	sadd.s32 s3, s12;
	[dreg:$0x6] =	wrdreg s21  }
0xe: {  	s14 =	ssub.s32 s10, s11;
	s25 =	sadd.s32 s2, s24;
	[dreg:$0xd] =	wrdreg s26  }
0xf: {  	s11 =	sor.u32 $0x6000, s6;
	s0 =	sadd.s32 $0x1800, s0;
	[dreg:$0xb] =	wrdreg s25  }
0x10: {  	s22 =	sshrl.u32 s7, $0x3;
	s19 =	sadd.s32 s4, s24;
	[dreg:$0xc] =	wrdreg s0  }
0x11: {  	s3 =	sshll.u32 s7, $0x7;
	s20 =	smax.u32 s14, $0x1;
	[dreg:$0x12] =	wrdreg s19  }
0x12: {  	s16 =	sshll.u32 s11, $0x7;
	s10 =	sadd.s32 s9, s22;
	[dreg:$0x13] =	wrdreg s20  }
0x13: {  	s0 =	sadd.s32 s4, s3;
	[dreg:$0x7] =	wrdreg s10;
	s10 =	sor.u32 $0x4000, s6  }
0x14: {  	[dreg:$0xf] =	wrdreg s0;
	s0 =	sadd.s32 s4, s16;
	s23 =	sshrl.u32 s10, $0x3  }
0x15: {  	s15 =	sshrl.u32 s11, $0x3;
	[dreg:$0x11] =	wrdreg s0;
	s13 =	sadd.s32 s9, s23  }
0x16: {  	s12 =	sshll.u32 s10, $0x7;
	s9 =	sadd.s32 s9, s15;
	[dreg:$0x8] =	wrdreg s13  }
0x17: {  	s31 =	simm.s32 $0xAC00;
	s15 =	sadd.s32 s4, s12;
	[dreg:$0x9] =	wrdreg s9  }
0x18: {  	s13 =	sadd.s32 s2, s8;
	s8 =	sadd.s32 s4, s8;
	[dreg:$0x10] =	wrdreg s15  }
0x19: {  	s17 =	sadd.s32 $0x200, s1;
	s18 =	sadd.s32 $0x300, s1;
	[dreg:$0xe] =	wrdreg s8  }
0x1a: {  	s30 =	sadd.s32 $0x100, s1;
	s21 =	sadd.s32 $0x800, s13;
	[dreg:$0xa] =	wrdreg s13  }
0x1b: {  	s14 =	simm.s32 $0x1C400;
	s22 =	sadd.s32 $0xC00, s13;
	[dreg:$0x14] =	wrdreg s21  }
0x1c: {  	s3 =	simm.s32 $0x3;
	s23 =	sadd.s32 $0x100400, s8;
	[dreg:$0x15] =	wrdreg s22  }
0x1d: {  	s19 =	simm.s32 $0xE400;
	s24 =	sadd.s32 $0x200400, s8;
	[dreg:$0x16] =	wrdreg s23  }
0x1e: {  	s15 =	simm.s32 $0x4;
	s25 =	sadd.s32 $0x300400, s8;
	[dreg:$0x17] =	wrdreg s24  }
0x1f: {  	v0 =	vlaneseq.u32;
	s26 =	sadd.s32 $0x2400, s13;
	s13 =	simm.s32 $0x1;
	[dreg:$0x18] =	wrdreg s25  }
0x20: {  	v1 =	vshrl.u32 v0, $0x3;
	s8 =	simm.s32 $0x0;
	[dreg:$0x19] =	wrdreg s26;
	s24 =	simm.s32 $0x18400  }
0x21: {  	vm0 =	vmmov $0xffff;
	v0 =	vand.u32 $0x7, v0;
	v1 =	vmul.u32 $0x8, v1;
	s23 =	simm.s32 $0xA400;
	s21 =	simm.s32 $0x2;
	s25 =	simm.s32 $0x0  }
.LBB2_1:
0x22: {  	[dreg:$0x1a] =	wrdreg s8  }
0x23: {  	s0 =	rddreg [dreg:$0x6]  }
0x24: {  	[tilespmem:s5], [sflag:$0x1] =	stream.linear.gather [hbm4b:s0+s5], $0x100, $0x38;
	[tilespmem:$0x1C800] =	vst v63  }
0x25: {  	s16 =	rddreg [dreg:$0x7];
	s20 =	simm.s32 $0x100  }
0x26: {  	[tilespmem:s20], [sflag:$0x1] =	stream.linear.gather [hbm4b:s16+s5], $0x100, $0x38;
	[tilespmem:$0x1C800] =	vst v63  }
0x27: {  	s22 =	rddreg [dreg:$0x8];
	s26 =	simm.s32 $0x200  }
0x28: {  	[tilespmem:s26], [sflag:$0x1] =	stream.linear.gather [hbm4b:s22+s5], $0x100, $0x38;
	[tilespmem:$0x1C800] =	vst v63  }
0x29: {  	s8 =	rddreg [dreg:$0x9];
	s9 =	simm.s32 $0x300  }
0x2a: {  	[tilespmem:s9], [sflag:$0x1] =	stream.linear.gather [hbm4b:s8+s5], $0x100, $0x38;
	[tilespmem:$0x1C800] =	vst v63  }
0x2b: {  	s12 =	rddreg [dreg:$0xa]  }
0x2c: {  	[tilespmem:s24], [sflag:$0x3] =	stream.linear.gather [hbm4b:s12+s5], $0x2000, $0x38;
	[tilespmem:$0x1C800] =	vst v63  }
0x2d: {  	s16 =	rddreg [dreg:$0xb]  }
0x2e: {  	[tilespmem:s29], [sflag:$0x3] =	stream.linear.gather [hbm4b:s16+s5], $0x2000, $0x38;
	[tilespmem:$0x1C800] =	vst v63  }
0x2f: {  	s20 =	rddreg [dreg:$0xc]  }
0x30: {  	[tilespmem:s14], [sflag:$0x4] =	stream.linear.gather [hbm4b:s20+s5], $0x400, $0x38;
	[tilespmem:$0x1C800] =	vst v63  }
0x31: {  	_ =	swait.ge [sflag:s15], $0x400  }
0x32: {  	[sflag:s15] =	ssyncset.done $0x0  }
0x33: {  	[sflag:s15] =	ssyncadd.s32 $0xFFFFFC00  }
0x34: {  	_ =	swait.ge [sflag:s13], $0x100  }
0x35: {  	[sflag:s13] =	ssyncset.done $0x0  }
0x36: {  	[sflag:s13] =	ssyncadd.s32 $0xFFFFFF00  }
0x37: {  	_ =	swait.ge [sflag:s13], $0x100  }
0x38: {  	[sflag:s13] =	ssyncset.done $0x0  }
0x39: {  	[sflag:s13] =	ssyncadd.s32 $0xFFFFFF00  }
0x3a: {  	_ =	swait.ge [sflag:s13], $0x100  }
0x3b: {  	[sflag:s13] =	ssyncset.done $0x0  }
0x3c: {  	[sflag:s13] =	ssyncadd.s32 $0xFFFFFF00  }
0x3d: {  	_ =	swait.ge [sflag:s13], $0x100  }
0x3e: {  	[sflag:s13] =	ssyncset.done $0x0  }
0x3f: {  	[sflag:s13] =	ssyncadd.s32 $0xFFFFFF00  }
0x40: {  	v2 =	vld.msk [tilespmem:$0x0], $0xff;
	_ =	sdelay $0x4  }
0x41: {  	v3 =	vshll.u32 v2, $0x3  }
0x42: {  	v2 =	vand.u32 $0x7, v2;
	v3 =	vand.u32 $0xFFFFFFC0, v3  }
0x43: {  	v2 =	vor.u32 v2, v3  }
0x44: {  	v2 =	vperm.xlane v2, v0;
	_ =	sdelay $0x1  }
0x45: {  	v2 =	vadd.s32 v1, v2;
	_ =	sdelay $0x3  }
0x46: {  	s22 =	simm.s32 $0x400  }
0x47: {  	[tilespmem:s22], [sflag:$0x1] =	stream.indirect_vreg.gather [hbm4b:s1+s5], $0x80, v2, vm0, $0xb8;
	[tilespmem:$0x1C800] =	vst v63  }
0x48: {  	s26 =	simm.s32 $0xC00  }
0x49: {  	[tilespmem:s26], [sflag:$0x1] =	stream.indirect_vreg.gather [hbm4b:s30+s5], $0x80, v2, vm0, $0xb8;
	[tilespmem:$0x1C800] =	vst v63  }
0x4a: {  	s8 =	simm.s32 $0x1400  }
0x4b: {  	[tilespmem:s8], [sflag:$0x1] =	stream.indirect_vreg.gather [hbm4b:s17+s5], $0x80, v2, vm0, $0xb8;
	[tilespmem:$0x1C800] =	vst v63  }
0x4c: {  	s9 =	simm.s32 $0x1C00  }
0x4d: {  	[tilespmem:s9], [sflag:$0x1] =	stream.indirect_vreg.gather [hbm4b:s18+s5], $0x80, v2, vm0, $0xb8;
	[tilespmem:$0x1C800] =	vst v63  }
0x4e: {  	v2 =	vld.msk [tilespmem:$0x100], $0xff;
	_ =	sdelay $0x4  }
0x4f: {  	v3 =	vshll.u32 v2, $0x3  }
0x50: {  	v2 =	vand.u32 $0x7, v2;
	v3 =	vand.u32 $0xFFFFFFC0, v3  }
0x51: {  	v2 =	vor.u32 v2, v3  }
0x52: {  	v2 =	vperm.xlane v2, v0;
	_ =	sdelay $0x1  }
0x53: {  	v2 =	vadd.s32 v1, v2;
	_ =	sdelay $0x3  }
0x54: {  	s12 =	simm.s32 $0x2400  }
0x55: {  	[tilespmem:s12], [sflag:$0x1] =	stream.indirect_vreg.gather [hbm4b:s1+s5], $0x80, v2, vm0, $0xb8;
	[tilespmem:$0x1C800] =	vst v63  }
0x56: {  	s16 =	simm.s32 $0x2C00  }
0x57: {  	[tilespmem:s16], [sflag:$0x1] =	stream.indirect_vreg.gather [hbm4b:s30+s5], $0x80, v2, vm0, $0xb8;
	[tilespmem:$0x1C800] =	vst v63  }
0x58: {  	s20 =	simm.s32 $0x3400  }
0x59: {  	[tilespmem:s20], [sflag:$0x1] =	stream.indirect_vreg.gather [hbm4b:s17+s5], $0x80, v2, vm0, $0xb8;
	[tilespmem:$0x1C800] =	vst v63  }
0x5a: {  	s22 =	simm.s32 $0x3C00  }
0x5b: {  	[tilespmem:s22], [sflag:$0x1] =	stream.indirect_vreg.gather [hbm4b:s18+s5], $0x80, v2, vm0, $0xb8;
	[tilespmem:$0x1C800] =	vst v63  }
0x5c: {  	v2 =	vld.msk [tilespmem:$0x200], $0xff;
	_ =	sdelay $0x4  }
0x5d: {  	v3 =	vshll.u32 v2, $0x3  }
0x5e: {  	v2 =	vand.u32 $0x7, v2;
	v3 =	vand.u32 $0xFFFFFFC0, v3  }
0x5f: {  	v2 =	vor.u32 v2, v3  }
0x60: {  	v2 =	vperm.xlane v2, v0;
	_ =	sdelay $0x1  }
0x61: {  	v2 =	vadd.s32 v1, v2;
	_ =	sdelay $0x3  }
0x62: {  	s26 =	simm.s32 $0x4400  }
0x63: {  	[tilespmem:s26], [sflag:$0x1] =	stream.indirect_vreg.gather [hbm4b:s1+s5], $0x80, v2, vm0, $0xb8;
	[tilespmem:$0x1C800] =	vst v63  }
0x64: {  	s8 =	simm.s32 $0x4C00  }
0x65: {  	[tilespmem:s8], [sflag:$0x1] =	stream.indirect_vreg.gather [hbm4b:s30+s5], $0x80, v2, vm0, $0xb8;
	[tilespmem:$0x1C800] =	vst v63  }
0x66: {  	s9 =	simm.s32 $0x5400  }
0x67: {  	[tilespmem:s9], [sflag:$0x1] =	stream.indirect_vreg.gather [hbm4b:s17+s5], $0x80, v2, vm0, $0xb8;
	[tilespmem:$0x1C800] =	vst v63  }
0x68: {  	s12 =	simm.s32 $0x5C00  }
0x69: {  	[tilespmem:s12], [sflag:$0x1] =	stream.indirect_vreg.gather [hbm4b:s18+s5], $0x80, v2, vm0, $0xb8;
	[tilespmem:$0x1C800] =	vst v63  }
0x6a: {  	v2 =	vld.msk [tilespmem:$0x300], $0xff;
	_ =	sdelay $0x4  }
0x6b: {  	v3 =	vshll.u32 v2, $0x3  }
0x6c: {  	v2 =	vand.u32 $0x7, v2;
	v3 =	vand.u32 $0xFFFFFFC0, v3  }
0x6d: {  	v2 =	vor.u32 v2, v3  }
0x6e: {  	v2 =	vperm.xlane v2, v0;
	_ =	sdelay $0x1  }
0x6f: {  	v2 =	vadd.s32 v1, v2;
	_ =	sdelay $0x3  }
0x70: {  	s16 =	simm.s32 $0x6400  }
0x71: {  	[tilespmem:s16], [sflag:$0x1] =	stream.indirect_vreg.gather [hbm4b:s1+s5], $0x80, v2, vm0, $0xb8;
	[tilespmem:$0x1C800] =	vst v63  }
0x72: {  	s20 =	simm.s32 $0x6C00  }
0x73: {  	[tilespmem:s20], [sflag:$0x1] =	stream.indirect_vreg.gather [hbm4b:s30+s5], $0x80, v2, vm0, $0xb8;
	[tilespmem:$0x1C800] =	vst v63  }
0x74: {  	s22 =	simm.s32 $0x7400  }
0x75: {  	[tilespmem:s22], [sflag:$0x1] =	stream.indirect_vreg.gather [hbm4b:s17+s5], $0x80, v2, vm0, $0xb8;
	[tilespmem:$0x1C800] =	vst v63  }
0x76: {  	s0 =	simm.s32 $0x1C420;
	s26 =	simm.s32 $0x7C00  }
0x77: {  	[tilespmem:s26], [sflag:$0x1] =	stream.indirect_vreg.gather [hbm4b:s18+s5], $0x80, v2, vm0, $0xb8;
	[tilespmem:$0x1C800] =	vst v63  }
0x78: {  	v2 =	vld [tilespmem:s0+$0xFFFFFFE0]  }
0x79: {  	v3 =	vld [tilespmem:s0+$0x0]  }
0x7a: {  	v4 =	vld [tilespmem:s0+$0x10]  }
0x7b: {  	v5 =	vld [tilespmem:s0+$0xFFFFFFF0]  }
0x7c: {  	s8 =	simm.s32 $0x1C460  }
0x7d: {  	v6 =	vld [tilespmem:s8+$0xFFFFFFE0];
	v2 =	vsub.f32 $1.000000000e+00, v2  }
0x7e: {  	v3 =	vsub.f32 $1.000000000e+00, v3  }
0x7f: {  	v7 =	vmul.f32 $-1.000000000e+04, v2;
	v2 =	vld [tilespmem:s8+$0x10]  }
0x80: {  	v5 =	vsub.f32 $1.000000000e+00, v5;
	v8 =	vsub.f32 $1.000000000e+00, v4;
	v9 =	vmul.f32 $-1.000000000e+04, v3;
	v3 =	vld [tilespmem:s8+$0x0]  }
0x81: {  	v4 =	vld [tilespmem:s8+$0xFFFFFFF0];
	[tilespmem:s0+$0xFFFFFFE0] =	vst v7  }
0x82: {  	s9 =	simm.s32 $0x40;
	s12 =	simm.s32 $0x1C4A0;
	v6 =	vsub.f32 $1.000000000e+00, v6;
	v7 =	vmul.f32 $-1.000000000e+04, v5;
	v5 =	vmul.f32 $-1.000000000e+04, v8;
	[tilespmem:s0+$0x0] =	vst v9  }
.LBB2_2:
0x83: {  	s9 =	sadd.s32 $0x40, s9  }
0x84: {  	v8 =	vld [tilespmem:s12+$0xFFFFFFE0];
	[tilespmem:s0+$0xFFFFFFF0] =	vst v7;
	v7 =	vmov v2;
	p0 =	slt.u32 s9, $0x3C0  }
.Ltmp0:
0x85: {  	v2 =	vld [tilespmem:s12+$0x10];
	v6 =	vmul.f32 $-1.000000000e+04, v6;
	v9 =	vsub.f32 $1.000000000e+00, v3;
	[tilespmem:s0+$0x10] =	vst v5;
	s0 =	smov.u32 s8;
	(pc) =	sbr.rel @p0 .LBB2_2-.Ltmp0, $4  }
0x86: {  	v10 =	vsub.f32 $1.000000000e+00, v7;
	s8 =	smov.u32 s12;
	v3 =	vld [tilespmem:s12+$0x0];
	v5 =	vsub.f32 $1.000000000e+00, v4  }
0x87: {  	v4 =	vld [tilespmem:s12+$0xFFFFFFF0];
	[tilespmem:s0+$0xFFFFFFE0] =	vst v6;
	v9 =	vmul.f32 $-1.000000000e+04, v9  }
0x88: {  	v7 =	vmul.f32 $-1.000000000e+04, v5;
	v5 =	vmul.f32 $-1.000000000e+04, v10  }
0x89: {  	s12 =	sadd.s32 $0x40, s12;
	v6 =	vsub.f32 $1.000000000e+00, v8;
	[tilespmem:s0+$0x0] =	vst v9  }
0x8a: {  	v2 =	vsub.f32 $1.000000000e+00, v2  }
0x8b: {  	[tilespmem:s0+$0xFFFFFFF0] =	vst v7;
	v3 =	vsub.f32 $1.000000000e+00, v3;
	v6 =	vmul.f32 $-1.000000000e+04, v6  }
0x8c: {  	[tilespmem:s0+$0x10] =	vst v5;
	v4 =	vsub.f32 $1.000000000e+00, v4;
	v2 =	vmul.f32 $-1.000000000e+04, v2  }
0x8d: {  	v3 =	vmul.f32 $-1.000000000e+04, v3;
	[tilespmem:s8+$0xFFFFFFE0] =	vst v6  }
0x8e: {  	v4 =	vmul.f32 $-1.000000000e+04, v4;
	[tilespmem:s8+$0x10] =	vst v2  }
0x8f: {  	[tilespmem:s8+$0x0] =	vst v3  }
0x90: {  	[tilespmem:s8+$0xFFFFFFF0] =	vst v4  }
0x91: {  	s0 =	simm.s32 $0x0;
	s8 =	rddreg [dreg:$0xd]  }
0x92: {  	[hbm4b:s8+s0] =	stream.linear.scatter [tilespmem:s14], [sflag:$0x4], $0x400, $0x38;
	[tilespmem:$0x1C800] =	vst v63  }
0x93: {  	_ =	swait.ge [sflag:s15], $0x400  }
0x94: {  	[sflag:s15] =	ssyncset.done $0x0  }
0x95: {  	[sflag:s15] =	ssyncadd.s32 $0xFFFFFC00  }
0x96: {  	_ =	swait.ge [sflag:s3], $0x2000  }
0x97: {  	[sflag:s3] =	ssyncset.done $0x0  }
0x98: {  	[sflag:s3] =	ssyncadd.s32 $0xFFFFE000  }
0x99: {  	_ =	swait.ge [sflag:s13], $0x2000  }
0x9a: {  	[sflag:s13] =	ssyncset.done $0x0  }
0x9b: {  	[sflag:s13] =	ssyncadd.s32 $0xFFFFE000  }
0x9c: {  	_ =	swait.ge [sflag:s13], $0x2000  }
0x9d: {  	[sflag:s13] =	ssyncset.done $0x0  }
0x9e: {  	[sflag:s13] =	ssyncadd.s32 $0xFFFFE000  }
0x9f: {  	_ =	swait.ge [sflag:s13], $0x2000  }
0xa0: {  	[sflag:s13] =	ssyncset.done $0x0  }
0xa1: {  	[sflag:s13] =	ssyncadd.s32 $0xFFFFE000  }
0xa2: {  	_ =	swait.ge [sflag:s13], $0x2000  }
0xa3: {  	[sflag:s13] =	ssyncset.done $0x0  }
0xa4: {  	[sflag:s13] =	ssyncadd.s32 $0xFFFFE000  }
0xa5: {  	v2 =	vld.msk [tilespmem:$0x8], $0xff;
	_ =	sdelay $0x4  }
0xa6: {  	v3 =	vshll.u32 v2, $0x3  }
0xa7: {  	v2 =	vand.u32 $0x7, v2;
	v3 =	vand.u32 $0xFFFFFFC0, v3  }
0xa8: {  	v2 =	vor.u32 v2, v3  }
0xa9: {  	v2 =	vperm.xlane v2, v0;
	_ =	sdelay $0x1  }
0xaa: {  	v2 =	vadd.s32 v1, v2;
	_ =	sdelay $0x4  }
0xab: {  	[tilespmem:s28], [sflag:$0x1] =	stream.indirect_vreg.gather [hbm4b:s1+s0], $0x80, v2, vm0, $0xb8;
	[tilespmem:$0x1C800] =	vst v63  }
0xac: {  	s20 =	simm.s32 $0x8C00  }
0xad: {  	[tilespmem:s20], [sflag:$0x1] =	stream.indirect_vreg.gather [hbm4b:s30+s0], $0x80, v2, vm0, $0xb8;
	[tilespmem:$0x1C800] =	vst v63  }
0xae: {  	s22 =	simm.s32 $0x9400  }
0xaf: {  	[tilespmem:s22], [sflag:$0x1] =	stream.indirect_vreg.gather [hbm4b:s17+s0], $0x80, v2, vm0, $0xb8;
	[tilespmem:$0x1C800] =	vst v63  }
0xb0: {  	s26 =	simm.s32 $0x9C00  }
0xb1: {  	[tilespmem:s26], [sflag:$0x1] =	stream.indirect_vreg.gather [hbm4b:s18+s0], $0x80, v2, vm0, $0xb8;
	[tilespmem:$0x1C800] =	vst v63  }
0xb2: {  	v2 =	vld.msk [tilespmem:$0x108], $0xff;
	_ =	sdelay $0x4  }
0xb3: {  	v3 =	vshll.u32 v2, $0x3  }
0xb4: {  	v2 =	vand.u32 $0x7, v2;
	v3 =	vand.u32 $0xFFFFFFC0, v3  }
0xb5: {  	v2 =	vor.u32 v2, v3  }
0xb6: {  	v2 =	vperm.xlane v2, v0;
	_ =	sdelay $0x1  }
0xb7: {  	v2 =	vadd.s32 v1, v2;
	_ =	sdelay $0x4  }
0xb8: {  	[tilespmem:s23], [sflag:$0x1] =	stream.indirect_vreg.gather [hbm4b:s1+s0], $0x80, v2, vm0, $0xb8;
	[tilespmem:$0x1C800] =	vst v63  }
0xb9: {  	_ = 	snop  }
0xba: {  	[tilespmem:s31], [sflag:$0x1] =	stream.indirect_vreg.gather [hbm4b:s30+s0], $0x80, v2, vm0, $0xb8;
	[tilespmem:$0x1C800] =	vst v63  }
0xbb: {  	s31 =	simm.s32 $0xB400  }
0xbc: {  	[tilespmem:s31], [sflag:$0x1] =	stream.indirect_vreg.gather [hbm4b:s17+s0], $0x80, v2, vm0, $0xb8;
	[tilespmem:$0x1C800] =	vst v63  }
0xbd: {  	s9 =	simm.s32 $0xBC00  }
0xbe: {  	[tilespmem:s9], [sflag:$0x1] =	stream.indirect_vreg.gather [hbm4b:s18+s0], $0x80, v2, vm0, $0xb8;
	[tilespmem:$0x1C800] =	vst v63  }
0xbf: {  	v2 =	vld.msk [tilespmem:$0x208], $0xff;
	_ =	sdelay $0x4  }
0xc0: {  	v3 =	vshll.u32 v2, $0x3  }
0xc1: {  	v2 =	vand.u32 $0x7, v2;
	v3 =	vand.u32 $0xFFFFFFC0, v3  }
0xc2: {  	v2 =	vor.u32 v2, v3  }
0xc3: {  	v2 =	vperm.xlane v2, v0;
	_ =	sdelay $0x1  }
0xc4: {  	v2 =	vadd.s32 v1, v2;
	_ =	sdelay $0x3  }
0xc5: {  	s12 =	simm.s32 $0xC400  }
0xc6: {  	[tilespmem:s12], [sflag:$0x1] =	stream.indirect_vreg.gather [hbm4b:s1+s0], $0x80, v2, vm0, $0xb8;
	[tilespmem:$0x1C800] =	vst v63  }
0xc7: {  	s14 =	simm.s32 $0xCC00  }
0xc8: {  	[tilespmem:s14], [sflag:$0x1] =	stream.indirect_vreg.gather [hbm4b:s30+s0], $0x80, v2, vm0, $0xb8;
	[tilespmem:$0x1C800] =	vst v63  }
0xc9: {  	s15 =	simm.s32 $0xD400  }
0xca: {  	[tilespmem:s15], [sflag:$0x1] =	stream.indirect_vreg.gather [hbm4b:s17+s0], $0x80, v2, vm0, $0xb8;
	[tilespmem:$0x1C800] =	vst v63  }
0xcb: {  	s16 =	simm.s32 $0xDC00  }
0xcc: {  	[tilespmem:s16], [sflag:$0x1] =	stream.indirect_vreg.gather [hbm4b:s18+s0], $0x80, v2, vm0, $0xb8;
	[tilespmem:$0x1C800] =	vst v63  }
0xcd: {  	v2 =	vld.msk [tilespmem:$0x308], $0xff;
	_ =	sdelay $0x4  }
0xce: {  	v3 =	vshll.u32 v2, $0x3  }
0xcf: {  	v2 =	vand.u32 $0x7, v2;
	v3 =	vand.u32 $0xFFFFFFC0, v3  }
0xd0: {  	v2 =	vor.u32 v2, v3  }
0xd1: {  	v2 =	vperm.xlane v2, v0;
	_ =	sdelay $0x1  }
0xd2: {  	v2 =	vadd.s32 v1, v2;
	_ =	sdelay $0x4  }
0xd3: {  	[tilespmem:s19], [sflag:$0x1] =	stream.indirect_vreg.gather [hbm4b:s1+s0], $0x80, v2, vm0, $0xb8;
	[tilespmem:$0x1C800] =	vst v63  }
0xd4: {  	s20 =	simm.s32 $0xEC00;
	s31 =	simm.s32 $0x0  }
0xd5: {  	[tilespmem:s20], [sflag:$0x1] =	stream.indirect_vreg.gather [hbm4b:s30+s0], $0x80, v2, vm0, $0xb8;
	[tilespmem:$0x1C800] =	vst v63  }
0xd6: {  	s22 =	simm.s32 $0xF400;
	s8 =	sand.u32 $0x1FFFFF80, s31;
	s9 =	sand.u32 $0x1C00, s0  }
0xd7: {  	[tilespmem:s22], [sflag:$0x1] =	stream.indirect_vreg.gather [hbm4b:s17+s0], $0x80, v2, vm0, $0xb8;
	[tilespmem:$0x1C800] =	vst v63  }
0xd8: {  	s26 =	simm.s32 $0xFC00;
	s8 =	sadd.s32 s9, s8  }
0xd9: {  	[tilespmem:s26], [sflag:$0x1] =	stream.indirect_vreg.gather [hbm4b:s18+s0], $0x80, v2, vm0, $0xb8;
	[tilespmem:$0x1C800] =	vst v63  }
0xda: {  	v2 =	vld [tilespmem:s8+$0x18470]  }
0xdb: {  	v3 =	vld [tilespmem:s8+$0x6470]  }
0xdc: {  	v4 =	vld [tilespmem:s8+$0x18400]  }
0xdd: {  	v5 =	vld [tilespmem:s8+$0x400]  }
0xde: {  	v6 =	vld [tilespmem:s8+$0x2400]  }
0xdf: {  	v7 =	vld [tilespmem:s8+$0x4400]  }
0xe0: {  	v8 =	vld [tilespmem:s8+$0x6400]  }
0xe1: {  	v9 =	vld [tilespmem:s8+$0x18410]  }
0xe2: {  	v10 =	vld [tilespmem:s8+$0x410]  }
0xe3: {  	v11 =	vld [tilespmem:s8+$0x2410]  }
0xe4: {  	v12 =	vld [tilespmem:s8+$0x4410]  }
0xe5: {  	v13 =	vld [tilespmem:s8+$0x6410]  }
0xe6: {  	v14 =	vld [tilespmem:s8+$0x18420];
	v3 =	vadd.f32 v3, v2  }
0xe7: {  	v15 =	vld [tilespmem:s8+$0x420];
	v5 =	vadd.f32 v5, v4  }
0xe8: {  	v61 =	vld [tilespmem:s8+$0x6430];
	[tilespmem:s8+$0x6470] =	vst v3;
	v3 =	vadd.f32 v6, v4  }
0xe9: {  	v6 =	vld [tilespmem:s8+$0x2420];
	[tilespmem:s8+$0x400] =	vst v5;
	v5 =	vadd.f32 v7, v4  }
0xea: {  	v7 =	vld [tilespmem:s8+$0x4420];
	[tilespmem:s8+$0x2400] =	vst v3;
	v3 =	vadd.f32 v8, v4  }
0xeb: {  	v4 =	vld [tilespmem:s8+$0x6420];
	[tilespmem:s8+$0x4400] =	vst v5;
	v5 =	vadd.f32 v10, v9  }
0xec: {  	v8 =	vld [tilespmem:s8+$0x18430];
	[tilespmem:s8+$0x6400] =	vst v3;
	v3 =	vadd.f32 v11, v9  }
0xed: {  	v10 =	vld [tilespmem:s8+$0x430];
	[tilespmem:s8+$0x410] =	vst v5;
	v5 =	vadd.f32 v12, v9  }
0xee: {  	v11 =	vld [tilespmem:s8+$0x2430];
	[tilespmem:s8+$0x2410] =	vst v3;
	v3 =	vadd.f32 v13, v9  }
0xef: {  	v9 =	vld [tilespmem:s8+$0x4430];
	[tilespmem:s8+$0x4410] =	vst v5;
	v5 =	vadd.f32 v15, v14  }
0xf0: {  	[tilespmem:s8+$0x6410] =	vst v3;
	v3 =	vadd.f32 v6, v14;
	v6 =	vld [tilespmem:s8+$0x18440]  }
0xf1: {  	[tilespmem:s8+$0x420] =	vst v5;
	v5 =	vadd.f32 v7, v14;
	v7 =	vld [tilespmem:s8+$0x440]  }
0xf2: {  	v62 =	vld [tilespmem:s8+$0x2440];
	[tilespmem:s8+$0x2420] =	vst v3;
	v3 =	vadd.f32 v4, v14  }
0xf3: {  	[tilespmem:s8+$0x4420] =	vst v5;
	v4 =	vadd.f32 v10, v8;
	v5 =	vld [tilespmem:s8+$0x4440]  }
0xf4: {  	v10 =	vld [tilespmem:s8+$0x6440];
	v9 =	vadd.f32 v9, v8;
	[tilespmem:s8+$0x6420] =	vst v3  }
0xf5: {  	v3 =	vadd.f32 v11, v8;
	[tilespmem:s8+$0x430] =	vst v4;
	v4 =	vld [tilespmem:s8+$0x18450]  }
0xf6: {  	v11 =	vld [tilespmem:s8+$0x450];
	[tilespmem:s8+$0x4430] =	vst v9;
	v7 =	vadd.f32 v7, v6  }
0xf7: {  	v9 =	vld [tilespmem:s8+$0x2450];
	[tilespmem:s8+$0x2430] =	vst v3;
	v3 =	vadd.f32 v61, v8  }
0xf8: {  	v63 =	vld [tilespmem:s8+$0x4450];
	[tilespmem:s8+$0x440] =	vst v7;
	v5 =	vadd.f32 v5, v6  }
0xf9: {  	v8 =	vld [tilespmem:s8+$0x6450];
	[tilespmem:s8+$0x6430] =	vst v3;
	v3 =	vadd.f32 v62, v6  }
0xfa: {  	v7 =	vld [tilespmem:s8+$0x460];
	v6 =	vadd.f32 v10, v6;
	[tilespmem:s8+$0x4440] =	vst v5  }
0xfb: {  	v11 =	vadd.f32 v11, v4;
	[tilespmem:s8+$0x2440] =	vst v3;
	v3 =	vld [tilespmem:s8+$0x18460]  }
0xfc: {  	v5 =	vld [tilespmem:s8+$0x2460];
	[tilespmem:s8+$0x6440] =	vst v6;
	v10 =	vadd.f32 v9, v4  }
0xfd: {  	s9 =	simm.s32 $0x0;
	v9 =	vadd.f32 v63, v4;
	v6 =	vld [tilespmem:s8+$0x4460];
	[tilespmem:s8+$0x450] =	vst v11  }
.LBB2_4:
0xfe: {  	s9 =	sadd.s32 $0x80, s9;
	[tilespmem:s8+$0x2450] =	vst v10;
	v4 =	vadd.f32 v8, v4;
	v8 =	vld [tilespmem:s8+$0x6460]  }
0xff: {  	s0 =	sadd.s32 $0x400, s0;
	s12 =	sshrl.u32 s9, $0x3;
	p0 =	slt.u32 s9, $0x1F80;
	[tilespmem:s8+$0x4450] =	vst v9;
	v9 =	vld [tilespmem:s8+$0x470]  }
0x100: {  	s14 =	sand.u32 $0x1C00, s0;
	s12 =	sand.u32 $0x1FFFFF80, s12;
	[tilespmem:s8+$0x6450] =	vst v4;
	v4 =	vadd.f32 v7, v3;
	v7 =	vld [tilespmem:s8+$0x2470]  }
0x101: {  	s12 =	sadd.s32 s14, s12;
	v5 =	vadd.f32 v5, v3;
	v10 =	vld [tilespmem:s8+$0x4470]  }
0x102: {  	v11 =	vld [tilespmem:s12+$0x18470];
	[tilespmem:s8+$0x460] =	vst v4;
	v4 =	vadd.f32 v6, v3  }
0x103: {  	v6 =	vld [tilespmem:s12+$0x6470];
	[tilespmem:s8+$0x2460] =	vst v5;
	v3 =	vadd.f32 v8, v3  }
0x104: {  	v5 =	vld [tilespmem:s12+$0x18400];
	[tilespmem:s8+$0x4460] =	vst v4;
	v4 =	vadd.f32 v9, v2  }
0x105: {  	v8 =	vld [tilespmem:s12+$0x400];
	[tilespmem:s8+$0x6460] =	vst v3;
	v3 =	vadd.f32 v7, v2  }
0x106: {  	v7 =	vld [tilespmem:s12+$0x2400];
	[tilespmem:s8+$0x470] =	vst v4;
	v4 =	vadd.f32 v10, v2  }
0x107: {  	v9 =	vld [tilespmem:s12+$0x4400];
	[tilespmem:s8+$0x2470] =	vst v3;
	v2 =	vmov v11  }
0x108: {  	v3 =	vld [tilespmem:s12+$0x6400];
	v6 =	vadd.f32 v6, v2;
	[tilespmem:s8+$0x4470] =	vst v4;
	s8 =	smov.u32 s12  }
0x109: {  	v4 =	vld [tilespmem:s8+$0x18410]  }
0x10a: {  	v8 =	vadd.f32 v8, v5;
	v10 =	vld [tilespmem:s8+$0x410];
	[tilespmem:s8+$0x6470] =	vst v6  }
0x10b: {  	v6 =	vadd.f32 v7, v5;
	v7 =	vld [tilespmem:s8+$0x2410]  }
0x10c: {  	[tilespmem:s8+$0x400] =	vst v8;
	v8 =	vadd.f32 v9, v5;
	v9 =	vld [tilespmem:s8+$0x4410]  }
0x10d: {  	[tilespmem:s8+$0x2400] =	vst v6;
	v3 =	vadd.f32 v3, v5;
	v5 =	vld [tilespmem:s8+$0x6410]  }
0x10e: {  	[tilespmem:s8+$0x4400] =	vst v8;
	v6 =	vld [tilespmem:s8+$0x18420]  }
0x10f: {  	[tilespmem:s8+$0x6400] =	vst v3;
	v3 =	vadd.f32 v10, v4;
	v8 =	vld [tilespmem:s8+$0x420]  }
0x110: {  	v7 =	vadd.f32 v7, v4;
	v10 =	vld [tilespmem:s8+$0x2420]  }
0x111: {  	[tilespmem:s8+$0x410] =	vst v3;
	v3 =	vadd.f32 v9, v4;
	v9 =	vld [tilespmem:s8+$0x4420]  }
0x112: {  	[tilespmem:s8+$0x2410] =	vst v7;
	v4 =	vadd.f32 v5, v4;
	v5 =	vld [tilespmem:s8+$0x6420]  }
0x113: {  	[tilespmem:s8+$0x4410] =	vst v3;
	v3 =	vld [tilespmem:s8+$0x18430]  }
0x114: {  	[tilespmem:s8+$0x6410] =	vst v4;
	v4 =	vadd.f32 v8, v6;
	v7 =	vld [tilespmem:s8+$0x430]  }
0x115: {  	v8 =	vadd.f32 v10, v6;
	v10 =	vld [tilespmem:s8+$0x2430]  }
0x116: {  	[tilespmem:s8+$0x420] =	vst v4;
	v4 =	vadd.f32 v9, v6;
	v9 =	vld [tilespmem:s8+$0x4430]  }
0x117: {  	[tilespmem:s8+$0x2420] =	vst v8;
	v5 =	vadd.f32 v5, v6;
	v6 =	vld [tilespmem:s8+$0x6430]  }
0x118: {  	[tilespmem:s8+$0x4420] =	vst v4;
	v8 =	vld [tilespmem:s8+$0x18440]  }
0x119: {  	[tilespmem:s8+$0x6420] =	vst v5;
	v4 =	vadd.f32 v7, v3;
	v5 =	vld [tilespmem:s8+$0x440]  }
0x11a: {  	v7 =	vadd.f32 v10, v3;
	v10 =	vld [tilespmem:s8+$0x2440]  }
0x11b: {  	[tilespmem:s8+$0x430] =	vst v4;
	v4 =	vadd.f32 v9, v3;
	v9 =	vld [tilespmem:s8+$0x4440]  }
0x11c: {  	[tilespmem:s8+$0x2430] =	vst v7;
	v3 =	vadd.f32 v6, v3;
	v6 =	vld [tilespmem:s8+$0x6440]  }
0x11d: {  	[tilespmem:s8+$0x4430] =	vst v4;
	v4 =	vld [tilespmem:s8+$0x18450]  }
0x11e: {  	[tilespmem:s8+$0x6430] =	vst v3;
	v3 =	vadd.f32 v5, v8;
	v5 =	vld [tilespmem:s8+$0x450]  }
0x11f: {  	v7 =	vadd.f32 v10, v8;
	v10 =	vld [tilespmem:s8+$0x2450]  }
0x120: {  	[tilespmem:s8+$0x440] =	vst v3;
	v3 =	vadd.f32 v9, v8;
	v9 =	vld [tilespmem:s8+$0x4450]  }
.Ltmp1:
0x121: {  	[tilespmem:s8+$0x2440] =	vst v7;
	v6 =	vadd.f32 v6, v8;
	v8 =	vld [tilespmem:s8+$0x6450];
	(pc) =	sbr.rel @p0 .LBB2_4-.Ltmp1, $4  }
0x122: {  	[tilespmem:s8+$0x4440] =	vst v3;
	v3 =	vld [tilespmem:s8+$0x18460]  }
0x123: {  	[tilespmem:s8+$0x6440] =	vst v6;
	v6 =	vadd.f32 v5, v4;
	v7 =	vld [tilespmem:s8+$0x460]  }
0x124: {  	v10 =	vadd.f32 v10, v4;
	v5 =	vld [tilespmem:s8+$0x2460]  }
0x125: {  	[tilespmem:s8+$0x450] =	vst v6;
	v9 =	vadd.f32 v9, v4;
	v6 =	vld [tilespmem:s8+$0x4460]  }
0x126: {  	v11 =	vld [tilespmem:s8+$0x6460]  }
0x127: {  	[tilespmem:s8+$0x2450] =	vst v10;
	v4 =	vadd.f32 v8, v4;
	v8 =	vld [tilespmem:s8+$0x470]  }
0x128: {  	[tilespmem:s8+$0x4450] =	vst v9;
	v9 =	vld [tilespmem:s8+$0x2470];
	v7 =	vadd.f32 v7, v3  }
0x129: {  	[tilespmem:s8+$0x6450] =	vst v4;
	v4 =	vadd.f32 v5, v3;
	v5 =	vld [tilespmem:s8+$0x4470]  }
0x12a: {  	[tilespmem:s8+$0x460] =	vst v7;
	v6 =	vadd.f32 v6, v3  }
0x12b: {  	[tilespmem:s8+$0x2460] =	vst v4;
	v3 =	vadd.f32 v11, v3  }
0x12c: {  	v4 =	vadd.f32 v8, v2;
	[tilespmem:s8+$0x4460] =	vst v6  }
0x12d: {  	[tilespmem:s8+$0x6460] =	vst v3;
	v3 =	vadd.f32 v9, v2  }
0x12e: {  	[tilespmem:s8+$0x470] =	vst v4;
	v2 =	vadd.f32 v5, v2  }
0x12f: {  	[tilespmem:s8+$0x2470] =	vst v3  }
0x130: {  	[tilespmem:s8+$0x4470] =	vst v2  }
0x131: {  	s0 =	simm.s32 $0x0;
	s8 =	rddreg [dreg:$0x14]  }
0x132: {  	[tilespmem:s24], [sflag:$0x3] =	stream.linear.gather [hbm4b:s8+s0], $0x2000, $0x38;
	[tilespmem:$0x1C800] =	vst v63  }
0x133: {  	s9 =	simm.s32 $0x400;
	s14 =	rddreg [dreg:$0xe]  }
0x134: {  	[hbm4b:s14+s0] =	stream.linear.scatter [tilespmem:s9], [sflag:$0x2], $0x2000, $0x38;
	[tilespmem:$0x1C800] =	vst v63  }
0x135: {  	s16 =	simm.s32 $0x2400;
	s15 =	rddreg [dreg:$0xf]  }
0x136: {  	[hbm4b:s15+s0] =	stream.linear.scatter [tilespmem:s16], [sflag:$0x2], $0x2000, $0x38;
	[tilespmem:$0x1C800] =	vst v63  }
0x137: {  	s22 =	simm.s32 $0x4400;
	s20 =	rddreg [dreg:$0x10]  }
0x138: {  	[hbm4b:s20+s0] =	stream.linear.scatter [tilespmem:s22], [sflag:$0x2], $0x2000, $0x38;
	[tilespmem:$0x1C800] =	vst v63  }
0x139: {  	s31 =	simm.s32 $0x6400;
	s26 =	rddreg [dreg:$0x11]  }
0x13a: {  	[hbm4b:s26+s0] =	stream.linear.scatter [tilespmem:s31], [sflag:$0x2], $0x2000, $0x38;
	[tilespmem:$0x1C800] =	vst v63  }
0x13b: {  	_ =	swait.ge [sflag:s3], $0x2000  }
0x13c: {  	[sflag:s3] =	ssyncset.done $0x0  }
0x13d: {  	[sflag:s3] =	ssyncadd.s32 $0xFFFFE000  }
0x13e: {  	_ =	swait.ge [sflag:s13], $0x2000  }
0x13f: {  	[sflag:s13] =	ssyncset.done $0x0  }
0x140: {  	[sflag:s13] =	ssyncadd.s32 $0xFFFFE000  }
0x141: {  	_ =	swait.ge [sflag:s13], $0x2000  }
0x142: {  	[sflag:s13] =	ssyncset.done $0x0  }
0x143: {  	[sflag:s13] =	ssyncadd.s32 $0xFFFFE000  }
0x144: {  	_ =	swait.ge [sflag:s13], $0x2000  }
0x145: {  	[sflag:s13] =	ssyncset.done $0x0  }
0x146: {  	[sflag:s13] =	ssyncadd.s32 $0xFFFFE000  }
0x147: {  	_ =	swait.ge [sflag:s13], $0x2000  }
0x148: {  	[sflag:s13] =	ssyncset.done $0x0  }
0x149: {  	[sflag:s13] =	ssyncadd.s32 $0xFFFFE000  }
0x14a: {  	v2 =	vld.msk [tilespmem:$0x10], $0xff;
	_ =	sdelay $0x4  }
0x14b: {  	v3 =	vshll.u32 v2, $0x3  }
0x14c: {  	v2 =	vand.u32 $0x7, v2;
	v3 =	vand.u32 $0xFFFFFFC0, v3  }
0x14d: {  	v2 =	vor.u32 v2, v3  }
0x14e: {  	v2 =	vperm.xlane v2, v0;
	_ =	sdelay $0x1  }
0x14f: {  	v2 =	vadd.s32 v1, v2;
	_ =	sdelay $0x3  }
0x150: {  	s9 =	simm.s32 $0x10400  }
0x151: {  	[tilespmem:s9], [sflag:$0x1] =	stream.indirect_vreg.gather [hbm4b:s1+s0], $0x80, v2, vm0, $0xb8;
	[tilespmem:$0x1C800] =	vst v63  }
0x152: {  	s12 =	simm.s32 $0x10C00  }
0x153: {  	[tilespmem:s12], [sflag:$0x1] =	stream.indirect_vreg.gather [hbm4b:s30+s0], $0x80, v2, vm0, $0xb8;
	[tilespmem:$0x1C800] =	vst v63  }
0x154: {  	s14 =	simm.s32 $0x11400  }
0x155: {  	[tilespmem:s14], [sflag:$0x1] =	stream.indirect_vreg.gather [hbm4b:s17+s0], $0x80, v2, vm0, $0xb8;
	[tilespmem:$0x1C800] =	vst v63  }
0x156: {  	s15 =	simm.s32 $0x11C00  }
0x157: {  	[tilespmem:s15], [sflag:$0x1] =	stream.indirect_vreg.gather [hbm4b:s18+s0], $0x80, v2, vm0, $0xb8;
	[tilespmem:$0x1C800] =	vst v63  }
0x158: {  	v2 =	vld.msk [tilespmem:$0x110], $0xff;
	_ =	sdelay $0x4  }
0x159: {  	v3 =	vshll.u32 v2, $0x3  }
0x15a: {  	v2 =	vand.u32 $0x7, v2;
	v3 =	vand.u32 $0xFFFFFFC0, v3  }
0x15b: {  	v2 =	vor.u32 v2, v3  }
0x15c: {  	v2 =	vperm.xlane v2, v0;
	_ =	sdelay $0x1  }
0x15d: {  	v2 =	vadd.s32 v1, v2;
	_ =	sdelay $0x3  }
0x15e: {  	s16 =	simm.s32 $0x12400  }
0x15f: {  	[tilespmem:s16], [sflag:$0x1] =	stream.indirect_vreg.gather [hbm4b:s1+s0], $0x80, v2, vm0, $0xb8;
	[tilespmem:$0x1C800] =	vst v63  }
0x160: {  	s20 =	simm.s32 $0x12C00  }
0x161: {  	[tilespmem:s20], [sflag:$0x1] =	stream.indirect_vreg.gather [hbm4b:s30+s0], $0x80, v2, vm0, $0xb8;
	[tilespmem:$0x1C800] =	vst v63  }
0x162: {  	s22 =	simm.s32 $0x13400  }
0x163: {  	[tilespmem:s22], [sflag:$0x1] =	stream.indirect_vreg.gather [hbm4b:s17+s0], $0x80, v2, vm0, $0xb8;
	[tilespmem:$0x1C800] =	vst v63  }
0x164: {  	s26 =	simm.s32 $0x13C00  }
0x165: {  	[tilespmem:s26], [sflag:$0x1] =	stream.indirect_vreg.gather [hbm4b:s18+s0], $0x80, v2, vm0, $0xb8;
	[tilespmem:$0x1C800] =	vst v63  }
0x166: {  	v2 =	vld.msk [tilespmem:$0x210], $0xff;
	_ =	sdelay $0x4  }
0x167: {  	v3 =	vshll.u32 v2, $0x3  }
0x168: {  	v2 =	vand.u32 $0x7, v2;
	v3 =	vand.u32 $0xFFFFFFC0, v3  }
0x169: {  	v2 =	vor.u32 v2, v3  }
0x16a: {  	v2 =	vperm.xlane v2, v0;
	_ =	sdelay $0x1  }
0x16b: {  	v2 =	vadd.s32 v1, v2;
	_ =	sdelay $0x3  }
0x16c: {  	s31 =	simm.s32 $0x14400  }
0x16d: {  	[tilespmem:s31], [sflag:$0x1] =	stream.indirect_vreg.gather [hbm4b:s1+s0], $0x80, v2, vm0, $0xb8;
	[tilespmem:$0x1C800] =	vst v63  }
0x16e: {  	s9 =	simm.s32 $0x14C00  }
0x16f: {  	[tilespmem:s9], [sflag:$0x1] =	stream.indirect_vreg.gather [hbm4b:s30+s0], $0x80, v2, vm0, $0xb8;
	[tilespmem:$0x1C800] =	vst v63  }
0x170: {  	s12 =	simm.s32 $0x15400  }
0x171: {  	[tilespmem:s12], [sflag:$0x1] =	stream.indirect_vreg.gather [hbm4b:s17+s0], $0x80, v2, vm0, $0xb8;
	[tilespmem:$0x1C800] =	vst v63  }
0x172: {  	s14 =	simm.s32 $0x15C00  }
0x173: {  	[tilespmem:s14], [sflag:$0x1] =	stream.indirect_vreg.gather [hbm4b:s18+s0], $0x80, v2, vm0, $0xb8;
	[tilespmem:$0x1C800] =	vst v63  }
0x174: {  	v2 =	vld.msk [tilespmem:$0x310], $0xff;
	_ =	sdelay $0x4  }
0x175: {  	v3 =	vshll.u32 v2, $0x3  }
0x176: {  	v2 =	vand.u32 $0x7, v2;
	v3 =	vand.u32 $0xFFFFFFC0, v3  }
0x177: {  	v2 =	vor.u32 v2, v3  }
0x178: {  	v2 =	vperm.xlane v2, v0;
	_ =	sdelay $0x1  }
0x179: {  	v2 =	vadd.s32 v1, v2;
	_ =	sdelay $0x3  }
0x17a: {  	s15 =	simm.s32 $0x16400  }
0x17b: {  	[tilespmem:s15], [sflag:$0x1] =	stream.indirect_vreg.gather [hbm4b:s1+s0], $0x80, v2, vm0, $0xb8;
	[tilespmem:$0x1C800] =	vst v63  }
0x17c: {  	s16 =	simm.s32 $0x16C00;
	s26 =	simm.s32 $0x0  }
0x17d: {  	[tilespmem:s16], [sflag:$0x1] =	stream.indirect_vreg.gather [hbm4b:s30+s0], $0x80, v2, vm0, $0xb8;
	[tilespmem:$0x1C800] =	vst v63  }
0x17e: {  	s20 =	simm.s32 $0x17400;
	s8 =	sand.u32 $0x1FFFFF80, s26;
	s31 =	sand.u32 $0x1C00, s0  }
0x17f: {  	[tilespmem:s20], [sflag:$0x1] =	stream.indirect_vreg.gather [hbm4b:s17+s0], $0x80, v2, vm0, $0xb8;
	[tilespmem:$0x1C800] =	vst v63  }
0x180: {  	s22 =	simm.s32 $0x17C00;
	s8 =	sadd.s32 s31, s8  }
0x181: {  	[tilespmem:s22], [sflag:$0x1] =	stream.indirect_vreg.gather [hbm4b:s18+s0], $0x80, v2, vm0, $0xb8;
	[tilespmem:$0x1C800] =	vst v63  }
0x182: {  	v2 =	vld [tilespmem:s8+$0x1A470]  }
0x183: {  	v3 =	vld [tilespmem:s8+$0xE470]  }
0x184: {  	v4 =	vld [tilespmem:s8+$0x1A400]  }
0x185: {  	v5 =	vld [tilespmem:s8+$0x8400]  }
0x186: {  	v6 =	vld [tilespmem:s8+$0xA400]  }
0x187: {  	v7 =	vld [tilespmem:s8+$0xC400]  }
0x188: {  	v8 =	vld [tilespmem:s8+$0xE400]  }
0x189: {  	v9 =	vld [tilespmem:s8+$0x1A410]  }
0x18a: {  	v10 =	vld [tilespmem:s8+$0x8410]  }
0x18b: {  	v11 =	vld [tilespmem:s8+$0xA410]  }
0x18c: {  	v12 =	vld [tilespmem:s8+$0xC410]  }
0x18d: {  	v13 =	vld [tilespmem:s8+$0xE410]  }
0x18e: {  	v14 =	vld [tilespmem:s8+$0x1A420];
	v3 =	vadd.f32 v3, v2  }
0x18f: {  	v15 =	vld [tilespmem:s8+$0x8420];
	v5 =	vadd.f32 v5, v4  }
0x190: {  	v61 =	vld [tilespmem:s8+$0xE430];
	[tilespmem:s8+$0xE470] =	vst v3;
	v3 =	vadd.f32 v6, v4  }
0x191: {  	v6 =	vld [tilespmem:s8+$0xA420];
	[tilespmem:s8+$0x8400] =	vst v5;
	v5 =	vadd.f32 v7, v4  }
0x192: {  	v7 =	vld [tilespmem:s8+$0xC420];
	[tilespmem:s8+$0xA400] =	vst v3;
	v3 =	vadd.f32 v8, v4  }
0x193: {  	v4 =	vld [tilespmem:s8+$0xE420];
	[tilespmem:s8+$0xC400] =	vst v5;
	v5 =	vadd.f32 v10, v9  }
0x194: {  	v8 =	vld [tilespmem:s8+$0x1A430];
	[tilespmem:s8+$0xE400] =	vst v3;
	v3 =	vadd.f32 v11, v9  }
0x195: {  	v10 =	vld [tilespmem:s8+$0x8430];
	[tilespmem:s8+$0x8410] =	vst v5;
	v5 =	vadd.f32 v12, v9  }
0x196: {  	v11 =	vld [tilespmem:s8+$0xA430];
	[tilespmem:s8+$0xA410] =	vst v3;
	v3 =	vadd.f32 v13, v9  }
0x197: {  	v9 =	vld [tilespmem:s8+$0xC430];
	[tilespmem:s8+$0xC410] =	vst v5;
	v5 =	vadd.f32 v15, v14  }
0x198: {  	[tilespmem:s8+$0xE410] =	vst v3;
	v3 =	vadd.f32 v6, v14;
	v6 =	vld [tilespmem:s8+$0x1A440]  }
0x199: {  	[tilespmem:s8+$0x8420] =	vst v5;
	v5 =	vadd.f32 v7, v14;
	v7 =	vld [tilespmem:s8+$0x8440]  }
0x19a: {  	v62 =	vld [tilespmem:s8+$0xA440];
	[tilespmem:s8+$0xA420] =	vst v3;
	v3 =	vadd.f32 v4, v14  }
0x19b: {  	[tilespmem:s8+$0xC420] =	vst v5;
	v4 =	vadd.f32 v10, v8;
	v5 =	vld [tilespmem:s8+$0xC440]  }
0x19c: {  	v10 =	vld [tilespmem:s8+$0xE440];
	v9 =	vadd.f32 v9, v8;
	[tilespmem:s8+$0xE420] =	vst v3  }
0x19d: {  	v3 =	vadd.f32 v11, v8;
	[tilespmem:s8+$0x8430] =	vst v4;
	v4 =	vld [tilespmem:s8+$0x1A450]  }
0x19e: {  	v11 =	vld [tilespmem:s8+$0x8450];
	[tilespmem:s8+$0xC430] =	vst v9;
	v7 =	vadd.f32 v7, v6  }
0x19f: {  	v9 =	vld [tilespmem:s8+$0xA450];
	[tilespmem:s8+$0xA430] =	vst v3;
	v3 =	vadd.f32 v61, v8  }
0x1a0: {  	v63 =	vld [tilespmem:s8+$0xC450];
	[tilespmem:s8+$0x8440] =	vst v7;
	v5 =	vadd.f32 v5, v6  }
0x1a1: {  	v8 =	vld [tilespmem:s8+$0xE450];
	[tilespmem:s8+$0xE430] =	vst v3;
	v3 =	vadd.f32 v62, v6  }
0x1a2: {  	v7 =	vld [tilespmem:s8+$0x8460];
	v6 =	vadd.f32 v10, v6;
	[tilespmem:s8+$0xC440] =	vst v5  }
0x1a3: {  	v11 =	vadd.f32 v11, v4;
	[tilespmem:s8+$0xA440] =	vst v3;
	v3 =	vld [tilespmem:s8+$0x1A460]  }
0x1a4: {  	v5 =	vld [tilespmem:s8+$0xA460];
	[tilespmem:s8+$0xE440] =	vst v6;
	v10 =	vadd.f32 v9, v4  }
0x1a5: {  	s9 =	simm.s32 $0x0;
	v9 =	vadd.f32 v63, v4;
	v6 =	vld [tilespmem:s8+$0xC460];
	[tilespmem:s8+$0x8450] =	vst v11  }
.LBB2_6:
0x1a6: {  	s9 =	sadd.s32 $0x80, s9;
	[tilespmem:s8+$0xA450] =	vst v10;
	v4 =	vadd.f32 v8, v4;
	v8 =	vld [tilespmem:s8+$0xE460]  }
0x1a7: {  	s0 =	sadd.s32 $0x400, s0;
	s12 =	sshrl.u32 s9, $0x3;
	p0 =	slt.u32 s9, $0x1F80;
	[tilespmem:s8+$0xC450] =	vst v9;
	v9 =	vld [tilespmem:s8+$0x8470]  }
0x1a8: {  	s14 =	sand.u32 $0x1C00, s0;
	s12 =	sand.u32 $0x1FFFFF80, s12;
	[tilespmem:s8+$0xE450] =	vst v4;
	v4 =	vadd.f32 v7, v3;
	v7 =	vld [tilespmem:s8+$0xA470]  }
0x1a9: {  	s12 =	sadd.s32 s14, s12;
	v5 =	vadd.f32 v5, v3;
	v10 =	vld [tilespmem:s8+$0xC470]  }
0x1aa: {  	v11 =	vld [tilespmem:s12+$0x1A470];
	[tilespmem:s8+$0x8460] =	vst v4;
	v4 =	vadd.f32 v6, v3  }
0x1ab: {  	v6 =	vld [tilespmem:s12+$0xE470];
	[tilespmem:s8+$0xA460] =	vst v5;
	v3 =	vadd.f32 v8, v3  }
0x1ac: {  	v5 =	vld [tilespmem:s12+$0x1A400];
	[tilespmem:s8+$0xC460] =	vst v4;
	v4 =	vadd.f32 v9, v2  }
0x1ad: {  	v8 =	vld [tilespmem:s12+$0x8400];
	[tilespmem:s8+$0xE460] =	vst v3;
	v3 =	vadd.f32 v7, v2  }
0x1ae: {  	v7 =	vld [tilespmem:s12+$0xA400];
	[tilespmem:s8+$0x8470] =	vst v4;
	v4 =	vadd.f32 v10, v2  }
0x1af: {  	v9 =	vld [tilespmem:s12+$0xC400];
	[tilespmem:s8+$0xA470] =	vst v3;
	v2 =	vmov v11  }
0x1b0: {  	v3 =	vld [tilespmem:s12+$0xE400];
	v6 =	vadd.f32 v6, v2;
	[tilespmem:s8+$0xC470] =	vst v4;
	s8 =	smov.u32 s12  }
0x1b1: {  	v4 =	vld [tilespmem:s8+$0x1A410]  }
0x1b2: {  	v8 =	vadd.f32 v8, v5;
	v10 =	vld [tilespmem:s8+$0x8410];
	[tilespmem:s8+$0xE470] =	vst v6  }
0x1b3: {  	v6 =	vadd.f32 v7, v5;
	v7 =	vld [tilespmem:s8+$0xA410]  }
0x1b4: {  	[tilespmem:s8+$0x8400] =	vst v8;
	v8 =	vadd.f32 v9, v5;
	v9 =	vld [tilespmem:s8+$0xC410]  }
0x1b5: {  	[tilespmem:s8+$0xA400] =	vst v6;
	v3 =	vadd.f32 v3, v5;
	v5 =	vld [tilespmem:s8+$0xE410]  }
0x1b6: {  	[tilespmem:s8+$0xC400] =	vst v8;
	v6 =	vld [tilespmem:s8+$0x1A420]  }
0x1b7: {  	[tilespmem:s8+$0xE400] =	vst v3;
	v3 =	vadd.f32 v10, v4;
	v8 =	vld [tilespmem:s8+$0x8420]  }
0x1b8: {  	v7 =	vadd.f32 v7, v4;
	v10 =	vld [tilespmem:s8+$0xA420]  }
0x1b9: {  	[tilespmem:s8+$0x8410] =	vst v3;
	v3 =	vadd.f32 v9, v4;
	v9 =	vld [tilespmem:s8+$0xC420]  }
0x1ba: {  	[tilespmem:s8+$0xA410] =	vst v7;
	v4 =	vadd.f32 v5, v4;
	v5 =	vld [tilespmem:s8+$0xE420]  }
0x1bb: {  	[tilespmem:s8+$0xC410] =	vst v3;
	v3 =	vld [tilespmem:s8+$0x1A430]  }
0x1bc: {  	[tilespmem:s8+$0xE410] =	vst v4;
	v4 =	vadd.f32 v8, v6;
	v7 =	vld [tilespmem:s8+$0x8430]  }
0x1bd: {  	v8 =	vadd.f32 v10, v6;
	v10 =	vld [tilespmem:s8+$0xA430]  }
0x1be: {  	[tilespmem:s8+$0x8420] =	vst v4;
	v4 =	vadd.f32 v9, v6;
	v9 =	vld [tilespmem:s8+$0xC430]  }
0x1bf: {  	[tilespmem:s8+$0xA420] =	vst v8;
	v5 =	vadd.f32 v5, v6;
	v6 =	vld [tilespmem:s8+$0xE430]  }
0x1c0: {  	[tilespmem:s8+$0xC420] =	vst v4;
	v8 =	vld [tilespmem:s8+$0x1A440]  }
0x1c1: {  	[tilespmem:s8+$0xE420] =	vst v5;
	v4 =	vadd.f32 v7, v3;
	v5 =	vld [tilespmem:s8+$0x8440]  }
0x1c2: {  	v7 =	vadd.f32 v10, v3;
	v10 =	vld [tilespmem:s8+$0xA440]  }
0x1c3: {  	[tilespmem:s8+$0x8430] =	vst v4;
	v4 =	vadd.f32 v9, v3;
	v9 =	vld [tilespmem:s8+$0xC440]  }
0x1c4: {  	[tilespmem:s8+$0xA430] =	vst v7;
	v3 =	vadd.f32 v6, v3;
	v6 =	vld [tilespmem:s8+$0xE440]  }
0x1c5: {  	[tilespmem:s8+$0xC430] =	vst v4;
	v4 =	vld [tilespmem:s8+$0x1A450]  }
0x1c6: {  	[tilespmem:s8+$0xE430] =	vst v3;
	v3 =	vadd.f32 v5, v8;
	v5 =	vld [tilespmem:s8+$0x8450]  }
0x1c7: {  	v7 =	vadd.f32 v10, v8;
	v10 =	vld [tilespmem:s8+$0xA450]  }
0x1c8: {  	[tilespmem:s8+$0x8440] =	vst v3;
	v3 =	vadd.f32 v9, v8;
	v9 =	vld [tilespmem:s8+$0xC450]  }
.Ltmp2:
0x1c9: {  	[tilespmem:s8+$0xA440] =	vst v7;
	v6 =	vadd.f32 v6, v8;
	v8 =	vld [tilespmem:s8+$0xE450];
	(pc) =	sbr.rel @p0 .LBB2_6-.Ltmp2, $4  }
0x1ca: {  	[tilespmem:s8+$0xC440] =	vst v3;
	v3 =	vld [tilespmem:s8+$0x1A460]  }
0x1cb: {  	[tilespmem:s8+$0xE440] =	vst v6;
	v6 =	vadd.f32 v5, v4;
	v7 =	vld [tilespmem:s8+$0x8460]  }
0x1cc: {  	v10 =	vadd.f32 v10, v4;
	v5 =	vld [tilespmem:s8+$0xA460]  }
0x1cd: {  	[tilespmem:s8+$0x8450] =	vst v6;
	v9 =	vadd.f32 v9, v4;
	v6 =	vld [tilespmem:s8+$0xC460]  }
0x1ce: {  	v11 =	vld [tilespmem:s8+$0xE460]  }
0x1cf: {  	[tilespmem:s8+$0xA450] =	vst v10;
	v4 =	vadd.f32 v8, v4;
	v59 =	vld [tilespmem:s8+$0x8470]  }
0x1d0: {  	v60 =	vld [tilespmem:s8+$0xA470];
	[tilespmem:s8+$0xC450] =	vst v9;
	v7 =	vadd.f32 v7, v3  }
0x1d1: {  	v62 =	vld [tilespmem:s8+$0xC470];
	[tilespmem:s8+$0xE450] =	vst v4;
	v61 =	vadd.f32 v5, v3  }
0x1d2: {  	[tilespmem:s8+$0x8460] =	vst v7;
	v6 =	vadd.f32 v6, v3  }
0x1d3: {  	[tilespmem:s8+$0xA460] =	vst v61;
	v3 =	vadd.f32 v11, v3  }
0x1d4: {  	v63 =	vadd.f32 v59, v2;
	[tilespmem:s8+$0xC460] =	vst v6  }
0x1d5: {  	[tilespmem:s8+$0xE460] =	vst v3;
	v3 =	vadd.f32 v60, v2  }
0x1d6: {  	[tilespmem:s8+$0x8470] =	vst v63;
	v2 =	vadd.f32 v62, v2  }
0x1d7: {  	[tilespmem:s8+$0xA470] =	vst v3  }
0x1d8: {  	[tilespmem:s8+$0xC470] =	vst v2  }
0x1d9: {  	s0 =	rddreg [dreg:$0x15]  }
0x1da: {  	[tilespmem:s29], [sflag:$0x3] =	stream.linear.gather [hbm4b:s0+s25], $0x2000, $0x38;
	[tilespmem:$0x1C800] =	vst v63  }
0x1db: {  	s20 =	rddreg [dreg:$0x12]  }
0x1dc: {  	[hbm4b:s20+s25] =	stream.linear.scatter [tilespmem:s28], [sflag:$0x2], $0x2000, $0x38;
	[tilespmem:$0x1C800] =	vst v63  }
0x1dd: {  	s22 =	rddreg [dreg:$0x16]  }
0x1de: {  	[hbm4b:s22+s25] =	stream.linear.scatter [tilespmem:s23], [sflag:$0x2], $0x2000, $0x38;
	[tilespmem:$0x1C800] =	vst v63  }
0x1df: {  	s26 =	simm.s32 $0xC400;
	s23 =	rddreg [dreg:$0x17]  }
0x1e0: {  	[hbm4b:s23+s25] =	stream.linear.scatter [tilespmem:s26], [sflag:$0x2], $0x2000, $0x38;
	[tilespmem:$0x1C800] =	vst v63  }
0x1e1: {  	s14 =	simm.s32 $0x0;
	s31 =	rddreg [dreg:$0x18]  }
0x1e2: {  	[hbm4b:s31+s25] =	stream.linear.scatter [tilespmem:s19], [sflag:$0x2], $0x2000, $0x38;
	[tilespmem:$0x1C800] =	vst v63  }
.LBB2_8:
0x1e3: {  	_ =	swait.ge [sflag:s3], $0x2000  }
0x1e4: {  	[sflag:s3] =	ssyncset.done $0x0  }
0x1e5: {  	[sflag:s3] =	ssyncadd.s32 $0xFFFFE000  }
0x1e6: {  	_ =	swait.ge [sflag:s13], $0x2000  }
0x1e7: {  	[sflag:s13] =	ssyncset.done $0x0  }
0x1e8: {  	[sflag:s13] =	ssyncadd.s32 $0xFFFFE000  }
0x1e9: {  	_ =	swait.ge [sflag:s13], $0x2000  }
0x1ea: {  	[sflag:s13] =	ssyncset.done $0x0  }
0x1eb: {  	[sflag:s13] =	ssyncadd.s32 $0xFFFFE000  }
0x1ec: {  	_ =	swait.ge [sflag:s13], $0x2000  }
0x1ed: {  	[sflag:s13] =	ssyncset.done $0x0  }
0x1ee: {  	[sflag:s13] =	ssyncadd.s32 $0xFFFFE000  }
0x1ef: {  	_ =	swait.ge [sflag:s13], $0x2000  }
0x1f0: {  	[sflag:s13] =	ssyncset.done $0x0  }
0x1f1: {  	[sflag:s13] =	ssyncadd.s32 $0xFFFFE000  }
0x1f2: {  	_ =	swait.ge [sflag:s21], $0x2000  }
0x1f3: {  	[sflag:s21] =	ssyncset.done $0x0  }
0x1f4: {  	[sflag:s21] =	ssyncadd.s32 $0xFFFFE000  }
0x1f5: {  	_ =	swait.ge [sflag:s21], $0x2000  }
0x1f6: {  	[sflag:s21] =	ssyncset.done $0x0  }
0x1f7: {  	[sflag:s21] =	ssyncadd.s32 $0xFFFFE000  }
0x1f8: {  	_ =	swait.ge [sflag:s21], $0x2000  }
0x1f9: {  	s20 =	smul.u32 $0x6, s14;
	[sflag:s21] =	ssyncset.done $0x0  }
0x1fa: {  	[sflag:s21] =	ssyncadd.s32 $0xFFFFE000  }
0x1fb: {  	s0 =	sadd.s32 $0x3, s20;
	_ =	swait.ge [sflag:s21], $0x2000  }
0x1fc: {  	s0 =	sshll.u32 s0, $0x3;
	[sflag:s21] =	ssyncset.done $0x0  }
0x1fd: {  	s8 =	sand.u32 $0x3FFFFFF8, s0;
	[sflag:s21] =	ssyncadd.s32 $0xFFFFE000  }
0x1fe: {  	v2 =	vld.msk [tilespmem:s8+$0x0], $0xff;
	_ =	sdelay $0x4  }
0x1ff: {  	v3 =	vshll.u32 v2, $0x3  }
0x200: {  	v2 =	vand.u32 $0x7, v2;
	v3 =	vand.u32 $0xFFFFFFC0, v3  }
0x201: {  	v2 =	vor.u32 v2, v3  }
0x202: {  	v2 =	vperm.xlane v2, v0;
	_ =	sdelay $0x1  }
0x203: {  	v2 =	vadd.s32 v1, v2;
	_ =	sdelay $0x3  }
0x204: {  	s9 =	simm.s32 $0x400  }
0x205: {  	[tilespmem:s9], [sflag:$0x1] =	stream.indirect_vreg.gather [hbm4b:s1+s25], $0x80, v2, vm0, $0xb8;
	[tilespmem:$0x1C800] =	vst v63  }
0x206: {  	s15 =	simm.s32 $0xC00  }
0x207: {  	[tilespmem:s15], [sflag:$0x1] =	stream.indirect_vreg.gather [hbm4b:s30+s25], $0x80, v2, vm0, $0xb8;
	[tilespmem:$0x1C800] =	vst v63  }
0x208: {  	s16 =	simm.s32 $0x1400  }
0x209: {  	[tilespmem:s16], [sflag:$0x1] =	stream.indirect_vreg.gather [hbm4b:s17+s25], $0x80, v2, vm0, $0xb8;
	[tilespmem:$0x1C800] =	vst v63  }
0x20a: {  	s22 =	simm.s32 $0x1C00  }
0x20b: {  	[tilespmem:s22], [sflag:$0x1] =	stream.indirect_vreg.gather [hbm4b:s18+s25], $0x80, v2, vm0, $0xb8;
	[tilespmem:$0x1C800] =	vst v63  }
0x20c: {  	v2 =	vld.msk [tilespmem:s8+$0x100], $0xff;
	_ =	sdelay $0x4  }
0x20d: {  	v3 =	vshll.u32 v2, $0x3  }
0x20e: {  	v2 =	vand.u32 $0x7, v2;
	v3 =	vand.u32 $0xFFFFFFC0, v3  }
0x20f: {  	v2 =	vor.u32 v2, v3  }
0x210: {  	v2 =	vperm.xlane v2, v0;
	_ =	sdelay $0x1  }
0x211: {  	v2 =	vadd.s32 v1, v2;
	_ =	sdelay $0x3  }
0x212: {  	s23 =	simm.s32 $0x2400  }
0x213: {  	[tilespmem:s23], [sflag:$0x1] =	stream.indirect_vreg.gather [hbm4b:s1+s25], $0x80, v2, vm0, $0xb8;
	[tilespmem:$0x1C800] =	vst v63  }
0x214: {  	s26 =	simm.s32 $0x2C00  }
0x215: {  	[tilespmem:s26], [sflag:$0x1] =	stream.indirect_vreg.gather [hbm4b:s30+s25], $0x80, v2, vm0, $0xb8;
	[tilespmem:$0x1C800] =	vst v63  }
0x216: {  	s12 =	simm.s32 $0x3400  }
0x217: {  	[tilespmem:s12], [sflag:$0x1] =	stream.indirect_vreg.gather [hbm4b:s17+s25], $0x80, v2, vm0, $0xb8;
	[tilespmem:$0x1C800] =	vst v63  }
0x218: {  	s15 =	simm.s32 $0x3C00  }
0x219: {  	[tilespmem:s15], [sflag:$0x1] =	stream.indirect_vreg.gather [hbm4b:s18+s25], $0x80, v2, vm0, $0xb8;
	[tilespmem:$0x1C800] =	vst v63  }
0x21a: {  	v2 =	vld.msk [tilespmem:s8+$0x200], $0xff;
	_ =	sdelay $0x4  }
0x21b: {  	v3 =	vshll.u32 v2, $0x3  }
0x21c: {  	v2 =	vand.u32 $0x7, v2;
	v3 =	vand.u32 $0xFFFFFFC0, v3  }
0x21d: {  	v2 =	vor.u32 v2, v3  }
0x21e: {  	v2 =	vperm.xlane v2, v0;
	_ =	sdelay $0x1  }
0x21f: {  	v2 =	vadd.s32 v1, v2;
	_ =	sdelay $0x3  }
0x220: {  	s16 =	simm.s32 $0x4400  }
0x221: {  	[tilespmem:s16], [sflag:$0x1] =	stream.indirect_vreg.gather [hbm4b:s1+s25], $0x80, v2, vm0, $0xb8;
	[tilespmem:$0x1C800] =	vst v63  }
0x222: {  	s22 =	simm.s32 $0x4C00  }
0x223: {  	[tilespmem:s22], [sflag:$0x1] =	stream.indirect_vreg.gather [hbm4b:s30+s25], $0x80, v2, vm0, $0xb8;
	[tilespmem:$0x1C800] =	vst v63  }
0x224: {  	s23 =	simm.s32 $0x5400  }
0x225: {  	[tilespmem:s23], [sflag:$0x1] =	stream.indirect_vreg.gather [hbm4b:s17+s25], $0x80, v2, vm0, $0xb8;
	[tilespmem:$0x1C800] =	vst v63  }
0x226: {  	s26 =	simm.s32 $0x5C00  }
0x227: {  	[tilespmem:s26], [sflag:$0x1] =	stream.indirect_vreg.gather [hbm4b:s18+s25], $0x80, v2, vm0, $0xb8;
	[tilespmem:$0x1C800] =	vst v63  }
0x228: {  	v2 =	vld.msk [tilespmem:s8+$0x300], $0xff;
	_ =	sdelay $0x4  }
0x229: {  	v3 =	vshll.u32 v2, $0x3  }
0x22a: {  	v2 =	vand.u32 $0x7, v2;
	v3 =	vand.u32 $0xFFFFFFC0, v3  }
0x22b: {  	v2 =	vor.u32 v2, v3  }
0x22c: {  	v2 =	vperm.xlane v2, v0;
	_ =	sdelay $0x1  }
0x22d: {  	v2 =	vadd.s32 v1, v2;
	_ =	sdelay $0x3  }
0x22e: {  	s12 =	simm.s32 $0x6400  }
0x22f: {  	[tilespmem:s12], [sflag:$0x1] =	stream.indirect_vreg.gather [hbm4b:s1+s25], $0x80, v2, vm0, $0xb8;
	[tilespmem:$0x1C800] =	vst v63  }
0x230: {  	s15 =	simm.s32 $0x6C00;
	s23 =	simm.s32 $0x0  }
0x231: {  	[tilespmem:s15], [sflag:$0x1] =	stream.indirect_vreg.gather [hbm4b:s30+s25], $0x80, v2, vm0, $0xb8;
	[tilespmem:$0x1C800] =	vst v63  }
0x232: {  	s16 =	simm.s32 $0x7400;
	s26 =	sand.u32 $0x1C00, s25;
	s8 =	sand.u32 $0x1FFFFF80, s23  }
0x233: {  	[tilespmem:s16], [sflag:$0x1] =	stream.indirect_vreg.gather [hbm4b:s17+s25], $0x80, v2, vm0, $0xb8;
	[tilespmem:$0x1C800] =	vst v63  }
0x234: {  	s22 =	simm.s32 $0x7C00;
	s12 =	sadd.s32 s26, s8  }
0x235: {  	[tilespmem:s22], [sflag:$0x1] =	stream.indirect_vreg.gather [hbm4b:s18+s25], $0x80, v2, vm0, $0xb8;
	[tilespmem:$0x1C800] =	vst v63  }
0x236: {  	v2 =	vld [tilespmem:s12+$0x18470]  }
0x237: {  	v3 =	vld [tilespmem:s12+$0x10470]  }
0x238: {  	v4 =	vld [tilespmem:s12+$0x18410]  }
0x239: {  	v5 =	vld [tilespmem:s12+$0x10410]  }
0x23a: {  	v6 =	vld [tilespmem:s12+$0x18420]  }
0x23b: {  	v7 =	vld [tilespmem:s12+$0x10420]  }
0x23c: {  	v8 =	vld [tilespmem:s12+$0x18430]  }
0x23d: {  	v9 =	vld [tilespmem:s12+$0x10430]  }
0x23e: {  	v10 =	vld [tilespmem:s12+$0x18440];
	v3 =	vadd.f32 v3, v2  }
0x23f: {  	v12 =	vld [tilespmem:s12+$0x10440]  }
0x240: {  	s9 =	sadd.s32 $0x10400, s12;
	v13 =	vld [tilespmem:s12+$0x18450];
	[tilespmem:s12+$0x10470] =	vst v3  }
0x241: {  	v11 =	vld [tilespmem:s9+$0x6070]  }
0x242: {  	v14 =	vld [tilespmem:s12+$0x10450];
	v5 =	vadd.f32 v5, v4  }
0x243: {  	v3 =	vld [tilespmem:s12+$0x18460]  }
0x244: {  	[tilespmem:s12+$0x10410] =	vst v5;
	v5 =	vadd.f32 v7, v6;
	v7 =	vld [tilespmem:s12+$0x10460]  }
0x245: {  	v9 =	vadd.f32 v9, v8;
	v15 =	vld [tilespmem:s9+$0x2010]  }
0x246: {  	[tilespmem:s12+$0x10420] =	vst v5;
	v5 =	vadd.f32 v11, v2;
	v11 =	vld [tilespmem:s9+$0x4010]  }
0x247: {  	[tilespmem:s12+$0x10430] =	vst v9;
	v9 =	vadd.f32 v12, v10;
	v59 =	vld [tilespmem:s9+$0x6010]  }
0x248: {  	v60 =	vld [tilespmem:s9+$0x2020];
	[tilespmem:s9+$0x6070] =	vst v5;
	v5 =	vadd.f32 v14, v13  }
0x249: {  	[tilespmem:s12+$0x10440] =	vst v9;
	v9 =	vld [tilespmem:s9+$0x4020];
	v7 =	vadd.f32 v7, v3  }
0x24a: {  	v61 =	vld [tilespmem:s9+$0x6020];
	[tilespmem:s12+$0x10450] =	vst v5;
	v5 =	vadd.f32 v15, v4  }
0x24b: {  	v16 =	vld [tilespmem:s9+$0x2030];
	[tilespmem:s12+$0x10460] =	vst v7;
	v11 =	vadd.f32 v11, v4  }
0x24c: {  	v4 =	vadd.f32 v59, v4;
	[tilespmem:s9+$0x2010] =	vst v5;
	v5 =	vld [tilespmem:s9+$0x4030]  }
0x24d: {  	v7 =	vadd.f32 v60, v6;
	[tilespmem:s9+$0x4010] =	vst v11;
	v11 =	vld [tilespmem:s9+$0x6030]  }
0x24e: {  	[tilespmem:s9+$0x6010] =	vst v4;
	v4 =	vadd.f32 v9, v6;
	v9 =	vld [tilespmem:s9+$0x2040]  }
0x24f: {  	[tilespmem:s9+$0x2020] =	vst v7;
	v7 =	vld [tilespmem:s9+$0x4040];
	v6 =	vadd.f32 v61, v6  }
0x250: {  	v62 =	vld [tilespmem:s9+$0x6040];
	[tilespmem:s9+$0x4020] =	vst v4;
	v4 =	vadd.f32 v16, v8  }
0x251: {  	[tilespmem:s9+$0x6020] =	vst v6;
	v6 =	vld [tilespmem:s9+$0x2050];
	v5 =	vadd.f32 v5, v8  }
0x252: {  	[tilespmem:s9+$0x2030] =	vst v4;
	v4 =	vadd.f32 v11, v8;
	v11 =	vld [tilespmem:s9+$0x4050]  }
0x253: {  	[tilespmem:s9+$0x4030] =	vst v5;
	v5 =	vadd.f32 v9, v10;
	v9 =	vld [tilespmem:s9+$0x6050]  }
0x254: {  	v63 =	vld [tilespmem:s9+$0x2060];
	[tilespmem:s9+$0x6030] =	vst v4;
	v4 =	vadd.f32 v7, v10  }
0x255: {  	v8 =	vld [tilespmem:s9+$0x4060];
	[tilespmem:s9+$0x2040] =	vst v5;
	v5 =	vadd.f32 v62, v10  }
0x256: {  	v7 =	vld [tilespmem:s9+$0x6060];
	[tilespmem:s9+$0x4040] =	vst v4;
	v4 =	vadd.f32 v6, v13  }
0x257: {  	v6 =	vld [tilespmem:s9+$0x2070];
	[tilespmem:s9+$0x6040] =	vst v5;
	v11 =	vadd.f32 v11, v13  }
0x258: {  	v5 =	vld [tilespmem:s9+$0x4070];
	[tilespmem:s9+$0x2050] =	vst v4;
	v10 =	vadd.f32 v9, v13  }
0x259: {  	s31 =	simm.s32 $0xA400;
	s8 =	simm.s32 $0x0;
	s15 =	simm.s32 $0x0;
	v4 =	vld [tilespmem:s12+$0x18400];
	v9 =	vadd.f32 v63, v3;
	[tilespmem:s9+$0x4050] =	vst v11  }
.LBB2_9:
0x25a: {  	s8 =	sadd.s32 $0x80, s8;
	v11 =	vld [tilespmem:s12+$0x10400];
	[tilespmem:s9+$0x6050] =	vst v10;
	v8 =	vadd.f32 v8, v3  }
0x25b: {  	s15 =	sadd.s32 $0x400, s15;
	s16 =	sshrl.u32 s8, $0x3;
	p0 =	slt.u32 s8, $0x1F80;
	v10 =	vld [tilespmem:s12+$0x12400];
	[tilespmem:s9+$0x2060] =	vst v9;
	v3 =	vadd.f32 v7, v3  }
0x25c: {  	s22 =	sand.u32 $0x1C00, s15;
	s16 =	sand.u32 $0x1FFFFF80, s16;
	v7 =	vld [tilespmem:s12+$0x14400];
	[tilespmem:s9+$0x4060] =	vst v8;
	v6 =	vadd.f32 v6, v2  }
0x25d: {  	s16 =	sadd.s32 s22, s16;
	v8 =	vld [tilespmem:s12+$0x16400];
	[tilespmem:s9+$0x6060] =	vst v3;
	v3 =	vadd.f32 v5, v2  }
0x25e: {  	v2 =	vld [tilespmem:s16+$0x18470];
	[tilespmem:s9+$0x2070] =	vst v6  }
0x25f: {  	v5 =	vld [tilespmem:s16+$0x10470];
	v6 =	vadd.f32 v11, v4;
	[tilespmem:s9+$0x4070] =	vst v3  }
0x260: {  	v9 =	vld [tilespmem:s16+$0x18410];
	v3 =	vadd.f32 v10, v4  }
0x261: {  	v10 =	vld [tilespmem:s16+$0x10410];
	[tilespmem:s12+$0x10400] =	vst v6;
	v6 =	vadd.f32 v7, v4  }
0x262: {  	v7 =	vld [tilespmem:s16+$0x18420];
	[tilespmem:s12+$0x12400] =	vst v3;
	v3 =	vadd.f32 v8, v4  }
0x263: {  	v4 =	vld [tilespmem:s16+$0x10420];
	[tilespmem:s12+$0x14400] =	vst v6  }
0x264: {  	v6 =	vld [tilespmem:s16+$0x18430];
	v5 =	vadd.f32 v5, v2;
	[tilespmem:s12+$0x16400] =	vst v3;
	s12 =	smov.u32 s16  }
0x265: {  	v3 =	vld [tilespmem:s12+$0x10430]  }
0x266: {  	s9 =	sadd.s32 $0x10400, s12;
	v8 =	vadd.f32 v10, v9;
	v10 =	vld [tilespmem:s12+$0x18440];
	[tilespmem:s12+$0x10470] =	vst v5  }
0x267: {  	v5 =	vld [tilespmem:s9+$0x6070]  }
0x268: {  	[tilespmem:s12+$0x10410] =	vst v8;
	v4 =	vadd.f32 v4, v7;
	v8 =	vld [tilespmem:s12+$0x10440]  }
0x269: {  	v11 =	vld [tilespmem:s12+$0x18450]  }
0x26a: {  	[tilespmem:s12+$0x10420] =	vst v4;
	v4 =	vadd.f32 v3, v6;
	v12 =	vld [tilespmem:s12+$0x10450]  }
0x26b: {  	v3 =	vld [tilespmem:s12+$0x18460]  }
0x26c: {  	[tilespmem:s12+$0x10430] =	vst v4;
	v4 =	vld [tilespmem:s12+$0x10460];
	v5 =	vadd.f32 v5, v2  }
0x26d: {  	v13 =	vld [tilespmem:s9+$0x2010];
	v8 =	vadd.f32 v8, v10  }
0x26e: {  	v14 =	vld [tilespmem:s9+$0x4010];
	[tilespmem:s9+$0x6070] =	vst v5  }
0x26f: {  	v5 =	vld [tilespmem:s9+$0x6010];
	[tilespmem:s12+$0x10440] =	vst v8;
	v8 =	vadd.f32 v12, v11  }
0x270: {  	v12 =	vld [tilespmem:s9+$0x2020]  }
0x271: {  	v15 =	vld [tilespmem:s9+$0x4020];
	[tilespmem:s12+$0x10450] =	vst v8;
	v4 =	vadd.f32 v4, v3  }
0x272: {  	v8 =	vadd.f32 v13, v9;
	v13 =	vld [tilespmem:s9+$0x6020]  }
0x273: {  	v14 =	vadd.f32 v14, v9;
	v16 =	vld [tilespmem:s9+$0x2030];
	[tilespmem:s12+$0x10460] =	vst v4  }
0x274: {  	[tilespmem:s9+$0x2010] =	vst v8;
	v4 =	vadd.f32 v5, v9;
	v5 =	vld [tilespmem:s9+$0x4030]  }
0x275: {  	[tilespmem:s9+$0x4010] =	vst v14;
	v8 =	vadd.f32 v12, v7;
	v9 =	vld [tilespmem:s9+$0x6030]  }
0x276: {  	[tilespmem:s9+$0x6010] =	vst v4;
	v4 =	vadd.f32 v15, v7;
	v12 =	vld [tilespmem:s9+$0x2040]  }
0x277: {  	[tilespmem:s9+$0x2020] =	vst v8;
	v7 =	vadd.f32 v13, v7;
	v8 =	vld [tilespmem:s9+$0x4040]  }
0x278: {  	[tilespmem:s9+$0x4020] =	vst v4;
	v4 =	vadd.f32 v16, v6;
	v13 =	vld [tilespmem:s9+$0x6040]  }
0x279: {  	[tilespmem:s9+$0x6020] =	vst v7;
	v5 =	vadd.f32 v5, v6;
	v7 =	vld [tilespmem:s9+$0x2050]  }
0x27a: {  	[tilespmem:s9+$0x2030] =	vst v4;
	v4 =	vadd.f32 v9, v6;
	v6 =	vld [tilespmem:s9+$0x4050]  }
0x27b: {  	[tilespmem:s9+$0x4030] =	vst v5;
	v5 =	vadd.f32 v12, v10;
	v9 =	vld [tilespmem:s9+$0x6050]  }
0x27c: {  	[tilespmem:s9+$0x6030] =	vst v4;
	v4 =	vadd.f32 v8, v10;
	v12 =	vld [tilespmem:s9+$0x2060]  }
.Ltmp3:
0x27d: {  	[tilespmem:s9+$0x2040] =	vst v5;
	v5 =	vadd.f32 v13, v10;
	v8 =	vld [tilespmem:s9+$0x4060];
	(pc) =	sbr.rel @p0 .LBB2_9-.Ltmp3, $4  }
0x27e: {  	[tilespmem:s9+$0x4040] =	vst v4;
	v4 =	vadd.f32 v7, v11;
	v7 =	vld [tilespmem:s9+$0x6060]  }
0x27f: {  	[tilespmem:s9+$0x6040] =	vst v5;
	v13 =	vadd.f32 v6, v11;
	v6 =	vld [tilespmem:s9+$0x2070]  }
0x280: {  	[tilespmem:s9+$0x2050] =	vst v4;
	v10 =	vadd.f32 v9, v11;
	v5 =	vld [tilespmem:s9+$0x4070]  }
0x281: {  	v4 =	vld [tilespmem:s12+$0x18400];
	[tilespmem:s9+$0x4050] =	vst v13;
	v9 =	vadd.f32 v12, v3  }
0x282: {  	v11 =	vld [tilespmem:s12+$0x10400]  }
0x283: {  	[tilespmem:s9+$0x6050] =	vst v10;
	v8 =	vadd.f32 v8, v3;
	v10 =	vld [tilespmem:s12+$0x12400]  }
0x284: {  	[tilespmem:s9+$0x2060] =	vst v9;
	v3 =	vadd.f32 v7, v3;
	v7 =	vld [tilespmem:s12+$0x14400]  }
0x285: {  	[tilespmem:s9+$0x4060] =	vst v8;
	v6 =	vadd.f32 v6, v2;
	v8 =	vld [tilespmem:s12+$0x16400]  }
0x286: {  	[tilespmem:s9+$0x6060] =	vst v3;
	v2 =	vadd.f32 v5, v2  }
0x287: {  	s8 =	smul.u32 $0x30, s14;
	[tilespmem:s9+$0x2070] =	vst v6;
	v3 =	vadd.f32 v11, v4  }
0x288: {  	[tilespmem:s9+$0x4070] =	vst v2;
	v2 =	vadd.f32 v10, v4  }
0x289: {  	s9 =	sadd.s32 $0x20, s8;
	[tilespmem:s12+$0x10400] =	vst v3;
	v3 =	vadd.f32 v7, v4  }
0x28a: {  	s15 =	sadd.s32 s6, s9;
	[tilespmem:s12+$0x12400] =	vst v2;
	v2 =	vadd.f32 v8, v4  }
0x28b: {  	s26 =	sshll.u32 s15, $0x7;
	[tilespmem:s12+$0x14400] =	vst v3  }
0x28c: {  	s15 =	simm.s32 $0x0;
	s16 =	sadd.s32 s2, s26;
	[tilespmem:s12+$0x16400] =	vst v2;
	s12 =	sadd.s32 $0x10, s8  }
0x28d: {  	[tilespmem:s24], [sflag:$0x3] =	stream.linear.gather [hbm4b:s16+s15], $0x2000, $0x38;
	[tilespmem:$0x1C800] =	vst v63  }
0x28e: {  	s23 =	sadd.s32 s6, s12  }
0x28f: {  	s16 =	sshll.u32 s23, $0x7  }
0x290: {  	s22 =	simm.s32 $0x10400;
	s16 =	sadd.s32 s4, s16  }
0x291: {  	[hbm4b:s16+s15] =	stream.linear.scatter [tilespmem:s22], [sflag:$0x2], $0x2000, $0x38;
	[tilespmem:$0x1C800] =	vst v63  }
0x292: {  	s22 =	sadd.s32 s7, s12  }
0x293: {  	s16 =	sshll.u32 s22, $0x7  }
0x294: {  	s23 =	simm.s32 $0x12400;
	s22 =	sadd.s32 s10, s12;
	s16 =	sadd.s32 s4, s16  }
0x295: {  	[hbm4b:s16+s15] =	stream.linear.scatter [tilespmem:s23], [sflag:$0x2], $0x2000, $0x38;
	[tilespmem:$0x1C800] =	vst v63  }
0x296: {  	s12 =	sadd.s32 s11, s12;
	s16 =	sshll.u32 s22, $0x7  }
0x297: {  	s12 =	sshll.u32 s12, $0x7;
	s23 =	simm.s32 $0x14400;
	s16 =	sadd.s32 s4, s16  }
0x298: {  	[hbm4b:s16+s15] =	stream.linear.scatter [tilespmem:s23], [sflag:$0x2], $0x2000, $0x38;
	[tilespmem:$0x1C800] =	vst v63  }
0x299: {  	s12 =	sadd.s32 s4, s12;
	s23 =	simm.s32 $0x16400  }
0x29a: {  	[hbm4b:s12+s15] =	stream.linear.scatter [tilespmem:s23], [sflag:$0x2], $0x2000, $0x38;
	[tilespmem:$0x1C800] =	vst v63  }
0x29b: {  	_ =	swait.ge [sflag:s3], $0x2000  }
0x29c: {  	[sflag:s3] =	ssyncset.done $0x0  }
0x29d: {  	[sflag:s3] =	ssyncadd.s32 $0xFFFFE000  }
0x29e: {  	_ =	swait.ge [sflag:s13], $0x2000  }
0x29f: {  	[sflag:s13] =	ssyncset.done $0x0  }
0x2a0: {  	[sflag:s13] =	ssyncadd.s32 $0xFFFFE000  }
0x2a1: {  	_ =	swait.ge [sflag:s13], $0x2000  }
0x2a2: {  	[sflag:s13] =	ssyncset.done $0x0  }
0x2a3: {  	[sflag:s13] =	ssyncadd.s32 $0xFFFFE000  }
0x2a4: {  	_ =	swait.ge [sflag:s13], $0x2000  }
0x2a5: {  	[sflag:s13] =	ssyncset.done $0x0  }
0x2a6: {  	[sflag:s13] =	ssyncadd.s32 $0xFFFFE000  }
0x2a7: {  	_ =	swait.ge [sflag:s13], $0x2000  }
0x2a8: {  	[sflag:s13] =	ssyncset.done $0x0  }
0x2a9: {  	[sflag:s13] =	ssyncadd.s32 $0xFFFFE000  }
0x2aa: {  	_ =	swait.ge [sflag:s21], $0x2000  }
0x2ab: {  	[sflag:s21] =	ssyncset.done $0x0  }
0x2ac: {  	[sflag:s21] =	ssyncadd.s32 $0xFFFFE000  }
0x2ad: {  	_ =	swait.ge [sflag:s21], $0x2000  }
0x2ae: {  	[sflag:s21] =	ssyncset.done $0x0  }
0x2af: {  	[sflag:s21] =	ssyncadd.s32 $0xFFFFE000  }
0x2b0: {  	_ =	swait.ge [sflag:s21], $0x2000  }
0x2b1: {  	[sflag:s21] =	ssyncset.done $0x0  }
0x2b2: {  	[sflag:s21] =	ssyncadd.s32 $0xFFFFE000  }
0x2b3: {  	_ =	swait.ge [sflag:s21], $0x2000  }
0x2b4: {  	[sflag:s21] =	ssyncset.done $0x0  }
0x2b5: {  	[sflag:s21] =	ssyncadd.s32 $0xFFFFE000  }
0x2b6: {  	v2 =	vld.msk [tilespmem:s8+$0x20], $0xff;
	_ =	sdelay $0x4  }
0x2b7: {  	v3 =	vshll.u32 v2, $0x3  }
0x2b8: {  	v2 =	vand.u32 $0x7, v2;
	v3 =	vand.u32 $0xFFFFFFC0, v3  }
0x2b9: {  	v2 =	vor.u32 v2, v3  }
0x2ba: {  	v2 =	vperm.xlane v2, v0;
	_ =	sdelay $0x1  }
0x2bb: {  	v2 =	vadd.s32 v1, v2;
	_ =	sdelay $0x4  }
0x2bc: {  	[tilespmem:s28], [sflag:$0x1] =	stream.indirect_vreg.gather [hbm4b:s1+s15], $0x80, v2, vm0, $0xb8;
	[tilespmem:$0x1C800] =	vst v63  }
0x2bd: {  	s22 =	simm.s32 $0x8C00  }
0x2be: {  	[tilespmem:s22], [sflag:$0x1] =	stream.indirect_vreg.gather [hbm4b:s30+s15], $0x80, v2, vm0, $0xb8;
	[tilespmem:$0x1C800] =	vst v63  }
0x2bf: {  	s28 =	simm.s32 $0x9400  }
0x2c0: {  	[tilespmem:s28], [sflag:$0x1] =	stream.indirect_vreg.gather [hbm4b:s17+s15], $0x80, v2, vm0, $0xb8;
	[tilespmem:$0x1C800] =	vst v63  }
0x2c1: {  	s16 =	simm.s32 $0x9C00  }
0x2c2: {  	[tilespmem:s16], [sflag:$0x1] =	stream.indirect_vreg.gather [hbm4b:s18+s15], $0x80, v2, vm0, $0xb8;
	[tilespmem:$0x1C800] =	vst v63  }
0x2c3: {  	v2 =	vld.msk [tilespmem:s8+$0x120], $0xff;
	_ =	sdelay $0x4  }
0x2c4: {  	v3 =	vshll.u32 v2, $0x3  }
0x2c5: {  	v2 =	vand.u32 $0x7, v2;
	v3 =	vand.u32 $0xFFFFFFC0, v3  }
0x2c6: {  	v2 =	vor.u32 v2, v3  }
0x2c7: {  	v2 =	vperm.xlane v2, v0;
	_ =	sdelay $0x1  }
0x2c8: {  	v2 =	vadd.s32 v1, v2;
	_ =	sdelay $0x4  }
0x2c9: {  	[tilespmem:s31], [sflag:$0x1] =	stream.indirect_vreg.gather [hbm4b:s1+s15], $0x80, v2, vm0, $0xb8;
	[tilespmem:$0x1C800] =	vst v63  }
0x2ca: {  	s31 =	simm.s32 $0xAC00  }
0x2cb: {  	[tilespmem:s31], [sflag:$0x1] =	stream.indirect_vreg.gather [hbm4b:s30+s15], $0x80, v2, vm0, $0xb8;
	[tilespmem:$0x1C800] =	vst v63  }
0x2cc: {  	s22 =	simm.s32 $0xB400  }
0x2cd: {  	[tilespmem:s22], [sflag:$0x1] =	stream.indirect_vreg.gather [hbm4b:s17+s15], $0x80, v2, vm0, $0xb8;
	[tilespmem:$0x1C800] =	vst v63  }
0x2ce: {  	s28 =	simm.s32 $0xBC00  }
0x2cf: {  	[tilespmem:s28], [sflag:$0x1] =	stream.indirect_vreg.gather [hbm4b:s18+s15], $0x80, v2, vm0, $0xb8;
	[tilespmem:$0x1C800] =	vst v63  }
0x2d0: {  	v2 =	vld.msk [tilespmem:s8+$0x220], $0xff;
	_ =	sdelay $0x4  }
0x2d1: {  	v3 =	vshll.u32 v2, $0x3  }
0x2d2: {  	v2 =	vand.u32 $0x7, v2;
	v3 =	vand.u32 $0xFFFFFFC0, v3  }
0x2d3: {  	v2 =	vor.u32 v2, v3  }
0x2d4: {  	v2 =	vperm.xlane v2, v0;
	_ =	sdelay $0x1  }
0x2d5: {  	v2 =	vadd.s32 v1, v2;
	_ =	sdelay $0x3  }
0x2d6: {  	s16 =	simm.s32 $0xC400  }
0x2d7: {  	[tilespmem:s16], [sflag:$0x1] =	stream.indirect_vreg.gather [hbm4b:s1+s15], $0x80, v2, vm0, $0xb8;
	[tilespmem:$0x1C800] =	vst v63  }
0x2d8: {  	s22 =	simm.s32 $0xCC00  }
0x2d9: {  	[tilespmem:s22], [sflag:$0x1] =	stream.indirect_vreg.gather [hbm4b:s30+s15], $0x80, v2, vm0, $0xb8;
	[tilespmem:$0x1C800] =	vst v63  }
0x2da: {  	s28 =	simm.s32 $0xD400  }
0x2db: {  	[tilespmem:s28], [sflag:$0x1] =	stream.indirect_vreg.gather [hbm4b:s17+s15], $0x80, v2, vm0, $0xb8;
	[tilespmem:$0x1C800] =	vst v63  }
0x2dc: {  	s16 =	simm.s32 $0xDC00  }
0x2dd: {  	[tilespmem:s16], [sflag:$0x1] =	stream.indirect_vreg.gather [hbm4b:s18+s15], $0x80, v2, vm0, $0xb8;
	[tilespmem:$0x1C800] =	vst v63  }
0x2de: {  	v2 =	vld.msk [tilespmem:s8+$0x320], $0xff;
	_ =	sdelay $0x4  }
0x2df: {  	v3 =	vshll.u32 v2, $0x3  }
0x2e0: {  	v2 =	vand.u32 $0x7, v2;
	v3 =	vand.u32 $0xFFFFFFC0, v3  }
0x2e1: {  	v2 =	vor.u32 v2, v3  }
0x2e2: {  	v2 =	vperm.xlane v2, v0;
	_ =	sdelay $0x1  }
0x2e3: {  	v2 =	vadd.s32 v1, v2;
	_ =	sdelay $0x4  }
0x2e4: {  	[tilespmem:s19], [sflag:$0x1] =	stream.indirect_vreg.gather [hbm4b:s1+s15], $0x80, v2, vm0, $0xb8;
	[tilespmem:$0x1C800] =	vst v63  }
0x2e5: {  	s22 =	simm.s32 $0xEC00  }
0x2e6: {  	[tilespmem:s22], [sflag:$0x1] =	stream.indirect_vreg.gather [hbm4b:s30+s15], $0x80, v2, vm0, $0xb8;
	[tilespmem:$0x1C800] =	vst v63  }
0x2e7: {  	s28 =	simm.s32 $0xF400;
	s22 =	simm.s32 $0x0  }
0x2e8: {  	[tilespmem:s28], [sflag:$0x1] =	stream.indirect_vreg.gather [hbm4b:s17+s15], $0x80, v2, vm0, $0xb8;
	[tilespmem:$0x1C800] =	vst v63  }
0x2e9: {  	s12 =	sand.u32 $0x1FFFFF80, s22;
	s28 =	sand.u32 $0x1C00, s15  }
0x2ea: {  	s16 =	simm.s32 $0xFC00;
	s12 =	sadd.s32 s28, s12  }
0x2eb: {  	[tilespmem:s16], [sflag:$0x1] =	stream.indirect_vreg.gather [hbm4b:s18+s15], $0x80, v2, vm0, $0xb8;
	[tilespmem:$0x1C800] =	vst v63  }
0x2ec: {  	v2 =	vld [tilespmem:s12+$0x1A470]  }
0x2ed: {  	v3 =	vld [tilespmem:s12+$0x6470]  }
0x2ee: {  	v4 =	vld [tilespmem:s12+$0x1A400]  }
0x2ef: {  	v5 =	vld [tilespmem:s12+$0x400]  }
0x2f0: {  	v6 =	vld [tilespmem:s12+$0x2400]  }
0x2f1: {  	v7 =	vld [tilespmem:s12+$0x4400]  }
0x2f2: {  	v8 =	vld [tilespmem:s12+$0x6400]  }
0x2f3: {  	v9 =	vld [tilespmem:s12+$0x1A410]  }
0x2f4: {  	v10 =	vld [tilespmem:s12+$0x410]  }
0x2f5: {  	v11 =	vld [tilespmem:s12+$0x2410]  }
0x2f6: {  	v12 =	vld [tilespmem:s12+$0x4410]  }
0x2f7: {  	v13 =	vld [tilespmem:s12+$0x6410]  }
0x2f8: {  	v14 =	vld [tilespmem:s12+$0x1A420];
	v3 =	vadd.f32 v3, v2  }
0x2f9: {  	v15 =	vld [tilespmem:s12+$0x420];
	v5 =	vadd.f32 v5, v4  }
0x2fa: {  	v61 =	vld [tilespmem:s12+$0x6430];
	[tilespmem:s12+$0x6470] =	vst v3;
	v3 =	vadd.f32 v6, v4  }
0x2fb: {  	v6 =	vld [tilespmem:s12+$0x2420];
	[tilespmem:s12+$0x400] =	vst v5;
	v5 =	vadd.f32 v7, v4  }
0x2fc: {  	v7 =	vld [tilespmem:s12+$0x4420];
	[tilespmem:s12+$0x2400] =	vst v3;
	v3 =	vadd.f32 v8, v4  }
0x2fd: {  	v4 =	vld [tilespmem:s12+$0x6420];
	[tilespmem:s12+$0x4400] =	vst v5;
	v5 =	vadd.f32 v10, v9  }
0x2fe: {  	v8 =	vld [tilespmem:s12+$0x1A430];
	[tilespmem:s12+$0x6400] =	vst v3;
	v3 =	vadd.f32 v11, v9  }
0x2ff: {  	v10 =	vld [tilespmem:s12+$0x430];
	[tilespmem:s12+$0x410] =	vst v5;
	v5 =	vadd.f32 v12, v9  }
0x300: {  	v11 =	vld [tilespmem:s12+$0x2430];
	[tilespmem:s12+$0x2410] =	vst v3;
	v3 =	vadd.f32 v13, v9  }
0x301: {  	v9 =	vld [tilespmem:s12+$0x4430];
	[tilespmem:s12+$0x4410] =	vst v5;
	v5 =	vadd.f32 v15, v14  }
0x302: {  	[tilespmem:s12+$0x6410] =	vst v3;
	v3 =	vadd.f32 v6, v14;
	v6 =	vld [tilespmem:s12+$0x1A440]  }
0x303: {  	[tilespmem:s12+$0x420] =	vst v5;
	v5 =	vadd.f32 v7, v14;
	v7 =	vld [tilespmem:s12+$0x440]  }
0x304: {  	v62 =	vld [tilespmem:s12+$0x2440];
	[tilespmem:s12+$0x2420] =	vst v3;
	v3 =	vadd.f32 v4, v14  }
0x305: {  	[tilespmem:s12+$0x4420] =	vst v5;
	v4 =	vadd.f32 v10, v8;
	v5 =	vld [tilespmem:s12+$0x4440]  }
0x306: {  	v10 =	vld [tilespmem:s12+$0x6440];
	v9 =	vadd.f32 v9, v8;
	[tilespmem:s12+$0x6420] =	vst v3  }
0x307: {  	v3 =	vadd.f32 v11, v8;
	[tilespmem:s12+$0x430] =	vst v4;
	v4 =	vld [tilespmem:s12+$0x1A450]  }
0x308: {  	v11 =	vld [tilespmem:s12+$0x450];
	[tilespmem:s12+$0x4430] =	vst v9;
	v7 =	vadd.f32 v7, v6  }
0x309: {  	v9 =	vld [tilespmem:s12+$0x2450];
	[tilespmem:s12+$0x2430] =	vst v3;
	v3 =	vadd.f32 v61, v8  }
0x30a: {  	v63 =	vld [tilespmem:s12+$0x4450];
	[tilespmem:s12+$0x440] =	vst v7;
	v5 =	vadd.f32 v5, v6  }
0x30b: {  	v8 =	vld [tilespmem:s12+$0x6450];
	[tilespmem:s12+$0x6430] =	vst v3;
	v3 =	vadd.f32 v62, v6  }
0x30c: {  	v7 =	vld [tilespmem:s12+$0x460];
	v6 =	vadd.f32 v10, v6;
	[tilespmem:s12+$0x4440] =	vst v5  }
0x30d: {  	v11 =	vadd.f32 v11, v4;
	[tilespmem:s12+$0x2440] =	vst v3;
	v3 =	vld [tilespmem:s12+$0x1A460]  }
0x30e: {  	v5 =	vld [tilespmem:s12+$0x2460];
	[tilespmem:s12+$0x6440] =	vst v6;
	v10 =	vadd.f32 v9, v4  }
0x30f: {  	s23 =	simm.s32 $0x8400;
	s16 =	simm.s32 $0x0;
	v9 =	vadd.f32 v63, v4;
	v6 =	vld [tilespmem:s12+$0x4460];
	[tilespmem:s12+$0x450] =	vst v11  }
.LBB2_11:
0x310: {  	s16 =	sadd.s32 $0x80, s16;
	[tilespmem:s12+$0x2450] =	vst v10;
	v4 =	vadd.f32 v8, v4;
	v8 =	vld [tilespmem:s12+$0x6460]  }
0x311: {  	s15 =	sadd.s32 $0x400, s15;
	s22 =	sshrl.u32 s16, $0x3;
	p0 =	slt.u32 s16, $0x1F80;
	[tilespmem:s12+$0x4450] =	vst v9;
	v9 =	vld [tilespmem:s12+$0x470]  }
0x312: {  	s28 =	sand.u32 $0x1C00, s15;
	s22 =	sand.u32 $0x1FFFFF80, s22;
	[tilespmem:s12+$0x6450] =	vst v4;
	v4 =	vadd.f32 v7, v3;
	v7 =	vld [tilespmem:s12+$0x2470]  }
0x313: {  	s22 =	sadd.s32 s28, s22;
	v5 =	vadd.f32 v5, v3;
	v10 =	vld [tilespmem:s12+$0x4470]  }
0x314: {  	v11 =	vld [tilespmem:s22+$0x1A470];
	[tilespmem:s12+$0x460] =	vst v4;
	v4 =	vadd.f32 v6, v3  }
0x315: {  	v6 =	vld [tilespmem:s22+$0x6470];
	[tilespmem:s12+$0x2460] =	vst v5;
	v3 =	vadd.f32 v8, v3  }
0x316: {  	v5 =	vld [tilespmem:s22+$0x1A400];
	[tilespmem:s12+$0x4460] =	vst v4;
	v4 =	vadd.f32 v9, v2  }
0x317: {  	v8 =	vld [tilespmem:s22+$0x400];
	[tilespmem:s12+$0x6460] =	vst v3;
	v3 =	vadd.f32 v7, v2  }
0x318: {  	v7 =	vld [tilespmem:s22+$0x2400];
	[tilespmem:s12+$0x470] =	vst v4;
	v4 =	vadd.f32 v10, v2  }
0x319: {  	v9 =	vld [tilespmem:s22+$0x4400];
	[tilespmem:s12+$0x2470] =	vst v3;
	v2 =	vmov v11  }
0x31a: {  	v3 =	vld [tilespmem:s22+$0x6400];
	v6 =	vadd.f32 v6, v2;
	[tilespmem:s12+$0x4470] =	vst v4;
	s12 =	smov.u32 s22  }
0x31b: {  	v4 =	vld [tilespmem:s12+$0x1A410]  }
0x31c: {  	v8 =	vadd.f32 v8, v5;
	v10 =	vld [tilespmem:s12+$0x410];
	[tilespmem:s12+$0x6470] =	vst v6  }
0x31d: {  	v6 =	vadd.f32 v7, v5;
	v7 =	vld [tilespmem:s12+$0x2410]  }
0x31e: {  	[tilespmem:s12+$0x400] =	vst v8;
	v8 =	vadd.f32 v9, v5;
	v9 =	vld [tilespmem:s12+$0x4410]  }
0x31f: {  	[tilespmem:s12+$0x2400] =	vst v6;
	v3 =	vadd.f32 v3, v5;
	v5 =	vld [tilespmem:s12+$0x6410]  }
0x320: {  	[tilespmem:s12+$0x4400] =	vst v8;
	v6 =	vld [tilespmem:s12+$0x1A420]  }
0x321: {  	[tilespmem:s12+$0x6400] =	vst v3;
	v3 =	vadd.f32 v10, v4;
	v8 =	vld [tilespmem:s12+$0x420]  }
0x322: {  	v7 =	vadd.f32 v7, v4;
	v10 =	vld [tilespmem:s12+$0x2420]  }
0x323: {  	[tilespmem:s12+$0x410] =	vst v3;
	v3 =	vadd.f32 v9, v4;
	v9 =	vld [tilespmem:s12+$0x4420]  }
0x324: {  	[tilespmem:s12+$0x2410] =	vst v7;
	v4 =	vadd.f32 v5, v4;
	v5 =	vld [tilespmem:s12+$0x6420]  }
0x325: {  	[tilespmem:s12+$0x4410] =	vst v3;
	v3 =	vld [tilespmem:s12+$0x1A430]  }
0x326: {  	[tilespmem:s12+$0x6410] =	vst v4;
	v4 =	vadd.f32 v8, v6;
	v7 =	vld [tilespmem:s12+$0x430]  }
0x327: {  	v8 =	vadd.f32 v10, v6;
	v10 =	vld [tilespmem:s12+$0x2430]  }
0x328: {  	[tilespmem:s12+$0x420] =	vst v4;
	v4 =	vadd.f32 v9, v6;
	v9 =	vld [tilespmem:s12+$0x4430]  }
0x329: {  	[tilespmem:s12+$0x2420] =	vst v8;
	v5 =	vadd.f32 v5, v6;
	v6 =	vld [tilespmem:s12+$0x6430]  }
0x32a: {  	[tilespmem:s12+$0x4420] =	vst v4;
	v8 =	vld [tilespmem:s12+$0x1A440]  }
0x32b: {  	[tilespmem:s12+$0x6420] =	vst v5;
	v4 =	vadd.f32 v7, v3;
	v5 =	vld [tilespmem:s12+$0x440]  }
0x32c: {  	v7 =	vadd.f32 v10, v3;
	v10 =	vld [tilespmem:s12+$0x2440]  }
0x32d: {  	[tilespmem:s12+$0x430] =	vst v4;
	v4 =	vadd.f32 v9, v3;
	v9 =	vld [tilespmem:s12+$0x4440]  }
0x32e: {  	[tilespmem:s12+$0x2430] =	vst v7;
	v3 =	vadd.f32 v6, v3;
	v6 =	vld [tilespmem:s12+$0x6440]  }
0x32f: {  	[tilespmem:s12+$0x4430] =	vst v4;
	v4 =	vld [tilespmem:s12+$0x1A450]  }
0x330: {  	[tilespmem:s12+$0x6430] =	vst v3;
	v3 =	vadd.f32 v5, v8;
	v5 =	vld [tilespmem:s12+$0x450]  }
0x331: {  	v7 =	vadd.f32 v10, v8;
	v10 =	vld [tilespmem:s12+$0x2450]  }
0x332: {  	[tilespmem:s12+$0x440] =	vst v3;
	v3 =	vadd.f32 v9, v8;
	v9 =	vld [tilespmem:s12+$0x4450]  }
.Ltmp4:
0x333: {  	[tilespmem:s12+$0x2440] =	vst v7;
	v6 =	vadd.f32 v6, v8;
	v8 =	vld [tilespmem:s12+$0x6450];
	(pc) =	sbr.rel @p0 .LBB2_11-.Ltmp4, $4  }
0x334: {  	[tilespmem:s12+$0x4440] =	vst v3;
	v3 =	vld [tilespmem:s12+$0x1A460]  }
0x335: {  	[tilespmem:s12+$0x6440] =	vst v6;
	v6 =	vadd.f32 v5, v4;
	v7 =	vld [tilespmem:s12+$0x460]  }
0x336: {  	v10 =	vadd.f32 v10, v4;
	v5 =	vld [tilespmem:s12+$0x2460]  }
0x337: {  	[tilespmem:s12+$0x450] =	vst v6;
	v9 =	vadd.f32 v9, v4;
	v6 =	vld [tilespmem:s12+$0x4460]  }
0x338: {  	v11 =	vld [tilespmem:s12+$0x6460]  }
0x339: {  	[tilespmem:s12+$0x2450] =	vst v10;
	v4 =	vadd.f32 v8, v4;
	v8 =	vld [tilespmem:s12+$0x470]  }
0x33a: {  	[tilespmem:s12+$0x4450] =	vst v9;
	v9 =	vld [tilespmem:s12+$0x2470];
	v7 =	vadd.f32 v7, v3  }
0x33b: {  	[tilespmem:s12+$0x6450] =	vst v4;
	v4 =	vadd.f32 v5, v3;
	v5 =	vld [tilespmem:s12+$0x4470]  }
0x33c: {  	[tilespmem:s12+$0x460] =	vst v7;
	v6 =	vadd.f32 v6, v3  }
0x33d: {  	[tilespmem:s12+$0x2460] =	vst v4;
	v3 =	vadd.f32 v11, v3  }
0x33e: {  	v4 =	vadd.f32 v8, v2;
	[tilespmem:s12+$0x4460] =	vst v6  }
0x33f: {  	s15 =	sadd.s32 $0x28, s8;
	[tilespmem:s12+$0x6460] =	vst v3;
	v3 =	vadd.f32 v9, v2  }
0x340: {  	s16 =	sadd.s32 s6, s15;
	[tilespmem:s12+$0x470] =	vst v4;
	v2 =	vadd.f32 v5, v2  }
0x341: {  	s28 =	sshll.u32 s16, $0x7;
	[tilespmem:s12+$0x2470] =	vst v3  }
0x342: {  	s22 =	simm.s32 $0x0;
	s16 =	sadd.s32 s2, s28;
	[tilespmem:s12+$0x4470] =	vst v2  }
0x343: {  	[tilespmem:s29], [sflag:$0x3] =	stream.linear.gather [hbm4b:s16+s22], $0x2000, $0x38;
	[tilespmem:$0x1C800] =	vst v63  }
0x344: {  	s16 =	sadd.s32 s6, s0  }
0x345: {  	s12 =	sshll.u32 s16, $0x7  }
0x346: {  	s29 =	simm.s32 $0x400;
	s16 =	sadd.s32 s7, s0;
	s12 =	sadd.s32 s4, s12  }
0x347: {  	[hbm4b:s12+s22] =	stream.linear.scatter [tilespmem:s29], [sflag:$0x2], $0x2000, $0x38;
	[tilespmem:$0x1C800] =	vst v63  }
0x348: {  	s12 =	sshll.u32 s16, $0x7  }
0x349: {  	s29 =	simm.s32 $0x2400;
	s16 =	sadd.s32 s10, s0;
	s12 =	sadd.s32 s4, s12  }
0x34a: {  	[hbm4b:s12+s22] =	stream.linear.scatter [tilespmem:s29], [sflag:$0x2], $0x2000, $0x38;
	[tilespmem:$0x1C800] =	vst v63  }
0x34b: {  	s0 =	sadd.s32 s11, s0;
	s12 =	sshll.u32 s16, $0x7  }
0x34c: {  	s0 =	sshll.u32 s0, $0x7;
	s29 =	simm.s32 $0x4400;
	s12 =	sadd.s32 s4, s12  }
0x34d: {  	[hbm4b:s12+s22] =	stream.linear.scatter [tilespmem:s29], [sflag:$0x2], $0x2000, $0x38;
	[tilespmem:$0x1C800] =	vst v63  }
0x34e: {  	s0 =	sadd.s32 s4, s0;
	s29 =	simm.s32 $0x6400  }
0x34f: {  	[hbm4b:s0+s22] =	stream.linear.scatter [tilespmem:s29], [sflag:$0x2], $0x2000, $0x38;
	[tilespmem:$0x1C800] =	vst v63  }
0x350: {  	_ =	swait.ge [sflag:s3], $0x2000  }
0x351: {  	[sflag:s3] =	ssyncset.done $0x0  }
0x352: {  	[sflag:s3] =	ssyncadd.s32 $0xFFFFE000  }
0x353: {  	_ =	swait.ge [sflag:s13], $0x2000  }
0x354: {  	[sflag:s13] =	ssyncset.done $0x0  }
0x355: {  	[sflag:s13] =	ssyncadd.s32 $0xFFFFE000  }
0x356: {  	_ =	swait.ge [sflag:s13], $0x2000  }
0x357: {  	[sflag:s13] =	ssyncset.done $0x0  }
0x358: {  	[sflag:s13] =	ssyncadd.s32 $0xFFFFE000  }
0x359: {  	_ =	swait.ge [sflag:s13], $0x2000  }
0x35a: {  	[sflag:s13] =	ssyncset.done $0x0  }
0x35b: {  	[sflag:s13] =	ssyncadd.s32 $0xFFFFE000  }
0x35c: {  	_ =	swait.ge [sflag:s13], $0x2000  }
0x35d: {  	[sflag:s13] =	ssyncset.done $0x0  }
0x35e: {  	[sflag:s13] =	ssyncadd.s32 $0xFFFFE000  }
0x35f: {  	_ =	swait.ge [sflag:s21], $0x2000  }
0x360: {  	[sflag:s21] =	ssyncset.done $0x0  }
0x361: {  	[sflag:s21] =	ssyncadd.s32 $0xFFFFE000  }
0x362: {  	_ =	swait.ge [sflag:s21], $0x2000  }
0x363: {  	[sflag:s21] =	ssyncset.done $0x0  }
0x364: {  	[sflag:s21] =	ssyncadd.s32 $0xFFFFE000  }
0x365: {  	_ =	swait.ge [sflag:s21], $0x2000  }
0x366: {  	[sflag:s21] =	ssyncset.done $0x0  }
0x367: {  	[sflag:s21] =	ssyncadd.s32 $0xFFFFE000  }
0x368: {  	_ =	swait.ge [sflag:s21], $0x2000  }
0x369: {  	[sflag:s21] =	ssyncset.done $0x0  }
0x36a: {  	[sflag:s21] =	ssyncadd.s32 $0xFFFFE000  }
0x36b: {  	v2 =	vld.msk [tilespmem:s8+$0x28], $0xff;
	_ =	sdelay $0x4  }
0x36c: {  	v3 =	vshll.u32 v2, $0x3  }
0x36d: {  	v2 =	vand.u32 $0x7, v2;
	v3 =	vand.u32 $0xFFFFFFC0, v3  }
0x36e: {  	v2 =	vor.u32 v2, v3  }
0x36f: {  	v2 =	vperm.xlane v2, v0;
	_ =	sdelay $0x1  }
0x370: {  	v2 =	vadd.s32 v1, v2;
	_ =	sdelay $0x3  }
0x371: {  	s12 =	simm.s32 $0x10400  }
0x372: {  	[tilespmem:s12], [sflag:$0x1] =	stream.indirect_vreg.gather [hbm4b:s1+s22], $0x80, v2, vm0, $0xb8;
	[tilespmem:$0x1C800] =	vst v63  }
0x373: {  	s16 =	simm.s32 $0x10C00  }
0x374: {  	[tilespmem:s16], [sflag:$0x1] =	stream.indirect_vreg.gather [hbm4b:s30+s22], $0x80, v2, vm0, $0xb8;
	[tilespmem:$0x1C800] =	vst v63  }
0x375: {  	s29 =	simm.s32 $0x11400  }
0x376: {  	[tilespmem:s29], [sflag:$0x1] =	stream.indirect_vreg.gather [hbm4b:s17+s22], $0x80, v2, vm0, $0xb8;
	[tilespmem:$0x1C800] =	vst v63  }
0x377: {  	s12 =	simm.s32 $0x11C00  }
0x378: {  	[tilespmem:s12], [sflag:$0x1] =	stream.indirect_vreg.gather [hbm4b:s18+s22], $0x80, v2, vm0, $0xb8;
	[tilespmem:$0x1C800] =	vst v63  }
0x379: {  	v2 =	vld.msk [tilespmem:s8+$0x128], $0xff;
	_ =	sdelay $0x4  }
0x37a: {  	v3 =	vshll.u32 v2, $0x3  }
0x37b: {  	v2 =	vand.u32 $0x7, v2;
	v3 =	vand.u32 $0xFFFFFFC0, v3  }
0x37c: {  	v2 =	vor.u32 v2, v3  }
0x37d: {  	v2 =	vperm.xlane v2, v0;
	_ =	sdelay $0x1  }
0x37e: {  	v2 =	vadd.s32 v1, v2;
	_ =	sdelay $0x3  }
0x37f: {  	s16 =	simm.s32 $0x12400  }
0x380: {  	[tilespmem:s16], [sflag:$0x1] =	stream.indirect_vreg.gather [hbm4b:s1+s22], $0x80, v2, vm0, $0xb8;
	[tilespmem:$0x1C800] =	vst v63  }
0x381: {  	s29 =	simm.s32 $0x12C00  }
0x382: {  	[tilespmem:s29], [sflag:$0x1] =	stream.indirect_vreg.gather [hbm4b:s30+s22], $0x80, v2, vm0, $0xb8;
	[tilespmem:$0x1C800] =	vst v63  }
0x383: {  	s12 =	simm.s32 $0x13400  }
0x384: {  	[tilespmem:s12], [sflag:$0x1] =	stream.indirect_vreg.gather [hbm4b:s17+s22], $0x80, v2, vm0, $0xb8;
	[tilespmem:$0x1C800] =	vst v63  }
0x385: {  	s16 =	simm.s32 $0x13C00  }
0x386: {  	[tilespmem:s16], [sflag:$0x1] =	stream.indirect_vreg.gather [hbm4b:s18+s22], $0x80, v2, vm0, $0xb8;
	[tilespmem:$0x1C800] =	vst v63  }
0x387: {  	v2 =	vld.msk [tilespmem:s8+$0x228], $0xff;
	_ =	sdelay $0x4  }
0x388: {  	v3 =	vshll.u32 v2, $0x3  }
0x389: {  	v2 =	vand.u32 $0x7, v2;
	v3 =	vand.u32 $0xFFFFFFC0, v3  }
0x38a: {  	v2 =	vor.u32 v2, v3  }
0x38b: {  	v2 =	vperm.xlane v2, v0;
	_ =	sdelay $0x1  }
0x38c: {  	v2 =	vadd.s32 v1, v2;
	_ =	sdelay $0x3  }
0x38d: {  	s29 =	simm.s32 $0x14400  }
0x38e: {  	[tilespmem:s29], [sflag:$0x1] =	stream.indirect_vreg.gather [hbm4b:s1+s22], $0x80, v2, vm0, $0xb8;
	[tilespmem:$0x1C800] =	vst v63  }
0x38f: {  	s12 =	simm.s32 $0x14C00  }
0x390: {  	[tilespmem:s12], [sflag:$0x1] =	stream.indirect_vreg.gather [hbm4b:s30+s22], $0x80, v2, vm0, $0xb8;
	[tilespmem:$0x1C800] =	vst v63  }
0x391: {  	s16 =	simm.s32 $0x15400  }
0x392: {  	[tilespmem:s16], [sflag:$0x1] =	stream.indirect_vreg.gather [hbm4b:s17+s22], $0x80, v2, vm0, $0xb8;
	[tilespmem:$0x1C800] =	vst v63  }
0x393: {  	s29 =	simm.s32 $0x15C00  }
0x394: {  	[tilespmem:s29], [sflag:$0x1] =	stream.indirect_vreg.gather [hbm4b:s18+s22], $0x80, v2, vm0, $0xb8;
	[tilespmem:$0x1C800] =	vst v63  }
0x395: {  	v2 =	vld.msk [tilespmem:s8+$0x328], $0xff;
	_ =	sdelay $0x4  }
0x396: {  	v3 =	vshll.u32 v2, $0x3  }
0x397: {  	v2 =	vand.u32 $0x7, v2;
	v3 =	vand.u32 $0xFFFFFFC0, v3  }
0x398: {  	v2 =	vor.u32 v2, v3  }
0x399: {  	v2 =	vperm.xlane v2, v0;
	_ =	sdelay $0x1  }
0x39a: {  	v2 =	vadd.s32 v1, v2;
	_ =	sdelay $0x3  }
0x39b: {  	s12 =	simm.s32 $0x16400  }
0x39c: {  	[tilespmem:s12], [sflag:$0x1] =	stream.indirect_vreg.gather [hbm4b:s1+s22], $0x80, v2, vm0, $0xb8;
	[tilespmem:$0x1C800] =	vst v63  }
0x39d: {  	s16 =	simm.s32 $0x16C00  }
0x39e: {  	[tilespmem:s16], [sflag:$0x1] =	stream.indirect_vreg.gather [hbm4b:s30+s22], $0x80, v2, vm0, $0xb8;
	[tilespmem:$0x1C800] =	vst v63  }
0x39f: {  	s29 =	simm.s32 $0x17400;
	s16 =	simm.s32 $0x0  }
0x3a0: {  	[tilespmem:s29], [sflag:$0x1] =	stream.indirect_vreg.gather [hbm4b:s17+s22], $0x80, v2, vm0, $0xb8;
	[tilespmem:$0x1C800] =	vst v63  }
0x3a1: {  	s12 =	simm.s32 $0x17C00;
	s0 =	sand.u32 $0x1FFFFF80, s16;
	s29 =	sand.u32 $0x1C00, s22  }
0x3a2: {  	[tilespmem:s12], [sflag:$0x1] =	stream.indirect_vreg.gather [hbm4b:s18+s22], $0x80, v2, vm0, $0xb8;
	[tilespmem:$0x1C800] =	vst v63  }
0x3a3: {  	s12 =	sadd.s32 s29, s0  }
0x3a4: {  	v2 =	vld [tilespmem:s12+$0x18470]  }
0x3a5: {  	v3 =	vld [tilespmem:s12+$0xE470]  }
0x3a6: {  	v4 =	vld [tilespmem:s12+$0x18400]  }
0x3a7: {  	v5 =	vld [tilespmem:s12+$0x8400]  }
0x3a8: {  	v6 =	vld [tilespmem:s12+$0xA400]  }
0x3a9: {  	v7 =	vld [tilespmem:s12+$0xC400]  }
0x3aa: {  	v8 =	vld [tilespmem:s12+$0xE400]  }
0x3ab: {  	v9 =	vld [tilespmem:s12+$0x18410]  }
0x3ac: {  	v10 =	vld [tilespmem:s12+$0x8410]  }
0x3ad: {  	v11 =	vld [tilespmem:s12+$0xA410]  }
0x3ae: {  	v12 =	vld [tilespmem:s12+$0xC410]  }
0x3af: {  	v13 =	vld [tilespmem:s12+$0xE410]  }
0x3b0: {  	v14 =	vld [tilespmem:s12+$0x18420];
	v3 =	vadd.f32 v3, v2  }
0x3b1: {  	v15 =	vld [tilespmem:s12+$0x8420];
	v5 =	vadd.f32 v5, v4  }
0x3b2: {  	v61 =	vld [tilespmem:s12+$0xE430];
	[tilespmem:s12+$0xE470] =	vst v3;
	v3 =	vadd.f32 v6, v4  }
0x3b3: {  	v6 =	vld [tilespmem:s12+$0xA420];
	[tilespmem:s12+$0x8400] =	vst v5;
	v5 =	vadd.f32 v7, v4  }
0x3b4: {  	v7 =	vld [tilespmem:s12+$0xC420];
	[tilespmem:s12+$0xA400] =	vst v3;
	v3 =	vadd.f32 v8, v4  }
0x3b5: {  	v4 =	vld [tilespmem:s12+$0xE420];
	[tilespmem:s12+$0xC400] =	vst v5;
	v5 =	vadd.f32 v10, v9  }
0x3b6: {  	v8 =	vld [tilespmem:s12+$0x18430];
	[tilespmem:s12+$0xE400] =	vst v3;
	v3 =	vadd.f32 v11, v9  }
0x3b7: {  	v10 =	vld [tilespmem:s12+$0x8430];
	[tilespmem:s12+$0x8410] =	vst v5;
	v5 =	vadd.f32 v12, v9  }
0x3b8: {  	v11 =	vld [tilespmem:s12+$0xA430];
	[tilespmem:s12+$0xA410] =	vst v3;
	v3 =	vadd.f32 v13, v9  }
0x3b9: {  	v9 =	vld [tilespmem:s12+$0xC430];
	[tilespmem:s12+$0xC410] =	vst v5;
	v5 =	vadd.f32 v15, v14  }
0x3ba: {  	[tilespmem:s12+$0xE410] =	vst v3;
	v3 =	vadd.f32 v6, v14;
	v6 =	vld [tilespmem:s12+$0x18440]  }
0x3bb: {  	[tilespmem:s12+$0x8420] =	vst v5;
	v5 =	vadd.f32 v7, v14;
	v7 =	vld [tilespmem:s12+$0x8440]  }
0x3bc: {  	v62 =	vld [tilespmem:s12+$0xA440];
	[tilespmem:s12+$0xA420] =	vst v3;
	v3 =	vadd.f32 v4, v14  }
0x3bd: {  	[tilespmem:s12+$0xC420] =	vst v5;
	v4 =	vadd.f32 v10, v8;
	v5 =	vld [tilespmem:s12+$0xC440]  }
0x3be: {  	v10 =	vld [tilespmem:s12+$0xE440];
	v9 =	vadd.f32 v9, v8;
	[tilespmem:s12+$0xE420] =	vst v3  }
0x3bf: {  	v3 =	vadd.f32 v11, v8;
	[tilespmem:s12+$0x8430] =	vst v4;
	v4 =	vld [tilespmem:s12+$0x18450]  }
0x3c0: {  	v11 =	vld [tilespmem:s12+$0x8450];
	[tilespmem:s12+$0xC430] =	vst v9;
	v7 =	vadd.f32 v7, v6  }
0x3c1: {  	v9 =	vld [tilespmem:s12+$0xA450];
	[tilespmem:s12+$0xA430] =	vst v3;
	v3 =	vadd.f32 v61, v8  }
0x3c2: {  	v63 =	vld [tilespmem:s12+$0xC450];
	[tilespmem:s12+$0x8440] =	vst v7;
	v5 =	vadd.f32 v5, v6  }
0x3c3: {  	v8 =	vld [tilespmem:s12+$0xE450];
	[tilespmem:s12+$0xE430] =	vst v3;
	v3 =	vadd.f32 v62, v6  }
0x3c4: {  	v7 =	vld [tilespmem:s12+$0x8460];
	v6 =	vadd.f32 v10, v6;
	[tilespmem:s12+$0xC440] =	vst v5  }
0x3c5: {  	v11 =	vadd.f32 v11, v4;
	[tilespmem:s12+$0xA440] =	vst v3;
	v3 =	vld [tilespmem:s12+$0x18460]  }
0x3c6: {  	v5 =	vld [tilespmem:s12+$0xA460];
	[tilespmem:s12+$0xE440] =	vst v6;
	v10 =	vadd.f32 v9, v4  }
0x3c7: {  	s0 =	simm.s32 $0x0;
	v9 =	vadd.f32 v63, v4;
	v6 =	vld [tilespmem:s12+$0xC460];
	[tilespmem:s12+$0x8450] =	vst v11  }
.LBB2_13:
0x3c8: {  	s0 =	sadd.s32 $0x80, s0;
	[tilespmem:s12+$0xA450] =	vst v10;
	v4 =	vadd.f32 v8, v4;
	v8 =	vld [tilespmem:s12+$0xE460]  }
0x3c9: {  	s22 =	sadd.s32 $0x400, s22;
	s16 =	sshrl.u32 s0, $0x3;
	p0 =	slt.u32 s0, $0x1F80;
	[tilespmem:s12+$0xC450] =	vst v9;
	v9 =	vld [tilespmem:s12+$0x8470]  }
0x3ca: {  	s29 =	sand.u32 $0x1C00, s22;
	s16 =	sand.u32 $0x1FFFFF80, s16;
	[tilespmem:s12+$0xE450] =	vst v4;
	v4 =	vadd.f32 v7, v3;
	v7 =	vld [tilespmem:s12+$0xA470]  }
0x3cb: {  	s16 =	sadd.s32 s29, s16;
	v5 =	vadd.f32 v5, v3;
	v10 =	vld [tilespmem:s12+$0xC470]  }
0x3cc: {  	v11 =	vld [tilespmem:s16+$0x18470];
	[tilespmem:s12+$0x8460] =	vst v4;
	v4 =	vadd.f32 v6, v3  }
0x3cd: {  	v6 =	vld [tilespmem:s16+$0xE470];
	[tilespmem:s12+$0xA460] =	vst v5;
	v3 =	vadd.f32 v8, v3  }
0x3ce: {  	v5 =	vld [tilespmem:s16+$0x18400];
	[tilespmem:s12+$0xC460] =	vst v4;
	v4 =	vadd.f32 v9, v2  }
0x3cf: {  	v8 =	vld [tilespmem:s16+$0x8400];
	[tilespmem:s12+$0xE460] =	vst v3;
	v3 =	vadd.f32 v7, v2  }
0x3d0: {  	v7 =	vld [tilespmem:s16+$0xA400];
	[tilespmem:s12+$0x8470] =	vst v4;
	v4 =	vadd.f32 v10, v2  }
0x3d1: {  	v9 =	vld [tilespmem:s16+$0xC400];
	[tilespmem:s12+$0xA470] =	vst v3;
	v2 =	vmov v11  }
0x3d2: {  	v3 =	vld [tilespmem:s16+$0xE400];
	v6 =	vadd.f32 v6, v2;
	[tilespmem:s12+$0xC470] =	vst v4;
	s12 =	smov.u32 s16  }
0x3d3: {  	v4 =	vld [tilespmem:s12+$0x18410]  }
0x3d4: {  	v8 =	vadd.f32 v8, v5;
	v10 =	vld [tilespmem:s12+$0x8410];
	[tilespmem:s12+$0xE470] =	vst v6  }
0x3d5: {  	v6 =	vadd.f32 v7, v5;
	v7 =	vld [tilespmem:s12+$0xA410]  }
0x3d6: {  	[tilespmem:s12+$0x8400] =	vst v8;
	v8 =	vadd.f32 v9, v5;
	v9 =	vld [tilespmem:s12+$0xC410]  }
0x3d7: {  	[tilespmem:s12+$0xA400] =	vst v6;
	v3 =	vadd.f32 v3, v5;
	v5 =	vld [tilespmem:s12+$0xE410]  }
0x3d8: {  	[tilespmem:s12+$0xC400] =	vst v8;
	v6 =	vld [tilespmem:s12+$0x18420]  }
0x3d9: {  	[tilespmem:s12+$0xE400] =	vst v3;
	v3 =	vadd.f32 v10, v4;
	v8 =	vld [tilespmem:s12+$0x8420]  }
0x3da: {  	v7 =	vadd.f32 v7, v4;
	v10 =	vld [tilespmem:s12+$0xA420]  }
0x3db: {  	[tilespmem:s12+$0x8410] =	vst v3;
	v3 =	vadd.f32 v9, v4;
	v9 =	vld [tilespmem:s12+$0xC420]  }
0x3dc: {  	[tilespmem:s12+$0xA410] =	vst v7;
	v4 =	vadd.f32 v5, v4;
	v5 =	vld [tilespmem:s12+$0xE420]  }
0x3dd: {  	[tilespmem:s12+$0xC410] =	vst v3;
	v3 =	vld [tilespmem:s12+$0x18430]  }
0x3de: {  	[tilespmem:s12+$0xE410] =	vst v4;
	v4 =	vadd.f32 v8, v6;
	v7 =	vld [tilespmem:s12+$0x8430]  }
0x3df: {  	v8 =	vadd.f32 v10, v6;
	v10 =	vld [tilespmem:s12+$0xA430]  }
0x3e0: {  	[tilespmem:s12+$0x8420] =	vst v4;
	v4 =	vadd.f32 v9, v6;
	v9 =	vld [tilespmem:s12+$0xC430]  }
0x3e1: {  	[tilespmem:s12+$0xA420] =	vst v8;
	v5 =	vadd.f32 v5, v6;
	v6 =	vld [tilespmem:s12+$0xE430]  }
0x3e2: {  	[tilespmem:s12+$0xC420] =	vst v4;
	v8 =	vld [tilespmem:s12+$0x18440]  }
0x3e3: {  	[tilespmem:s12+$0xE420] =	vst v5;
	v4 =	vadd.f32 v7, v3;
	v5 =	vld [tilespmem:s12+$0x8440]  }
0x3e4: {  	v7 =	vadd.f32 v10, v3;
	v10 =	vld [tilespmem:s12+$0xA440]  }
0x3e5: {  	[tilespmem:s12+$0x8430] =	vst v4;
	v4 =	vadd.f32 v9, v3;
	v9 =	vld [tilespmem:s12+$0xC440]  }
0x3e6: {  	[tilespmem:s12+$0xA430] =	vst v7;
	v3 =	vadd.f32 v6, v3;
	v6 =	vld [tilespmem:s12+$0xE440]  }
0x3e7: {  	[tilespmem:s12+$0xC430] =	vst v4;
	v4 =	vld [tilespmem:s12+$0x18450]  }
0x3e8: {  	[tilespmem:s12+$0xE430] =	vst v3;
	v3 =	vadd.f32 v5, v8;
	v5 =	vld [tilespmem:s12+$0x8450]  }
0x3e9: {  	v7 =	vadd.f32 v10, v8;
	v10 =	vld [tilespmem:s12+$0xA450]  }
0x3ea: {  	[tilespmem:s12+$0x8440] =	vst v3;
	v3 =	vadd.f32 v9, v8;
	v9 =	vld [tilespmem:s12+$0xC450]  }
.Ltmp5:
0x3eb: {  	[tilespmem:s12+$0xA440] =	vst v7;
	v6 =	vadd.f32 v6, v8;
	v8 =	vld [tilespmem:s12+$0xE450];
	(pc) =	sbr.rel @p0 .LBB2_13-.Ltmp5, $4  }
0x3ec: {  	[tilespmem:s12+$0xC440] =	vst v3;
	v3 =	vld [tilespmem:s12+$0x18460]  }
0x3ed: {  	[tilespmem:s12+$0xE440] =	vst v6;
	v6 =	vadd.f32 v5, v4;
	v7 =	vld [tilespmem:s12+$0x8460]  }
0x3ee: {  	v10 =	vadd.f32 v10, v4;
	v5 =	vld [tilespmem:s12+$0xA460]  }
0x3ef: {  	[tilespmem:s12+$0x8450] =	vst v6;
	v9 =	vadd.f32 v9, v4;
	v6 =	vld [tilespmem:s12+$0xC460]  }
0x3f0: {  	v11 =	vld [tilespmem:s12+$0xE460]  }
0x3f1: {  	[tilespmem:s12+$0xA450] =	vst v10;
	v4 =	vadd.f32 v8, v4;
	v8 =	vld [tilespmem:s12+$0x8470]  }
0x3f2: {  	[tilespmem:s12+$0xC450] =	vst v9;
	v9 =	vld [tilespmem:s12+$0xA470];
	v7 =	vadd.f32 v7, v3  }
0x3f3: {  	[tilespmem:s12+$0xE450] =	vst v4;
	v4 =	vadd.f32 v5, v3;
	v5 =	vld [tilespmem:s12+$0xC470]  }
0x3f4: {  	[tilespmem:s12+$0x8460] =	vst v7;
	v6 =	vadd.f32 v6, v3  }
0x3f5: {  	[tilespmem:s12+$0xA460] =	vst v4;
	v3 =	vadd.f32 v11, v3  }
0x3f6: {  	v4 =	vadd.f32 v8, v2;
	[tilespmem:s12+$0xC460] =	vst v6  }
0x3f7: {  	s22 =	sadd.s32 $0x30, s8;
	[tilespmem:s12+$0xE460] =	vst v3;
	v3 =	vadd.f32 v9, v2  }
0x3f8: {  	s0 =	sadd.s32 s6, s22;
	[tilespmem:s12+$0x8470] =	vst v4;
	v2 =	vadd.f32 v5, v2  }
0x3f9: {  	s0 =	sshll.u32 s0, $0x7;
	[tilespmem:s12+$0xA470] =	vst v3  }
0x3fa: {  	s16 =	sadd.s32 s2, s0;
	[tilespmem:s12+$0xC470] =	vst v2;
	s12 =	simm.s32 $0x0  }
0x3fb: {  	[tilespmem:s24], [sflag:$0x3] =	stream.linear.gather [hbm4b:s16+s12], $0x2000, $0x38;
	[tilespmem:$0x1C800] =	vst v63  }
0x3fc: {  	s29 =	sadd.s32 s10, s9;
	s24 =	sadd.s32 s7, s9  }
0x3fd: {  	s26 =	sadd.s32 s4, s26;
	s16 =	sshll.u32 s24, $0x7;
	s24 =	sshll.u32 s29, $0x7  }
0x3fe: {  	[hbm4b:s26+s12] =	stream.linear.scatter [tilespmem:s23], [sflag:$0x2], $0x2000, $0x38;
	[tilespmem:$0x1C800] =	vst v63  }
0x3ff: {  	s16 =	sadd.s32 s4, s16;
	s23 =	simm.s32 $0xA400;
	s26 =	sadd.s32 s11, s9  }
0x400: {  	[hbm4b:s16+s12] =	stream.linear.scatter [tilespmem:s23], [sflag:$0x2], $0x2000, $0x38;
	[tilespmem:$0x1C800] =	vst v63  }
0x401: {  	s29 =	simm.s32 $0xC400;
	s9 =	sshll.u32 s26, $0x7;
	s16 =	sadd.s32 s4, s24  }
0x402: {  	[hbm4b:s16+s12] =	stream.linear.scatter [tilespmem:s29], [sflag:$0x2], $0x2000, $0x38;
	[tilespmem:$0x1C800] =	vst v63  }
0x403: {  	s9 =	sadd.s32 s4, s9  }
0x404: {  	[hbm4b:s9+s12] =	stream.linear.scatter [tilespmem:s19], [sflag:$0x2], $0x2000, $0x38;
	[tilespmem:$0x1C800] =	vst v63  }
0x405: {  	_ =	swait.ge [sflag:s3], $0x2000  }
0x406: {  	[sflag:s3] =	ssyncset.done $0x0  }
0x407: {  	[sflag:s3] =	ssyncadd.s32 $0xFFFFE000  }
0x408: {  	_ =	swait.ge [sflag:s13], $0x2000  }
0x409: {  	[sflag:s13] =	ssyncset.done $0x0  }
0x40a: {  	[sflag:s13] =	ssyncadd.s32 $0xFFFFE000  }
0x40b: {  	_ =	swait.ge [sflag:s13], $0x2000  }
0x40c: {  	[sflag:s13] =	ssyncset.done $0x0  }
0x40d: {  	[sflag:s13] =	ssyncadd.s32 $0xFFFFE000  }
0x40e: {  	_ =	swait.ge [sflag:s13], $0x2000  }
0x40f: {  	[sflag:s13] =	ssyncset.done $0x0  }
0x410: {  	[sflag:s13] =	ssyncadd.s32 $0xFFFFE000  }
0x411: {  	_ =	swait.ge [sflag:s13], $0x2000  }
0x412: {  	[sflag:s13] =	ssyncset.done $0x0  }
0x413: {  	[sflag:s13] =	ssyncadd.s32 $0xFFFFE000  }
0x414: {  	_ =	swait.ge [sflag:s21], $0x2000  }
0x415: {  	[sflag:s21] =	ssyncset.done $0x0  }
0x416: {  	[sflag:s21] =	ssyncadd.s32 $0xFFFFE000  }
0x417: {  	_ =	swait.ge [sflag:s21], $0x2000  }
0x418: {  	[sflag:s21] =	ssyncset.done $0x0  }
0x419: {  	[sflag:s21] =	ssyncadd.s32 $0xFFFFE000  }
0x41a: {  	_ =	swait.ge [sflag:s21], $0x2000  }
0x41b: {  	[sflag:s21] =	ssyncset.done $0x0  }
0x41c: {  	[sflag:s21] =	ssyncadd.s32 $0xFFFFE000  }
0x41d: {  	_ =	swait.ge [sflag:s21], $0x2000  }
0x41e: {  	[sflag:s21] =	ssyncset.done $0x0  }
0x41f: {  	[sflag:s21] =	ssyncadd.s32 $0xFFFFE000  }
0x420: {  	v2 =	vld.msk [tilespmem:s8+$0x30], $0xff;
	_ =	sdelay $0x4  }
0x421: {  	v3 =	vshll.u32 v2, $0x3  }
0x422: {  	v2 =	vand.u32 $0x7, v2;
	v3 =	vand.u32 $0xFFFFFFC0, v3  }
0x423: {  	v2 =	vor.u32 v2, v3  }
0x424: {  	v2 =	vperm.xlane v2, v0;
	_ =	sdelay $0x1  }
0x425: {  	v2 =	vadd.s32 v1, v2;
	_ =	sdelay $0x3  }
0x426: {  	s26 =	simm.s32 $0x400  }
0x427: {  	[tilespmem:s26], [sflag:$0x1] =	stream.indirect_vreg.gather [hbm4b:s1+s12], $0x80, v2, vm0, $0xb8;
	[tilespmem:$0x1C800] =	vst v63  }
0x428: {  	s29 =	simm.s32 $0xC00  }
0x429: {  	[tilespmem:s29], [sflag:$0x1] =	stream.indirect_vreg.gather [hbm4b:s30+s12], $0x80, v2, vm0, $0xb8;
	[tilespmem:$0x1C800] =	vst v63  }
0x42a: {  	s16 =	simm.s32 $0x1400  }
0x42b: {  	[tilespmem:s16], [sflag:$0x1] =	stream.indirect_vreg.gather [hbm4b:s17+s12], $0x80, v2, vm0, $0xb8;
	[tilespmem:$0x1C800] =	vst v63  }
0x42c: {  	s24 =	simm.s32 $0x1C00  }
0x42d: {  	[tilespmem:s24], [sflag:$0x1] =	stream.indirect_vreg.gather [hbm4b:s18+s12], $0x80, v2, vm0, $0xb8;
	[tilespmem:$0x1C800] =	vst v63  }
0x42e: {  	v2 =	vld.msk [tilespmem:s8+$0x130], $0xff;
	_ =	sdelay $0x4  }
0x42f: {  	v3 =	vshll.u32 v2, $0x3  }
0x430: {  	v2 =	vand.u32 $0x7, v2;
	v3 =	vand.u32 $0xFFFFFFC0, v3  }
0x431: {  	v2 =	vor.u32 v2, v3  }
0x432: {  	v2 =	vperm.xlane v2, v0;
	_ =	sdelay $0x1  }
0x433: {  	v2 =	vadd.s32 v1, v2;
	_ =	sdelay $0x3  }
0x434: {  	s26 =	simm.s32 $0x2400  }
0x435: {  	[tilespmem:s26], [sflag:$0x1] =	stream.indirect_vreg.gather [hbm4b:s1+s12], $0x80, v2, vm0, $0xb8;
	[tilespmem:$0x1C800] =	vst v63  }
0x436: {  	s29 =	simm.s32 $0x2C00  }
0x437: {  	[tilespmem:s29], [sflag:$0x1] =	stream.indirect_vreg.gather [hbm4b:s30+s12], $0x80, v2, vm0, $0xb8;
	[tilespmem:$0x1C800] =	vst v63  }
0x438: {  	s16 =	simm.s32 $0x3400  }
0x439: {  	[tilespmem:s16], [sflag:$0x1] =	stream.indirect_vreg.gather [hbm4b:s17+s12], $0x80, v2, vm0, $0xb8;
	[tilespmem:$0x1C800] =	vst v63  }
0x43a: {  	s24 =	simm.s32 $0x3C00  }
0x43b: {  	[tilespmem:s24], [sflag:$0x1] =	stream.indirect_vreg.gather [hbm4b:s18+s12], $0x80, v2, vm0, $0xb8;
	[tilespmem:$0x1C800] =	vst v63  }
0x43c: {  	v2 =	vld.msk [tilespmem:s8+$0x230], $0xff;
	_ =	sdelay $0x4  }
0x43d: {  	v3 =	vshll.u32 v2, $0x3  }
0x43e: {  	v2 =	vand.u32 $0x7, v2;
	v3 =	vand.u32 $0xFFFFFFC0, v3  }
0x43f: {  	v2 =	vor.u32 v2, v3  }
0x440: {  	v2 =	vperm.xlane v2, v0;
	_ =	sdelay $0x1  }
0x441: {  	v2 =	vadd.s32 v1, v2;
	_ =	sdelay $0x3  }
0x442: {  	s26 =	simm.s32 $0x4400  }
0x443: {  	[tilespmem:s26], [sflag:$0x1] =	stream.indirect_vreg.gather [hbm4b:s1+s12], $0x80, v2, vm0, $0xb8;
	[tilespmem:$0x1C800] =	vst v63  }
0x444: {  	s29 =	simm.s32 $0x4C00  }
0x445: {  	[tilespmem:s29], [sflag:$0x1] =	stream.indirect_vreg.gather [hbm4b:s30+s12], $0x80, v2, vm0, $0xb8;
	[tilespmem:$0x1C800] =	vst v63  }
0x446: {  	s16 =	simm.s32 $0x5400  }
0x447: {  	[tilespmem:s16], [sflag:$0x1] =	stream.indirect_vreg.gather [hbm4b:s17+s12], $0x80, v2, vm0, $0xb8;
	[tilespmem:$0x1C800] =	vst v63  }
0x448: {  	s24 =	simm.s32 $0x5C00  }
0x449: {  	[tilespmem:s24], [sflag:$0x1] =	stream.indirect_vreg.gather [hbm4b:s18+s12], $0x80, v2, vm0, $0xb8;
	[tilespmem:$0x1C800] =	vst v63  }
0x44a: {  	v2 =	vld.msk [tilespmem:s8+$0x330], $0xff;
	_ =	sdelay $0x4  }
0x44b: {  	v3 =	vshll.u32 v2, $0x3  }
0x44c: {  	v2 =	vand.u32 $0x7, v2;
	v3 =	vand.u32 $0xFFFFFFC0, v3  }
0x44d: {  	v2 =	vor.u32 v2, v3  }
0x44e: {  	v2 =	vperm.xlane v2, v0;
	_ =	sdelay $0x1  }
0x44f: {  	v2 =	vadd.s32 v1, v2;
	_ =	sdelay $0x3  }
0x450: {  	s26 =	simm.s32 $0x6400  }
0x451: {  	[tilespmem:s26], [sflag:$0x1] =	stream.indirect_vreg.gather [hbm4b:s1+s12], $0x80, v2, vm0, $0xb8;
	[tilespmem:$0x1C800] =	vst v63  }
0x452: {  	s29 =	simm.s32 $0x6C00;
	s26 =	simm.s32 $0x0  }
0x453: {  	[tilespmem:s29], [sflag:$0x1] =	stream.indirect_vreg.gather [hbm4b:s30+s12], $0x80, v2, vm0, $0xb8;
	[tilespmem:$0x1C800] =	vst v63  }
0x454: {  	s16 =	simm.s32 $0x7400;
	s9 =	sand.u32 $0x1FFFFF80, s26;
	s29 =	sand.u32 $0x1C00, s12  }
0x455: {  	[tilespmem:s16], [sflag:$0x1] =	stream.indirect_vreg.gather [hbm4b:s17+s12], $0x80, v2, vm0, $0xb8;
	[tilespmem:$0x1C800] =	vst v63  }
0x456: {  	s24 =	simm.s32 $0x7C00;
	s16 =	sadd.s32 s29, s9  }
0x457: {  	[tilespmem:s24], [sflag:$0x1] =	stream.indirect_vreg.gather [hbm4b:s18+s12], $0x80, v2, vm0, $0xb8;
	[tilespmem:$0x1C800] =	vst v63  }
0x458: {  	v2 =	vld [tilespmem:s16+$0x1A470]  }
0x459: {  	v3 =	vld [tilespmem:s16+$0x10470]  }
0x45a: {  	v4 =	vld [tilespmem:s16+$0x1A410]  }
0x45b: {  	v5 =	vld [tilespmem:s16+$0x10410]  }
0x45c: {  	v6 =	vld [tilespmem:s16+$0x1A420]  }
0x45d: {  	v7 =	vld [tilespmem:s16+$0x10420]  }
0x45e: {  	v8 =	vld [tilespmem:s16+$0x1A430]  }
0x45f: {  	v9 =	vld [tilespmem:s16+$0x10430]  }
0x460: {  	v10 =	vld [tilespmem:s16+$0x1A440];
	v3 =	vadd.f32 v3, v2  }
0x461: {  	v12 =	vld [tilespmem:s16+$0x10440]  }
0x462: {  	s9 =	sadd.s32 $0x10400, s16;
	v13 =	vld [tilespmem:s16+$0x1A450];
	[tilespmem:s16+$0x10470] =	vst v3  }
0x463: {  	v11 =	vld [tilespmem:s9+$0x6070]  }
0x464: {  	v14 =	vld [tilespmem:s16+$0x10450];
	v5 =	vadd.f32 v5, v4  }
0x465: {  	v3 =	vld [tilespmem:s16+$0x1A460]  }
0x466: {  	[tilespmem:s16+$0x10410] =	vst v5;
	v5 =	vadd.f32 v7, v6;
	v7 =	vld [tilespmem:s16+$0x10460]  }
0x467: {  	v9 =	vadd.f32 v9, v8;
	v15 =	vld [tilespmem:s9+$0x2010]  }
0x468: {  	[tilespmem:s16+$0x10420] =	vst v5;
	v5 =	vadd.f32 v11, v2;
	v11 =	vld [tilespmem:s9+$0x4010]  }
0x469: {  	[tilespmem:s16+$0x10430] =	vst v9;
	v9 =	vadd.f32 v12, v10;
	v59 =	vld [tilespmem:s9+$0x6010]  }
0x46a: {  	v60 =	vld [tilespmem:s9+$0x2020];
	[tilespmem:s9+$0x6070] =	vst v5;
	v5 =	vadd.f32 v14, v13  }
0x46b: {  	[tilespmem:s16+$0x10440] =	vst v9;
	v9 =	vld [tilespmem:s9+$0x4020];
	v7 =	vadd.f32 v7, v3  }
0x46c: {  	v61 =	vld [tilespmem:s9+$0x6020];
	[tilespmem:s16+$0x10450] =	vst v5;
	v5 =	vadd.f32 v15, v4  }
0x46d: {  	v16 =	vld [tilespmem:s9+$0x2030];
	[tilespmem:s16+$0x10460] =	vst v7;
	v11 =	vadd.f32 v11, v4  }
0x46e: {  	v4 =	vadd.f32 v59, v4;
	[tilespmem:s9+$0x2010] =	vst v5;
	v5 =	vld [tilespmem:s9+$0x4030]  }
0x46f: {  	v7 =	vadd.f32 v60, v6;
	[tilespmem:s9+$0x4010] =	vst v11;
	v11 =	vld [tilespmem:s9+$0x6030]  }
0x470: {  	[tilespmem:s9+$0x6010] =	vst v4;
	v4 =	vadd.f32 v9, v6;
	v9 =	vld [tilespmem:s9+$0x2040]  }
0x471: {  	[tilespmem:s9+$0x2020] =	vst v7;
	v7 =	vld [tilespmem:s9+$0x4040];
	v6 =	vadd.f32 v61, v6  }
0x472: {  	v62 =	vld [tilespmem:s9+$0x6040];
	[tilespmem:s9+$0x4020] =	vst v4;
	v4 =	vadd.f32 v16, v8  }
0x473: {  	[tilespmem:s9+$0x6020] =	vst v6;
	v6 =	vld [tilespmem:s9+$0x2050];
	v5 =	vadd.f32 v5, v8  }
0x474: {  	[tilespmem:s9+$0x2030] =	vst v4;
	v4 =	vadd.f32 v11, v8;
	v11 =	vld [tilespmem:s9+$0x4050]  }
0x475: {  	[tilespmem:s9+$0x4030] =	vst v5;
	v5 =	vadd.f32 v9, v10;
	v9 =	vld [tilespmem:s9+$0x6050]  }
0x476: {  	v63 =	vld [tilespmem:s9+$0x2060];
	[tilespmem:s9+$0x6030] =	vst v4;
	v4 =	vadd.f32 v7, v10  }
0x477: {  	v8 =	vld [tilespmem:s9+$0x4060];
	[tilespmem:s9+$0x2040] =	vst v5;
	v5 =	vadd.f32 v62, v10  }
0x478: {  	v7 =	vld [tilespmem:s9+$0x6060];
	[tilespmem:s9+$0x4040] =	vst v4;
	v4 =	vadd.f32 v6, v13  }
0x479: {  	v6 =	vld [tilespmem:s9+$0x2070];
	[tilespmem:s9+$0x6040] =	vst v5;
	v11 =	vadd.f32 v11, v13  }
0x47a: {  	v5 =	vld [tilespmem:s9+$0x4070];
	[tilespmem:s9+$0x2050] =	vst v4;
	v10 =	vadd.f32 v9, v13  }
0x47b: {  	s26 =	simm.s32 $0x0;
	v4 =	vld [tilespmem:s16+$0x1A400];
	v9 =	vadd.f32 v63, v3;
	[tilespmem:s9+$0x4050] =	vst v11  }
.LBB2_15:
0x47c: {  	s26 =	sadd.s32 $0x80, s26;
	v11 =	vld [tilespmem:s16+$0x10400];
	[tilespmem:s9+$0x6050] =	vst v10;
	v8 =	vadd.f32 v8, v3  }
0x47d: {  	s12 =	sadd.s32 $0x400, s12;
	s29 =	sshrl.u32 s26, $0x3;
	p0 =	slt.u32 s26, $0x1F80;
	v10 =	vld [tilespmem:s16+$0x12400];
	[tilespmem:s9+$0x2060] =	vst v9;
	v3 =	vadd.f32 v7, v3  }
0x47e: {  	s24 =	sand.u32 $0x1C00, s12;
	s29 =	sand.u32 $0x1FFFFF80, s29;
	v7 =	vld [tilespmem:s16+$0x14400];
	[tilespmem:s9+$0x4060] =	vst v8;
	v6 =	vadd.f32 v6, v2  }
0x47f: {  	s24 =	sadd.s32 s24, s29;
	v8 =	vld [tilespmem:s16+$0x16400];
	[tilespmem:s9+$0x6060] =	vst v3;
	v3 =	vadd.f32 v5, v2  }
0x480: {  	v2 =	vld [tilespmem:s24+$0x1A470];
	[tilespmem:s9+$0x2070] =	vst v6  }
0x481: {  	v5 =	vld [tilespmem:s24+$0x10470];
	v6 =	vadd.f32 v11, v4;
	[tilespmem:s9+$0x4070] =	vst v3  }
0x482: {  	v9 =	vld [tilespmem:s24+$0x1A410];
	v3 =	vadd.f32 v10, v4  }
0x483: {  	v10 =	vld [tilespmem:s24+$0x10410];
	[tilespmem:s16+$0x10400] =	vst v6;
	v6 =	vadd.f32 v7, v4  }
0x484: {  	v7 =	vld [tilespmem:s24+$0x1A420];
	[tilespmem:s16+$0x12400] =	vst v3;
	v3 =	vadd.f32 v8, v4  }
0x485: {  	v4 =	vld [tilespmem:s24+$0x10420];
	[tilespmem:s16+$0x14400] =	vst v6  }
0x486: {  	v6 =	vld [tilespmem:s24+$0x1A430];
	v5 =	vadd.f32 v5, v2;
	[tilespmem:s16+$0x16400] =	vst v3;
	s16 =	smov.u32 s24  }
0x487: {  	v3 =	vld [tilespmem:s16+$0x10430]  }
0x488: {  	s9 =	sadd.s32 $0x10400, s16;
	v8 =	vadd.f32 v10, v9;
	v10 =	vld [tilespmem:s16+$0x1A440];
	[tilespmem:s16+$0x10470] =	vst v5  }
0x489: {  	v5 =	vld [tilespmem:s9+$0x6070]  }
0x48a: {  	[tilespmem:s16+$0x10410] =	vst v8;
	v4 =	vadd.f32 v4, v7;
	v8 =	vld [tilespmem:s16+$0x10440]  }
0x48b: {  	v11 =	vld [tilespmem:s16+$0x1A450]  }
0x48c: {  	[tilespmem:s16+$0x10420] =	vst v4;
	v4 =	vadd.f32 v3, v6;
	v12 =	vld [tilespmem:s16+$0x10450]  }
0x48d: {  	v3 =	vld [tilespmem:s16+$0x1A460]  }
0x48e: {  	[tilespmem:s16+$0x10430] =	vst v4;
	v4 =	vld [tilespmem:s16+$0x10460];
	v5 =	vadd.f32 v5, v2  }
0x48f: {  	v13 =	vld [tilespmem:s9+$0x2010];
	v8 =	vadd.f32 v8, v10  }
0x490: {  	v14 =	vld [tilespmem:s9+$0x4010];
	[tilespmem:s9+$0x6070] =	vst v5  }
0x491: {  	v5 =	vld [tilespmem:s9+$0x6010];
	[tilespmem:s16+$0x10440] =	vst v8;
	v8 =	vadd.f32 v12, v11  }
0x492: {  	v12 =	vld [tilespmem:s9+$0x2020]  }
0x493: {  	v15 =	vld [tilespmem:s9+$0x4020];
	[tilespmem:s16+$0x10450] =	vst v8;
	v4 =	vadd.f32 v4, v3  }
0x494: {  	v8 =	vadd.f32 v13, v9;
	v13 =	vld [tilespmem:s9+$0x6020]  }
0x495: {  	v14 =	vadd.f32 v14, v9;
	v16 =	vld [tilespmem:s9+$0x2030];
	[tilespmem:s16+$0x10460] =	vst v4  }
0x496: {  	[tilespmem:s9+$0x2010] =	vst v8;
	v4 =	vadd.f32 v5, v9;
	v5 =	vld [tilespmem:s9+$0x4030]  }
0x497: {  	[tilespmem:s9+$0x4010] =	vst v14;
	v8 =	vadd.f32 v12, v7;
	v9 =	vld [tilespmem:s9+$0x6030]  }
0x498: {  	[tilespmem:s9+$0x6010] =	vst v4;
	v4 =	vadd.f32 v15, v7;
	v12 =	vld [tilespmem:s9+$0x2040]  }
0x499: {  	[tilespmem:s9+$0x2020] =	vst v8;
	v7 =	vadd.f32 v13, v7;
	v8 =	vld [tilespmem:s9+$0x4040]  }
0x49a: {  	[tilespmem:s9+$0x4020] =	vst v4;
	v4 =	vadd.f32 v16, v6;
	v13 =	vld [tilespmem:s9+$0x6040]  }
0x49b: {  	[tilespmem:s9+$0x6020] =	vst v7;
	v5 =	vadd.f32 v5, v6;
	v7 =	vld [tilespmem:s9+$0x2050]  }
0x49c: {  	[tilespmem:s9+$0x2030] =	vst v4;
	v4 =	vadd.f32 v9, v6;
	v6 =	vld [tilespmem:s9+$0x4050]  }
0x49d: {  	[tilespmem:s9+$0x4030] =	vst v5;
	v5 =	vadd.f32 v12, v10;
	v9 =	vld [tilespmem:s9+$0x6050]  }
0x49e: {  	[tilespmem:s9+$0x6030] =	vst v4;
	v4 =	vadd.f32 v8, v10;
	v12 =	vld [tilespmem:s9+$0x2060]  }
.Ltmp6:
0x49f: {  	[tilespmem:s9+$0x2040] =	vst v5;
	v5 =	vadd.f32 v13, v10;
	v8 =	vld [tilespmem:s9+$0x4060];
	(pc) =	sbr.rel @p0 .LBB2_15-.Ltmp6, $4  }
0x4a0: {  	[tilespmem:s9+$0x4040] =	vst v4;
	v4 =	vadd.f32 v7, v11;
	v7 =	vld [tilespmem:s9+$0x6060]  }
0x4a1: {  	[tilespmem:s9+$0x6040] =	vst v5;
	v13 =	vadd.f32 v6, v11;
	v6 =	vld [tilespmem:s9+$0x2070]  }
0x4a2: {  	[tilespmem:s9+$0x2050] =	vst v4;
	v10 =	vadd.f32 v9, v11;
	v5 =	vld [tilespmem:s9+$0x4070]  }
0x4a3: {  	v4 =	vld [tilespmem:s16+$0x1A400];
	[tilespmem:s9+$0x4050] =	vst v13;
	v9 =	vadd.f32 v12, v3  }
0x4a4: {  	v11 =	vld [tilespmem:s16+$0x10400]  }
0x4a5: {  	[tilespmem:s9+$0x6050] =	vst v10;
	v8 =	vadd.f32 v8, v3;
	v10 =	vld [tilespmem:s16+$0x12400]  }
0x4a6: {  	[tilespmem:s9+$0x2060] =	vst v9;
	v3 =	vadd.f32 v7, v3;
	v7 =	vld [tilespmem:s16+$0x14400]  }
0x4a7: {  	[tilespmem:s9+$0x4060] =	vst v8;
	v6 =	vadd.f32 v6, v2;
	v8 =	vld [tilespmem:s16+$0x16400]  }
0x4a8: {  	[tilespmem:s9+$0x6060] =	vst v3;
	v2 =	vadd.f32 v5, v2  }
0x4a9: {  	[tilespmem:s9+$0x2070] =	vst v6;
	v3 =	vadd.f32 v11, v4  }
0x4aa: {  	[tilespmem:s9+$0x4070] =	vst v2;
	v2 =	vadd.f32 v10, v4  }
0x4ab: {  	s9 =	sadd.s32 $0x38, s8;
	[tilespmem:s16+$0x10400] =	vst v3;
	v3 =	vadd.f32 v7, v4  }
0x4ac: {  	s12 =	sadd.s32 s6, s9;
	[tilespmem:s16+$0x12400] =	vst v2;
	v2 =	vadd.f32 v8, v4  }
0x4ad: {  	s26 =	sshll.u32 s12, $0x7;
	[tilespmem:s16+$0x14400] =	vst v3  }
0x4ae: {  	s29 =	simm.s32 $0x1A400;
	s12 =	simm.s32 $0x0;
	s24 =	sadd.s32 s2, s26;
	[tilespmem:s16+$0x16400] =	vst v2  }
0x4af: {  	[tilespmem:s29], [sflag:$0x3] =	stream.linear.gather [hbm4b:s24+s12], $0x2000, $0x38;
	[tilespmem:$0x1C800] =	vst v63  }
0x4b0: {  	s16 =	sadd.s32 s4, s28;
	s24 =	simm.s32 $0x10400  }
0x4b1: {  	[hbm4b:s16+s12] =	stream.linear.scatter [tilespmem:s24], [sflag:$0x2], $0x2000, $0x38;
	[tilespmem:$0x1C800] =	vst v63  }
0x4b2: {  	s24 =	sadd.s32 s7, s15  }
0x4b3: {  	s16 =	sshll.u32 s24, $0x7  }
0x4b4: {  	s24 =	simm.s32 $0x12400;
	s16 =	sadd.s32 s4, s16  }
0x4b5: {  	[hbm4b:s16+s12] =	stream.linear.scatter [tilespmem:s24], [sflag:$0x2], $0x2000, $0x38;
	[tilespmem:$0x1C800] =	vst v63  }
0x4b6: {  	s24 =	sadd.s32 s10, s15  }
0x4b7: {  	s16 =	sshll.u32 s24, $0x7  }
0x4b8: {  	s24 =	simm.s32 $0x14400;
	s16 =	sadd.s32 s4, s16  }
0x4b9: {  	[hbm4b:s16+s12] =	stream.linear.scatter [tilespmem:s24], [sflag:$0x2], $0x2000, $0x38;
	[tilespmem:$0x1C800] =	vst v63  }
0x4ba: {  	s16 =	sadd.s32 s11, s15  }
0x4bb: {  	s15 =	sshll.u32 s16, $0x7  }
0x4bc: {  	s24 =	simm.s32 $0x16400;
	s15 =	sadd.s32 s4, s15  }
0x4bd: {  	[hbm4b:s15+s12] =	stream.linear.scatter [tilespmem:s24], [sflag:$0x2], $0x2000, $0x38;
	[tilespmem:$0x1C800] =	vst v63  }
0x4be: {  	_ =	swait.ge [sflag:s3], $0x2000  }
0x4bf: {  	[sflag:s3] =	ssyncset.done $0x0  }
0x4c0: {  	[sflag:s3] =	ssyncadd.s32 $0xFFFFE000  }
0x4c1: {  	_ =	swait.ge [sflag:s13], $0x2000  }
0x4c2: {  	[sflag:s13] =	ssyncset.done $0x0  }
0x4c3: {  	[sflag:s13] =	ssyncadd.s32 $0xFFFFE000  }
0x4c4: {  	_ =	swait.ge [sflag:s13], $0x2000  }
0x4c5: {  	[sflag:s13] =	ssyncset.done $0x0  }
0x4c6: {  	[sflag:s13] =	ssyncadd.s32 $0xFFFFE000  }
0x4c7: {  	_ =	swait.ge [sflag:s13], $0x2000  }
0x4c8: {  	[sflag:s13] =	ssyncset.done $0x0  }
0x4c9: {  	[sflag:s13] =	ssyncadd.s32 $0xFFFFE000  }
0x4ca: {  	_ =	swait.ge [sflag:s13], $0x2000  }
0x4cb: {  	[sflag:s13] =	ssyncset.done $0x0  }
0x4cc: {  	[sflag:s13] =	ssyncadd.s32 $0xFFFFE000  }
0x4cd: {  	_ =	swait.ge [sflag:s21], $0x2000  }
0x4ce: {  	[sflag:s21] =	ssyncset.done $0x0  }
0x4cf: {  	[sflag:s21] =	ssyncadd.s32 $0xFFFFE000  }
0x4d0: {  	_ =	swait.ge [sflag:s21], $0x2000  }
0x4d1: {  	[sflag:s21] =	ssyncset.done $0x0  }
0x4d2: {  	[sflag:s21] =	ssyncadd.s32 $0xFFFFE000  }
0x4d3: {  	_ =	swait.ge [sflag:s21], $0x2000  }
0x4d4: {  	[sflag:s21] =	ssyncset.done $0x0  }
0x4d5: {  	[sflag:s21] =	ssyncadd.s32 $0xFFFFE000  }
0x4d6: {  	_ =	swait.ge [sflag:s21], $0x2000  }
0x4d7: {  	[sflag:s21] =	ssyncset.done $0x0  }
0x4d8: {  	[sflag:s21] =	ssyncadd.s32 $0xFFFFE000  }
0x4d9: {  	v2 =	vld.msk [tilespmem:s8+$0x38], $0xff;
	_ =	sdelay $0x4  }
0x4da: {  	v3 =	vshll.u32 v2, $0x3  }
0x4db: {  	v2 =	vand.u32 $0x7, v2;
	v3 =	vand.u32 $0xFFFFFFC0, v3  }
0x4dc: {  	v2 =	vor.u32 v2, v3  }
0x4dd: {  	v2 =	vperm.xlane v2, v0;
	_ =	sdelay $0x1  }
0x4de: {  	v2 =	vadd.s32 v1, v2;
	_ =	sdelay $0x3  }
0x4df: {  	s28 =	simm.s32 $0x8400  }
0x4e0: {  	[tilespmem:s28], [sflag:$0x1] =	stream.indirect_vreg.gather [hbm4b:s1+s12], $0x80, v2, vm0, $0xb8;
	[tilespmem:$0x1C800] =	vst v63  }
0x4e1: {  	s24 =	simm.s32 $0x8C00  }
0x4e2: {  	[tilespmem:s24], [sflag:$0x1] =	stream.indirect_vreg.gather [hbm4b:s30+s12], $0x80, v2, vm0, $0xb8;
	[tilespmem:$0x1C800] =	vst v63  }
0x4e3: {  	s16 =	simm.s32 $0x9400  }
0x4e4: {  	[tilespmem:s16], [sflag:$0x1] =	stream.indirect_vreg.gather [hbm4b:s17+s12], $0x80, v2, vm0, $0xb8;
	[tilespmem:$0x1C800] =	vst v63  }
0x4e5: {  	s24 =	simm.s32 $0x9C00  }
0x4e6: {  	[tilespmem:s24], [sflag:$0x1] =	stream.indirect_vreg.gather [hbm4b:s18+s12], $0x80, v2, vm0, $0xb8;
	[tilespmem:$0x1C800] =	vst v63  }
0x4e7: {  	v2 =	vld.msk [tilespmem:s8+$0x138], $0xff;
	_ =	sdelay $0x4  }
0x4e8: {  	v3 =	vshll.u32 v2, $0x3  }
0x4e9: {  	v2 =	vand.u32 $0x7, v2;
	v3 =	vand.u32 $0xFFFFFFC0, v3  }
0x4ea: {  	v2 =	vor.u32 v2, v3  }
0x4eb: {  	v2 =	vperm.xlane v2, v0;
	_ =	sdelay $0x1  }
0x4ec: {  	v2 =	vadd.s32 v1, v2;
	_ =	sdelay $0x4  }
0x4ed: {  	[tilespmem:s23], [sflag:$0x1] =	stream.indirect_vreg.gather [hbm4b:s1+s12], $0x80, v2, vm0, $0xb8;
	[tilespmem:$0x1C800] =	vst v63  }
0x4ee: {  	_ = 	snop  }
0x4ef: {  	[tilespmem:s31], [sflag:$0x1] =	stream.indirect_vreg.gather [hbm4b:s30+s12], $0x80, v2, vm0, $0xb8;
	[tilespmem:$0x1C800] =	vst v63  }
0x4f0: {  	s16 =	simm.s32 $0xB400  }
0x4f1: {  	[tilespmem:s16], [sflag:$0x1] =	stream.indirect_vreg.gather [hbm4b:s17+s12], $0x80, v2, vm0, $0xb8;
	[tilespmem:$0x1C800] =	vst v63  }
0x4f2: {  	s24 =	simm.s32 $0xBC00  }
0x4f3: {  	[tilespmem:s24], [sflag:$0x1] =	stream.indirect_vreg.gather [hbm4b:s18+s12], $0x80, v2, vm0, $0xb8;
	[tilespmem:$0x1C800] =	vst v63  }
0x4f4: {  	v2 =	vld.msk [tilespmem:s8+$0x238], $0xff;
	_ =	sdelay $0x4  }
0x4f5: {  	v3 =	vshll.u32 v2, $0x3  }
0x4f6: {  	v2 =	vand.u32 $0x7, v2;
	v3 =	vand.u32 $0xFFFFFFC0, v3  }
0x4f7: {  	v2 =	vor.u32 v2, v3  }
0x4f8: {  	v2 =	vperm.xlane v2, v0;
	_ =	sdelay $0x1  }
0x4f9: {  	v2 =	vadd.s32 v1, v2;
	_ =	sdelay $0x3  }
0x4fa: {  	s16 =	simm.s32 $0xC400  }
0x4fb: {  	[tilespmem:s16], [sflag:$0x1] =	stream.indirect_vreg.gather [hbm4b:s1+s12], $0x80, v2, vm0, $0xb8;
	[tilespmem:$0x1C800] =	vst v63  }
0x4fc: {  	s24 =	simm.s32 $0xCC00  }
0x4fd: {  	[tilespmem:s24], [sflag:$0x1] =	stream.indirect_vreg.gather [hbm4b:s30+s12], $0x80, v2, vm0, $0xb8;
	[tilespmem:$0x1C800] =	vst v63  }
0x4fe: {  	s16 =	simm.s32 $0xD400  }
0x4ff: {  	[tilespmem:s16], [sflag:$0x1] =	stream.indirect_vreg.gather [hbm4b:s17+s12], $0x80, v2, vm0, $0xb8;
	[tilespmem:$0x1C800] =	vst v63  }
0x500: {  	s24 =	simm.s32 $0xDC00  }
0x501: {  	[tilespmem:s24], [sflag:$0x1] =	stream.indirect_vreg.gather [hbm4b:s18+s12], $0x80, v2, vm0, $0xb8;
	[tilespmem:$0x1C800] =	vst v63  }
0x502: {  	v2 =	vld.msk [tilespmem:s8+$0x338], $0xff;
	_ =	sdelay $0x4  }
0x503: {  	v3 =	vshll.u32 v2, $0x3  }
0x504: {  	v2 =	vand.u32 $0x7, v2;
	v3 =	vand.u32 $0xFFFFFFC0, v3  }
0x505: {  	v2 =	vor.u32 v2, v3  }
0x506: {  	v2 =	vperm.xlane v2, v0;
	_ =	sdelay $0x1  }
0x507: {  	v2 =	vadd.s32 v1, v2;
	_ =	sdelay $0x4  }
0x508: {  	[tilespmem:s19], [sflag:$0x1] =	stream.indirect_vreg.gather [hbm4b:s1+s12], $0x80, v2, vm0, $0xb8;
	[tilespmem:$0x1C800] =	vst v63  }
0x509: {  	s16 =	simm.s32 $0xEC00  }
0x50a: {  	[tilespmem:s16], [sflag:$0x1] =	stream.indirect_vreg.gather [hbm4b:s30+s12], $0x80, v2, vm0, $0xb8;
	[tilespmem:$0x1C800] =	vst v63  }
0x50b: {  	s24 =	simm.s32 $0xF400;
	s16 =	simm.s32 $0x0  }
0x50c: {  	[tilespmem:s24], [sflag:$0x1] =	stream.indirect_vreg.gather [hbm4b:s17+s12], $0x80, v2, vm0, $0xb8;
	[tilespmem:$0x1C800] =	vst v63  }
0x50d: {  	s8 =	sand.u32 $0x1FFFFF80, s16;
	s24 =	sand.u32 $0x1C00, s12  }
0x50e: {  	s15 =	simm.s32 $0xFC00;
	s8 =	sadd.s32 s24, s8  }
0x50f: {  	[tilespmem:s15], [sflag:$0x1] =	stream.indirect_vreg.gather [hbm4b:s18+s12], $0x80, v2, vm0, $0xb8;
	[tilespmem:$0x1C800] =	vst v63  }
0x510: {  	v2 =	vld [tilespmem:s8+$0x18470]  }
0x511: {  	v3 =	vld [tilespmem:s8+$0x6470]  }
0x512: {  	v4 =	vld [tilespmem:s8+$0x18400]  }
0x513: {  	v5 =	vld [tilespmem:s8+$0x400]  }
0x514: {  	v6 =	vld [tilespmem:s8+$0x2400]  }
0x515: {  	v7 =	vld [tilespmem:s8+$0x4400]  }
0x516: {  	v8 =	vld [tilespmem:s8+$0x6400]  }
0x517: {  	v9 =	vld [tilespmem:s8+$0x18410]  }
0x518: {  	v10 =	vld [tilespmem:s8+$0x410]  }
0x519: {  	v11 =	vld [tilespmem:s8+$0x2410]  }
0x51a: {  	v12 =	vld [tilespmem:s8+$0x4410]  }
0x51b: {  	v13 =	vld [tilespmem:s8+$0x6410]  }
0x51c: {  	v14 =	vld [tilespmem:s8+$0x18420];
	v3 =	vadd.f32 v3, v2  }
0x51d: {  	v15 =	vld [tilespmem:s8+$0x420];
	v5 =	vadd.f32 v5, v4  }
0x51e: {  	v61 =	vld [tilespmem:s8+$0x6430];
	[tilespmem:s8+$0x6470] =	vst v3;
	v3 =	vadd.f32 v6, v4  }
0x51f: {  	v6 =	vld [tilespmem:s8+$0x2420];
	[tilespmem:s8+$0x400] =	vst v5;
	v5 =	vadd.f32 v7, v4  }
0x520: {  	v7 =	vld [tilespmem:s8+$0x4420];
	[tilespmem:s8+$0x2400] =	vst v3;
	v3 =	vadd.f32 v8, v4  }
0x521: {  	v4 =	vld [tilespmem:s8+$0x6420];
	[tilespmem:s8+$0x4400] =	vst v5;
	v5 =	vadd.f32 v10, v9  }
0x522: {  	v8 =	vld [tilespmem:s8+$0x18430];
	[tilespmem:s8+$0x6400] =	vst v3;
	v3 =	vadd.f32 v11, v9  }
0x523: {  	v10 =	vld [tilespmem:s8+$0x430];
	[tilespmem:s8+$0x410] =	vst v5;
	v5 =	vadd.f32 v12, v9  }
0x524: {  	v11 =	vld [tilespmem:s8+$0x2430];
	[tilespmem:s8+$0x2410] =	vst v3;
	v3 =	vadd.f32 v13, v9  }
0x525: {  	v9 =	vld [tilespmem:s8+$0x4430];
	[tilespmem:s8+$0x4410] =	vst v5;
	v5 =	vadd.f32 v15, v14  }
0x526: {  	[tilespmem:s8+$0x6410] =	vst v3;
	v3 =	vadd.f32 v6, v14;
	v6 =	vld [tilespmem:s8+$0x18440]  }
0x527: {  	[tilespmem:s8+$0x420] =	vst v5;
	v5 =	vadd.f32 v7, v14;
	v7 =	vld [tilespmem:s8+$0x440]  }
0x528: {  	v62 =	vld [tilespmem:s8+$0x2440];
	[tilespmem:s8+$0x2420] =	vst v3;
	v3 =	vadd.f32 v4, v14  }
0x529: {  	[tilespmem:s8+$0x4420] =	vst v5;
	v4 =	vadd.f32 v10, v8;
	v5 =	vld [tilespmem:s8+$0x4440]  }
0x52a: {  	v10 =	vld [tilespmem:s8+$0x6440];
	v9 =	vadd.f32 v9, v8;
	[tilespmem:s8+$0x6420] =	vst v3  }
0x52b: {  	v3 =	vadd.f32 v11, v8;
	[tilespmem:s8+$0x430] =	vst v4;
	v4 =	vld [tilespmem:s8+$0x18450]  }
0x52c: {  	v11 =	vld [tilespmem:s8+$0x450];
	[tilespmem:s8+$0x4430] =	vst v9;
	v7 =	vadd.f32 v7, v6  }
0x52d: {  	v9 =	vld [tilespmem:s8+$0x2450];
	[tilespmem:s8+$0x2430] =	vst v3;
	v3 =	vadd.f32 v61, v8  }
0x52e: {  	v63 =	vld [tilespmem:s8+$0x4450];
	[tilespmem:s8+$0x440] =	vst v7;
	v5 =	vadd.f32 v5, v6  }
0x52f: {  	v8 =	vld [tilespmem:s8+$0x6450];
	[tilespmem:s8+$0x6430] =	vst v3;
	v3 =	vadd.f32 v62, v6  }
0x530: {  	v7 =	vld [tilespmem:s8+$0x460];
	v6 =	vadd.f32 v10, v6;
	[tilespmem:s8+$0x4440] =	vst v5  }
0x531: {  	v11 =	vadd.f32 v11, v4;
	[tilespmem:s8+$0x2440] =	vst v3;
	v3 =	vld [tilespmem:s8+$0x18460]  }
0x532: {  	v5 =	vld [tilespmem:s8+$0x2460];
	[tilespmem:s8+$0x6440] =	vst v6;
	v10 =	vadd.f32 v9, v4  }
0x533: {  	s15 =	simm.s32 $0x0;
	v9 =	vadd.f32 v63, v4;
	v6 =	vld [tilespmem:s8+$0x4460];
	[tilespmem:s8+$0x450] =	vst v11  }
.LBB2_17:
0x534: {  	s15 =	sadd.s32 $0x80, s15;
	[tilespmem:s8+$0x2450] =	vst v10;
	v4 =	vadd.f32 v8, v4;
	v8 =	vld [tilespmem:s8+$0x6460]  }
0x535: {  	s12 =	sadd.s32 $0x400, s12;
	s16 =	sshrl.u32 s15, $0x3;
	p0 =	slt.u32 s15, $0x1F80;
	[tilespmem:s8+$0x4450] =	vst v9;
	v9 =	vld [tilespmem:s8+$0x470]  }
0x536: {  	s24 =	sand.u32 $0x1C00, s12;
	s16 =	sand.u32 $0x1FFFFF80, s16;
	[tilespmem:s8+$0x6450] =	vst v4;
	v4 =	vadd.f32 v7, v3;
	v7 =	vld [tilespmem:s8+$0x2470]  }
0x537: {  	s16 =	sadd.s32 s24, s16;
	v5 =	vadd.f32 v5, v3;
	v10 =	vld [tilespmem:s8+$0x4470]  }
0x538: {  	v11 =	vld [tilespmem:s16+$0x18470];
	[tilespmem:s8+$0x460] =	vst v4;
	v4 =	vadd.f32 v6, v3  }
0x539: {  	v6 =	vld [tilespmem:s16+$0x6470];
	[tilespmem:s8+$0x2460] =	vst v5;
	v3 =	vadd.f32 v8, v3  }
0x53a: {  	v5 =	vld [tilespmem:s16+$0x18400];
	[tilespmem:s8+$0x4460] =	vst v4;
	v4 =	vadd.f32 v9, v2  }
0x53b: {  	v8 =	vld [tilespmem:s16+$0x400];
	[tilespmem:s8+$0x6460] =	vst v3;
	v3 =	vadd.f32 v7, v2  }
0x53c: {  	v7 =	vld [tilespmem:s16+$0x2400];
	[tilespmem:s8+$0x470] =	vst v4;
	v4 =	vadd.f32 v10, v2  }
0x53d: {  	v9 =	vld [tilespmem:s16+$0x4400];
	[tilespmem:s8+$0x2470] =	vst v3;
	v2 =	vmov v11  }
0x53e: {  	v3 =	vld [tilespmem:s16+$0x6400];
	v6 =	vadd.f32 v6, v2;
	[tilespmem:s8+$0x4470] =	vst v4;
	s8 =	smov.u32 s16  }
0x53f: {  	v4 =	vld [tilespmem:s8+$0x18410]  }
0x540: {  	v8 =	vadd.f32 v8, v5;
	v10 =	vld [tilespmem:s8+$0x410];
	[tilespmem:s8+$0x6470] =	vst v6  }
0x541: {  	v6 =	vadd.f32 v7, v5;
	v7 =	vld [tilespmem:s8+$0x2410]  }
0x542: {  	[tilespmem:s8+$0x400] =	vst v8;
	v8 =	vadd.f32 v9, v5;
	v9 =	vld [tilespmem:s8+$0x4410]  }
0x543: {  	[tilespmem:s8+$0x2400] =	vst v6;
	v3 =	vadd.f32 v3, v5;
	v5 =	vld [tilespmem:s8+$0x6410]  }
0x544: {  	[tilespmem:s8+$0x4400] =	vst v8;
	v6 =	vld [tilespmem:s8+$0x18420]  }
0x545: {  	[tilespmem:s8+$0x6400] =	vst v3;
	v3 =	vadd.f32 v10, v4;
	v8 =	vld [tilespmem:s8+$0x420]  }
0x546: {  	v7 =	vadd.f32 v7, v4;
	v10 =	vld [tilespmem:s8+$0x2420]  }
0x547: {  	[tilespmem:s8+$0x410] =	vst v3;
	v3 =	vadd.f32 v9, v4;
	v9 =	vld [tilespmem:s8+$0x4420]  }
0x548: {  	[tilespmem:s8+$0x2410] =	vst v7;
	v4 =	vadd.f32 v5, v4;
	v5 =	vld [tilespmem:s8+$0x6420]  }
0x549: {  	[tilespmem:s8+$0x4410] =	vst v3;
	v3 =	vld [tilespmem:s8+$0x18430]  }
0x54a: {  	[tilespmem:s8+$0x6410] =	vst v4;
	v4 =	vadd.f32 v8, v6;
	v7 =	vld [tilespmem:s8+$0x430]  }
0x54b: {  	v8 =	vadd.f32 v10, v6;
	v10 =	vld [tilespmem:s8+$0x2430]  }
0x54c: {  	[tilespmem:s8+$0x420] =	vst v4;
	v4 =	vadd.f32 v9, v6;
	v9 =	vld [tilespmem:s8+$0x4430]  }
0x54d: {  	[tilespmem:s8+$0x2420] =	vst v8;
	v5 =	vadd.f32 v5, v6;
	v6 =	vld [tilespmem:s8+$0x6430]  }
0x54e: {  	[tilespmem:s8+$0x4420] =	vst v4;
	v8 =	vld [tilespmem:s8+$0x18440]  }
0x54f: {  	[tilespmem:s8+$0x6420] =	vst v5;
	v4 =	vadd.f32 v7, v3;
	v5 =	vld [tilespmem:s8+$0x440]  }
0x550: {  	v7 =	vadd.f32 v10, v3;
	v10 =	vld [tilespmem:s8+$0x2440]  }
0x551: {  	[tilespmem:s8+$0x430] =	vst v4;
	v4 =	vadd.f32 v9, v3;
	v9 =	vld [tilespmem:s8+$0x4440]  }
0x552: {  	[tilespmem:s8+$0x2430] =	vst v7;
	v3 =	vadd.f32 v6, v3;
	v6 =	vld [tilespmem:s8+$0x6440]  }
0x553: {  	[tilespmem:s8+$0x4430] =	vst v4;
	v4 =	vld [tilespmem:s8+$0x18450]  }
0x554: {  	[tilespmem:s8+$0x6430] =	vst v3;
	v3 =	vadd.f32 v5, v8;
	v5 =	vld [tilespmem:s8+$0x450]  }
0x555: {  	v7 =	vadd.f32 v10, v8;
	v10 =	vld [tilespmem:s8+$0x2450]  }
0x556: {  	[tilespmem:s8+$0x440] =	vst v3;
	v3 =	vadd.f32 v9, v8;
	v9 =	vld [tilespmem:s8+$0x4450]  }
.Ltmp7:
0x557: {  	[tilespmem:s8+$0x2440] =	vst v7;
	v6 =	vadd.f32 v6, v8;
	v8 =	vld [tilespmem:s8+$0x6450];
	(pc) =	sbr.rel @p0 .LBB2_17-.Ltmp7, $4  }
0x558: {  	[tilespmem:s8+$0x4440] =	vst v3;
	v3 =	vld [tilespmem:s8+$0x18460]  }
0x559: {  	[tilespmem:s8+$0x6440] =	vst v6;
	v6 =	vadd.f32 v5, v4;
	v7 =	vld [tilespmem:s8+$0x460]  }
0x55a: {  	v10 =	vadd.f32 v10, v4;
	v5 =	vld [tilespmem:s8+$0x2460]  }
0x55b: {  	[tilespmem:s8+$0x450] =	vst v6;
	v9 =	vadd.f32 v9, v4;
	v6 =	vld [tilespmem:s8+$0x4460]  }
0x55c: {  	v11 =	vld [tilespmem:s8+$0x6460]  }
0x55d: {  	[tilespmem:s8+$0x2450] =	vst v10;
	v4 =	vadd.f32 v8, v4;
	v8 =	vld [tilespmem:s8+$0x470]  }
0x55e: {  	[tilespmem:s8+$0x4450] =	vst v9;
	v9 =	vld [tilespmem:s8+$0x2470];
	v7 =	vadd.f32 v7, v3  }
0x55f: {  	[tilespmem:s8+$0x6450] =	vst v4;
	v4 =	vadd.f32 v5, v3;
	v5 =	vld [tilespmem:s8+$0x4470]  }
0x560: {  	[tilespmem:s8+$0x460] =	vst v7;
	v6 =	vadd.f32 v6, v3  }
0x561: {  	s12 =	smin.u32 s20, $0x17;
	[tilespmem:s8+$0x2460] =	vst v4;
	v3 =	vadd.f32 v11, v3  }
0x562: {  	s12 =	sshll.u32 s12, $0x3;
	v4 =	vadd.f32 v8, v2;
	[tilespmem:s8+$0x4460] =	vst v6  }
0x563: {  	s15 =	sadd.s32 $0x40, s12;
	[tilespmem:s8+$0x6460] =	vst v3;
	v3 =	vadd.f32 v9, v2  }
0x564: {  	s15 =	sadd.s32 s6, s15;
	[tilespmem:s8+$0x470] =	vst v4;
	v2 =	vadd.f32 v5, v2  }
0x565: {  	s15 =	sshll.u32 s15, $0x7;
	[tilespmem:s8+$0x2470] =	vst v3  }
0x566: {  	s24 =	simm.s32 $0x18400;
	s15 =	sadd.s32 s2, s15;
	[tilespmem:s8+$0x4470] =	vst v2;
	s8 =	simm.s32 $0x0  }
0x567: {  	[tilespmem:s24], [sflag:$0x3] =	stream.linear.gather [hbm4b:s15+s8], $0x2000, $0x38;
	[tilespmem:$0x1C800] =	vst v63  }
0x568: {  	s0 =	sadd.s32 s4, s0;
	s16 =	simm.s32 $0x400;
	s15 =	sadd.s32 s7, s22  }
0x569: {  	[hbm4b:s0+s8] =	stream.linear.scatter [tilespmem:s16], [sflag:$0x2], $0x2000, $0x38;
	[tilespmem:$0x1C800] =	vst v63  }
0x56a: {  	s0 =	sshll.u32 s15, $0x7  }
0x56b: {  	s16 =	simm.s32 $0x2400;
	s15 =	sadd.s32 s10, s22;
	s0 =	sadd.s32 s4, s0  }
0x56c: {  	[hbm4b:s0+s8] =	stream.linear.scatter [tilespmem:s16], [sflag:$0x2], $0x2000, $0x38;
	[tilespmem:$0x1C800] =	vst v63  }
0x56d: {  	s0 =	sshll.u32 s15, $0x7  }
0x56e: {  	s16 =	simm.s32 $0x4400;
	s0 =	sadd.s32 s4, s0  }
0x56f: {  	[hbm4b:s0+s8] =	stream.linear.scatter [tilespmem:s16], [sflag:$0x2], $0x2000, $0x38;
	[tilespmem:$0x1C800] =	vst v63  }
0x570: {  	s16 =	sadd.s32 s11, s22  }
0x571: {  	s0 =	sshll.u32 s16, $0x7  }
0x572: {  	s22 =	simm.s32 $0x6400;
	s0 =	sadd.s32 s4, s0  }
0x573: {  	[hbm4b:s0+s8] =	stream.linear.scatter [tilespmem:s22], [sflag:$0x2], $0x2000, $0x38;
	[tilespmem:$0x1C800] =	vst v63  }
0x574: {  	_ =	swait.ge [sflag:s3], $0x2000  }
0x575: {  	[sflag:s3] =	ssyncset.done $0x0  }
0x576: {  	[sflag:s3] =	ssyncadd.s32 $0xFFFFE000  }
0x577: {  	_ =	swait.ge [sflag:s13], $0x2000  }
0x578: {  	[sflag:s13] =	ssyncset.done $0x0  }
0x579: {  	[sflag:s13] =	ssyncadd.s32 $0xFFFFE000  }
0x57a: {  	_ =	swait.ge [sflag:s13], $0x2000  }
0x57b: {  	[sflag:s13] =	ssyncset.done $0x0  }
0x57c: {  	[sflag:s13] =	ssyncadd.s32 $0xFFFFE000  }
0x57d: {  	_ =	swait.ge [sflag:s13], $0x2000  }
0x57e: {  	[sflag:s13] =	ssyncset.done $0x0  }
0x57f: {  	[sflag:s13] =	ssyncadd.s32 $0xFFFFE000  }
0x580: {  	_ =	swait.ge [sflag:s13], $0x2000  }
0x581: {  	[sflag:s13] =	ssyncset.done $0x0  }
0x582: {  	[sflag:s13] =	ssyncadd.s32 $0xFFFFE000  }
0x583: {  	_ =	swait.ge [sflag:s21], $0x2000  }
0x584: {  	[sflag:s21] =	ssyncset.done $0x0  }
0x585: {  	[sflag:s21] =	ssyncadd.s32 $0xFFFFE000  }
0x586: {  	_ =	swait.ge [sflag:s21], $0x2000  }
0x587: {  	[sflag:s21] =	ssyncset.done $0x0  }
0x588: {  	[sflag:s21] =	ssyncadd.s32 $0xFFFFE000  }
0x589: {  	_ =	swait.ge [sflag:s21], $0x2000  }
0x58a: {  	[sflag:s21] =	ssyncset.done $0x0  }
0x58b: {  	[sflag:s21] =	ssyncadd.s32 $0xFFFFE000  }
0x58c: {  	_ =	swait.ge [sflag:s21], $0x2000  }
0x58d: {  	[sflag:s21] =	ssyncset.done $0x0  }
0x58e: {  	[sflag:s21] =	ssyncadd.s32 $0xFFFFE000  }
0x58f: {  	v2 =	vld.msk [tilespmem:s12+$0x40], $0xff;
	_ =	sdelay $0x4  }
0x590: {  	v3 =	vshll.u32 v2, $0x3  }
0x591: {  	v2 =	vand.u32 $0x7, v2;
	v3 =	vand.u32 $0xFFFFFFC0, v3  }
0x592: {  	v2 =	vor.u32 v2, v3  }
0x593: {  	v2 =	vperm.xlane v2, v0;
	_ =	sdelay $0x1  }
0x594: {  	v2 =	vadd.s32 v1, v2;
	_ =	sdelay $0x3  }
0x595: {  	s16 =	simm.s32 $0x10400  }
0x596: {  	[tilespmem:s16], [sflag:$0x1] =	stream.indirect_vreg.gather [hbm4b:s1+s8], $0x80, v2, vm0, $0xb8;
	[tilespmem:$0x1C800] =	vst v63  }
0x597: {  	s22 =	simm.s32 $0x10C00  }
0x598: {  	[tilespmem:s22], [sflag:$0x1] =	stream.indirect_vreg.gather [hbm4b:s30+s8], $0x80, v2, vm0, $0xb8;
	[tilespmem:$0x1C800] =	vst v63  }
0x599: {  	s15 =	simm.s32 $0x11400  }
0x59a: {  	[tilespmem:s15], [sflag:$0x1] =	stream.indirect_vreg.gather [hbm4b:s17+s8], $0x80, v2, vm0, $0xb8;
	[tilespmem:$0x1C800] =	vst v63  }
0x59b: {  	s16 =	simm.s32 $0x11C00  }
0x59c: {  	[tilespmem:s16], [sflag:$0x1] =	stream.indirect_vreg.gather [hbm4b:s18+s8], $0x80, v2, vm0, $0xb8;
	[tilespmem:$0x1C800] =	vst v63  }
0x59d: {  	v2 =	vld.msk [tilespmem:s12+$0x140], $0xff;
	_ =	sdelay $0x4  }
0x59e: {  	v3 =	vshll.u32 v2, $0x3  }
0x59f: {  	v2 =	vand.u32 $0x7, v2;
	v3 =	vand.u32 $0xFFFFFFC0, v3  }
0x5a0: {  	v2 =	vor.u32 v2, v3  }
0x5a1: {  	v2 =	vperm.xlane v2, v0;
	_ =	sdelay $0x1  }
0x5a2: {  	v2 =	vadd.s32 v1, v2;
	_ =	sdelay $0x3  }
0x5a3: {  	s22 =	simm.s32 $0x12400  }
0x5a4: {  	[tilespmem:s22], [sflag:$0x1] =	stream.indirect_vreg.gather [hbm4b:s1+s8], $0x80, v2, vm0, $0xb8;
	[tilespmem:$0x1C800] =	vst v63  }
0x5a5: {  	s15 =	simm.s32 $0x12C00  }
0x5a6: {  	[tilespmem:s15], [sflag:$0x1] =	stream.indirect_vreg.gather [hbm4b:s30+s8], $0x80, v2, vm0, $0xb8;
	[tilespmem:$0x1C800] =	vst v63  }
0x5a7: {  	s16 =	simm.s32 $0x13400  }
0x5a8: {  	[tilespmem:s16], [sflag:$0x1] =	stream.indirect_vreg.gather [hbm4b:s17+s8], $0x80, v2, vm0, $0xb8;
	[tilespmem:$0x1C800] =	vst v63  }
0x5a9: {  	s22 =	simm.s32 $0x13C00  }
0x5aa: {  	[tilespmem:s22], [sflag:$0x1] =	stream.indirect_vreg.gather [hbm4b:s18+s8], $0x80, v2, vm0, $0xb8;
	[tilespmem:$0x1C800] =	vst v63  }
0x5ab: {  	v2 =	vld.msk [tilespmem:s12+$0x240], $0xff;
	_ =	sdelay $0x4  }
0x5ac: {  	v3 =	vshll.u32 v2, $0x3  }
0x5ad: {  	v2 =	vand.u32 $0x7, v2;
	v3 =	vand.u32 $0xFFFFFFC0, v3  }
0x5ae: {  	v2 =	vor.u32 v2, v3  }
0x5af: {  	v2 =	vperm.xlane v2, v0;
	_ =	sdelay $0x1  }
0x5b0: {  	v2 =	vadd.s32 v1, v2;
	_ =	sdelay $0x3  }
0x5b1: {  	s15 =	simm.s32 $0x14400  }
0x5b2: {  	[tilespmem:s15], [sflag:$0x1] =	stream.indirect_vreg.gather [hbm4b:s1+s8], $0x80, v2, vm0, $0xb8;
	[tilespmem:$0x1C800] =	vst v63  }
0x5b3: {  	s16 =	simm.s32 $0x14C00  }
0x5b4: {  	[tilespmem:s16], [sflag:$0x1] =	stream.indirect_vreg.gather [hbm4b:s30+s8], $0x80, v2, vm0, $0xb8;
	[tilespmem:$0x1C800] =	vst v63  }
0x5b5: {  	s22 =	simm.s32 $0x15400  }
0x5b6: {  	[tilespmem:s22], [sflag:$0x1] =	stream.indirect_vreg.gather [hbm4b:s17+s8], $0x80, v2, vm0, $0xb8;
	[tilespmem:$0x1C800] =	vst v63  }
0x5b7: {  	s15 =	simm.s32 $0x15C00  }
0x5b8: {  	[tilespmem:s15], [sflag:$0x1] =	stream.indirect_vreg.gather [hbm4b:s18+s8], $0x80, v2, vm0, $0xb8;
	[tilespmem:$0x1C800] =	vst v63  }
0x5b9: {  	v2 =	vld.msk [tilespmem:s12+$0x340], $0xff;
	_ =	sdelay $0x4  }
0x5ba: {  	v3 =	vshll.u32 v2, $0x3  }
0x5bb: {  	v2 =	vand.u32 $0x7, v2;
	v3 =	vand.u32 $0xFFFFFFC0, v3  }
0x5bc: {  	v2 =	vor.u32 v2, v3  }
0x5bd: {  	v2 =	vperm.xlane v2, v0;
	_ =	sdelay $0x1  }
0x5be: {  	v2 =	vadd.s32 v1, v2;
	_ =	sdelay $0x3  }
0x5bf: {  	s16 =	simm.s32 $0x16400  }
0x5c0: {  	[tilespmem:s16], [sflag:$0x1] =	stream.indirect_vreg.gather [hbm4b:s1+s8], $0x80, v2, vm0, $0xb8;
	[tilespmem:$0x1C800] =	vst v63  }
0x5c1: {  	s22 =	simm.s32 $0x16C00;
	s16 =	simm.s32 $0x0  }
0x5c2: {  	[tilespmem:s22], [sflag:$0x1] =	stream.indirect_vreg.gather [hbm4b:s30+s8], $0x80, v2, vm0, $0xb8;
	[tilespmem:$0x1C800] =	vst v63  }
0x5c3: {  	s12 =	simm.s32 $0x17400;
	s0 =	sand.u32 $0x1FFFFF80, s16;
	s22 =	sand.u32 $0x1C00, s8  }
0x5c4: {  	[tilespmem:s12], [sflag:$0x1] =	stream.indirect_vreg.gather [hbm4b:s17+s8], $0x80, v2, vm0, $0xb8;
	[tilespmem:$0x1C800] =	vst v63  }
0x5c5: {  	s15 =	simm.s32 $0x17C00;
	s0 =	sadd.s32 s22, s0  }
0x5c6: {  	[tilespmem:s15], [sflag:$0x1] =	stream.indirect_vreg.gather [hbm4b:s18+s8], $0x80, v2, vm0, $0xb8;
	[tilespmem:$0x1C800] =	vst v63  }
0x5c7: {  	v2 =	vld [tilespmem:s0+$0x1A470]  }
0x5c8: {  	v3 =	vld [tilespmem:s0+$0xE470]  }
0x5c9: {  	v4 =	vld [tilespmem:s0+$0x1A400]  }
0x5ca: {  	v5 =	vld [tilespmem:s0+$0x8400]  }
0x5cb: {  	v6 =	vld [tilespmem:s0+$0xA400]  }
0x5cc: {  	v7 =	vld [tilespmem:s0+$0xC400]  }
0x5cd: {  	v8 =	vld [tilespmem:s0+$0xE400]  }
0x5ce: {  	v9 =	vld [tilespmem:s0+$0x1A410]  }
0x5cf: {  	v10 =	vld [tilespmem:s0+$0x8410]  }
0x5d0: {  	v11 =	vld [tilespmem:s0+$0xA410]  }
0x5d1: {  	v12 =	vld [tilespmem:s0+$0xC410]  }
0x5d2: {  	v13 =	vld [tilespmem:s0+$0xE410]  }
0x5d3: {  	v14 =	vld [tilespmem:s0+$0x1A420];
	v3 =	vadd.f32 v3, v2  }
0x5d4: {  	v15 =	vld [tilespmem:s0+$0x8420];
	v5 =	vadd.f32 v5, v4  }
0x5d5: {  	v61 =	vld [tilespmem:s0+$0xE430];
	[tilespmem:s0+$0xE470] =	vst v3;
	v3 =	vadd.f32 v6, v4  }
0x5d6: {  	v6 =	vld [tilespmem:s0+$0xA420];
	[tilespmem:s0+$0x8400] =	vst v5;
	v5 =	vadd.f32 v7, v4  }
0x5d7: {  	v7 =	vld [tilespmem:s0+$0xC420];
	[tilespmem:s0+$0xA400] =	vst v3;
	v3 =	vadd.f32 v8, v4  }
0x5d8: {  	v4 =	vld [tilespmem:s0+$0xE420];
	[tilespmem:s0+$0xC400] =	vst v5;
	v5 =	vadd.f32 v10, v9  }
0x5d9: {  	v8 =	vld [tilespmem:s0+$0x1A430];
	[tilespmem:s0+$0xE400] =	vst v3;
	v3 =	vadd.f32 v11, v9  }
0x5da: {  	v10 =	vld [tilespmem:s0+$0x8430];
	[tilespmem:s0+$0x8410] =	vst v5;
	v5 =	vadd.f32 v12, v9  }
0x5db: {  	v11 =	vld [tilespmem:s0+$0xA430];
	[tilespmem:s0+$0xA410] =	vst v3;
	v3 =	vadd.f32 v13, v9  }
0x5dc: {  	v9 =	vld [tilespmem:s0+$0xC430];
	[tilespmem:s0+$0xC410] =	vst v5;
	v5 =	vadd.f32 v15, v14  }
0x5dd: {  	[tilespmem:s0+$0xE410] =	vst v3;
	v3 =	vadd.f32 v6, v14;
	v6 =	vld [tilespmem:s0+$0x1A440]  }
0x5de: {  	[tilespmem:s0+$0x8420] =	vst v5;
	v5 =	vadd.f32 v7, v14;
	v7 =	vld [tilespmem:s0+$0x8440]  }
0x5df: {  	v62 =	vld [tilespmem:s0+$0xA440];
	[tilespmem:s0+$0xA420] =	vst v3;
	v3 =	vadd.f32 v4, v14  }
0x5e0: {  	[tilespmem:s0+$0xC420] =	vst v5;
	v4 =	vadd.f32 v10, v8;
	v5 =	vld [tilespmem:s0+$0xC440]  }
0x5e1: {  	v10 =	vld [tilespmem:s0+$0xE440];
	v9 =	vadd.f32 v9, v8;
	[tilespmem:s0+$0xE420] =	vst v3  }
0x5e2: {  	v3 =	vadd.f32 v11, v8;
	[tilespmem:s0+$0x8430] =	vst v4;
	v4 =	vld [tilespmem:s0+$0x1A450]  }
0x5e3: {  	v11 =	vld [tilespmem:s0+$0x8450];
	[tilespmem:s0+$0xC430] =	vst v9;
	v7 =	vadd.f32 v7, v6  }
0x5e4: {  	v9 =	vld [tilespmem:s0+$0xA450];
	[tilespmem:s0+$0xA430] =	vst v3;
	v3 =	vadd.f32 v61, v8  }
0x5e5: {  	v63 =	vld [tilespmem:s0+$0xC450];
	[tilespmem:s0+$0x8440] =	vst v7;
	v5 =	vadd.f32 v5, v6  }
0x5e6: {  	v8 =	vld [tilespmem:s0+$0xE450];
	[tilespmem:s0+$0xE430] =	vst v3;
	v3 =	vadd.f32 v62, v6  }
0x5e7: {  	v7 =	vld [tilespmem:s0+$0x8460];
	v6 =	vadd.f32 v10, v6;
	[tilespmem:s0+$0xC440] =	vst v5  }
0x5e8: {  	v11 =	vadd.f32 v11, v4;
	[tilespmem:s0+$0xA440] =	vst v3;
	v3 =	vld [tilespmem:s0+$0x1A460]  }
0x5e9: {  	v5 =	vld [tilespmem:s0+$0xA460];
	[tilespmem:s0+$0xE440] =	vst v6;
	v10 =	vadd.f32 v9, v4  }
0x5ea: {  	s12 =	simm.s32 $0x0;
	v9 =	vadd.f32 v63, v4;
	v6 =	vld [tilespmem:s0+$0xC460];
	[tilespmem:s0+$0x8450] =	vst v11  }
.LBB2_19:
0x5eb: {  	s12 =	sadd.s32 $0x80, s12;
	[tilespmem:s0+$0xA450] =	vst v10;
	v4 =	vadd.f32 v8, v4;
	v8 =	vld [tilespmem:s0+$0xE460]  }
0x5ec: {  	s8 =	sadd.s32 $0x400, s8;
	s15 =	sshrl.u32 s12, $0x3;
	p0 =	slt.u32 s12, $0x1F80;
	[tilespmem:s0+$0xC450] =	vst v9;
	v9 =	vld [tilespmem:s0+$0x8470]  }
0x5ed: {  	s16 =	sand.u32 $0x1C00, s8;
	s15 =	sand.u32 $0x1FFFFF80, s15;
	[tilespmem:s0+$0xE450] =	vst v4;
	v4 =	vadd.f32 v7, v3;
	v7 =	vld [tilespmem:s0+$0xA470]  }
0x5ee: {  	s15 =	sadd.s32 s16, s15;
	v5 =	vadd.f32 v5, v3;
	v10 =	vld [tilespmem:s0+$0xC470]  }
0x5ef: {  	v11 =	vld [tilespmem:s15+$0x1A470];
	[tilespmem:s0+$0x8460] =	vst v4;
	v4 =	vadd.f32 v6, v3  }
0x5f0: {  	v6 =	vld [tilespmem:s15+$0xE470];
	[tilespmem:s0+$0xA460] =	vst v5;
	v3 =	vadd.f32 v8, v3  }
0x5f1: {  	v5 =	vld [tilespmem:s15+$0x1A400];
	[tilespmem:s0+$0xC460] =	vst v4;
	v4 =	vadd.f32 v9, v2  }
0x5f2: {  	v8 =	vld [tilespmem:s15+$0x8400];
	[tilespmem:s0+$0xE460] =	vst v3;
	v3 =	vadd.f32 v7, v2  }
0x5f3: {  	v7 =	vld [tilespmem:s15+$0xA400];
	[tilespmem:s0+$0x8470] =	vst v4;
	v4 =	vadd.f32 v10, v2  }
0x5f4: {  	v9 =	vld [tilespmem:s15+$0xC400];
	[tilespmem:s0+$0xA470] =	vst v3;
	v2 =	vmov v11  }
0x5f5: {  	v3 =	vld [tilespmem:s15+$0xE400];
	v6 =	vadd.f32 v6, v2;
	[tilespmem:s0+$0xC470] =	vst v4;
	s0 =	smov.u32 s15  }
0x5f6: {  	v4 =	vld [tilespmem:s0+$0x1A410]  }
0x5f7: {  	v8 =	vadd.f32 v8, v5;
	v10 =	vld [tilespmem:s0+$0x8410];
	[tilespmem:s0+$0xE470] =	vst v6  }
0x5f8: {  	v6 =	vadd.f32 v7, v5;
	v7 =	vld [tilespmem:s0+$0xA410]  }
0x5f9: {  	[tilespmem:s0+$0x8400] =	vst v8;
	v8 =	vadd.f32 v9, v5;
	v9 =	vld [tilespmem:s0+$0xC410]  }
0x5fa: {  	[tilespmem:s0+$0xA400] =	vst v6;
	v3 =	vadd.f32 v3, v5;
	v5 =	vld [tilespmem:s0+$0xE410]  }
0x5fb: {  	[tilespmem:s0+$0xC400] =	vst v8;
	v6 =	vld [tilespmem:s0+$0x1A420]  }
0x5fc: {  	[tilespmem:s0+$0xE400] =	vst v3;
	v3 =	vadd.f32 v10, v4;
	v8 =	vld [tilespmem:s0+$0x8420]  }
0x5fd: {  	v7 =	vadd.f32 v7, v4;
	v10 =	vld [tilespmem:s0+$0xA420]  }
0x5fe: {  	[tilespmem:s0+$0x8410] =	vst v3;
	v3 =	vadd.f32 v9, v4;
	v9 =	vld [tilespmem:s0+$0xC420]  }
0x5ff: {  	[tilespmem:s0+$0xA410] =	vst v7;
	v4 =	vadd.f32 v5, v4;
	v5 =	vld [tilespmem:s0+$0xE420]  }
0x600: {  	[tilespmem:s0+$0xC410] =	vst v3;
	v3 =	vld [tilespmem:s0+$0x1A430]  }
0x601: {  	[tilespmem:s0+$0xE410] =	vst v4;
	v4 =	vadd.f32 v8, v6;
	v7 =	vld [tilespmem:s0+$0x8430]  }
0x602: {  	v8 =	vadd.f32 v10, v6;
	v10 =	vld [tilespmem:s0+$0xA430]  }
0x603: {  	[tilespmem:s0+$0x8420] =	vst v4;
	v4 =	vadd.f32 v9, v6;
	v9 =	vld [tilespmem:s0+$0xC430]  }
0x604: {  	[tilespmem:s0+$0xA420] =	vst v8;
	v5 =	vadd.f32 v5, v6;
	v6 =	vld [tilespmem:s0+$0xE430]  }
0x605: {  	[tilespmem:s0+$0xC420] =	vst v4;
	v8 =	vld [tilespmem:s0+$0x1A440]  }
0x606: {  	[tilespmem:s0+$0xE420] =	vst v5;
	v4 =	vadd.f32 v7, v3;
	v5 =	vld [tilespmem:s0+$0x8440]  }
0x607: {  	v7 =	vadd.f32 v10, v3;
	v10 =	vld [tilespmem:s0+$0xA440]  }
0x608: {  	[tilespmem:s0+$0x8430] =	vst v4;
	v4 =	vadd.f32 v9, v3;
	v9 =	vld [tilespmem:s0+$0xC440]  }
0x609: {  	[tilespmem:s0+$0xA430] =	vst v7;
	v3 =	vadd.f32 v6, v3;
	v6 =	vld [tilespmem:s0+$0xE440]  }
0x60a: {  	[tilespmem:s0+$0xC430] =	vst v4;
	v4 =	vld [tilespmem:s0+$0x1A450]  }
0x60b: {  	[tilespmem:s0+$0xE430] =	vst v3;
	v3 =	vadd.f32 v5, v8;
	v5 =	vld [tilespmem:s0+$0x8450]  }
0x60c: {  	v7 =	vadd.f32 v10, v8;
	v10 =	vld [tilespmem:s0+$0xA450]  }
0x60d: {  	[tilespmem:s0+$0x8440] =	vst v3;
	v3 =	vadd.f32 v9, v8;
	v9 =	vld [tilespmem:s0+$0xC450]  }
.Ltmp8:
0x60e: {  	[tilespmem:s0+$0xA440] =	vst v7;
	v6 =	vadd.f32 v6, v8;
	v8 =	vld [tilespmem:s0+$0xE450];
	(pc) =	sbr.rel @p0 .LBB2_19-.Ltmp8, $4  }
0x60f: {  	[tilespmem:s0+$0xC440] =	vst v3;
	v3 =	vld [tilespmem:s0+$0x1A460]  }
0x610: {  	[tilespmem:s0+$0xE440] =	vst v6;
	v6 =	vadd.f32 v5, v4;
	v7 =	vld [tilespmem:s0+$0x8460]  }
0x611: {  	v10 =	vadd.f32 v10, v4;
	v5 =	vld [tilespmem:s0+$0xA460]  }
0x612: {  	[tilespmem:s0+$0x8450] =	vst v6;
	v9 =	vadd.f32 v9, v4;
	v6 =	vld [tilespmem:s0+$0xC460]  }
0x613: {  	v11 =	vld [tilespmem:s0+$0xE460]  }
0x614: {  	[tilespmem:s0+$0xA450] =	vst v10;
	v4 =	vadd.f32 v8, v4;
	v59 =	vld [tilespmem:s0+$0x8470]  }
0x615: {  	v60 =	vld [tilespmem:s0+$0xA470];
	[tilespmem:s0+$0xC450] =	vst v9;
	v7 =	vadd.f32 v7, v3  }
0x616: {  	v62 =	vld [tilespmem:s0+$0xC470];
	[tilespmem:s0+$0xE450] =	vst v4;
	v61 =	vadd.f32 v5, v3  }
0x617: {  	[tilespmem:s0+$0x8460] =	vst v7;
	v6 =	vadd.f32 v6, v3  }
0x618: {  	[tilespmem:s0+$0xA460] =	vst v61;
	v3 =	vadd.f32 v11, v3  }
0x619: {  	v63 =	vadd.f32 v59, v2;
	[tilespmem:s0+$0xC460] =	vst v6  }
0x61a: {  	[tilespmem:s0+$0xE460] =	vst v3;
	v3 =	vadd.f32 v60, v2  }
0x61b: {  	[tilespmem:s0+$0x8470] =	vst v63;
	v2 =	vadd.f32 v62, v2  }
0x61c: {  	[tilespmem:s0+$0xA470] =	vst v3  }
0x61d: {  	s8 =	smin.u32 s20, $0x16;
	[tilespmem:s0+$0xC470] =	vst v2  }
0x61e: {  	s8 =	sshll.u32 s8, $0xA;
	s0 =	rddreg [dreg:$0x19]  }
0x61f: {  	s22 =	sadd.s32 s7, s9;
	s0 =	sadd.s32 s8, s0  }
0x620: {  	[tilespmem:s29], [sflag:$0x3] =	stream.linear.gather [hbm4b:s0+s5], $0x2000, $0x38;
	[tilespmem:$0x1C800] =	vst v63  }
0x621: {  	s12 =	sadd.s32 s4, s26;
	s14 =	sadd.s32 $0x1, s14;
	s0 =	sshll.u32 s22, $0x7  }
0x622: {  	[hbm4b:s12+s5] =	stream.linear.scatter [tilespmem:s28], [sflag:$0x2], $0x2000, $0x38;
	[tilespmem:$0x1C800] =	vst v63  }
0x623: {  	s15 =	sadd.s32 s10, s9;
	p0 =	sne.s32 s14, $0x5;
	s0 =	sadd.s32 s4, s0  }
0x624: {  	[hbm4b:s0+s5] =	stream.linear.scatter [tilespmem:s23], [sflag:$0x2], $0x2000, $0x38;
	[tilespmem:$0x1C800] =	vst v63  }
.Ltmp9:
0x625: {  	s20 =	sadd.s32 s11, s9;
	s16 =	sshll.u32 s15, $0x7;
	(pc) =	sbr.rel @p0 .LBB2_8-.Ltmp9, $4  }
0x626: {  	s26 =	sshll.u32 s20, $0x7;
	s22 =	simm.s32 $0xC400;
	s0 =	sadd.s32 s4, s16  }
0x627: {  	[hbm4b:s0+s5] =	stream.linear.scatter [tilespmem:s22], [sflag:$0x2], $0x2000, $0x38;
	[tilespmem:$0x1C800] =	vst v63  }
0x628: {  	s0 =	sadd.s32 s4, s26  }
0x629: {  	[hbm4b:s0+s5] =	stream.linear.scatter [tilespmem:s19], [sflag:$0x2], $0x2000, $0x38;
	[tilespmem:$0x1C800] =	vst v63  }
0x62a: {  	_ =	swait.ge [sflag:s21], $0x2000  }
0x62b: {  	[sflag:s21] =	ssyncset.done $0x0  }
0x62c: {  	[sflag:s21] =	ssyncadd.s32 $0xFFFFE000  }
0x62d: {  	_ =	swait.ge [sflag:s21], $0x2000  }
0x62e: {  	[sflag:s21] =	ssyncset.done $0x0  }
0x62f: {  	[sflag:s21] =	ssyncadd.s32 $0xFFFFE000  }
0x630: {  	_ =	swait.ge [sflag:s21], $0x2000  }
0x631: {  	[sflag:s21] =	ssyncset.done $0x0  }
0x632: {  	[sflag:s21] =	ssyncadd.s32 $0xFFFFE000  }
0x633: {  	_ =	swait.ge [sflag:s21], $0x2000  }
0x634: {  	[sflag:s21] =	ssyncset.done $0x0  }
0x635: {  	[sflag:s21] =	ssyncadd.s32 $0xFFFFE000  }
0x636: {  	_ =	swait.ge [sflag:s21], $0x2000  }
0x637: {  	[sflag:s21] =	ssyncset.done $0x0  }
0x638: {  	[sflag:s21] =	ssyncadd.s32 $0xFFFFE000  }
0x639: {  	_ =	swait.ge [sflag:s21], $0x2000  }
0x63a: {  	[sflag:s21] =	ssyncset.done $0x0  }
0x63b: {  	[sflag:s21] =	ssyncadd.s32 $0xFFFFE000  }
0x63c: {  	_ =	swait.ge [sflag:s21], $0x2000  }
0x63d: {  	[sflag:s21] =	ssyncset.done $0x0  }
0x63e: {  	[sflag:s21] =	ssyncadd.s32 $0xFFFFE000  }
0x63f: {  	_ =	swait.ge [sflag:s21], $0x2000  }
0x640: {  	[sflag:s21] =	ssyncset.done $0x0  }
0x641: {  	[sflag:s21] =	ssyncadd.s32 $0xFFFFE000  }
0x642: {  	_ =	swait.ge [sflag:s13], $0x2000  }
0x643: {  	[sflag:s13] =	ssyncset.done $0x0  }
0x644: {  	[sflag:s13] =	ssyncadd.s32 $0xFFFFE000  }
0x645: {  	_ =	swait.ge [sflag:s13], $0x2000  }
0x646: {  	[sflag:s13] =	ssyncset.done $0x0  }
0x647: {  	[sflag:s13] =	ssyncadd.s32 $0xFFFFE000  }
0x648: {  	_ =	swait.ge [sflag:s13], $0x2000  }
0x649: {  	[sflag:s13] =	ssyncset.done $0x0  }
0x64a: {  	[sflag:s13] =	ssyncadd.s32 $0xFFFFE000  }
0x64b: {  	_ =	swait.ge [sflag:s13], $0x2000  }
0x64c: {  	[sflag:s13] =	ssyncset.done $0x0  }
0x64d: {  	[sflag:s13] =	ssyncadd.s32 $0xFFFFE000  }
0x64e: {  	_ =	swait.ge [sflag:s3], $0x2000  }
0x64f: {  	[sflag:s3] =	ssyncset.done $0x0  }
0x650: {  	[sflag:s3] =	ssyncadd.s32 $0xFFFFE000  }
0x651: {  	_ =	swait.ge [sflag:s3], $0x2000  }
0x652: {  	s8 =	rddreg [dreg:$0x1a]  }
0x653: {  	s0 =	rddreg [dreg:$0x13];
	s8 =	sadd.s32 $0x1, s8  }
0x654: {  	p0 =	sne.s32 s8, s0  }
.Ltmp10:
0x655: {  	_ = 	snop;
	(pc) =	sbr.rel @p0 .LBB2_1-.Ltmp10, $3  }
0x656: {  	_ =	sdelay $0x1  }
0x657: {  	[sflag:s3] =	ssyncset.done $0x0  }
0x658: {  	s14 =	simm.s32 $0x1C400;
	s15 =	simm.s32 $0x4;
	[sflag:s3] =	ssyncadd.s32 $0xFFFFE000  }
0x659: {  	_ =	sfence.sel $0x180000  }
0x65a: {  	[bflag:$0x0] =	sbarrier.arrive $0xFFFF  }
0x65b: {  	_ =	strace $0x90000047  }
0x65c: {  	s0 =	stileid.u32;
	[bflag:$0x2] =	sbarrier.arrive $0xFFFF  }
0x65d: {  	p0 =	sne.s32 s0, $0x0;
	s0 =	rddreg [dreg:$0x5]  }
0x65e: {  	s0 =	sadd.s32 @!p0 $0x100000, s0  }
0x65f: {  	[sflag:s0] =	ssyncadd.tile.s32 @!p0 $0x1;
	_ =	shalt  }
.Lfunc_end2:
_tile_overlayer_lowered:
.L_overlay_start_2:
0x660: {  	(tag) =	ssettag $0x2  }
0x661: {  	s0 =	rddreg [dreg:$0x0];
	s2 =	stileid.u32  }
0x662: {  	s1 =	rddreg [dreg:$0x1];
	p0 =	sne.s32 s2, $0x0  }
0x663: {  	s3 =	rddreg [dreg:$0x2];
	[bflag:$0x3] =	sbarrier.arrive $0xFFFF;
	s2 =	simm.s32 @!p0 $0x1C04  }
0x664: {  	[timem:s3], [sflag:s2] =	dma.local @!p0 [hbm:s0], s1  }
0x665: {  	s0 =	simm.s32 @!p0 $0x4  }
0x666: {  	_ =	swait.ge @!p0 [sflag:s0], s1  }
0x667: {  	s1 =	ssub.s32 @!p0 $0x0, s1;
	[sflag:s0] =	ssyncset.done @!p0 $0x0  }
0x668: {  	[sflag:s0] =	ssyncadd.s32 @!p0 s1  }
0x669: {  	[bflag:$0x3] =	sbarrier.arrive $0xFFFF  }
0x66a: {  	_ =	shalt  }

</sc_bundles>
